<compile_context>
chip_gen: v7x
topology: tpu7x:2x2x1
jax: 0.10.2.dev20260603
libtpu: 0.0.44.dev20260713+nightly
codegen_flags: <defaults>
</compile_context>

<pallas_src>
import functools

import jax
import jax.numpy as jnp
from jax import lax
from jax.experimental import pallas as pl
from jax.experimental.pallas import tpu as pltpu
from jax.experimental.pallas import tpu_sc as plsc

N_GRID = 50000
N_MESH = 10000
E_MESH = 80000
E_G2M = 80000
E_M2G = 150000
HID = 128

NW = 32
CHUNK = 128

EP_G2M = 81920
EP_MESH = 81920
EP_M2G = 151552

MESH_ACC = 10240
MESH_DUMP = 10016
GRID_RANGE = 12800
GRID_ACC = 12928
GRID_DUMP = 12800
GRID_OUT = 51200



def _tc_mlp(xs, w0s, b0, w1, b1, gb=None, res=None, chain=None, blk=1024,
            rows=None):
    nx = len(xs)
    dout = (chain[2] if chain else w1).shape[1]
    n_blocks = rows // blk

    def body(*refs):
        it = iter(refs)
        x_refs = [next(it) for _ in range(nx)]
        w_refs = [next(it) for _ in range(nx)]
        b0r, w1r, b1r = next(it), next(it), next(it)
        gr = br = rr = None
        if gb is not None:
            gr, br = next(it), next(it)
        if res is not None:
            rr = next(it)
        c_refs = [next(it) for _ in range(4)] if chain else None
        out = next(it)

        acc = b0r[...].astype(jnp.float32)
        for xr, wr in zip(x_refs, w_refs):
            acc = acc + jnp.dot(xr[...], wr[...],
                                preferred_element_type=jnp.float32)
        h = acc * jax.nn.sigmoid(acc)
        y = jnp.dot(h, w1r[...], preferred_element_type=jnp.float32) + b1r[...]
        if gb is not None:
            mu = jnp.mean(y, axis=-1, keepdims=True)
            var = jnp.mean((y - mu) ** 2, axis=-1, keepdims=True)
            y = (y - mu) * lax.rsqrt(var + 1e-5) * gr[...] + br[...]
        if res is not None:
            y = y + rr[...]
        if chain:
            cw0, cb0, cw1, cb1 = (r[...] for r in c_refs)
            h2 = jnp.dot(y, cw0, preferred_element_type=jnp.float32) + cb0
            h2 = h2 * jax.nn.sigmoid(h2)
            y = jnp.dot(h2, cw1, preferred_element_type=jnp.float32) + cb1
        out[...] = y

    def row_spec(arr):
        d = arr.shape[1]
        nb = -(-arr.shape[0] // blk)
        return pl.BlockSpec((blk, d), lambda i, nb=nb: (jnp.minimum(i, nb - 1), 0))

    def full_spec(arr):
        return pl.BlockSpec(arr.shape, lambda i: (0,) * arr.ndim)

    operands = list(xs) + list(w0s) + [b0, w1, b1]
    specs = [row_spec(x) for x in xs] + [full_spec(w) for w in w0s] + \
            [full_spec(b0), full_spec(w1), full_spec(b1)]
    if gb is not None:
        operands += [gb[0], gb[1]]
        specs += [full_spec(gb[0]), full_spec(gb[1])]
    if res is not None:
        operands.append(res)
        specs.append(row_spec(res))
    if chain:
        operands += list(chain)
        specs += [full_spec(c) for c in chain]

    return pl.pallas_call(
        body,
        grid=(n_blocks,),
        in_specs=specs,
        out_specs=pl.BlockSpec((blk, dout), lambda i: (i, 0)),
        out_shape=jax.ShapeDtypeStruct((rows, dout), jnp.float32),
    )(*operands)


def _mlp_p(p, x, rows, blk=1024, res=None):
    gb = (p["g"].reshape(1, -1), p["beta"].reshape(1, -1)) if "g" in p else None
    return _tc_mlp([x], [p["W0"]], p["b0"].reshape(1, -1), p["W1"],
                   p["b1"].reshape(1, -1), gb=gb, res=res, blk=blk, rows=rows)


def _mlp_cat(p, xs, rows, blk=1024, res=None, dup_first=False, chain=None):
    d0 = xs[0].shape[1] if not dup_first else HID
    pieces = []
    off = 0
    sizes = []
    if dup_first:
        sizes = [HID, HID]
        pieces = [p["W0"][:HID], p["W0"][:HID]]
        off = HID
        rest = xs[2:]
    else:
        rest = xs
    for x in rest:
        d = x.shape[1]
        pieces.append(p["W0"][off:off + d])
        off += d
    gb = (p["g"].reshape(1, -1), p["beta"].reshape(1, -1)) if "g" in p else None
    return _tc_mlp(xs, pieces, p["b0"].reshape(1, -1), p["W1"],
                   p["b1"].reshape(1, -1), gb=gb, res=res, chain=chain,
                   blk=blk, rows=rows)



@functools.cache
def _sc_mesh():
    return plsc.VectorSubcoreMesh(core_axis_name="c", subcore_axis_name="s")


def _sc_gather2(table_a, idx_a, table_b, idx_b):
    e = idx_a.shape[0]
    ch = e // (NW * CHUNK)

    @functools.partial(
        pl.kernel,
        out_type=(jax.ShapeDtypeStruct((e, HID), jnp.float32),
                  jax.ShapeDtypeStruct((e, HID), jnp.float32)),
        mesh=_sc_mesh(),
        scratch_types=[
            pltpu.VMEM((CHUNK,), jnp.int32),
            pltpu.VMEM((CHUNK, HID), jnp.float32),
            pltpu.VMEM((CHUNK,), jnp.int32),
            pltpu.VMEM((CHUNK, HID), jnp.float32),
            pltpu.SemaphoreType.DMA,
            pltpu.SemaphoreType.DMA,
        ],
    )
    def k(ta, ia, tb, ib, oa, ob, iva, rva, ivb, rvb, sema, semb):
        wid = lax.axis_index("s") * 2 + lax.axis_index("c")
        base = wid * ch

        def body(j, carry):
            off = (base + j) * CHUNK
            pltpu.sync_copy(ia.at[pl.ds(off, CHUNK)], iva)
            cpa = pltpu.async_copy(ta.at[iva], rva, sema)
            pltpu.sync_copy(ib.at[pl.ds(off, CHUNK)], ivb)
            cpb = pltpu.async_copy(tb.at[ivb], rvb, semb)
            cpa.wait()
            pltpu.sync_copy(rva, oa.at[pl.ds(off, CHUNK)])
            cpb.wait()
            pltpu.sync_copy(rvb, ob.at[pl.ds(off, CHUNK)])
            return carry

        lax.fori_loop(0, ch, body, 0)

    return k(table_a, idx_a, table_b, idx_b)


def _sc_scatter_mesh(values, idx, zeros):
    e = values.shape[0]
    ch = e // (NW * CHUNK)
    pt = MESH_ACC // 16

    @functools.partial(
        pl.kernel,
        out_type=(jax.ShapeDtypeStruct((MESH_ACC, HID), jnp.float32),
                  jax.ShapeDtypeStruct((MESH_ACC, HID), jnp.float32)),
        mesh=_sc_mesh(),
        scratch_types=[
            pltpu.VMEM((CHUNK,), jnp.int32),
            pltpu.VMEM((CHUNK, HID), jnp.float32),
            pltpu.VMEM_SHARED((MESH_ACC, HID), jnp.float32),
        ],
    )
    def k(vals, ix, zr, o0, o1, idxv, rows, acc):
        c = lax.axis_index("c")
        s = lax.axis_index("s")
        wid = s * 2 + c
        pltpu.sync_copy(zr.at[pl.ds(s * pt, pt)], acc.at[pl.ds(s * pt, pt)])
        plsc.subcore_barrier()

        def body(j, carry):
            off = (wid * ch + j) * CHUNK
            pltpu.sync_copy(ix.at[pl.ds(off, CHUNK)], idxv)
            pltpu.sync_copy(vals.at[pl.ds(off, CHUNK)], rows)
            pltpu.sync_copy(rows, acc.at[idxv], add=True)
            return carry

        lax.fori_loop(0, ch, body, 0)
        plsc.subcore_barrier()

        @pl.when(c == 0)
        def _():
            pltpu.sync_copy(acc.at[pl.ds(s * pt, pt)], o0.at[pl.ds(s * pt, pt)])

        @pl.when(c == 1)
        def _():
            pltpu.sync_copy(acc.at[pl.ds(s * pt, pt)], o1.at[pl.ds(s * pt, pt)])

    return k(values, idx, zeros)


def _sc_scatter_grid(values, idx, zeros):
    e = values.shape[0]
    ch = e // (NW * CHUNK)
    zt = GRID_ACC // 16
    ot = GRID_RANGE // 16

    @functools.partial(
        pl.kernel,
        out_type=(jax.ShapeDtypeStruct((GRID_OUT, HID), jnp.float32),
                  jax.ShapeDtypeStruct((GRID_OUT, HID), jnp.float32)),
        mesh=_sc_mesh(),
        scratch_types=[
            pltpu.VMEM((CHUNK,), jnp.int32),
            pltpu.VMEM((CHUNK,), jnp.int32),
            pltpu.VMEM((CHUNK, HID), jnp.float32),
            pltpu.VMEM_SHARED((GRID_ACC, HID), jnp.float32),
        ],
    )
    def k(vals, ix, zr, o0, o1, idxv, idxt, rows, acc):
        c = lax.axis_index("c")
        s = lax.axis_index("s")
        wid = s * 2 + c

        def range_pass(r, carry):
            lo = r * GRID_RANGE
            hi = jnp.minimum(lo + GRID_RANGE, N_GRID)
            pltpu.sync_copy(zr.at[pl.ds(s * zt, zt)], acc.at[pl.ds(s * zt, zt)])
            plsc.subcore_barrier()

            def body(j, carry2):
                off = (wid * ch + j) * CHUNK
                pltpu.sync_copy(ix.at[pl.ds(off, CHUNK)], idxv)
                for kk in range(CHUNK // 16):
                    v = idxv[pl.ds(kk * 16, 16)]
                    inr = (v >= lo) & (v < hi)
                    idxt[pl.ds(kk * 16, 16)] = jnp.where(inr, v - lo, GRID_DUMP)
                pltpu.sync_copy(vals.at[pl.ds(off, CHUNK)], rows)
                pltpu.sync_copy(rows, acc.at[idxt], add=True)
                return carry2

            lax.fori_loop(0, ch, body, 0)
            plsc.subcore_barrier()

            @pl.when(c == 0)
            def _():
                pltpu.sync_copy(acc.at[pl.ds(s * ot, ot)],
                                o0.at[pl.ds(lo + s * ot, ot)])

            @pl.when(c == 1)
            def _():
                pltpu.sync_copy(acc.at[pl.ds(s * ot, ot)],
                                o1.at[pl.ds(lo + s * ot, ot)])

            plsc.subcore_barrier()
            return carry

        lax.fori_loop(0, 4, range_pass, 0)

    return k(values, idx, zeros)



def _pad_idx(idx, e_pad, fill):
    return jnp.concatenate(
        [idx, jnp.full((e_pad - idx.shape[0],), fill, jnp.int32)])


def kernel(grid_nfeat, mesh_nfeat, mesh_efeat, g2m_efeat, m2g_efeat,
           mesh_edge_index, g2m_edge_index, m2g_edge_index, params):
    p = params
    zeros = jnp.zeros((GRID_ACC, HID), jnp.float32)

    grid_h = _mlp_p(p["grid_embed"], grid_nfeat, rows=N_GRID, blk=1000)
    mesh_h = _mlp_p(p["mesh_embed"], mesh_nfeat, rows=N_MESH, blk=1000)
    g2m_eh = _mlp_p(p["g2m_edge_embed"], g2m_efeat, rows=EP_G2M)
    mesh_eh = _mlp_p(p["mesh_edge_embed"], mesh_efeat, rows=EP_MESH)

    src = _pad_idx(g2m_edge_index[0], EP_G2M, 0)
    dst_g = _pad_idx(g2m_edge_index[1], EP_G2M, 0)
    dst_s = _pad_idx(g2m_edge_index[1], EP_G2M, MESH_DUMP)
    gs, gd = _sc_gather2(grid_h, src, mesh_h, dst_g)
    e1 = _mlp_cat(p["enc_edge"], [g2m_eh, gs, gd], rows=EP_G2M, res=g2m_eh)
    a0, a1 = _sc_scatter_mesh(e1, dst_s, zeros)
    mesh_h = _mlp_cat(p["enc_dst_node"], [a0, a1, mesh_h], rows=N_MESH,
                      blk=1000, res=mesh_h, dup_first=True)
    grid_h = _mlp_p(p["enc_src_node"], grid_h, rows=N_GRID, blk=1000,
                    res=grid_h)

    sm = _pad_idx(mesh_edge_index[0], EP_MESH, 0)
    dm_g = _pad_idx(mesh_edge_index[1], EP_MESH, 0)
    dm_s = _pad_idx(mesh_edge_index[1], EP_MESH, MESH_DUMP)
    e, n = mesh_eh, mesh_h
    for layer in p["proc"]:
        gs, gd = _sc_gather2(n, sm, n, dm_g)
        e = _mlp_cat(layer["edge"], [e, gs, gd], rows=EP_MESH, res=e)
        a0, a1 = _sc_scatter_mesh(e, dm_s, zeros)
        n = _mlp_cat(layer["node"], [a0, a1, n], rows=N_MESH, blk=1000,
                     res=n, dup_first=True)
    mesh_h = n

    m2g_eh = _mlp_p(p["m2g_edge_embed"], m2g_efeat, rows=EP_M2G)
    sd = _pad_idx(m2g_edge_index[0], EP_M2G, 0)
    dd_g = _pad_idx(m2g_edge_index[1], EP_M2G, 0)
    dd_s = _pad_idx(m2g_edge_index[1], EP_M2G, GRID_OUT)
    gs, gd = _sc_gather2(mesh_h, sd, grid_h, dd_g)
    e2 = _mlp_cat(p["dec_edge"], [m2g_eh, gs, gd], rows=EP_M2G, res=m2g_eh)
    q0, q1 = _sc_scatter_grid(e2, dd_s, zeros)

    fin = p["finale"]
    out = _mlp_cat(p["dec_node"], [q0, q1, grid_h], rows=N_GRID, blk=1000,
                   res=grid_h, dup_first=True,
                   chain=(fin["W0"], fin["b0"].reshape(1, -1),
                          fin["W1"], fin["b1"].reshape(1, -1)))
    return out

# --- scband reference (transcript-rebuilt; emitter-appended) ---
"""Pipeline reference for scband-graph-cast-net-40114994545112 (READ-ONLY COPY).

The authoritative reference and input builder live on the scoring server;
editing this copy changes nothing except your own understanding.
"""

import jax, jax.numpy as jnp
import numpy as np

N_GRID = 50000
N_MESH = 10000
E_MESH = 80000
E_G2M = 80000
E_M2G = 150000
HID = 128
IN_GRID = 474
IN_MESH = 3
IN_EDGE = 4
OUT_GRID = 227
PROC_LAYERS = 3


def _init_mlp(key, in_dim, hid, out_dim, norm=True):
    k0, k1 = jax.random.split(key)
    p = {
        "W0": jax.random.normal(k0, (in_dim, hid), jnp.float32) / np.sqrt(in_dim),
        "b0": jnp.zeros((hid,), jnp.float32),
        "W1": jax.random.normal(k1, (hid, out_dim), jnp.float32) / np.sqrt(hid),
        "b1": jnp.zeros((out_dim,), jnp.float32),
    }
    if norm:
        p["g"] = jnp.ones((out_dim,), jnp.float32)
        p["beta"] = jnp.zeros((out_dim,), jnp.float32)
    return p


def _apply_mlp(p, x):
    # MeshGraphMLP with hidden_layers=1: Linear -> SiLU -> Linear -> (LayerNorm)
    h = jax.nn.silu(x @ p["W0"] + p["b0"])
    y = h @ p["W1"] + p["b1"]
    if "g" in p:
        mu = jnp.mean(y, axis=-1, keepdims=True)
        var = jnp.var(y, axis=-1, keepdims=True)
        y = (y - mu) / jnp.sqrt(var + 1e-5) * p["g"] + p["beta"]
    return y


def _init_params(key):
    keys = jax.random.split(key, 12)
    params = {
        "grid_embed": _init_mlp(keys[0], IN_GRID, HID, HID),
        "mesh_embed": _init_mlp(keys[1], IN_MESH, HID, HID),
        "g2m_edge_embed": _init_mlp(keys[2], IN_EDGE, HID, HID),
        "mesh_edge_embed": _init_mlp(keys[3], IN_EDGE, HID, HID),
        "enc_edge": _init_mlp(keys[4], 3 * HID, HID, HID),
        "enc_dst_node": _init_mlp(keys[5], 2 * HID, HID, HID),
        "enc_src_node": _init_mlp(keys[6], HID, HID, HID),
        "proc": [
            {
                "edge": _init_mlp(jax.random.fold_in(keys[7], 2 * i), 3 * HID, HID, HID),
                "node": _init_mlp(jax.random.fold_in(keys[7], 2 * i + 1), 2 * HID, HID, HID),
            }
            for i in range(PROC_LAYERS)
        ],
        "m2g_edge_embed": _init_mlp(keys[8], IN_EDGE, HID, HID),
        "dec_edge": _init_mlp(keys[9], 3 * HID, HID, HID),
        "dec_node": _init_mlp(keys[10], 2 * HID, HID, HID),
        "finale": _init_mlp(keys[11], HID, HID, OUT_GRID, norm=False),
    }
    return params


def _forward(grid_nfeat, mesh_nfeat, mesh_efeat, g2m_efeat, m2g_efeat,
             mesh_edge_index, g2m_edge_index, m2g_edge_index, params):
    # --- GraphCastEncoderEmbedder ---
    grid_h = _apply_mlp(params["grid_embed"], grid_nfeat)
    mesh_h = _apply_mlp(params["mesh_embed"], mesh_nfeat)
    g2m_eh = _apply_mlp(params["g2m_edge_embed"], g2m_efeat)
    mesh_eh = _apply_mlp(params["mesh_edge_embed"], mesh_efeat)

    # --- MeshGraphEncoder (grid -> mesh) ---
    src, dst = g2m_edge_index[0], g2m_edge_index[1]
    cat = jnp.concatenate([g2m_eh, grid_h[src], mesh_h[dst]], axis=-1)
    g2m_eh = _apply_mlp(params["enc_edge"], cat) + g2m_eh
    agg = jax.ops.segment_sum(g2m_eh, dst, num_segments=N_MESH)
    mesh_h = _apply_mlp(params["enc_dst_node"], jnp.concatenate([agg, mesh_h], axis=-1)) + mesh_h
    grid_h = _apply_mlp(params["enc_src_node"], grid_h) + grid_h

    # --- GraphCastMeshProcessor (processor_encoder + processor + processor_decoder) ---
    src_m, dst_m = mesh_edge_index[0], mesh_edge_index[1]
    e, n = mesh_eh, mesh_h
    for layer in params["proc"]:
        cat = jnp.concatenate([e, n[src_m], n[dst_m]], axis=-1)
        e = _apply_mlp(layer["edge"], cat) + e
        agg = jax.ops.segment_sum(e, dst_m, num_segments=N_MESH)
        n = _apply_mlp(layer["node"], jnp.concatenate([agg, n], axis=-1)) + n
    mesh_h = n

    # --- GraphCastDecoderEmbedder + MeshGraphDecoder (mesh -> grid) ---
    m2g_eh = _apply_mlp(params["m2g_edge_embed"], m2g_efeat)
    src_d, dst_d = m2g_edge_index[0], m2g_edge_index[1]
    cat = jnp.concatenate([m2g_eh, mesh_h[src_d], grid_h[dst_d]], axis=-1)
    m2g_eh = _apply_mlp(params["dec_edge"], cat) + m2g_eh
    agg = jax.ops.segment_sum(m2g_eh, dst_d, num_segments=N_GRID)
    grid_h = _apply_mlp(params["dec_node"], jnp.concatenate([agg, grid_h], axis=-1)) + grid_h

    # --- finale (no norm) ---
    return _apply_mlp(params["finale"], grid_h)


def setup_inputs(seed: int = 0):
    key = jax.random.key(seed)
    ks = jax.random.split(key, 12)
    grid_nfeat = jax.random.normal(ks[0], (N_GRID, IN_GRID), jnp.float32)
    mesh_nfeat = jax.random.normal(ks[1], (N_MESH, IN_MESH), jnp.float32)
    mesh_efeat = jax.random.normal(ks[2], (E_MESH, IN_EDGE), jnp.float32)
    g2m_efeat = jax.random.normal(ks[3], (E_G2M, IN_EDGE), jnp.float32)
    m2g_efeat = jax.random.normal(ks[4], (E_M2G, IN_EDGE), jnp.float32)
    mesh_edge_index = jax.random.randint(ks[5], (2, E_MESH), 0, N_MESH, jnp.int32)
    g2m_src = jax.random.randint(ks[6], (E_G2M,), 0, N_GRID, jnp.int32)
    g2m_dst = jax.random.randint(ks[7], (E_G2M,), 0, N_MESH, jnp.int32)
    g2m_edge_index = jnp.stack([g2m_src, g2m_dst], axis=0)
    m2g_src = jax.random.randint(ks[8], (E_M2G,), 0, N_MESH, jnp.int32)
    m2g_dst = jax.random.randint(ks[9], (E_M2G,), 0, N_GRID, jnp.int32)
    m2g_edge_index = jnp.stack([m2g_src, m2g_dst], axis=0)
    params = _init_params(ks[10])
    return {
        "grid_nfeat": grid_nfeat,
        "mesh_nfeat": mesh_nfeat,
        "mesh_efeat": mesh_efeat,
        "g2m_efeat": g2m_efeat,
        "m2g_efeat": m2g_efeat,
        "mesh_edge_index": mesh_edge_index,
        "g2m_edge_index": g2m_edge_index,
        "m2g_edge_index": m2g_edge_index,
        "params": params,
    }


def reference(grid_nfeat, mesh_nfeat, mesh_efeat, g2m_efeat, m2g_efeat,
              mesh_edge_index, g2m_edge_index, m2g_edge_index, params):
    return _forward(grid_nfeat, mesh_nfeat, mesh_efeat, g2m_efeat, m2g_efeat,
                    mesh_edge_index, g2m_edge_index, m2g_edge_index, params)

if __name__ == "__main__":
    import jax
    _d = setup_inputs()
    print(jax.jit(kernel)(*tuple(_d.values())))

</pallas_src>

<mosaic_0001>
#map = affine_map<(d0, d1) -> (0, 0)>
#map1 = affine_map<(d0, d1) -> (0)>
module attributes {stable_mosaic.version = 14 : i64} {
  func.func @k(%arg0: i32, %arg1: i32, %arg2: memref<81920x128xf32, #tpu.memory_space<hbm>>, %arg3: memref<81920xi32, #tpu.memory_space<hbm>>, %arg4: memref<12928x128xf32, #tpu.memory_space<hbm>>, %arg5: memref<10240x128xf32, #tpu.memory_space<hbm>>, %arg6: memref<10240x128xf32, #tpu.memory_space<hbm>>, %arg7: memref<128xi32, #tpu.memory_space<vmem>>, %arg8: memref<128x128xf32, #tpu.memory_space<vmem>>, %arg9: memref<10240x128xf32, #tpu.memory_space<vmem_shared>>) attributes {dimension_semantics = [#tpu.dimension_semantics<core_parallel>, #tpu.dimension_semantics<subcore_parallel>], iteration_bounds = array<i64: 2, 16>, scalar_prefetch = 0 : i64, scratch_operands = 3 : i64, tpu.core_type = #tpu.core_type<sc_vector_subcore>, window_params = [{transform_indices = #map}, {transform_indices = #map1}, {transform_indices = #map}, {transform_indices = #map}, {transform_indices = #map}]} {
    %mul3A = arith.constant 2 : i32
    %mul3A_0 = arith.muli %arg1, %mul3A : i32
    %add3A = arith.addi %mul3A_0, %arg0 : i32
    %mul3A_1 = arith.constant 640 : i32
    %mul3A_2 = arith.muli %arg1, %mul3A_1 : i32
    %mul3A_3 = arith.constant 640 : i32
    %mul3A_4 = arith.muli %arg1, %mul3A_3 : i32
    "tpu.region"() ({
      %run_scoped3A = tpu.sem_alloc : memref<!tpu.dma_semaphore, #tpu.memory_space<semaphore_mem>>
      %dma_start3A = arith.constant 0 : i32
      %dma_start3A_18 = tpu.memref_slice %arg9[%mul3A_4, %dma_start3A] : memref<10240x128xf32, #tpu.memory_space<vmem_shared>> -> memref<640x128xf32, #tpu.memory_space<vmem_shared>>
      %dma_start3A_19 = arith.constant 0 : i32
      %dma_start3A_20 = tpu.memref_slice %arg4[%mul3A_2, %dma_start3A_19] : memref<12928x128xf32, #tpu.memory_space<hbm>> -> memref<640x128xf32, #tpu.memory_space<hbm>>
      tpu.enqueue_dma source(%dma_start3A_20 : memref<640x128xf32, #tpu.memory_space<hbm>>) target(%dma_start3A_18 : memref<640x128xf32, #tpu.memory_space<vmem_shared>>) target_semaphore(%run_scoped3A : memref<!tpu.dma_semaphore, #tpu.memory_space<semaphore_mem>>)
      %dma_wait3A = arith.constant 0 : i32
      %dma_wait3A_21 = tpu.memref_slice %arg9[%mul3A_4, %dma_wait3A] : memref<10240x128xf32, #tpu.memory_space<vmem_shared>> -> memref<640x128xf32, #tpu.memory_space<vmem_shared>>
      %dma_wait3A_22 = arith.constant 0 : i32
      %dma_wait3A_23 = tpu.memref_slice %arg4[%mul3A_2, %dma_wait3A_22] : memref<12928x128xf32, #tpu.memory_space<hbm>> -> memref<640x128xf32, #tpu.memory_space<hbm>>
      tpu.wait_dma2 semaphore(%run_scoped3A : memref<!tpu.dma_semaphore, #tpu.memory_space<semaphore_mem>>) src(%dma_wait3A_23 : memref<640x128xf32, #tpu.memory_space<hbm>>) dst(%dma_wait3A_21 : memref<640x128xf32, #tpu.memory_space<vmem_shared>>)
      tpu.yield
    }) : () -> ()
    %barrier3A = arith.constant 0 : index
    tpu.barrier barrier_id(%barrier3A)
    %scan3A = arith.constant 0 : i32
    %scan3A_5 = arith.constant 0 : i32
    %scan3A_6 = arith.constant 20 : i32
    %scan3A_7 = arith.addi %scan3A_5, %scan3A_6 : i32
    %scan3A_8 = arith.constant 1 : i32
    scf.for %scan3A_18 = %scan3A_5 to %scan3A_7 step %scan3A_8  : i32 {
      %mul3A_19 = arith.constant 20 : i32
      %mul3A_20 = arith.muli %add3A, %mul3A_19 : i32
      %add3A_21 = arith.addi %mul3A_20, %scan3A_18 : i32
      %mul3A_22 = arith.constant 128 : i32
      %mul3A_23 = arith.muli %add3A_21, %mul3A_22 : i32
      "tpu.region"() ({
        %run_scoped3A = tpu.sem_alloc : memref<!tpu.dma_semaphore, #tpu.memory_space<semaphore_mem>>
        %dma_start3A = tpu.memref_slice %arg3[%mul3A_23] : memref<81920xi32, #tpu.memory_space<hbm>> -> memref<128xi32, #tpu.memory_space<hbm>>
        %dma_start3A_24 = tpu.memref_slice %arg3[%mul3A_23] : memref<81920xi32, #tpu.memory_space<hbm>> -> memref<128xi32, #tpu.memory_space<hbm>>
        tpu.enqueue_dma source(%dma_start3A_24 : memref<128xi32, #tpu.memory_space<hbm>>) target(%arg7 : memref<128xi32, #tpu.memory_space<vmem>>) target_semaphore(%run_scoped3A : memref<!tpu.dma_semaphore, #tpu.memory_space<semaphore_mem>>)
        %dma_wait3A = tpu.memref_slice %arg3[%mul3A_23] : memref<81920xi32, #tpu.memory_space<hbm>> -> memref<128xi32, #tpu.memory_space<hbm>>
        %dma_wait3A_25 = tpu.memref_slice %arg3[%mul3A_23] : memref<81920xi32, #tpu.memory_space<hbm>> -> memref<128xi32, #tpu.memory_space<hbm>>
        tpu.wait_dma2 semaphore(%run_scoped3A : memref<!tpu.dma_semaphore, #tpu.memory_space<semaphore_mem>>) src(%dma_wait3A_25 : memref<128xi32, #tpu.memory_space<hbm>>) dst(%arg7 : memref<128xi32, #tpu.memory_space<vmem>>)
        tpu.yield
      }) : () -> ()
      "tpu.region"() ({
        %run_scoped3A = tpu.sem_alloc : memref<!tpu.dma_semaphore, #tpu.memory_space<semaphore_mem>>
        %dma_start3A = arith.constant 0 : i32
        %dma_start3A_24 = tpu.memref_slice %arg2[%mul3A_23, %dma_start3A] : memref<81920x128xf32, #tpu.memory_space<hbm>> -> memref<128x128xf32, #tpu.memory_space<hbm>>
        %dma_start3A_25 = arith.constant 0 : i32
        %dma_start3A_26 = tpu.memref_slice %arg2[%mul3A_23, %dma_start3A_25] : memref<81920x128xf32, #tpu.memory_space<hbm>> -> memref<128x128xf32, #tpu.memory_space<hbm>>
        tpu.enqueue_dma source(%dma_start3A_26 : memref<128x128xf32, #tpu.memory_space<hbm>>) target(%arg8 : memref<128x128xf32, #tpu.memory_space<vmem>>) target_semaphore(%run_scoped3A : memref<!tpu.dma_semaphore, #tpu.memory_space<semaphore_mem>>)
        %dma_wait3A = arith.constant 0 : i32
        %dma_wait3A_27 = tpu.memref_slice %arg2[%mul3A_23, %dma_wait3A] : memref<81920x128xf32, #tpu.memory_space<hbm>> -> memref<128x128xf32, #tpu.memory_space<hbm>>
        %dma_wait3A_28 = arith.constant 0 : i32
        %dma_wait3A_29 = tpu.memref_slice %arg2[%mul3A_23, %dma_wait3A_28] : memref<81920x128xf32, #tpu.memory_space<hbm>> -> memref<128x128xf32, #tpu.memory_space<hbm>>
        tpu.wait_dma2 semaphore(%run_scoped3A : memref<!tpu.dma_semaphore, #tpu.memory_space<semaphore_mem>>) src(%dma_wait3A_29 : memref<128x128xf32, #tpu.memory_space<hbm>>) dst(%arg8 : memref<128x128xf32, #tpu.memory_space<vmem>>)
        tpu.yield
      }) : () -> ()
      "tpu.region"() ({
        %run_scoped3A = tpu.sem_alloc : memref<!tpu.dma_semaphore, #tpu.memory_space<semaphore_mem>>
        %dma_start3A = arith.constant 0 : i32
        %dma_start3A_24 = arith.constant 0 : i32
        %dma_start3A_25 = tpu.memref_slice %arg9[%dma_start3A, %dma_start3A_24] : memref<10240x128xf32, #tpu.memory_space<vmem_shared>> -> memref<10240x128xf32, #tpu.memory_space<vmem_shared>>
        tpu.enqueue_indirect_dma source(%arg8 : memref<128x128xf32, #tpu.memory_space<vmem>>) target(%dma_start3A_25 : memref<10240x128xf32, #tpu.memory_space<vmem_shared>>) offsets(%arg7 : memref<128xi32, #tpu.memory_space<vmem>>) semaphore(%run_scoped3A : memref<!tpu.dma_semaphore, #tpu.memory_space<semaphore_mem>>) {add = true}
        %dma_wait3A = arith.constant 0 : i32
        %dma_wait3A_26 = arith.constant 0 : i32
        %dma_wait3A_27 = tpu.memref_slice %arg9[%dma_wait3A, %dma_wait3A_26] : memref<10240x128xf32, #tpu.memory_space<vmem_shared>> -> memref<10240x128xf32, #tpu.memory_space<vmem_shared>>
        tpu.wait_indirect_dma semaphore(%run_scoped3A : memref<!tpu.dma_semaphore, #tpu.memory_space<semaphore_mem>>) src(%arg8 : memref<128x128xf32, #tpu.memory_space<vmem>>) dst(%dma_wait3A_27 : memref<10240x128xf32, #tpu.memory_space<vmem_shared>>)
        tpu.yield
      }) : () -> ()
    }
    %scan3A_9 = arith.constant 20 : i32
    %barrier3A_10 = arith.constant 0 : index
    tpu.barrier barrier_id(%barrier3A_10)
    %eq3A = arith.constant 0 : i32
    %eq3A_11 = arith.cmpi eq, %arg0, %eq3A : i32
    %convert_element_type3A = arith.extui %eq3A_11 : i1 to i32
    %cond3A = arith.constant 0 : i32
    %cond3A_12 = arith.cmpi ne, %convert_element_type3A, %cond3A : i32
    scf.if %cond3A_12 {
      %mul3A_18 = arith.constant 640 : i32
      %mul3A_19 = arith.muli %arg1, %mul3A_18 : i32
      %mul3A_20 = arith.constant 640 : i32
      %mul3A_21 = arith.muli %arg1, %mul3A_20 : i32
      "tpu.region"() ({
        %run_scoped3A = tpu.sem_alloc : memref<!tpu.dma_semaphore, #tpu.memory_space<semaphore_mem>>
        %dma_start3A = arith.constant 0 : i32
        %dma_start3A_22 = tpu.memref_slice %arg5[%mul3A_21, %dma_start3A] : memref<10240x128xf32, #tpu.memory_space<hbm>> -> memref<640x128xf32, #tpu.memory_space<hbm>>
        %dma_start3A_23 = arith.constant 0 : i32
        %dma_start3A_24 = tpu.memref_slice %arg9[%mul3A_19, %dma_start3A_23] : memref<10240x128xf32, #tpu.memory_space<vmem_shared>> -> memref<640x128xf32, #tpu.memory_space<vmem_shared>>
        tpu.enqueue_dma source(%dma_start3A_24 : memref<640x128xf32, #tpu.memory_space<vmem_shared>>) target(%dma_start3A_22 : memref<640x128xf32, #tpu.memory_space<hbm>>) target_semaphore(%run_scoped3A : memref<!tpu.dma_semaphore, #tpu.memory_space<semaphore_mem>>)
        %dma_wait3A = arith.constant 0 : i32
        %dma_wait3A_25 = tpu.memref_slice %arg5[%mul3A_21, %dma_wait3A] : memref<10240x128xf32, #tpu.memory_space<hbm>> -> memref<640x128xf32, #tpu.memory_space<hbm>>
        %dma_wait3A_26 = arith.constant 0 : i32
        %dma_wait3A_27 = tpu.memref_slice %arg9[%mul3A_19, %dma_wait3A_26] : memref<10240x128xf32, #tpu.memory_space<vmem_shared>> -> memref<640x128xf32, #tpu.memory_space<vmem_shared>>
        tpu.wait_dma2 semaphore(%run_scoped3A : memref<!tpu.dma_semaphore, #tpu.memory_space<semaphore_mem>>) src(%dma_wait3A_27 : memref<640x128xf32, #tpu.memory_space<vmem_shared>>) dst(%dma_wait3A_25 : memref<640x128xf32, #tpu.memory_space<hbm>>)
        tpu.yield
      }) : () -> ()
    } else {
    }
    %eq3A_13 = arith.constant 1 : i32
    %eq3A_14 = arith.cmpi eq, %arg0, %eq3A_13 : i32
    %convert_element_type3A_15 = arith.extui %eq3A_14 : i1 to i32
    %cond3A_16 = arith.constant 0 : i32
    %cond3A_17 = arith.cmpi ne, %convert_element_type3A_15, %cond3A_16 : i32
    scf.if %cond3A_17 {
      %mul3A_18 = arith.constant 640 : i32
      %mul3A_19 = arith.muli %arg1, %mul3A_18 : i32
      %mul3A_20 = arith.constant 640 : i32
      %mul3A_21 = arith.muli %arg1, %mul3A_20 : i32
      "tpu.region"() ({
        %run_scoped3A = tpu.sem_alloc : memref<!tpu.dma_semaphore, #tpu.memory_space<semaphore_mem>>
        %dma_start3A = arith.constant 0 : i32
        %dma_start3A_22 = tpu.memref_slice %arg6[%mul3A_21, %dma_start3A] : memref<10240x128xf32, #tpu.memory_space<hbm>> -> memref<640x128xf32, #tpu.memory_space<hbm>>
        %dma_start3A_23 = arith.constant 0 : i32
        %dma_start3A_24 = tpu.memref_slice %arg9[%mul3A_19, %dma_start3A_23] : memref<10240x128xf32, #tpu.memory_space<vmem_shared>> -> memref<640x128xf32, #tpu.memory_space<vmem_shared>>
        tpu.enqueue_dma source(%dma_start3A_24 : memref<640x128xf32, #tpu.memory_space<vmem_shared>>) target(%dma_start3A_22 : memref<640x128xf32, #tpu.memory_space<hbm>>) target_semaphore(%run_scoped3A : memref<!tpu.dma_semaphore, #tpu.memory_space<semaphore_mem>>)
        %dma_wait3A = arith.constant 0 : i32
        %dma_wait3A_25 = tpu.memref_slice %arg6[%mul3A_21, %dma_wait3A] : memref<10240x128xf32, #tpu.memory_space<hbm>> -> memref<640x128xf32, #tpu.memory_space<hbm>>
        %dma_wait3A_26 = arith.constant 0 : i32
        %dma_wait3A_27 = tpu.memref_slice %arg9[%mul3A_19, %dma_wait3A_26] : memref<10240x128xf32, #tpu.memory_space<vmem_shared>> -> memref<640x128xf32, #tpu.memory_space<vmem_shared>>
        tpu.wait_dma2 semaphore(%run_scoped3A : memref<!tpu.dma_semaphore, #tpu.memory_space<semaphore_mem>>) src(%dma_wait3A_27 : memref<640x128xf32, #tpu.memory_space<vmem_shared>>) dst(%dma_wait3A_25 : memref<640x128xf32, #tpu.memory_space<hbm>>)
        tpu.yield
      }) : () -> ()
    } else {
    }
    return
  }
}

#map = affine_map<(d0, d1) -> (0, 0)>
#map1 = affine_map<(d0, d1) -> (0)>
module attributes {stable_mosaic.version = 14 : i64} {
  func.func @k(%arg0: i32, %arg1: i32, %arg2: memref<10000x128xf32, #tpu.memory_space<hbm>>, %arg3: memref<81920xi32, #tpu.memory_space<hbm>>, %arg4: memref<10000x128xf32, #tpu.memory_space<hbm>>, %arg5: memref<81920xi32, #tpu.memory_space<hbm>>, %arg6: memref<81920x128xf32, #tpu.memory_space<hbm>>, %arg7: memref<81920x128xf32, #tpu.memory_space<hbm>>, %arg8: memref<128xi32, #tpu.memory_space<vmem>>, %arg9: memref<128x128xf32, #tpu.memory_space<vmem>>, %arg10: memref<128xi32, #tpu.memory_space<vmem>>, %arg11: memref<128x128xf32, #tpu.memory_space<vmem>>, %arg12: memref<!tpu.dma_semaphore, #tpu.memory_space<semaphore_mem>>, %arg13: memref<!tpu.dma_semaphore, #tpu.memory_space<semaphore_mem>>) attributes {dimension_semantics = [#tpu.dimension_semantics<core_parallel>, #tpu.dimension_semantics<subcore_parallel>], iteration_bounds = array<i64: 2, 16>, scalar_prefetch = 0 : i64, scratch_operands = 6 : i64, tpu.core_type = #tpu.core_type<sc_vector_subcore>, window_params = [{transform_indices = #map}, {transform_indices = #map1}, {transform_indices = #map}, {transform_indices = #map1}, {transform_indices = #map}, {transform_indices = #map}]} {
    %mul3A = arith.constant 2 : i32
    %mul3A_0 = arith.muli %arg1, %mul3A : i32
    %add3A = arith.addi %mul3A_0, %arg0 : i32
    %mul3A_1 = arith.constant 20 : i32
    %mul3A_2 = arith.muli %add3A, %mul3A_1 : i32
    %scan3A = arith.constant 0 : i32
    %scan3A_3 = arith.constant 0 : i32
    %scan3A_4 = arith.constant 20 : i32
    %scan3A_5 = arith.addi %scan3A_3, %scan3A_4 : i32
    %scan3A_6 = arith.constant 1 : i32
    scf.for %scan3A_8 = %scan3A_3 to %scan3A_5 step %scan3A_6  : i32 {
      %add3A_9 = arith.addi %mul3A_2, %scan3A_8 : i32
      %mul3A_10 = arith.constant 128 : i32
      %mul3A_11 = arith.muli %add3A_9, %mul3A_10 : i32
      "tpu.region"() ({
        %run_scoped3A = tpu.sem_alloc : memref<!tpu.dma_semaphore, #tpu.memory_space<semaphore_mem>>
        %dma_start3A_22 = tpu.memref_slice %arg3[%mul3A_11] : memref<81920xi32, #tpu.memory_space<hbm>> -> memref<128xi32, #tpu.memory_space<hbm>>
        %dma_start3A_23 = tpu.memref_slice %arg3[%mul3A_11] : memref<81920xi32, #tpu.memory_space<hbm>> -> memref<128xi32, #tpu.memory_space<hbm>>
        tpu.enqueue_dma source(%dma_start3A_23 : memref<128xi32, #tpu.memory_space<hbm>>) target(%arg8 : memref<128xi32, #tpu.memory_space<vmem>>) target_semaphore(%run_scoped3A : memref<!tpu.dma_semaphore, #tpu.memory_space<semaphore_mem>>)
        %dma_wait3A_24 = tpu.memref_slice %arg3[%mul3A_11] : memref<81920xi32, #tpu.memory_space<hbm>> -> memref<128xi32, #tpu.memory_space<hbm>>
        %dma_wait3A_25 = tpu.memref_slice %arg3[%mul3A_11] : memref<81920xi32, #tpu.memory_space<hbm>> -> memref<128xi32, #tpu.memory_space<hbm>>
        tpu.wait_dma2 semaphore(%run_scoped3A : memref<!tpu.dma_semaphore, #tpu.memory_space<semaphore_mem>>) src(%dma_wait3A_25 : memref<128xi32, #tpu.memory_space<hbm>>) dst(%arg8 : memref<128xi32, #tpu.memory_space<vmem>>)
        tpu.yield
      }) : () -> ()
      %dma_start3A = arith.constant 0 : i32
      %dma_start3A_12 = arith.constant 0 : i32
      %dma_start3A_13 = tpu.memref_slice %arg2[%dma_start3A, %dma_start3A_12] : memref<10000x128xf32, #tpu.memory_space<hbm>> -> memref<10000x128xf32, #tpu.memory_space<hbm>>
      tpu.enqueue_indirect_dma source(%dma_start3A_13 : memref<10000x128xf32, #tpu.memory_space<hbm>>) target(%arg9 : memref<128x128xf32, #tpu.memory_space<vmem>>) offsets(%arg8 : memref<128xi32, #tpu.memory_space<vmem>>) semaphore(%arg12 : memref<!tpu.dma_semaphore, #tpu.memory_space<semaphore_mem>>)
      "tpu.region"() ({
        %run_scoped3A = tpu.sem_alloc : memref<!tpu.dma_semaphore, #tpu.memory_space<semaphore_mem>>
        %dma_start3A_22 = tpu.memref_slice %arg5[%mul3A_11] : memref<81920xi32, #tpu.memory_space<hbm>> -> memref<128xi32, #tpu.memory_space<hbm>>
        %dma_start3A_23 = tpu.memref_slice %arg5[%mul3A_11] : memref<81920xi32, #tpu.memory_space<hbm>> -> memref<128xi32, #tpu.memory_space<hbm>>
        tpu.enqueue_dma source(%dma_start3A_23 : memref<128xi32, #tpu.memory_space<hbm>>) target(%arg10 : memref<128xi32, #tpu.memory_space<vmem>>) target_semaphore(%run_scoped3A : memref<!tpu.dma_semaphore, #tpu.memory_space<semaphore_mem>>)
        %dma_wait3A_24 = tpu.memref_slice %arg5[%mul3A_11] : memref<81920xi32, #tpu.memory_space<hbm>> -> memref<128xi32, #tpu.memory_space<hbm>>
        %dma_wait3A_25 = tpu.memref_slice %arg5[%mul3A_11] : memref<81920xi32, #tpu.memory_space<hbm>> -> memref<128xi32, #tpu.memory_space<hbm>>
        tpu.wait_dma2 semaphore(%run_scoped3A : memref<!tpu.dma_semaphore, #tpu.memory_space<semaphore_mem>>) src(%dma_wait3A_25 : memref<128xi32, #tpu.memory_space<hbm>>) dst(%arg10 : memref<128xi32, #tpu.memory_space<vmem>>)
        tpu.yield
      }) : () -> ()
      %dma_start3A_14 = arith.constant 0 : i32
      %dma_start3A_15 = arith.constant 0 : i32
      %dma_start3A_16 = tpu.memref_slice %arg4[%dma_start3A_14, %dma_start3A_15] : memref<10000x128xf32, #tpu.memory_space<hbm>> -> memref<10000x128xf32, #tpu.memory_space<hbm>>
      tpu.enqueue_indirect_dma source(%dma_start3A_16 : memref<10000x128xf32, #tpu.memory_space<hbm>>) target(%arg11 : memref<128x128xf32, #tpu.memory_space<vmem>>) offsets(%arg10 : memref<128xi32, #tpu.memory_space<vmem>>) semaphore(%arg13 : memref<!tpu.dma_semaphore, #tpu.memory_space<semaphore_mem>>)
      %dma_wait3A = arith.constant 0 : i32
      %dma_wait3A_17 = arith.constant 0 : i32
      %dma_wait3A_18 = tpu.memref_slice %arg2[%dma_wait3A, %dma_wait3A_17] : memref<10000x128xf32, #tpu.memory_space<hbm>> -> memref<10000x128xf32, #tpu.memory_space<hbm>>
      tpu.wait_indirect_dma semaphore(%arg12 : memref<!tpu.dma_semaphore, #tpu.memory_space<semaphore_mem>>) src(%dma_wait3A_18 : memref<10000x128xf32, #tpu.memory_space<hbm>>) dst(%arg9 : memref<128x128xf32, #tpu.memory_space<vmem>>)
      "tpu.region"() ({
        %run_scoped3A = tpu.sem_alloc : memref<!tpu.dma_semaphore, #tpu.memory_space<semaphore_mem>>
        %dma_start3A_22 = arith.constant 0 : i32
        %dma_start3A_23 = tpu.memref_slice %arg6[%mul3A_11, %dma_start3A_22] : memref<81920x128xf32, #tpu.memory_space<hbm>> -> memref<128x128xf32, #tpu.memory_space<hbm>>
        %dma_start3A_24 = arith.constant 0 : i32
        %dma_start3A_25 = tpu.memref_slice %arg6[%mul3A_11, %dma_start3A_24] : memref<81920x128xf32, #tpu.memory_space<hbm>> -> memref<128x128xf32, #tpu.memory_space<hbm>>
        tpu.enqueue_dma source(%arg9 : memref<128x128xf32, #tpu.memory_space<vmem>>) target(%dma_start3A_25 : memref<128x128xf32, #tpu.memory_space<hbm>>) target_semaphore(%run_scoped3A : memref<!tpu.dma_semaphore, #tpu.memory_space<semaphore_mem>>)
        %dma_wait3A_26 = arith.constant 0 : i32
        %dma_wait3A_27 = tpu.memref_slice %arg6[%mul3A_11, %dma_wait3A_26] : memref<81920x128xf32, #tpu.memory_space<hbm>> -> memref<128x128xf32, #tpu.memory_space<hbm>>
        %dma_wait3A_28 = arith.constant 0 : i32
        %dma_wait3A_29 = tpu.memref_slice %arg6[%mul3A_11, %dma_wait3A_28] : memref<81920x128xf32, #tpu.memory_space<hbm>> -> memref<128x128xf32, #tpu.memory_space<hbm>>
        tpu.wait_dma2 semaphore(%run_scoped3A : memref<!tpu.dma_semaphore, #tpu.memory_space<semaphore_mem>>) src(%arg9 : memref<128x128xf32, #tpu.memory_space<vmem>>) dst(%dma_wait3A_29 : memref<128x128xf32, #tpu.memory_space<hbm>>)
        tpu.yield
      }) : () -> ()
      %dma_wait3A_19 = arith.constant 0 : i32
      %dma_wait3A_20 = arith.constant 0 : i32
      %dma_wait3A_21 = tpu.memref_slice %arg4[%dma_wait3A_19, %dma_wait3A_20] : memref<10000x128xf32, #tpu.memory_space<hbm>> -> memref<10000x128xf32, #tpu.memory_space<hbm>>
      tpu.wait_indirect_dma semaphore(%arg13 : memref<!tpu.dma_semaphore, #tpu.memory_space<semaphore_mem>>) src(%dma_wait3A_21 : memref<10000x128xf32, #tpu.memory_space<hbm>>) dst(%arg11 : memref<128x128xf32, #tpu.memory_space<vmem>>)
      "tpu.region"() ({
        %run_scoped3A = tpu.sem_alloc : memref<!tpu.dma_semaphore, #tpu.memory_space<semaphore_mem>>
        %dma_start3A_22 = arith.constant 0 : i32
        %dma_start3A_23 = tpu.memref_slice %arg7[%mul3A_11, %dma_start3A_22] : memref<81920x128xf32, #tpu.memory_space<hbm>> -> memref<128x128xf32, #tpu.memory_space<hbm>>
        %dma_start3A_24 = arith.constant 0 : i32
        %dma_start3A_25 = tpu.memref_slice %arg7[%mul3A_11, %dma_start3A_24] : memref<81920x128xf32, #tpu.memory_space<hbm>> -> memref<128x128xf32, #tpu.memory_space<hbm>>
        tpu.enqueue_dma source(%arg11 : memref<128x128xf32, #tpu.memory_space<vmem>>) target(%dma_start3A_25 : memref<128x128xf32, #tpu.memory_space<hbm>>) target_semaphore(%run_scoped3A : memref<!tpu.dma_semaphore, #tpu.memory_space<semaphore_mem>>)
        %dma_wait3A_26 = arith.constant 0 : i32
        %dma_wait3A_27 = tpu.memref_slice %arg7[%mul3A_11, %dma_wait3A_26] : memref<81920x128xf32, #tpu.memory_space<hbm>> -> memref<128x128xf32, #tpu.memory_space<hbm>>
        %dma_wait3A_28 = arith.constant 0 : i32
        %dma_wait3A_29 = tpu.memref_slice %arg7[%mul3A_11, %dma_wait3A_28] : memref<81920x128xf32, #tpu.memory_space<hbm>> -> memref<128x128xf32, #tpu.memory_space<hbm>>
        tpu.wait_dma2 semaphore(%run_scoped3A : memref<!tpu.dma_semaphore, #tpu.memory_space<semaphore_mem>>) src(%arg11 : memref<128x128xf32, #tpu.memory_space<vmem>>) dst(%dma_wait3A_29 : memref<128x128xf32, #tpu.memory_space<hbm>>)
        tpu.yield
      }) : () -> ()
    }
    %scan3A_7 = arith.constant 20 : i32
    return
  }
}

#map = affine_map<(d0, d1) -> (0, 0)>
#map1 = affine_map<(d0, d1) -> (0)>
module attributes {stable_mosaic.version = 14 : i64} {
  func.func @k(%arg0: i32, %arg1: i32, %arg2: memref<81920x128xf32, #tpu.memory_space<hbm>>, %arg3: memref<81920xi32, #tpu.memory_space<hbm>>, %arg4: memref<12928x128xf32, #tpu.memory_space<hbm>>, %arg5: memref<10240x128xf32, #tpu.memory_space<hbm>>, %arg6: memref<10240x128xf32, #tpu.memory_space<hbm>>, %arg7: memref<128xi32, #tpu.memory_space<vmem>>, %arg8: memref<128x128xf32, #tpu.memory_space<vmem>>, %arg9: memref<10240x128xf32, #tpu.memory_space<vmem_shared>>) attributes {dimension_semantics = [#tpu.dimension_semantics<core_parallel>, #tpu.dimension_semantics<subcore_parallel>], iteration_bounds = array<i64: 2, 16>, scalar_prefetch = 0 : i64, scratch_operands = 3 : i64, tpu.core_type = #tpu.core_type<sc_vector_subcore>, window_params = [{transform_indices = #map}, {transform_indices = #map1}, {transform_indices = #map}, {transform_indices = #map}, {transform_indices = #map}]} {
    %mul3A = arith.constant 2 : i32
    %mul3A_0 = arith.muli %arg1, %mul3A : i32
    %add3A = arith.addi %mul3A_0, %arg0 : i32
    %mul3A_1 = arith.constant 640 : i32
    %mul3A_2 = arith.muli %arg1, %mul3A_1 : i32
    %mul3A_3 = arith.constant 640 : i32
    %mul3A_4 = arith.muli %arg1, %mul3A_3 : i32
    "tpu.region"() ({
      %run_scoped3A = tpu.sem_alloc : memref<!tpu.dma_semaphore, #tpu.memory_space<semaphore_mem>>
      %dma_start3A = arith.constant 0 : i32
      %dma_start3A_18 = tpu.memref_slice %arg9[%mul3A_4, %dma_start3A] : memref<10240x128xf32, #tpu.memory_space<vmem_shared>> -> memref<640x128xf32, #tpu.memory_space<vmem_shared>>
      %dma_start3A_19 = arith.constant 0 : i32
      %dma_start3A_20 = tpu.memref_slice %arg4[%mul3A_2, %dma_start3A_19] : memref<12928x128xf32, #tpu.memory_space<hbm>> -> memref<640x128xf32, #tpu.memory_space<hbm>>
      tpu.enqueue_dma source(%dma_start3A_20 : memref<640x128xf32, #tpu.memory_space<hbm>>) target(%dma_start3A_18 : memref<640x128xf32, #tpu.memory_space<vmem_shared>>) target_semaphore(%run_scoped3A : memref<!tpu.dma_semaphore, #tpu.memory_space<semaphore_mem>>)
      %dma_wait3A = arith.constant 0 : i32
      %dma_wait3A_21 = tpu.memref_slice %arg9[%mul3A_4, %dma_wait3A] : memref<10240x128xf32, #tpu.memory_space<vmem_shared>> -> memref<640x128xf32, #tpu.memory_space<vmem_shared>>
      %dma_wait3A_22 = arith.constant 0 : i32
      %dma_wait3A_23 = tpu.memref_slice %arg4[%mul3A_2, %dma_wait3A_22] : memref<12928x128xf32, #tpu.memory_space<hbm>> -> memref<640x128xf32, #tpu.memory_space<hbm>>
      tpu.wait_dma2 semaphore(%run_scoped3A : memref<!tpu.dma_semaphore, #tpu.memory_space<semaphore_mem>>) src(%dma_wait3A_23 : memref<640x128xf32, #tpu.memory_space<hbm>>) dst(%dma_wait3A_21 : memref<640x128xf32, #tpu.memory_space<vmem_shared>>)
      tpu.yield
    }) : () -> ()
    %barrier3A = arith.constant 0 : index
    tpu.barrier barrier_id(%barrier3A)
    %scan3A = arith.constant 0 : i32
    %scan3A_5 = arith.constant 0 : i32
    %scan3A_6 = arith.constant 20 : i32
    %scan3A_7 = arith.addi %scan3A_5, %scan3A_6 : i32
    %scan3A_8 = arith.constant 1 : i32
    scf.for %scan3A_18 = %scan3A_5 to %scan3A_7 step %scan3A_8  : i32 {
      %mul3A_19 = arith.constant 20 : i32
      %mul3A_20 = arith.muli %add3A, %mul3A_19 : i32
      %add3A_21 = arith.addi %mul3A_20, %scan3A_18 : i32
      %mul3A_22 = arith.constant 128 : i32
      %mul3A_23 = arith.muli %add3A_21, %mul3A_22 : i32
      "tpu.region"() ({
        %run_scoped3A = tpu.sem_alloc : memref<!tpu.dma_semaphore, #tpu.memory_space<semaphore_mem>>
        %dma_start3A = tpu.memref_slice %arg3[%mul3A_23] : memref<81920xi32, #tpu.memory_space<hbm>> -> memref<128xi32, #tpu.memory_space<hbm>>
        %dma_start3A_24 = tpu.memref_slice %arg3[%mul3A_23] : memref<81920xi32, #tpu.memory_space<hbm>> -> memref<128xi32, #tpu.memory_space<hbm>>
        tpu.enqueue_dma source(%dma_start3A_24 : memref<128xi32, #tpu.memory_space<hbm>>) target(%arg7 : memref<128xi32, #tpu.memory_space<vmem>>) target_semaphore(%run_scoped3A : memref<!tpu.dma_semaphore, #tpu.memory_space<semaphore_mem>>)
        %dma_wait3A = tpu.memref_slice %arg3[%mul3A_23] : memref<81920xi32, #tpu.memory_space<hbm>> -> memref<128xi32, #tpu.memory_space<hbm>>
        %dma_wait3A_25 = tpu.memref_slice %arg3[%mul3A_23] : memref<81920xi32, #tpu.memory_space<hbm>> -> memref<128xi32, #tpu.memory_space<hbm>>
        tpu.wait_dma2 semaphore(%run_scoped3A : memref<!tpu.dma_semaphore, #tpu.memory_space<semaphore_mem>>) src(%dma_wait3A_25 : memref<128xi32, #tpu.memory_space<hbm>>) dst(%arg7 : memref<128xi32, #tpu.memory_space<vmem>>)
        tpu.yield
      }) : () -> ()
      "tpu.region"() ({
        %run_scoped3A = tpu.sem_alloc : memref<!tpu.dma_semaphore, #tpu.memory_space<semaphore_mem>>
        %dma_start3A = arith.constant 0 : i32
        %dma_start3A_24 = tpu.memref_slice %arg2[%mul3A_23, %dma_start3A] : memref<81920x128xf32, #tpu.memory_space<hbm>> -> memref<128x128xf32, #tpu.memory_space<hbm>>
        %dma_start3A_25 = arith.constant 0 : i32
        %dma_start3A_26 = tpu.memref_slice %arg2[%mul3A_23, %dma_start3A_25] : memref<81920x128xf32, #tpu.memory_space<hbm>> -> memref<128x128xf32, #tpu.memory_space<hbm>>
        tpu.enqueue_dma source(%dma_start3A_26 : memref<128x128xf32, #tpu.memory_space<hbm>>) target(%arg8 : memref<128x128xf32, #tpu.memory_space<vmem>>) target_semaphore(%run_scoped3A : memref<!tpu.dma_semaphore, #tpu.memory_space<semaphore_mem>>)
        %dma_wait3A = arith.constant 0 : i32
        %dma_wait3A_27 = tpu.memref_slice %arg2[%mul3A_23, %dma_wait3A] : memref<81920x128xf32, #tpu.memory_space<hbm>> -> memref<128x128xf32, #tpu.memory_space<hbm>>
        %dma_wait3A_28 = arith.constant 0 : i32
        %dma_wait3A_29 = tpu.memref_slice %arg2[%mul3A_23, %dma_wait3A_28] : memref<81920x128xf32, #tpu.memory_space<hbm>> -> memref<128x128xf32, #tpu.memory_space<hbm>>
        tpu.wait_dma2 semaphore(%run_scoped3A : memref<!tpu.dma_semaphore, #tpu.memory_space<semaphore_mem>>) src(%dma_wait3A_29 : memref<128x128xf32, #tpu.memory_space<hbm>>) dst(%arg8 : memref<128x128xf32, #tpu.memory_space<vmem>>)
        tpu.yield
      }) : () -> ()
      "tpu.region"() ({
        %run_scoped3A = tpu.sem_alloc : memref<!tpu.dma_semaphore, #tpu.memory_space<semaphore_mem>>
        %dma_start3A = arith.constant 0 : i32
        %dma_start3A_24 = arith.constant 0 : i32
        %dma_start3A_25 = tpu.memref_slice %arg9[%dma_start3A, %dma_start3A_24] : memref<10240x128xf32, #tpu.memory_space<vmem_shared>> -> memref<10240x128xf32, #tpu.memory_space<vmem_shared>>
        tpu.enqueue_indirect_dma source(%arg8 : memref<128x128xf32, #tpu.memory_space<vmem>>) target(%dma_start3A_25 : memref<10240x128xf32, #tpu.memory_space<vmem_shared>>) offsets(%arg7 : memref<128xi32, #tpu.memory_space<vmem>>) semaphore(%run_scoped3A : memref<!tpu.dma_semaphore, #tpu.memory_space<semaphore_mem>>) {add = true}
        %dma_wait3A = arith.constant 0 : i32
        %dma_wait3A_26 = arith.constant 0 : i32
        %dma_wait3A_27 = tpu.memref_slice %arg9[%dma_wait3A, %dma_wait3A_26] : memref<10240x128xf32, #tpu.memory_space<vmem_shared>> -> memref<10240x128xf32, #tpu.memory_space<vmem_shared>>
        tpu.wait_indirect_dma semaphore(%run_scoped3A : memref<!tpu.dma_semaphore, #tpu.memory_space<semaphore_mem>>) src(%arg8 : memref<128x128xf32, #tpu.memory_space<vmem>>) dst(%dma_wait3A_27 : memref<10240x128xf32, #tpu.memory_space<vmem_shared>>)
        tpu.yield
      }) : () -> ()
    }
    %scan3A_9 = arith.constant 20 : i32
    %barrier3A_10 = arith.constant 0 : index
    tpu.barrier barrier_id(%barrier3A_10)
    %eq3A = arith.constant 0 : i32
    %eq3A_11 = arith.cmpi eq, %arg0, %eq3A : i32
    %convert_element_type3A = arith.extui %eq3A_11 : i1 to i32
    %cond3A = arith.constant 0 : i32
    %cond3A_12 = arith.cmpi ne, %convert_element_type3A, %cond3A : i32
    scf.if %cond3A_12 {
      %mul3A_18 = arith.constant 640 : i32
      %mul3A_19 = arith.muli %arg1, %mul3A_18 : i32
      %mul3A_20 = arith.constant 640 : i32
      %mul3A_21 = arith.muli %arg1, %mul3A_20 : i32
      "tpu.region"() ({
        %run_scoped3A = tpu.sem_alloc : memref<!tpu.dma_semaphore, #tpu.memory_space<semaphore_mem>>
        %dma_start3A = arith.constant 0 : i32
        %dma_start3A_22 = tpu.memref_slice %arg5[%mul3A_21, %dma_start3A] : memref<10240x128xf32, #tpu.memory_space<hbm>> -> memref<640x128xf32, #tpu.memory_space<hbm>>
        %dma_start3A_23 = arith.constant 0 : i32
        %dma_start3A_24 = tpu.memref_slice %arg9[%mul3A_19, %dma_start3A_23] : memref<10240x128xf32, #tpu.memory_space<vmem_shared>> -> memref<640x128xf32, #tpu.memory_space<vmem_shared>>
        tpu.enqueue_dma source(%dma_start3A_24 : memref<640x128xf32, #tpu.memory_space<vmem_shared>>) target(%dma_start3A_22 : memref<640x128xf32, #tpu.memory_space<hbm>>) target_semaphore(%run_scoped3A : memref<!tpu.dma_semaphore, #tpu.memory_space<semaphore_mem>>)
        %dma_wait3A = arith.constant 0 : i32
        %dma_wait3A_25 = tpu.memref_slice %arg5[%mul3A_21, %dma_wait3A] : memref<10240x128xf32, #tpu.memory_space<hbm>> -> memref<640x128xf32, #tpu.memory_space<hbm>>
        %dma_wait3A_26 = arith.constant 0 : i32
        %dma_wait3A_27 = tpu.memref_slice %arg9[%mul3A_19, %dma_wait3A_26] : memref<10240x128xf32, #tpu.memory_space<vmem_shared>> -> memref<640x128xf32, #tpu.memory_space<vmem_shared>>
        tpu.wait_dma2 semaphore(%run_scoped3A : memref<!tpu.dma_semaphore, #tpu.memory_space<semaphore_mem>>) src(%dma_wait3A_27 : memref<640x128xf32, #tpu.memory_space<vmem_shared>>) dst(%dma_wait3A_25 : memref<640x128xf32, #tpu.memory_space<hbm>>)
        tpu.yield
      }) : () -> ()
    } else {
    }
    %eq3A_13 = arith.constant 1 : i32
    %eq3A_14 = arith.cmpi eq, %arg0, %eq3A_13 : i32
    %convert_element_type3A_15 = arith.extui %eq3A_14 : i1 to i32
    %cond3A_16 = arith.constant 0 : i32
    %cond3A_17 = arith.cmpi ne, %convert_element_type3A_15, %cond3A_16 : i32
    scf.if %cond3A_17 {
      %mul3A_18 = arith.constant 640 : i32
      %mul3A_19 = arith.muli %arg1, %mul3A_18 : i32
      %mul3A_20 = arith.constant 640 : i32
      %mul3A_21 = arith.muli %arg1, %mul3A_20 : i32
      "tpu.region"() ({
        %run_scoped3A = tpu.sem_alloc : memref<!tpu.dma_semaphore, #tpu.memory_space<semaphore_mem>>
        %dma_start3A = arith.constant 0 : i32
        %dma_start3A_22 = tpu.memref_slice %arg6[%mul3A_21, %dma_start3A] : memref<10240x128xf32, #tpu.memory_space<hbm>> -> memref<640x128xf32, #tpu.memory_space<hbm>>
        %dma_start3A_23 = arith.constant 0 : i32
        %dma_start3A_24 = tpu.memref_slice %arg9[%mul3A_19, %dma_start3A_23] : memref<10240x128xf32, #tpu.memory_space<vmem_shared>> -> memref<640x128xf32, #tpu.memory_space<vmem_shared>>
        tpu.enqueue_dma source(%dma_start3A_24 : memref<640x128xf32, #tpu.memory_space<vmem_shared>>) target(%dma_start3A_22 : memref<640x128xf32, #tpu.memory_space<hbm>>) target_semaphore(%run_scoped3A : memref<!tpu.dma_semaphore, #tpu.memory_space<semaphore_mem>>)
        %dma_wait3A = arith.constant 0 : i32
        %dma_wait3A_25 = tpu.memref_slice %arg6[%mul3A_21, %dma_wait3A] : memref<10240x128xf32, #tpu.memory_space<hbm>> -> memref<640x128xf32, #tpu.memory_space<hbm>>
        %dma_wait3A_26 = arith.constant 0 : i32
        %dma_wait3A_27 = tpu.memref_slice %arg9[%mul3A_19, %dma_wait3A_26] : memref<10240x128xf32, #tpu.memory_space<vmem_shared>> -> memref<640x128xf32, #tpu.memory_space<vmem_shared>>
        tpu.wait_dma2 semaphore(%run_scoped3A : memref<!tpu.dma_semaphore, #tpu.memory_space<semaphore_mem>>) src(%dma_wait3A_27 : memref<640x128xf32, #tpu.memory_space<vmem_shared>>) dst(%dma_wait3A_25 : memref<640x128xf32, #tpu.memory_space<hbm>>)
        tpu.yield
      }) : () -> ()
    } else {
    }
    return
  }
}

#map = affine_map<(d0, d1) -> (0, 0)>
#map1 = affine_map<(d0, d1) -> (0)>
module attributes {stable_mosaic.version = 14 : i64} {
  func.func @k(%arg0: i32, %arg1: i32, %arg2: memref<50000x128xf32, #tpu.memory_space<hbm>>, %arg3: memref<81920xi32, #tpu.memory_space<hbm>>, %arg4: memref<10000x128xf32, #tpu.memory_space<hbm>>, %arg5: memref<81920xi32, #tpu.memory_space<hbm>>, %arg6: memref<81920x128xf32, #tpu.memory_space<hbm>>, %arg7: memref<81920x128xf32, #tpu.memory_space<hbm>>, %arg8: memref<128xi32, #tpu.memory_space<vmem>>, %arg9: memref<128x128xf32, #tpu.memory_space<vmem>>, %arg10: memref<128xi32, #tpu.memory_space<vmem>>, %arg11: memref<128x128xf32, #tpu.memory_space<vmem>>, %arg12: memref<!tpu.dma_semaphore, #tpu.memory_space<semaphore_mem>>, %arg13: memref<!tpu.dma_semaphore, #tpu.memory_space<semaphore_mem>>) attributes {dimension_semantics = [#tpu.dimension_semantics<core_parallel>, #tpu.dimension_semantics<subcore_parallel>], iteration_bounds = array<i64: 2, 16>, scalar_prefetch = 0 : i64, scratch_operands = 6 : i64, tpu.core_type = #tpu.core_type<sc_vector_subcore>, window_params = [{transform_indices = #map}, {transform_indices = #map1}, {transform_indices = #map}, {transform_indices = #map1}, {transform_indices = #map}, {transform_indices = #map}]} {
    %mul3A = arith.constant 2 : i32
    %mul3A_0 = arith.muli %arg1, %mul3A : i32
    %add3A = arith.addi %mul3A_0, %arg0 : i32
    %mul3A_1 = arith.constant 20 : i32
    %mul3A_2 = arith.muli %add3A, %mul3A_1 : i32
    %scan3A = arith.constant 0 : i32
    %scan3A_3 = arith.constant 0 : i32
    %scan3A_4 = arith.constant 20 : i32
    %scan3A_5 = arith.addi %scan3A_3, %scan3A_4 : i32
    %scan3A_6 = arith.constant 1 : i32
    scf.for %scan3A_8 = %scan3A_3 to %scan3A_5 step %scan3A_6  : i32 {
      %add3A_9 = arith.addi %mul3A_2, %scan3A_8 : i32
      %mul3A_10 = arith.constant 128 : i32
      %mul3A_11 = arith.muli %add3A_9, %mul3A_10 : i32
      "tpu.region"() ({
        %run_scoped3A = tpu.sem_alloc : memref<!tpu.dma_semaphore, #tpu.memory_space<semaphore_mem>>
        %dma_start3A_22 = tpu.memref_slice %arg3[%mul3A_11] : memref<81920xi32, #tpu.memory_space<hbm>> -> memref<128xi32, #tpu.memory_space<hbm>>
        %dma_start3A_23 = tpu.memref_slice %arg3[%mul3A_11] : memref<81920xi32, #tpu.memory_space<hbm>> -> memref<128xi32, #tpu.memory_space<hbm>>
        tpu.enqueue_dma source(%dma_start3A_23 : memref<128xi32, #tpu.memory_space<hbm>>) target(%arg8 : memref<128xi32, #tpu.memory_space<vmem>>) target_semaphore(%run_scoped3A : memref<!tpu.dma_semaphore, #tpu.memory_space<semaphore_mem>>)
        %dma_wait3A_24 = tpu.memref_slice %arg3[%mul3A_11] : memref<81920xi32, #tpu.memory_space<hbm>> -> memref<128xi32, #tpu.memory_space<hbm>>
        %dma_wait3A_25 = tpu.memref_slice %arg3[%mul3A_11] : memref<81920xi32, #tpu.memory_space<hbm>> -> memref<128xi32, #tpu.memory_space<hbm>>
        tpu.wait_dma2 semaphore(%run_scoped3A : memref<!tpu.dma_semaphore, #tpu.memory_space<semaphore_mem>>) src(%dma_wait3A_25 : memref<128xi32, #tpu.memory_space<hbm>>) dst(%arg8 : memref<128xi32, #tpu.memory_space<vmem>>)
        tpu.yield
      }) : () -> ()
      %dma_start3A = arith.constant 0 : i32
      %dma_start3A_12 = arith.constant 0 : i32
      %dma_start3A_13 = tpu.memref_slice %arg2[%dma_start3A, %dma_start3A_12] : memref<50000x128xf32, #tpu.memory_space<hbm>> -> memref<50000x128xf32, #tpu.memory_space<hbm>>
      tpu.enqueue_indirect_dma source(%dma_start3A_13 : memref<50000x128xf32, #tpu.memory_space<hbm>>) target(%arg9 : memref<128x128xf32, #tpu.memory_space<vmem>>) offsets(%arg8 : memref<128xi32, #tpu.memory_space<vmem>>) semaphore(%arg12 : memref<!tpu.dma_semaphore, #tpu.memory_space<semaphore_mem>>)
      "tpu.region"() ({
        %run_scoped3A = tpu.sem_alloc : memref<!tpu.dma_semaphore, #tpu.memory_space<semaphore_mem>>
        %dma_start3A_22 = tpu.memref_slice %arg5[%mul3A_11] : memref<81920xi32, #tpu.memory_space<hbm>> -> memref<128xi32, #tpu.memory_space<hbm>>
        %dma_start3A_23 = tpu.memref_slice %arg5[%mul3A_11] : memref<81920xi32, #tpu.memory_space<hbm>> -> memref<128xi32, #tpu.memory_space<hbm>>
        tpu.enqueue_dma source(%dma_start3A_23 : memref<128xi32, #tpu.memory_space<hbm>>) target(%arg10 : memref<128xi32, #tpu.memory_space<vmem>>) target_semaphore(%run_scoped3A : memref<!tpu.dma_semaphore, #tpu.memory_space<semaphore_mem>>)
        %dma_wait3A_24 = tpu.memref_slice %arg5[%mul3A_11] : memref<81920xi32, #tpu.memory_space<hbm>> -> memref<128xi32, #tpu.memory_space<hbm>>
        %dma_wait3A_25 = tpu.memref_slice %arg5[%mul3A_11] : memref<81920xi32, #tpu.memory_space<hbm>> -> memref<128xi32, #tpu.memory_space<hbm>>
        tpu.wait_dma2 semaphore(%run_scoped3A : memref<!tpu.dma_semaphore, #tpu.memory_space<semaphore_mem>>) src(%dma_wait3A_25 : memref<128xi32, #tpu.memory_space<hbm>>) dst(%arg10 : memref<128xi32, #tpu.memory_space<vmem>>)
        tpu.yield
      }) : () -> ()
      %dma_start3A_14 = arith.constant 0 : i32
      %dma_start3A_15 = arith.constant 0 : i32
      %dma_start3A_16 = tpu.memref_slice %arg4[%dma_start3A_14, %dma_start3A_15] : memref<10000x128xf32, #tpu.memory_space<hbm>> -> memref<10000x128xf32, #tpu.memory_space<hbm>>
      tpu.enqueue_indirect_dma source(%dma_start3A_16 : memref<10000x128xf32, #tpu.memory_space<hbm>>) target(%arg11 : memref<128x128xf32, #tpu.memory_space<vmem>>) offsets(%arg10 : memref<128xi32, #tpu.memory_space<vmem>>) semaphore(%arg13 : memref<!tpu.dma_semaphore, #tpu.memory_space<semaphore_mem>>)
      %dma_wait3A = arith.constant 0 : i32
      %dma_wait3A_17 = arith.constant 0 : i32
      %dma_wait3A_18 = tpu.memref_slice %arg2[%dma_wait3A, %dma_wait3A_17] : memref<50000x128xf32, #tpu.memory_space<hbm>> -> memref<50000x128xf32, #tpu.memory_space<hbm>>
      tpu.wait_indirect_dma semaphore(%arg12 : memref<!tpu.dma_semaphore, #tpu.memory_space<semaphore_mem>>) src(%dma_wait3A_18 : memref<50000x128xf32, #tpu.memory_space<hbm>>) dst(%arg9 : memref<128x128xf32, #tpu.memory_space<vmem>>)
      "tpu.region"() ({
        %run_scoped3A = tpu.sem_alloc : memref<!tpu.dma_semaphore, #tpu.memory_space<semaphore_mem>>
        %dma_start3A_22 = arith.constant 0 : i32
        %dma_start3A_23 = tpu.memref_slice %arg6[%mul3A_11, %dma_start3A_22] : memref<81920x128xf32, #tpu.memory_space<hbm>> -> memref<128x128xf32, #tpu.memory_space<hbm>>
        %dma_start3A_24 = arith.constant 0 : i32
        %dma_start3A_25 = tpu.memref_slice %arg6[%mul3A_11, %dma_start3A_24] : memref<81920x128xf32, #tpu.memory_space<hbm>> -> memref<128x128xf32, #tpu.memory_space<hbm>>
        tpu.enqueue_dma source(%arg9 : memref<128x128xf32, #tpu.memory_space<vmem>>) target(%dma_start3A_25 : memref<128x128xf32, #tpu.memory_space<hbm>>) target_semaphore(%run_scoped3A : memref<!tpu.dma_semaphore, #tpu.memory_space<semaphore_mem>>)
        %dma_wait3A_26 = arith.constant 0 : i32
        %dma_wait3A_27 = tpu.memref_slice %arg6[%mul3A_11, %dma_wait3A_26] : memref<81920x128xf32, #tpu.memory_space<hbm>> -> memref<128x128xf32, #tpu.memory_space<hbm>>
        %dma_wait3A_28 = arith.constant 0 : i32
        %dma_wait3A_29 = tpu.memref_slice %arg6[%mul3A_11, %dma_wait3A_28] : memref<81920x128xf32, #tpu.memory_space<hbm>> -> memref<128x128xf32, #tpu.memory_space<hbm>>
        tpu.wait_dma2 semaphore(%run_scoped3A : memref<!tpu.dma_semaphore, #tpu.memory_space<semaphore_mem>>) src(%arg9 : memref<128x128xf32, #tpu.memory_space<vmem>>) dst(%dma_wait3A_29 : memref<128x128xf32, #tpu.memory_space<hbm>>)
        tpu.yield
      }) : () -> ()
      %dma_wait3A_19 = arith.constant 0 : i32
      %dma_wait3A_20 = arith.constant 0 : i32
      %dma_wait3A_21 = tpu.memref_slice %arg4[%dma_wait3A_19, %dma_wait3A_20] : memref<10000x128xf32, #tpu.memory_space<hbm>> -> memref<10000x128xf32, #tpu.memory_space<hbm>>
      tpu.wait_indirect_dma semaphore(%arg13 : memref<!tpu.dma_semaphore, #tpu.memory_space<semaphore_mem>>) src(%dma_wait3A_21 : memref<10000x128xf32, #tpu.memory_space<hbm>>) dst(%arg11 : memref<128x128xf32, #tpu.memory_space<vmem>>)
      "tpu.region"() ({
        %run_scoped3A = tpu.sem_alloc : memref<!tpu.dma_semaphore, #tpu.memory_space<semaphore_mem>>
        %dma_start3A_22 = arith.constant 0 : i32
        %dma_start3A_23 = tpu.memref_slice %arg7[%mul3A_11, %dma_start3A_22] : memref<81920x128xf32, #tpu.memory_space<hbm>> -> memref<128x128xf32, #tpu.memory_space<hbm>>
        %dma_start3A_24 = arith.constant 0 : i32
        %dma_start3A_25 = tpu.memref_slice %arg7[%mul3A_11, %dma_start3A_24] : memref<81920x128xf32, #tpu.memory_space<hbm>> -> memref<128x128xf32, #tpu.memory_space<hbm>>
        tpu.enqueue_dma source(%arg11 : memref<128x128xf32, #tpu.memory_space<vmem>>) target(%dma_start3A_25 : memref<128x128xf32, #tpu.memory_space<hbm>>) target_semaphore(%run_scoped3A : memref<!tpu.dma_semaphore, #tpu.memory_space<semaphore_mem>>)
        %dma_wait3A_26 = arith.constant 0 : i32
        %dma_wait3A_27 = tpu.memref_slice %arg7[%mul3A_11, %dma_wait3A_26] : memref<81920x128xf32, #tpu.memory_space<hbm>> -> memref<128x128xf32, #tpu.memory_space<hbm>>
        %dma_wait3A_28 = arith.constant 0 : i32
        %dma_wait3A_29 = tpu.memref_slice %arg7[%mul3A_11, %dma_wait3A_28] : memref<81920x128xf32, #tpu.memory_space<hbm>> -> memref<128x128xf32, #tpu.memory_space<hbm>>
        tpu.wait_dma2 semaphore(%run_scoped3A : memref<!tpu.dma_semaphore, #tpu.memory_space<semaphore_mem>>) src(%arg11 : memref<128x128xf32, #tpu.memory_space<vmem>>) dst(%dma_wait3A_29 : memref<128x128xf32, #tpu.memory_space<hbm>>)
        tpu.yield
      }) : () -> ()
    }
    %scan3A_7 = arith.constant 20 : i32
    return
  }
}

#map = affine_map<(d0, d1) -> (0, 0)>
#map1 = affine_map<(d0, d1) -> (0)>
module attributes {stable_mosaic.version = 14 : i64} {
  func.func @k(%arg0: i32, %arg1: i32, %arg2: memref<10000x128xf32, #tpu.memory_space<hbm>>, %arg3: memref<81920xi32, #tpu.memory_space<hbm>>, %arg4: memref<10000x128xf32, #tpu.memory_space<hbm>>, %arg5: memref<81920xi32, #tpu.memory_space<hbm>>, %arg6: memref<81920x128xf32, #tpu.memory_space<hbm>>, %arg7: memref<81920x128xf32, #tpu.memory_space<hbm>>, %arg8: memref<128xi32, #tpu.memory_space<vmem>>, %arg9: memref<128x128xf32, #tpu.memory_space<vmem>>, %arg10: memref<128xi32, #tpu.memory_space<vmem>>, %arg11: memref<128x128xf32, #tpu.memory_space<vmem>>, %arg12: memref<!tpu.dma_semaphore, #tpu.memory_space<semaphore_mem>>, %arg13: memref<!tpu.dma_semaphore, #tpu.memory_space<semaphore_mem>>) attributes {dimension_semantics = [#tpu.dimension_semantics<core_parallel>, #tpu.dimension_semantics<subcore_parallel>], iteration_bounds = array<i64: 2, 16>, scalar_prefetch = 0 : i64, scratch_operands = 6 : i64, tpu.core_type = #tpu.core_type<sc_vector_subcore>, window_params = [{transform_indices = #map}, {transform_indices = #map1}, {transform_indices = #map}, {transform_indices = #map1}, {transform_indices = #map}, {transform_indices = #map}]} {
    %mul3A = arith.constant 2 : i32
    %mul3A_0 = arith.muli %arg1, %mul3A : i32
    %add3A = arith.addi %mul3A_0, %arg0 : i32
    %mul3A_1 = arith.constant 20 : i32
    %mul3A_2 = arith.muli %add3A, %mul3A_1 : i32
    %scan3A = arith.constant 0 : i32
    %scan3A_3 = arith.constant 0 : i32
    %scan3A_4 = arith.constant 20 : i32
    %scan3A_5 = arith.addi %scan3A_3, %scan3A_4 : i32
    %scan3A_6 = arith.constant 1 : i32
    scf.for %scan3A_8 = %scan3A_3 to %scan3A_5 step %scan3A_6  : i32 {
      %add3A_9 = arith.addi %mul3A_2, %scan3A_8 : i32
      %mul3A_10 = arith.constant 128 : i32
      %mul3A_11 = arith.muli %add3A_9, %mul3A_10 : i32
      "tpu.region"() ({
        %run_scoped3A = tpu.sem_alloc : memref<!tpu.dma_semaphore, #tpu.memory_space<semaphore_mem>>
        %dma_start3A_22 = tpu.memref_slice %arg3[%mul3A_11] : memref<81920xi32, #tpu.memory_space<hbm>> -> memref<128xi32, #tpu.memory_space<hbm>>
        %dma_start3A_23 = tpu.memref_slice %arg3[%mul3A_11] : memref<81920xi32, #tpu.memory_space<hbm>> -> memref<128xi32, #tpu.memory_space<hbm>>
        tpu.enqueue_dma source(%dma_start3A_23 : memref<128xi32, #tpu.memory_space<hbm>>) target(%arg8 : memref<128xi32, #tpu.memory_space<vmem>>) target_semaphore(%run_scoped3A : memref<!tpu.dma_semaphore, #tpu.memory_space<semaphore_mem>>)
        %dma_wait3A_24 = tpu.memref_slice %arg3[%mul3A_11] : memref<81920xi32, #tpu.memory_space<hbm>> -> memref<128xi32, #tpu.memory_space<hbm>>
        %dma_wait3A_25 = tpu.memref_slice %arg3[%mul3A_11] : memref<81920xi32, #tpu.memory_space<hbm>> -> memref<128xi32, #tpu.memory_space<hbm>>
        tpu.wait_dma2 semaphore(%run_scoped3A : memref<!tpu.dma_semaphore, #tpu.memory_space<semaphore_mem>>) src(%dma_wait3A_25 : memref<128xi32, #tpu.memory_space<hbm>>) dst(%arg8 : memref<128xi32, #tpu.memory_space<vmem>>)
        tpu.yield
      }) : () -> ()
      %dma_start3A = arith.constant 0 : i32
      %dma_start3A_12 = arith.constant 0 : i32
      %dma_start3A_13 = tpu.memref_slice %arg2[%dma_start3A, %dma_start3A_12] : memref<10000x128xf32, #tpu.memory_space<hbm>> -> memref<10000x128xf32, #tpu.memory_space<hbm>>
      tpu.enqueue_indirect_dma source(%dma_start3A_13 : memref<10000x128xf32, #tpu.memory_space<hbm>>) target(%arg9 : memref<128x128xf32, #tpu.memory_space<vmem>>) offsets(%arg8 : memref<128xi32, #tpu.memory_space<vmem>>) semaphore(%arg12 : memref<!tpu.dma_semaphore, #tpu.memory_space<semaphore_mem>>)
      "tpu.region"() ({
        %run_scoped3A = tpu.sem_alloc : memref<!tpu.dma_semaphore, #tpu.memory_space<semaphore_mem>>
        %dma_start3A_22 = tpu.memref_slice %arg5[%mul3A_11] : memref<81920xi32, #tpu.memory_space<hbm>> -> memref<128xi32, #tpu.memory_space<hbm>>
        %dma_start3A_23 = tpu.memref_slice %arg5[%mul3A_11] : memref<81920xi32, #tpu.memory_space<hbm>> -> memref<128xi32, #tpu.memory_space<hbm>>
        tpu.enqueue_dma source(%dma_start3A_23 : memref<128xi32, #tpu.memory_space<hbm>>) target(%arg10 : memref<128xi32, #tpu.memory_space<vmem>>) target_semaphore(%run_scoped3A : memref<!tpu.dma_semaphore, #tpu.memory_space<semaphore_mem>>)
        %dma_wait3A_24 = tpu.memref_slice %arg5[%mul3A_11] : memref<81920xi32, #tpu.memory_space<hbm>> -> memref<128xi32, #tpu.memory_space<hbm>>
        %dma_wait3A_25 = tpu.memref_slice %arg5[%mul3A_11] : memref<81920xi32, #tpu.memory_space<hbm>> -> memref<128xi32, #tpu.memory_space<hbm>>
        tpu.wait_dma2 semaphore(%run_scoped3A : memref<!tpu.dma_semaphore, #tpu.memory_space<semaphore_mem>>) src(%dma_wait3A_25 : memref<128xi32, #tpu.memory_space<hbm>>) dst(%arg10 : memref<128xi32, #tpu.memory_space<vmem>>)
        tpu.yield
      }) : () -> ()
      %dma_start3A_14 = arith.constant 0 : i32
      %dma_start3A_15 = arith.constant 0 : i32
      %dma_start3A_16 = tpu.memref_slice %arg4[%dma_start3A_14, %dma_start3A_15] : memref<10000x128xf32, #tpu.memory_space<hbm>> -> memref<10000x128xf32, #tpu.memory_space<hbm>>
      tpu.enqueue_indirect_dma source(%dma_start3A_16 : memref<10000x128xf32, #tpu.memory_space<hbm>>) target(%arg11 : memref<128x128xf32, #tpu.memory_space<vmem>>) offsets(%arg10 : memref<128xi32, #tpu.memory_space<vmem>>) semaphore(%arg13 : memref<!tpu.dma_semaphore, #tpu.memory_space<semaphore_mem>>)
      %dma_wait3A = arith.constant 0 : i32
      %dma_wait3A_17 = arith.constant 0 : i32
      %dma_wait3A_18 = tpu.memref_slice %arg2[%dma_wait3A, %dma_wait3A_17] : memref<10000x128xf32, #tpu.memory_space<hbm>> -> memref<10000x128xf32, #tpu.memory_space<hbm>>
      tpu.wait_indirect_dma semaphore(%arg12 : memref<!tpu.dma_semaphore, #tpu.memory_space<semaphore_mem>>) src(%dma_wait3A_18 : memref<10000x128xf32, #tpu.memory_space<hbm>>) dst(%arg9 : memref<128x128xf32, #tpu.memory_space<vmem>>)
      "tpu.region"() ({
        %run_scoped3A = tpu.sem_alloc : memref<!tpu.dma_semaphore, #tpu.memory_space<semaphore_mem>>
        %dma_start3A_22 = arith.constant 0 : i32
        %dma_start3A_23 = tpu.memref_slice %arg6[%mul3A_11, %dma_start3A_22] : memref<81920x128xf32, #tpu.memory_space<hbm>> -> memref<128x128xf32, #tpu.memory_space<hbm>>
        %dma_start3A_24 = arith.constant 0 : i32
        %dma_start3A_25 = tpu.memref_slice %arg6[%mul3A_11, %dma_start3A_24] : memref<81920x128xf32, #tpu.memory_space<hbm>> -> memref<128x128xf32, #tpu.memory_space<hbm>>
        tpu.enqueue_dma source(%arg9 : memref<128x128xf32, #tpu.memory_space<vmem>>) target(%dma_start3A_25 : memref<128x128xf32, #tpu.memory_space<hbm>>) target_semaphore(%run_scoped3A : memref<!tpu.dma_semaphore, #tpu.memory_space<semaphore_mem>>)
        %dma_wait3A_26 = arith.constant 0 : i32
        %dma_wait3A_27 = tpu.memref_slice %arg6[%mul3A_11, %dma_wait3A_26] : memref<81920x128xf32, #tpu.memory_space<hbm>> -> memref<128x128xf32, #tpu.memory_space<hbm>>
        %dma_wait3A_28 = arith.constant 0 : i32
        %dma_wait3A_29 = tpu.memref_slice %arg6[%mul3A_11, %dma_wait3A_28] : memref<81920x128xf32, #tpu.memory_space<hbm>> -> memref<128x128xf32, #tpu.memory_space<hbm>>
        tpu.wait_dma2 semaphore(%run_scoped3A : memref<!tpu.dma_semaphore, #tpu.memory_space<semaphore_mem>>) src(%arg9 : memref<128x128xf32, #tpu.memory_space<vmem>>) dst(%dma_wait3A_29 : memref<128x128xf32, #tpu.memory_space<hbm>>)
        tpu.yield
      }) : () -> ()
      %dma_wait3A_19 = arith.constant 0 : i32
      %dma_wait3A_20 = arith.constant 0 : i32
      %dma_wait3A_21 = tpu.memref_slice %arg4[%dma_wait3A_19, %dma_wait3A_20] : memref<10000x128xf32, #tpu.memory_space<hbm>> -> memref<10000x128xf32, #tpu.memory_space<hbm>>
      tpu.wait_indirect_dma semaphore(%arg13 : memref<!tpu.dma_semaphore, #tpu.memory_space<semaphore_mem>>) src(%dma_wait3A_21 : memref<10000x128xf32, #tpu.memory_space<hbm>>) dst(%arg11 : memref<128x128xf32, #tpu.memory_space<vmem>>)
      "tpu.region"() ({
        %run_scoped3A = tpu.sem_alloc : memref<!tpu.dma_semaphore, #tpu.memory_space<semaphore_mem>>
        %dma_start3A_22 = arith.constant 0 : i32
        %dma_start3A_23 = tpu.memref_slice %arg7[%mul3A_11, %dma_start3A_22] : memref<81920x128xf32, #tpu.memory_space<hbm>> -> memref<128x128xf32, #tpu.memory_space<hbm>>
        %dma_start3A_24 = arith.constant 0 : i32
        %dma_start3A_25 = tpu.memref_slice %arg7[%mul3A_11, %dma_start3A_24] : memref<81920x128xf32, #tpu.memory_space<hbm>> -> memref<128x128xf32, #tpu.memory_space<hbm>>
        tpu.enqueue_dma source(%arg11 : memref<128x128xf32, #tpu.memory_space<vmem>>) target(%dma_start3A_25 : memref<128x128xf32, #tpu.memory_space<hbm>>) target_semaphore(%run_scoped3A : memref<!tpu.dma_semaphore, #tpu.memory_space<semaphore_mem>>)
        %dma_wait3A_26 = arith.constant 0 : i32
        %dma_wait3A_27 = tpu.memref_slice %arg7[%mul3A_11, %dma_wait3A_26] : memref<81920x128xf32, #tpu.memory_space<hbm>> -> memref<128x128xf32, #tpu.memory_space<hbm>>
        %dma_wait3A_28 = arith.constant 0 : i32
        %dma_wait3A_29 = tpu.memref_slice %arg7[%mul3A_11, %dma_wait3A_28] : memref<81920x128xf32, #tpu.memory_space<hbm>> -> memref<128x128xf32, #tpu.memory_space<hbm>>
        tpu.wait_dma2 semaphore(%run_scoped3A : memref<!tpu.dma_semaphore, #tpu.memory_space<semaphore_mem>>) src(%arg11 : memref<128x128xf32, #tpu.memory_space<vmem>>) dst(%dma_wait3A_29 : memref<128x128xf32, #tpu.memory_space<hbm>>)
        tpu.yield
      }) : () -> ()
    }
    %scan3A_7 = arith.constant 20 : i32
    return
  }
}

#map = affine_map<(d0, d1) -> (0, 0)>
#map1 = affine_map<(d0, d1) -> (0)>
module attributes {stable_mosaic.version = 14 : i64} {
  func.func @k(%arg0: i32, %arg1: i32, %arg2: memref<81920x128xf32, #tpu.memory_space<hbm>>, %arg3: memref<81920xi32, #tpu.memory_space<hbm>>, %arg4: memref<12928x128xf32, #tpu.memory_space<hbm>>, %arg5: memref<10240x128xf32, #tpu.memory_space<hbm>>, %arg6: memref<10240x128xf32, #tpu.memory_space<hbm>>, %arg7: memref<128xi32, #tpu.memory_space<vmem>>, %arg8: memref<128x128xf32, #tpu.memory_space<vmem>>, %arg9: memref<10240x128xf32, #tpu.memory_space<vmem_shared>>) attributes {dimension_semantics = [#tpu.dimension_semantics<core_parallel>, #tpu.dimension_semantics<subcore_parallel>], iteration_bounds = array<i64: 2, 16>, scalar_prefetch = 0 : i64, scratch_operands = 3 : i64, tpu.core_type = #tpu.core_type<sc_vector_subcore>, window_params = [{transform_indices = #map}, {transform_indices = #map1}, {transform_indices = #map}, {transform_indices = #map}, {transform_indices = #map}]} {
    %mul3A = arith.constant 2 : i32
    %mul3A_0 = arith.muli %arg1, %mul3A : i32
    %add3A = arith.addi %mul3A_0, %arg0 : i32
    %mul3A_1 = arith.constant 640 : i32
    %mul3A_2 = arith.muli %arg1, %mul3A_1 : i32
    %mul3A_3 = arith.constant 640 : i32
    %mul3A_4 = arith.muli %arg1, %mul3A_3 : i32
    "tpu.region"() ({
      %run_scoped3A = tpu.sem_alloc : memref<!tpu.dma_semaphore, #tpu.memory_space<semaphore_mem>>
      %dma_start3A = arith.constant 0 : i32
      %dma_start3A_18 = tpu.memref_slice %arg9[%mul3A_4, %dma_start3A] : memref<10240x128xf32, #tpu.memory_space<vmem_shared>> -> memref<640x128xf32, #tpu.memory_space<vmem_shared>>
      %dma_start3A_19 = arith.constant 0 : i32
      %dma_start3A_20 = tpu.memref_slice %arg4[%mul3A_2, %dma_start3A_19] : memref<12928x128xf32, #tpu.memory_space<hbm>> -> memref<640x128xf32, #tpu.memory_space<hbm>>
      tpu.enqueue_dma source(%dma_start3A_20 : memref<640x128xf32, #tpu.memory_space<hbm>>) target(%dma_start3A_18 : memref<640x128xf32, #tpu.memory_space<vmem_shared>>) target_semaphore(%run_scoped3A : memref<!tpu.dma_semaphore, #tpu.memory_space<semaphore_mem>>)
      %dma_wait3A = arith.constant 0 : i32
      %dma_wait3A_21 = tpu.memref_slice %arg9[%mul3A_4, %dma_wait3A] : memref<10240x128xf32, #tpu.memory_space<vmem_shared>> -> memref<640x128xf32, #tpu.memory_space<vmem_shared>>
      %dma_wait3A_22 = arith.constant 0 : i32
      %dma_wait3A_23 = tpu.memref_slice %arg4[%mul3A_2, %dma_wait3A_22] : memref<12928x128xf32, #tpu.memory_space<hbm>> -> memref<640x128xf32, #tpu.memory_space<hbm>>
      tpu.wait_dma2 semaphore(%run_scoped3A : memref<!tpu.dma_semaphore, #tpu.memory_space<semaphore_mem>>) src(%dma_wait3A_23 : memref<640x128xf32, #tpu.memory_space<hbm>>) dst(%dma_wait3A_21 : memref<640x128xf32, #tpu.memory_space<vmem_shared>>)
      tpu.yield
    }) : () -> ()
    %barrier3A = arith.constant 0 : index
    tpu.barrier barrier_id(%barrier3A)
    %scan3A = arith.constant 0 : i32
    %scan3A_5 = arith.constant 0 : i32
    %scan3A_6 = arith.constant 20 : i32
    %scan3A_7 = arith.addi %scan3A_5, %scan3A_6 : i32
    %scan3A_8 = arith.constant 1 : i32
    scf.for %scan3A_18 = %scan3A_5 to %scan3A_7 step %scan3A_8  : i32 {
      %mul3A_19 = arith.constant 20 : i32
      %mul3A_20 = arith.muli %add3A, %mul3A_19 : i32
      %add3A_21 = arith.addi %mul3A_20, %scan3A_18 : i32
      %mul3A_22 = arith.constant 128 : i32
      %mul3A_23 = arith.muli %add3A_21, %mul3A_22 : i32
      "tpu.region"() ({
        %run_scoped3A = tpu.sem_alloc : memref<!tpu.dma_semaphore, #tpu.memory_space<semaphore_mem>>
        %dma_start3A = tpu.memref_slice %arg3[%mul3A_23] : memref<81920xi32, #tpu.memory_space<hbm>> -> memref<128xi32, #tpu.memory_space<hbm>>
        %dma_start3A_24 = tpu.memref_slice %arg3[%mul3A_23] : memref<81920xi32, #tpu.memory_space<hbm>> -> memref<128xi32, #tpu.memory_space<hbm>>
        tpu.enqueue_dma source(%dma_start3A_24 : memref<128xi32, #tpu.memory_space<hbm>>) target(%arg7 : memref<128xi32, #tpu.memory_space<vmem>>) target_semaphore(%run_scoped3A : memref<!tpu.dma_semaphore, #tpu.memory_space<semaphore_mem>>)
        %dma_wait3A = tpu.memref_slice %arg3[%mul3A_23] : memref<81920xi32, #tpu.memory_space<hbm>> -> memref<128xi32, #tpu.memory_space<hbm>>
        %dma_wait3A_25 = tpu.memref_slice %arg3[%mul3A_23] : memref<81920xi32, #tpu.memory_space<hbm>> -> memref<128xi32, #tpu.memory_space<hbm>>
        tpu.wait_dma2 semaphore(%run_scoped3A : memref<!tpu.dma_semaphore, #tpu.memory_space<semaphore_mem>>) src(%dma_wait3A_25 : memref<128xi32, #tpu.memory_space<hbm>>) dst(%arg7 : memref<128xi32, #tpu.memory_space<vmem>>)
        tpu.yield
      }) : () -> ()
      "tpu.region"() ({
        %run_scoped3A = tpu.sem_alloc : memref<!tpu.dma_semaphore, #tpu.memory_space<semaphore_mem>>
        %dma_start3A = arith.constant 0 : i32
        %dma_start3A_24 = tpu.memref_slice %arg2[%mul3A_23, %dma_start3A] : memref<81920x128xf32, #tpu.memory_space<hbm>> -> memref<128x128xf32, #tpu.memory_space<hbm>>
        %dma_start3A_25 = arith.constant 0 : i32
        %dma_start3A_26 = tpu.memref_slice %arg2[%mul3A_23, %dma_start3A_25] : memref<81920x128xf32, #tpu.memory_space<hbm>> -> memref<128x128xf32, #tpu.memory_space<hbm>>
        tpu.enqueue_dma source(%dma_start3A_26 : memref<128x128xf32, #tpu.memory_space<hbm>>) target(%arg8 : memref<128x128xf32, #tpu.memory_space<vmem>>) target_semaphore(%run_scoped3A : memref<!tpu.dma_semaphore, #tpu.memory_space<semaphore_mem>>)
        %dma_wait3A = arith.constant 0 : i32
        %dma_wait3A_27 = tpu.memref_slice %arg2[%mul3A_23, %dma_wait3A] : memref<81920x128xf32, #tpu.memory_space<hbm>> -> memref<128x128xf32, #tpu.memory_space<hbm>>
        %dma_wait3A_28 = arith.constant 0 : i32
        %dma_wait3A_29 = tpu.memref_slice %arg2[%mul3A_23, %dma_wait3A_28] : memref<81920x128xf32, #tpu.memory_space<hbm>> -> memref<128x128xf32, #tpu.memory_space<hbm>>
        tpu.wait_dma2 semaphore(%run_scoped3A : memref<!tpu.dma_semaphore, #tpu.memory_space<semaphore_mem>>) src(%dma_wait3A_29 : memref<128x128xf32, #tpu.memory_space<hbm>>) dst(%arg8 : memref<128x128xf32, #tpu.memory_space<vmem>>)
        tpu.yield
      }) : () -> ()
      "tpu.region"() ({
        %run_scoped3A = tpu.sem_alloc : memref<!tpu.dma_semaphore, #tpu.memory_space<semaphore_mem>>
        %dma_start3A = arith.constant 0 : i32
        %dma_start3A_24 = arith.constant 0 : i32
        %dma_start3A_25 = tpu.memref_slice %arg9[%dma_start3A, %dma_start3A_24] : memref<10240x128xf32, #tpu.memory_space<vmem_shared>> -> memref<10240x128xf32, #tpu.memory_space<vmem_shared>>
        tpu.enqueue_indirect_dma source(%arg8 : memref<128x128xf32, #tpu.memory_space<vmem>>) target(%dma_start3A_25 : memref<10240x128xf32, #tpu.memory_space<vmem_shared>>) offsets(%arg7 : memref<128xi32, #tpu.memory_space<vmem>>) semaphore(%run_scoped3A : memref<!tpu.dma_semaphore, #tpu.memory_space<semaphore_mem>>) {add = true}
        %dma_wait3A = arith.constant 0 : i32
        %dma_wait3A_26 = arith.constant 0 : i32
        %dma_wait3A_27 = tpu.memref_slice %arg9[%dma_wait3A, %dma_wait3A_26] : memref<10240x128xf32, #tpu.memory_space<vmem_shared>> -> memref<10240x128xf32, #tpu.memory_space<vmem_shared>>
        tpu.wait_indirect_dma semaphore(%run_scoped3A : memref<!tpu.dma_semaphore, #tpu.memory_space<semaphore_mem>>) src(%arg8 : memref<128x128xf32, #tpu.memory_space<vmem>>) dst(%dma_wait3A_27 : memref<10240x128xf32, #tpu.memory_space<vmem_shared>>)
        tpu.yield
      }) : () -> ()
    }
    %scan3A_9 = arith.constant 20 : i32
    %barrier3A_10 = arith.constant 0 : index
    tpu.barrier barrier_id(%barrier3A_10)
    %eq3A = arith.constant 0 : i32
    %eq3A_11 = arith.cmpi eq, %arg0, %eq3A : i32
    %convert_element_type3A = arith.extui %eq3A_11 : i1 to i32
    %cond3A = arith.constant 0 : i32
    %cond3A_12 = arith.cmpi ne, %convert_element_type3A, %cond3A : i32
    scf.if %cond3A_12 {
      %mul3A_18 = arith.constant 640 : i32
      %mul3A_19 = arith.muli %arg1, %mul3A_18 : i32
      %mul3A_20 = arith.constant 640 : i32
      %mul3A_21 = arith.muli %arg1, %mul3A_20 : i32
      "tpu.region"() ({
        %run_scoped3A = tpu.sem_alloc : memref<!tpu.dma_semaphore, #tpu.memory_space<semaphore_mem>>
        %dma_start3A = arith.constant 0 : i32
        %dma_start3A_22 = tpu.memref_slice %arg5[%mul3A_21, %dma_start3A] : memref<10240x128xf32, #tpu.memory_space<hbm>> -> memref<640x128xf32, #tpu.memory_space<hbm>>
        %dma_start3A_23 = arith.constant 0 : i32
        %dma_start3A_24 = tpu.memref_slice %arg9[%mul3A_19, %dma_start3A_23] : memref<10240x128xf32, #tpu.memory_space<vmem_shared>> -> memref<640x128xf32, #tpu.memory_space<vmem_shared>>
        tpu.enqueue_dma source(%dma_start3A_24 : memref<640x128xf32, #tpu.memory_space<vmem_shared>>) target(%dma_start3A_22 : memref<640x128xf32, #tpu.memory_space<hbm>>) target_semaphore(%run_scoped3A : memref<!tpu.dma_semaphore, #tpu.memory_space<semaphore_mem>>)
        %dma_wait3A = arith.constant 0 : i32
        %dma_wait3A_25 = tpu.memref_slice %arg5[%mul3A_21, %dma_wait3A] : memref<10240x128xf32, #tpu.memory_space<hbm>> -> memref<640x128xf32, #tpu.memory_space<hbm>>
        %dma_wait3A_26 = arith.constant 0 : i32
        %dma_wait3A_27 = tpu.memref_slice %arg9[%mul3A_19, %dma_wait3A_26] : memref<10240x128xf32, #tpu.memory_space<vmem_shared>> -> memref<640x128xf32, #tpu.memory_space<vmem_shared>>
        tpu.wait_dma2 semaphore(%run_scoped3A : memref<!tpu.dma_semaphore, #tpu.memory_space<semaphore_mem>>) src(%dma_wait3A_27 : memref<640x128xf32, #tpu.memory_space<vmem_shared>>) dst(%dma_wait3A_25 : memref<640x128xf32, #tpu.memory_space<hbm>>)
        tpu.yield
      }) : () -> ()
    } else {
    }
    %eq3A_13 = arith.constant 1 : i32
    %eq3A_14 = arith.cmpi eq, %arg0, %eq3A_13 : i32
    %convert_element_type3A_15 = arith.extui %eq3A_14 : i1 to i32
    %cond3A_16 = arith.constant 0 : i32
    %cond3A_17 = arith.cmpi ne, %convert_element_type3A_15, %cond3A_16 : i32
    scf.if %cond3A_17 {
      %mul3A_18 = arith.constant 640 : i32
      %mul3A_19 = arith.muli %arg1, %mul3A_18 : i32
      %mul3A_20 = arith.constant 640 : i32
      %mul3A_21 = arith.muli %arg1, %mul3A_20 : i32
      "tpu.region"() ({
        %run_scoped3A = tpu.sem_alloc : memref<!tpu.dma_semaphore, #tpu.memory_space<semaphore_mem>>
        %dma_start3A = arith.constant 0 : i32
        %dma_start3A_22 = tpu.memref_slice %arg6[%mul3A_21, %dma_start3A] : memref<10240x128xf32, #tpu.memory_space<hbm>> -> memref<640x128xf32, #tpu.memory_space<hbm>>
        %dma_start3A_23 = arith.constant 0 : i32
        %dma_start3A_24 = tpu.memref_slice %arg9[%mul3A_19, %dma_start3A_23] : memref<10240x128xf32, #tpu.memory_space<vmem_shared>> -> memref<640x128xf32, #tpu.memory_space<vmem_shared>>
        tpu.enqueue_dma source(%dma_start3A_24 : memref<640x128xf32, #tpu.memory_space<vmem_shared>>) target(%dma_start3A_22 : memref<640x128xf32, #tpu.memory_space<hbm>>) target_semaphore(%run_scoped3A : memref<!tpu.dma_semaphore, #tpu.memory_space<semaphore_mem>>)
        %dma_wait3A = arith.constant 0 : i32
        %dma_wait3A_25 = tpu.memref_slice %arg6[%mul3A_21, %dma_wait3A] : memref<10240x128xf32, #tpu.memory_space<hbm>> -> memref<640x128xf32, #tpu.memory_space<hbm>>
        %dma_wait3A_26 = arith.constant 0 : i32
        %dma_wait3A_27 = tpu.memref_slice %arg9[%mul3A_19, %dma_wait3A_26] : memref<10240x128xf32, #tpu.memory_space<vmem_shared>> -> memref<640x128xf32, #tpu.memory_space<vmem_shared>>
        tpu.wait_dma2 semaphore(%run_scoped3A : memref<!tpu.dma_semaphore, #tpu.memory_space<semaphore_mem>>) src(%dma_wait3A_27 : memref<640x128xf32, #tpu.memory_space<vmem_shared>>) dst(%dma_wait3A_25 : memref<640x128xf32, #tpu.memory_space<hbm>>)
        tpu.yield
      }) : () -> ()
    } else {
    }
    return
  }
}

#map = affine_map<(d0, d1) -> (0, 0)>
#map1 = affine_map<(d0, d1) -> (0)>
module attributes {stable_mosaic.version = 14 : i64} {
  func.func @k(%arg0: i32, %arg1: i32, %arg2: memref<10000x128xf32, #tpu.memory_space<hbm>>, %arg3: memref<81920xi32, #tpu.memory_space<hbm>>, %arg4: memref<10000x128xf32, #tpu.memory_space<hbm>>, %arg5: memref<81920xi32, #tpu.memory_space<hbm>>, %arg6: memref<81920x128xf32, #tpu.memory_space<hbm>>, %arg7: memref<81920x128xf32, #tpu.memory_space<hbm>>, %arg8: memref<128xi32, #tpu.memory_space<vmem>>, %arg9: memref<128x128xf32, #tpu.memory_space<vmem>>, %arg10: memref<128xi32, #tpu.memory_space<vmem>>, %arg11: memref<128x128xf32, #tpu.memory_space<vmem>>, %arg12: memref<!tpu.dma_semaphore, #tpu.memory_space<semaphore_mem>>, %arg13: memref<!tpu.dma_semaphore, #tpu.memory_space<semaphore_mem>>) attributes {dimension_semantics = [#tpu.dimension_semantics<core_parallel>, #tpu.dimension_semantics<subcore_parallel>], iteration_bounds = array<i64: 2, 16>, scalar_prefetch = 0 : i64, scratch_operands = 6 : i64, tpu.core_type = #tpu.core_type<sc_vector_subcore>, window_params = [{transform_indices = #map}, {transform_indices = #map1}, {transform_indices = #map}, {transform_indices = #map1}, {transform_indices = #map}, {transform_indices = #map}]} {
    %mul3A = arith.constant 2 : i32
    %mul3A_0 = arith.muli %arg1, %mul3A : i32
    %add3A = arith.addi %mul3A_0, %arg0 : i32
    %mul3A_1 = arith.constant 20 : i32
    %mul3A_2 = arith.muli %add3A, %mul3A_1 : i32
    %scan3A = arith.constant 0 : i32
    %scan3A_3 = arith.constant 0 : i32
    %scan3A_4 = arith.constant 20 : i32
    %scan3A_5 = arith.addi %scan3A_3, %scan3A_4 : i32
    %scan3A_6 = arith.constant 1 : i32
    scf.for %scan3A_8 = %scan3A_3 to %scan3A_5 step %scan3A_6  : i32 {
      %add3A_9 = arith.addi %mul3A_2, %scan3A_8 : i32
      %mul3A_10 = arith.constant 128 : i32
      %mul3A_11 = arith.muli %add3A_9, %mul3A_10 : i32
      "tpu.region"() ({
        %run_scoped3A = tpu.sem_alloc : memref<!tpu.dma_semaphore, #tpu.memory_space<semaphore_mem>>
        %dma_start3A_22 = tpu.memref_slice %arg3[%mul3A_11] : memref<81920xi32, #tpu.memory_space<hbm>> -> memref<128xi32, #tpu.memory_space<hbm>>
        %dma_start3A_23 = tpu.memref_slice %arg3[%mul3A_11] : memref<81920xi32, #tpu.memory_space<hbm>> -> memref<128xi32, #tpu.memory_space<hbm>>
        tpu.enqueue_dma source(%dma_start3A_23 : memref<128xi32, #tpu.memory_space<hbm>>) target(%arg8 : memref<128xi32, #tpu.memory_space<vmem>>) target_semaphore(%run_scoped3A : memref<!tpu.dma_semaphore, #tpu.memory_space<semaphore_mem>>)
        %dma_wait3A_24 = tpu.memref_slice %arg3[%mul3A_11] : memref<81920xi32, #tpu.memory_space<hbm>> -> memref<128xi32, #tpu.memory_space<hbm>>
        %dma_wait3A_25 = tpu.memref_slice %arg3[%mul3A_11] : memref<81920xi32, #tpu.memory_space<hbm>> -> memref<128xi32, #tpu.memory_space<hbm>>
        tpu.wait_dma2 semaphore(%run_scoped3A : memref<!tpu.dma_semaphore, #tpu.memory_space<semaphore_mem>>) src(%dma_wait3A_25 : memref<128xi32, #tpu.memory_space<hbm>>) dst(%arg8 : memref<128xi32, #tpu.memory_space<vmem>>)
        tpu.yield
      }) : () -> ()
      %dma_start3A = arith.constant 0 : i32
      %dma_start3A_12 = arith.constant 0 : i32
      %dma_start3A_13 = tpu.memref_slice %arg2[%dma_start3A, %dma_start3A_12] : memref<10000x128xf32, #tpu.memory_space<hbm>> -> memref<10000x128xf32, #tpu.memory_space<hbm>>
      tpu.enqueue_indirect_dma source(%dma_start3A_13 : memref<10000x128xf32, #tpu.memory_space<hbm>>) target(%arg9 : memref<128x128xf32, #tpu.memory_space<vmem>>) offsets(%arg8 : memref<128xi32, #tpu.memory_space<vmem>>) semaphore(%arg12 : memref<!tpu.dma_semaphore, #tpu.memory_space<semaphore_mem>>)
      "tpu.region"() ({
        %run_scoped3A = tpu.sem_alloc : memref<!tpu.dma_semaphore, #tpu.memory_space<semaphore_mem>>
        %dma_start3A_22 = tpu.memref_slice %arg5[%mul3A_11] : memref<81920xi32, #tpu.memory_space<hbm>> -> memref<128xi32, #tpu.memory_space<hbm>>
        %dma_start3A_23 = tpu.memref_slice %arg5[%mul3A_11] : memref<81920xi32, #tpu.memory_space<hbm>> -> memref<128xi32, #tpu.memory_space<hbm>>
        tpu.enqueue_dma source(%dma_start3A_23 : memref<128xi32, #tpu.memory_space<hbm>>) target(%arg10 : memref<128xi32, #tpu.memory_space<vmem>>) target_semaphore(%run_scoped3A : memref<!tpu.dma_semaphore, #tpu.memory_space<semaphore_mem>>)
        %dma_wait3A_24 = tpu.memref_slice %arg5[%mul3A_11] : memref<81920xi32, #tpu.memory_space<hbm>> -> memref<128xi32, #tpu.memory_space<hbm>>
        %dma_wait3A_25 = tpu.memref_slice %arg5[%mul3A_11] : memref<81920xi32, #tpu.memory_space<hbm>> -> memref<128xi32, #tpu.memory_space<hbm>>
        tpu.wait_dma2 semaphore(%run_scoped3A : memref<!tpu.dma_semaphore, #tpu.memory_space<semaphore_mem>>) src(%dma_wait3A_25 : memref<128xi32, #tpu.memory_space<hbm>>) dst(%arg10 : memref<128xi32, #tpu.memory_space<vmem>>)
        tpu.yield
      }) : () -> ()
      %dma_start3A_14 = arith.constant 0 : i32
      %dma_start3A_15 = arith.constant 0 : i32
      %dma_start3A_16 = tpu.memref_slice %arg4[%dma_start3A_14, %dma_start3A_15] : memref<10000x128xf32, #tpu.memory_space<hbm>> -> memref<10000x128xf32, #tpu.memory_space<hbm>>
      tpu.enqueue_indirect_dma source(%dma_start3A_16 : memref<10000x128xf32, #tpu.memory_space<hbm>>) target(%arg11 : memref<128x128xf32, #tpu.memory_space<vmem>>) offsets(%arg10 : memref<128xi32, #tpu.memory_space<vmem>>) semaphore(%arg13 : memref<!tpu.dma_semaphore, #tpu.memory_space<semaphore_mem>>)
      %dma_wait3A = arith.constant 0 : i32
      %dma_wait3A_17 = arith.constant 0 : i32
      %dma_wait3A_18 = tpu.memref_slice %arg2[%dma_wait3A, %dma_wait3A_17] : memref<10000x128xf32, #tpu.memory_space<hbm>> -> memref<10000x128xf32, #tpu.memory_space<hbm>>
      tpu.wait_indirect_dma semaphore(%arg12 : memref<!tpu.dma_semaphore, #tpu.memory_space<semaphore_mem>>) src(%dma_wait3A_18 : memref<10000x128xf32, #tpu.memory_space<hbm>>) dst(%arg9 : memref<128x128xf32, #tpu.memory_space<vmem>>)
      "tpu.region"() ({
        %run_scoped3A = tpu.sem_alloc : memref<!tpu.dma_semaphore, #tpu.memory_space<semaphore_mem>>
        %dma_start3A_22 = arith.constant 0 : i32
        %dma_start3A_23 = tpu.memref_slice %arg6[%mul3A_11, %dma_start3A_22] : memref<81920x128xf32, #tpu.memory_space<hbm>> -> memref<128x128xf32, #tpu.memory_space<hbm>>
        %dma_start3A_24 = arith.constant 0 : i32
        %dma_start3A_25 = tpu.memref_slice %arg6[%mul3A_11, %dma_start3A_24] : memref<81920x128xf32, #tpu.memory_space<hbm>> -> memref<128x128xf32, #tpu.memory_space<hbm>>
        tpu.enqueue_dma source(%arg9 : memref<128x128xf32, #tpu.memory_space<vmem>>) target(%dma_start3A_25 : memref<128x128xf32, #tpu.memory_space<hbm>>) target_semaphore(%run_scoped3A : memref<!tpu.dma_semaphore, #tpu.memory_space<semaphore_mem>>)
        %dma_wait3A_26 = arith.constant 0 : i32
        %dma_wait3A_27 = tpu.memref_slice %arg6[%mul3A_11, %dma_wait3A_26] : memref<81920x128xf32, #tpu.memory_space<hbm>> -> memref<128x128xf32, #tpu.memory_space<hbm>>
        %dma_wait3A_28 = arith.constant 0 : i32
        %dma_wait3A_29 = tpu.memref_slice %arg6[%mul3A_11, %dma_wait3A_28] : memref<81920x128xf32, #tpu.memory_space<hbm>> -> memref<128x128xf32, #tpu.memory_space<hbm>>
        tpu.wait_dma2 semaphore(%run_scoped3A : memref<!tpu.dma_semaphore, #tpu.memory_space<semaphore_mem>>) src(%arg9 : memref<128x128xf32, #tpu.memory_space<vmem>>) dst(%dma_wait3A_29 : memref<128x128xf32, #tpu.memory_space<hbm>>)
        tpu.yield
      }) : () -> ()
      %dma_wait3A_19 = arith.constant 0 : i32
      %dma_wait3A_20 = arith.constant 0 : i32
      %dma_wait3A_21 = tpu.memref_slice %arg4[%dma_wait3A_19, %dma_wait3A_20] : memref<10000x128xf32, #tpu.memory_space<hbm>> -> memref<10000x128xf32, #tpu.memory_space<hbm>>
      tpu.wait_indirect_dma semaphore(%arg13 : memref<!tpu.dma_semaphore, #tpu.memory_space<semaphore_mem>>) src(%dma_wait3A_21 : memref<10000x128xf32, #tpu.memory_space<hbm>>) dst(%arg11 : memref<128x128xf32, #tpu.memory_space<vmem>>)
      "tpu.region"() ({
        %run_scoped3A = tpu.sem_alloc : memref<!tpu.dma_semaphore, #tpu.memory_space<semaphore_mem>>
        %dma_start3A_22 = arith.constant 0 : i32
        %dma_start3A_23 = tpu.memref_slice %arg7[%mul3A_11, %dma_start3A_22] : memref<81920x128xf32, #tpu.memory_space<hbm>> -> memref<128x128xf32, #tpu.memory_space<hbm>>
        %dma_start3A_24 = arith.constant 0 : i32
        %dma_start3A_25 = tpu.memref_slice %arg7[%mul3A_11, %dma_start3A_24] : memref<81920x128xf32, #tpu.memory_space<hbm>> -> memref<128x128xf32, #tpu.memory_space<hbm>>
        tpu.enqueue_dma source(%arg11 : memref<128x128xf32, #tpu.memory_space<vmem>>) target(%dma_start3A_25 : memref<128x128xf32, #tpu.memory_space<hbm>>) target_semaphore(%run_scoped3A : memref<!tpu.dma_semaphore, #tpu.memory_space<semaphore_mem>>)
        %dma_wait3A_26 = arith.constant 0 : i32
        %dma_wait3A_27 = tpu.memref_slice %arg7[%mul3A_11, %dma_wait3A_26] : memref<81920x128xf32, #tpu.memory_space<hbm>> -> memref<128x128xf32, #tpu.memory_space<hbm>>
        %dma_wait3A_28 = arith.constant 0 : i32
        %dma_wait3A_29 = tpu.memref_slice %arg7[%mul3A_11, %dma_wait3A_28] : memref<81920x128xf32, #tpu.memory_space<hbm>> -> memref<128x128xf32, #tpu.memory_space<hbm>>
        tpu.wait_dma2 semaphore(%run_scoped3A : memref<!tpu.dma_semaphore, #tpu.memory_space<semaphore_mem>>) src(%arg11 : memref<128x128xf32, #tpu.memory_space<vmem>>) dst(%dma_wait3A_29 : memref<128x128xf32, #tpu.memory_space<hbm>>)
        tpu.yield
      }) : () -> ()
    }
    %scan3A_7 = arith.constant 20 : i32
    return
  }
}

#map = affine_map<(d0, d1) -> (0, 0)>
#map1 = affine_map<(d0, d1) -> (0)>
module attributes {stable_mosaic.version = 14 : i64} {
  func.func @k(%arg0: i32, %arg1: i32, %arg2: memref<81920x128xf32, #tpu.memory_space<hbm>>, %arg3: memref<81920xi32, #tpu.memory_space<hbm>>, %arg4: memref<12928x128xf32, #tpu.memory_space<hbm>>, %arg5: memref<10240x128xf32, #tpu.memory_space<hbm>>, %arg6: memref<10240x128xf32, #tpu.memory_space<hbm>>, %arg7: memref<128xi32, #tpu.memory_space<vmem>>, %arg8: memref<128x128xf32, #tpu.memory_space<vmem>>, %arg9: memref<10240x128xf32, #tpu.memory_space<vmem_shared>>) attributes {dimension_semantics = [#tpu.dimension_semantics<core_parallel>, #tpu.dimension_semantics<subcore_parallel>], iteration_bounds = array<i64: 2, 16>, scalar_prefetch = 0 : i64, scratch_operands = 3 : i64, tpu.core_type = #tpu.core_type<sc_vector_subcore>, window_params = [{transform_indices = #map}, {transform_indices = #map1}, {transform_indices = #map}, {transform_indices = #map}, {transform_indices = #map}]} {
    %mul3A = arith.constant 2 : i32
    %mul3A_0 = arith.muli %arg1, %mul3A : i32
    %add3A = arith.addi %mul3A_0, %arg0 : i32
    %mul3A_1 = arith.constant 640 : i32
    %mul3A_2 = arith.muli %arg1, %mul3A_1 : i32
    %mul3A_3 = arith.constant 640 : i32
    %mul3A_4 = arith.muli %arg1, %mul3A_3 : i32
    "tpu.region"() ({
      %run_scoped3A = tpu.sem_alloc : memref<!tpu.dma_semaphore, #tpu.memory_space<semaphore_mem>>
      %dma_start3A = arith.constant 0 : i32
      %dma_start3A_18 = tpu.memref_slice %arg9[%mul3A_4, %dma_start3A] : memref<10240x128xf32, #tpu.memory_space<vmem_shared>> -> memref<640x128xf32, #tpu.memory_space<vmem_shared>>
      %dma_start3A_19 = arith.constant 0 : i32
      %dma_start3A_20 = tpu.memref_slice %arg4[%mul3A_2, %dma_start3A_19] : memref<12928x128xf32, #tpu.memory_space<hbm>> -> memref<640x128xf32, #tpu.memory_space<hbm>>
      tpu.enqueue_dma source(%dma_start3A_20 : memref<640x128xf32, #tpu.memory_space<hbm>>) target(%dma_start3A_18 : memref<640x128xf32, #tpu.memory_space<vmem_shared>>) target_semaphore(%run_scoped3A : memref<!tpu.dma_semaphore, #tpu.memory_space<semaphore_mem>>)
      %dma_wait3A = arith.constant 0 : i32
      %dma_wait3A_21 = tpu.memref_slice %arg9[%mul3A_4, %dma_wait3A] : memref<10240x128xf32, #tpu.memory_space<vmem_shared>> -> memref<640x128xf32, #tpu.memory_space<vmem_shared>>
      %dma_wait3A_22 = arith.constant 0 : i32
      %dma_wait3A_23 = tpu.memref_slice %arg4[%mul3A_2, %dma_wait3A_22] : memref<12928x128xf32, #tpu.memory_space<hbm>> -> memref<640x128xf32, #tpu.memory_space<hbm>>
      tpu.wait_dma2 semaphore(%run_scoped3A : memref<!tpu.dma_semaphore, #tpu.memory_space<semaphore_mem>>) src(%dma_wait3A_23 : memref<640x128xf32, #tpu.memory_space<hbm>>) dst(%dma_wait3A_21 : memref<640x128xf32, #tpu.memory_space<vmem_shared>>)
      tpu.yield
    }) : () -> ()
    %barrier3A = arith.constant 0 : index
    tpu.barrier barrier_id(%barrier3A)
    %scan3A = arith.constant 0 : i32
    %scan3A_5 = arith.constant 0 : i32
    %scan3A_6 = arith.constant 20 : i32
    %scan3A_7 = arith.addi %scan3A_5, %scan3A_6 : i32
    %scan3A_8 = arith.constant 1 : i32
    scf.for %scan3A_18 = %scan3A_5 to %scan3A_7 step %scan3A_8  : i32 {
      %mul3A_19 = arith.constant 20 : i32
      %mul3A_20 = arith.muli %add3A, %mul3A_19 : i32
      %add3A_21 = arith.addi %mul3A_20, %scan3A_18 : i32
      %mul3A_22 = arith.constant 128 : i32
      %mul3A_23 = arith.muli %add3A_21, %mul3A_22 : i32
      "tpu.region"() ({
        %run_scoped3A = tpu.sem_alloc : memref<!tpu.dma_semaphore, #tpu.memory_space<semaphore_mem>>
        %dma_start3A = tpu.memref_slice %arg3[%mul3A_23] : memref<81920xi32, #tpu.memory_space<hbm>> -> memref<128xi32, #tpu.memory_space<hbm>>
        %dma_start3A_24 = tpu.memref_slice %arg3[%mul3A_23] : memref<81920xi32, #tpu.memory_space<hbm>> -> memref<128xi32, #tpu.memory_space<hbm>>
        tpu.enqueue_dma source(%dma_start3A_24 : memref<128xi32, #tpu.memory_space<hbm>>) target(%arg7 : memref<128xi32, #tpu.memory_space<vmem>>) target_semaphore(%run_scoped3A : memref<!tpu.dma_semaphore, #tpu.memory_space<semaphore_mem>>)
        %dma_wait3A = tpu.memref_slice %arg3[%mul3A_23] : memref<81920xi32, #tpu.memory_space<hbm>> -> memref<128xi32, #tpu.memory_space<hbm>>
        %dma_wait3A_25 = tpu.memref_slice %arg3[%mul3A_23] : memref<81920xi32, #tpu.memory_space<hbm>> -> memref<128xi32, #tpu.memory_space<hbm>>
        tpu.wait_dma2 semaphore(%run_scoped3A : memref<!tpu.dma_semaphore, #tpu.memory_space<semaphore_mem>>) src(%dma_wait3A_25 : memref<128xi32, #tpu.memory_space<hbm>>) dst(%arg7 : memref<128xi32, #tpu.memory_space<vmem>>)
        tpu.yield
      }) : () -> ()
      "tpu.region"() ({
        %run_scoped3A = tpu.sem_alloc : memref<!tpu.dma_semaphore, #tpu.memory_space<semaphore_mem>>
        %dma_start3A = arith.constant 0 : i32
        %dma_start3A_24 = tpu.memref_slice %arg2[%mul3A_23, %dma_start3A] : memref<81920x128xf32, #tpu.memory_space<hbm>> -> memref<128x128xf32, #tpu.memory_space<hbm>>
        %dma_start3A_25 = arith.constant 0 : i32
        %dma_start3A_26 = tpu.memref_slice %arg2[%mul3A_23, %dma_start3A_25] : memref<81920x128xf32, #tpu.memory_space<hbm>> -> memref<128x128xf32, #tpu.memory_space<hbm>>
        tpu.enqueue_dma source(%dma_start3A_26 : memref<128x128xf32, #tpu.memory_space<hbm>>) target(%arg8 : memref<128x128xf32, #tpu.memory_space<vmem>>) target_semaphore(%run_scoped3A : memref<!tpu.dma_semaphore, #tpu.memory_space<semaphore_mem>>)
        %dma_wait3A = arith.constant 0 : i32
        %dma_wait3A_27 = tpu.memref_slice %arg2[%mul3A_23, %dma_wait3A] : memref<81920x128xf32, #tpu.memory_space<hbm>> -> memref<128x128xf32, #tpu.memory_space<hbm>>
        %dma_wait3A_28 = arith.constant 0 : i32
        %dma_wait3A_29 = tpu.memref_slice %arg2[%mul3A_23, %dma_wait3A_28] : memref<81920x128xf32, #tpu.memory_space<hbm>> -> memref<128x128xf32, #tpu.memory_space<hbm>>
        tpu.wait_dma2 semaphore(%run_scoped3A : memref<!tpu.dma_semaphore, #tpu.memory_space<semaphore_mem>>) src(%dma_wait3A_29 : memref<128x128xf32, #tpu.memory_space<hbm>>) dst(%arg8 : memref<128x128xf32, #tpu.memory_space<vmem>>)
        tpu.yield
      }) : () -> ()
      "tpu.region"() ({
        %run_scoped3A = tpu.sem_alloc : memref<!tpu.dma_semaphore, #tpu.memory_space<semaphore_mem>>
        %dma_start3A = arith.constant 0 : i32
        %dma_start3A_24 = arith.constant 0 : i32
        %dma_start3A_25 = tpu.memref_slice %arg9[%dma_start3A, %dma_start3A_24] : memref<10240x128xf32, #tpu.memory_space<vmem_shared>> -> memref<10240x128xf32, #tpu.memory_space<vmem_shared>>
        tpu.enqueue_indirect_dma source(%arg8 : memref<128x128xf32, #tpu.memory_space<vmem>>) target(%dma_start3A_25 : memref<10240x128xf32, #tpu.memory_space<vmem_shared>>) offsets(%arg7 : memref<128xi32, #tpu.memory_space<vmem>>) semaphore(%run_scoped3A : memref<!tpu.dma_semaphore, #tpu.memory_space<semaphore_mem>>) {add = true}
        %dma_wait3A = arith.constant 0 : i32
        %dma_wait3A_26 = arith.constant 0 : i32
        %dma_wait3A_27 = tpu.memref_slice %arg9[%dma_wait3A, %dma_wait3A_26] : memref<10240x128xf32, #tpu.memory_space<vmem_shared>> -> memref<10240x128xf32, #tpu.memory_space<vmem_shared>>
        tpu.wait_indirect_dma semaphore(%run_scoped3A : memref<!tpu.dma_semaphore, #tpu.memory_space<semaphore_mem>>) src(%arg8 : memref<128x128xf32, #tpu.memory_space<vmem>>) dst(%dma_wait3A_27 : memref<10240x128xf32, #tpu.memory_space<vmem_shared>>)
        tpu.yield
      }) : () -> ()
    }
    %scan3A_9 = arith.constant 20 : i32
    %barrier3A_10 = arith.constant 0 : index
    tpu.barrier barrier_id(%barrier3A_10)
    %eq3A = arith.constant 0 : i32
    %eq3A_11 = arith.cmpi eq, %arg0, %eq3A : i32
    %convert_element_type3A = arith.extui %eq3A_11 : i1 to i32
    %cond3A = arith.constant 0 : i32
    %cond3A_12 = arith.cmpi ne, %convert_element_type3A, %cond3A : i32
    scf.if %cond3A_12 {
      %mul3A_18 = arith.constant 640 : i32
      %mul3A_19 = arith.muli %arg1, %mul3A_18 : i32
      %mul3A_20 = arith.constant 640 : i32
      %mul3A_21 = arith.muli %arg1, %mul3A_20 : i32
      "tpu.region"() ({
        %run_scoped3A = tpu.sem_alloc : memref<!tpu.dma_semaphore, #tpu.memory_space<semaphore_mem>>
        %dma_start3A = arith.constant 0 : i32
        %dma_start3A_22 = tpu.memref_slice %arg5[%mul3A_21, %dma_start3A] : memref<10240x128xf32, #tpu.memory_space<hbm>> -> memref<640x128xf32, #tpu.memory_space<hbm>>
        %dma_start3A_23 = arith.constant 0 : i32
        %dma_start3A_24 = tpu.memref_slice %arg9[%mul3A_19, %dma_start3A_23] : memref<10240x128xf32, #tpu.memory_space<vmem_shared>> -> memref<640x128xf32, #tpu.memory_space<vmem_shared>>
        tpu.enqueue_dma source(%dma_start3A_24 : memref<640x128xf32, #tpu.memory_space<vmem_shared>>) target(%dma_start3A_22 : memref<640x128xf32, #tpu.memory_space<hbm>>) target_semaphore(%run_scoped3A : memref<!tpu.dma_semaphore, #tpu.memory_space<semaphore_mem>>)
        %dma_wait3A = arith.constant 0 : i32
        %dma_wait3A_25 = tpu.memref_slice %arg5[%mul3A_21, %dma_wait3A] : memref<10240x128xf32, #tpu.memory_space<hbm>> -> memref<640x128xf32, #tpu.memory_space<hbm>>
        %dma_wait3A_26 = arith.constant 0 : i32
        %dma_wait3A_27 = tpu.memref_slice %arg9[%mul3A_19, %dma_wait3A_26] : memref<10240x128xf32, #tpu.memory_space<vmem_shared>> -> memref<640x128xf32, #tpu.memory_space<vmem_shared>>
        tpu.wait_dma2 semaphore(%run_scoped3A : memref<!tpu.dma_semaphore, #tpu.memory_space<semaphore_mem>>) src(%dma_wait3A_27 : memref<640x128xf32, #tpu.memory_space<vmem_shared>>) dst(%dma_wait3A_25 : memref<640x128xf32, #tpu.memory_space<hbm>>)
        tpu.yield
      }) : () -> ()
    } else {
    }
    %eq3A_13 = arith.constant 1 : i32
    %eq3A_14 = arith.cmpi eq, %arg0, %eq3A_13 : i32
    %convert_element_type3A_15 = arith.extui %eq3A_14 : i1 to i32
    %cond3A_16 = arith.constant 0 : i32
    %cond3A_17 = arith.cmpi ne, %convert_element_type3A_15, %cond3A_16 : i32
    scf.if %cond3A_17 {
      %mul3A_18 = arith.constant 640 : i32
      %mul3A_19 = arith.muli %arg1, %mul3A_18 : i32
      %mul3A_20 = arith.constant 640 : i32
      %mul3A_21 = arith.muli %arg1, %mul3A_20 : i32
      "tpu.region"() ({
        %run_scoped3A = tpu.sem_alloc : memref<!tpu.dma_semaphore, #tpu.memory_space<semaphore_mem>>
        %dma_start3A = arith.constant 0 : i32
        %dma_start3A_22 = tpu.memref_slice %arg6[%mul3A_21, %dma_start3A] : memref<10240x128xf32, #tpu.memory_space<hbm>> -> memref<640x128xf32, #tpu.memory_space<hbm>>
        %dma_start3A_23 = arith.constant 0 : i32
        %dma_start3A_24 = tpu.memref_slice %arg9[%mul3A_19, %dma_start3A_23] : memref<10240x128xf32, #tpu.memory_space<vmem_shared>> -> memref<640x128xf32, #tpu.memory_space<vmem_shared>>
        tpu.enqueue_dma source(%dma_start3A_24 : memref<640x128xf32, #tpu.memory_space<vmem_shared>>) target(%dma_start3A_22 : memref<640x128xf32, #tpu.memory_space<hbm>>) target_semaphore(%run_scoped3A : memref<!tpu.dma_semaphore, #tpu.memory_space<semaphore_mem>>)
        %dma_wait3A = arith.constant 0 : i32
        %dma_wait3A_25 = tpu.memref_slice %arg6[%mul3A_21, %dma_wait3A] : memref<10240x128xf32, #tpu.memory_space<hbm>> -> memref<640x128xf32, #tpu.memory_space<hbm>>
        %dma_wait3A_26 = arith.constant 0 : i32
        %dma_wait3A_27 = tpu.memref_slice %arg9[%mul3A_19, %dma_wait3A_26] : memref<10240x128xf32, #tpu.memory_space<vmem_shared>> -> memref<640x128xf32, #tpu.memory_space<vmem_shared>>
        tpu.wait_dma2 semaphore(%run_scoped3A : memref<!tpu.dma_semaphore, #tpu.memory_space<semaphore_mem>>) src(%dma_wait3A_27 : memref<640x128xf32, #tpu.memory_space<vmem_shared>>) dst(%dma_wait3A_25 : memref<640x128xf32, #tpu.memory_space<hbm>>)
        tpu.yield
      }) : () -> ()
    } else {
    }
    return
  }
}

#map = affine_map<(d0, d1) -> (0, 0)>
#map1 = affine_map<(d0, d1) -> (0)>
module attributes {stable_mosaic.version = 14 : i64} {
  func.func @k(%arg0: i32, %arg1: i32, %arg2: memref<10000x128xf32, #tpu.memory_space<hbm>>, %arg3: memref<151552xi32, #tpu.memory_space<hbm>>, %arg4: memref<50000x128xf32, #tpu.memory_space<hbm>>, %arg5: memref<151552xi32, #tpu.memory_space<hbm>>, %arg6: memref<151552x128xf32, #tpu.memory_space<hbm>>, %arg7: memref<151552x128xf32, #tpu.memory_space<hbm>>, %arg8: memref<128xi32, #tpu.memory_space<vmem>>, %arg9: memref<128x128xf32, #tpu.memory_space<vmem>>, %arg10: memref<128xi32, #tpu.memory_space<vmem>>, %arg11: memref<128x128xf32, #tpu.memory_space<vmem>>, %arg12: memref<!tpu.dma_semaphore, #tpu.memory_space<semaphore_mem>>, %arg13: memref<!tpu.dma_semaphore, #tpu.memory_space<semaphore_mem>>) attributes {dimension_semantics = [#tpu.dimension_semantics<core_parallel>, #tpu.dimension_semantics<subcore_parallel>], iteration_bounds = array<i64: 2, 16>, scalar_prefetch = 0 : i64, scratch_operands = 6 : i64, tpu.core_type = #tpu.core_type<sc_vector_subcore>, window_params = [{transform_indices = #map}, {transform_indices = #map1}, {transform_indices = #map}, {transform_indices = #map1}, {transform_indices = #map}, {transform_indices = #map}]} {
    %mul3A = arith.constant 2 : i32
    %mul3A_0 = arith.muli %arg1, %mul3A : i32
    %add3A = arith.addi %mul3A_0, %arg0 : i32
    %mul3A_1 = arith.constant 37 : i32
    %mul3A_2 = arith.muli %add3A, %mul3A_1 : i32
    %scan3A = arith.constant 0 : i32
    %scan3A_3 = arith.constant 0 : i32
    %scan3A_4 = arith.constant 37 : i32
    %scan3A_5 = arith.addi %scan3A_3, %scan3A_4 : i32
    %scan3A_6 = arith.constant 1 : i32
    scf.for %scan3A_8 = %scan3A_3 to %scan3A_5 step %scan3A_6  : i32 {
      %add3A_9 = arith.addi %mul3A_2, %scan3A_8 : i32
      %mul3A_10 = arith.constant 128 : i32
      %mul3A_11 = arith.muli %add3A_9, %mul3A_10 : i32
      "tpu.region"() ({
        %run_scoped3A = tpu.sem_alloc : memref<!tpu.dma_semaphore, #tpu.memory_space<semaphore_mem>>
        %dma_start3A_22 = tpu.memref_slice %arg3[%mul3A_11] : memref<151552xi32, #tpu.memory_space<hbm>> -> memref<128xi32, #tpu.memory_space<hbm>>
        %dma_start3A_23 = tpu.memref_slice %arg3[%mul3A_11] : memref<151552xi32, #tpu.memory_space<hbm>> -> memref<128xi32, #tpu.memory_space<hbm>>
        tpu.enqueue_dma source(%dma_start3A_23 : memref<128xi32, #tpu.memory_space<hbm>>) target(%arg8 : memref<128xi32, #tpu.memory_space<vmem>>) target_semaphore(%run_scoped3A : memref<!tpu.dma_semaphore, #tpu.memory_space<semaphore_mem>>)
        %dma_wait3A_24 = tpu.memref_slice %arg3[%mul3A_11] : memref<151552xi32, #tpu.memory_space<hbm>> -> memref<128xi32, #tpu.memory_space<hbm>>
        %dma_wait3A_25 = tpu.memref_slice %arg3[%mul3A_11] : memref<151552xi32, #tpu.memory_space<hbm>> -> memref<128xi32, #tpu.memory_space<hbm>>
        tpu.wait_dma2 semaphore(%run_scoped3A : memref<!tpu.dma_semaphore, #tpu.memory_space<semaphore_mem>>) src(%dma_wait3A_25 : memref<128xi32, #tpu.memory_space<hbm>>) dst(%arg8 : memref<128xi32, #tpu.memory_space<vmem>>)
        tpu.yield
      }) : () -> ()
      %dma_start3A = arith.constant 0 : i32
      %dma_start3A_12 = arith.constant 0 : i32
      %dma_start3A_13 = tpu.memref_slice %arg2[%dma_start3A, %dma_start3A_12] : memref<10000x128xf32, #tpu.memory_space<hbm>> -> memref<10000x128xf32, #tpu.memory_space<hbm>>
      tpu.enqueue_indirect_dma source(%dma_start3A_13 : memref<10000x128xf32, #tpu.memory_space<hbm>>) target(%arg9 : memref<128x128xf32, #tpu.memory_space<vmem>>) offsets(%arg8 : memref<128xi32, #tpu.memory_space<vmem>>) semaphore(%arg12 : memref<!tpu.dma_semaphore, #tpu.memory_space<semaphore_mem>>)
      "tpu.region"() ({
        %run_scoped3A = tpu.sem_alloc : memref<!tpu.dma_semaphore, #tpu.memory_space<semaphore_mem>>
        %dma_start3A_22 = tpu.memref_slice %arg5[%mul3A_11] : memref<151552xi32, #tpu.memory_space<hbm>> -> memref<128xi32, #tpu.memory_space<hbm>>
        %dma_start3A_23 = tpu.memref_slice %arg5[%mul3A_11] : memref<151552xi32, #tpu.memory_space<hbm>> -> memref<128xi32, #tpu.memory_space<hbm>>
        tpu.enqueue_dma source(%dma_start3A_23 : memref<128xi32, #tpu.memory_space<hbm>>) target(%arg10 : memref<128xi32, #tpu.memory_space<vmem>>) target_semaphore(%run_scoped3A : memref<!tpu.dma_semaphore, #tpu.memory_space<semaphore_mem>>)
        %dma_wait3A_24 = tpu.memref_slice %arg5[%mul3A_11] : memref<151552xi32, #tpu.memory_space<hbm>> -> memref<128xi32, #tpu.memory_space<hbm>>
        %dma_wait3A_25 = tpu.memref_slice %arg5[%mul3A_11] : memref<151552xi32, #tpu.memory_space<hbm>> -> memref<128xi32, #tpu.memory_space<hbm>>
        tpu.wait_dma2 semaphore(%run_scoped3A : memref<!tpu.dma_semaphore, #tpu.memory_space<semaphore_mem>>) src(%dma_wait3A_25 : memref<128xi32, #tpu.memory_space<hbm>>) dst(%arg10 : memref<128xi32, #tpu.memory_space<vmem>>)
        tpu.yield
      }) : () -> ()
      %dma_start3A_14 = arith.constant 0 : i32
      %dma_start3A_15 = arith.constant 0 : i32
      %dma_start3A_16 = tpu.memref_slice %arg4[%dma_start3A_14, %dma_start3A_15] : memref<50000x128xf32, #tpu.memory_space<hbm>> -> memref<50000x128xf32, #tpu.memory_space<hbm>>
      tpu.enqueue_indirect_dma source(%dma_start3A_16 : memref<50000x128xf32, #tpu.memory_space<hbm>>) target(%arg11 : memref<128x128xf32, #tpu.memory_space<vmem>>) offsets(%arg10 : memref<128xi32, #tpu.memory_space<vmem>>) semaphore(%arg13 : memref<!tpu.dma_semaphore, #tpu.memory_space<semaphore_mem>>)
      %dma_wait3A = arith.constant 0 : i32
      %dma_wait3A_17 = arith.constant 0 : i32
      %dma_wait3A_18 = tpu.memref_slice %arg2[%dma_wait3A, %dma_wait3A_17] : memref<10000x128xf32, #tpu.memory_space<hbm>> -> memref<10000x128xf32, #tpu.memory_space<hbm>>
      tpu.wait_indirect_dma semaphore(%arg12 : memref<!tpu.dma_semaphore, #tpu.memory_space<semaphore_mem>>) src(%dma_wait3A_18 : memref<10000x128xf32, #tpu.memory_space<hbm>>) dst(%arg9 : memref<128x128xf32, #tpu.memory_space<vmem>>)
      "tpu.region"() ({
        %run_scoped3A = tpu.sem_alloc : memref<!tpu.dma_semaphore, #tpu.memory_space<semaphore_mem>>
        %dma_start3A_22 = arith.constant 0 : i32
        %dma_start3A_23 = tpu.memref_slice %arg6[%mul3A_11, %dma_start3A_22] : memref<151552x128xf32, #tpu.memory_space<hbm>> -> memref<128x128xf32, #tpu.memory_space<hbm>>
        %dma_start3A_24 = arith.constant 0 : i32
        %dma_start3A_25 = tpu.memref_slice %arg6[%mul3A_11, %dma_start3A_24] : memref<151552x128xf32, #tpu.memory_space<hbm>> -> memref<128x128xf32, #tpu.memory_space<hbm>>
        tpu.enqueue_dma source(%arg9 : memref<128x128xf32, #tpu.memory_space<vmem>>) target(%dma_start3A_25 : memref<128x128xf32, #tpu.memory_space<hbm>>) target_semaphore(%run_scoped3A : memref<!tpu.dma_semaphore, #tpu.memory_space<semaphore_mem>>)
        %dma_wait3A_26 = arith.constant 0 : i32
        %dma_wait3A_27 = tpu.memref_slice %arg6[%mul3A_11, %dma_wait3A_26] : memref<151552x128xf32, #tpu.memory_space<hbm>> -> memref<128x128xf32, #tpu.memory_space<hbm>>
        %dma_wait3A_28 = arith.constant 0 : i32
        %dma_wait3A_29 = tpu.memref_slice %arg6[%mul3A_11, %dma_wait3A_28] : memref<151552x128xf32, #tpu.memory_space<hbm>> -> memref<128x128xf32, #tpu.memory_space<hbm>>
        tpu.wait_dma2 semaphore(%run_scoped3A : memref<!tpu.dma_semaphore, #tpu.memory_space<semaphore_mem>>) src(%arg9 : memref<128x128xf32, #tpu.memory_space<vmem>>) dst(%dma_wait3A_29 : memref<128x128xf32, #tpu.memory_space<hbm>>)
        tpu.yield
      }) : () -> ()
      %dma_wait3A_19 = arith.constant 0 : i32
      %dma_wait3A_20 = arith.constant 0 : i32
      %dma_wait3A_21 = tpu.memref_slice %arg4[%dma_wait3A_19, %dma_wait3A_20] : memref<50000x128xf32, #tpu.memory_space<hbm>> -> memref<50000x128xf32, #tpu.memory_space<hbm>>
      tpu.wait_indirect_dma semaphore(%arg13 : memref<!tpu.dma_semaphore, #tpu.memory_space<semaphore_mem>>) src(%dma_wait3A_21 : memref<50000x128xf32, #tpu.memory_space<hbm>>) dst(%arg11 : memref<128x128xf32, #tpu.memory_space<vmem>>)
      "tpu.region"() ({
        %run_scoped3A = tpu.sem_alloc : memref<!tpu.dma_semaphore, #tpu.memory_space<semaphore_mem>>
        %dma_start3A_22 = arith.constant 0 : i32
        %dma_start3A_23 = tpu.memref_slice %arg7[%mul3A_11, %dma_start3A_22] : memref<151552x128xf32, #tpu.memory_space<hbm>> -> memref<128x128xf32, #tpu.memory_space<hbm>>
        %dma_start3A_24 = arith.constant 0 : i32
        %dma_start3A_25 = tpu.memref_slice %arg7[%mul3A_11, %dma_start3A_24] : memref<151552x128xf32, #tpu.memory_space<hbm>> -> memref<128x128xf32, #tpu.memory_space<hbm>>
        tpu.enqueue_dma source(%arg11 : memref<128x128xf32, #tpu.memory_space<vmem>>) target(%dma_start3A_25 : memref<128x128xf32, #tpu.memory_space<hbm>>) target_semaphore(%run_scoped3A : memref<!tpu.dma_semaphore, #tpu.memory_space<semaphore_mem>>)
        %dma_wait3A_26 = arith.constant 0 : i32
        %dma_wait3A_27 = tpu.memref_slice %arg7[%mul3A_11, %dma_wait3A_26] : memref<151552x128xf32, #tpu.memory_space<hbm>> -> memref<128x128xf32, #tpu.memory_space<hbm>>
        %dma_wait3A_28 = arith.constant 0 : i32
        %dma_wait3A_29 = tpu.memref_slice %arg7[%mul3A_11, %dma_wait3A_28] : memref<151552x128xf32, #tpu.memory_space<hbm>> -> memref<128x128xf32, #tpu.memory_space<hbm>>
        tpu.wait_dma2 semaphore(%run_scoped3A : memref<!tpu.dma_semaphore, #tpu.memory_space<semaphore_mem>>) src(%arg11 : memref<128x128xf32, #tpu.memory_space<vmem>>) dst(%dma_wait3A_29 : memref<128x128xf32, #tpu.memory_space<hbm>>)
        tpu.yield
      }) : () -> ()
    }
    %scan3A_7 = arith.constant 37 : i32
    return
  }
}

#map = affine_map<(d0, d1) -> (0, 0)>
#map1 = affine_map<(d0, d1) -> (0)>
module attributes {stable_mosaic.version = 14 : i64} {
  func.func @k(%arg0: i32, %arg1: i32, %arg2: memref<151552x128xf32, #tpu.memory_space<hbm>>, %arg3: memref<151552xi32, #tpu.memory_space<hbm>>, %arg4: memref<12928x128xf32, #tpu.memory_space<hbm>>, %arg5: memref<51200x128xf32, #tpu.memory_space<hbm>>, %arg6: memref<51200x128xf32, #tpu.memory_space<hbm>>, %arg7: memref<128xi32, #tpu.memory_space<vmem>>, %arg8: memref<128xi32, #tpu.memory_space<vmem>>, %arg9: memref<128x128xf32, #tpu.memory_space<vmem>>, %arg10: memref<12928x128xf32, #tpu.memory_space<vmem_shared>>) attributes {dimension_semantics = [#tpu.dimension_semantics<core_parallel>, #tpu.dimension_semantics<subcore_parallel>], iteration_bounds = array<i64: 2, 16>, scalar_prefetch = 0 : i64, scratch_operands = 4 : i64, tpu.core_type = #tpu.core_type<sc_vector_subcore>, window_params = [{transform_indices = #map}, {transform_indices = #map1}, {transform_indices = #map}, {transform_indices = #map}, {transform_indices = #map}]} {
    %mul3A = arith.constant 2 : i32
    %mul3A_0 = arith.muli %arg1, %mul3A : i32
    %add3A = arith.addi %mul3A_0, %arg0 : i32
    %scan3A = arith.constant 0 : i32
    %scan3A_1 = arith.constant 0 : i32
    %scan3A_2 = arith.constant 4 : i32
    %scan3A_3 = arith.addi %scan3A_1, %scan3A_2 : i32
    %scan3A_4 = arith.constant 1 : i32
    scf.for %scan3A_6 = %scan3A_1 to %scan3A_3 step %scan3A_4  : i32 {
      %mul3A_7 = arith.constant 12800 : i32
      %mul3A_8 = arith.muli %scan3A_6, %mul3A_7 : i32
      %add3A_9 = arith.constant 12800 : i32
      %add3A_10 = arith.addi %mul3A_8, %add3A_9 : i32
      %min3A = arith.constant 50000 : i32
      %min3A_11 = arith.minsi %add3A_10, %min3A : i32
      %mul3A_12 = arith.constant 808 : i32
      %mul3A_13 = arith.muli %arg1, %mul3A_12 : i32
      %mul3A_14 = arith.constant 808 : i32
      %mul3A_15 = arith.muli %arg1, %mul3A_14 : i32
      "tpu.region"() ({
        %run_scoped3A = tpu.sem_alloc : memref<!tpu.dma_semaphore, #tpu.memory_space<semaphore_mem>>
        %dma_start3A = arith.constant 0 : i32
        %dma_start3A_31 = tpu.memref_slice %arg10[%mul3A_15, %dma_start3A] : memref<12928x128xf32, #tpu.memory_space<vmem_shared>> -> memref<808x128xf32, #tpu.memory_space<vmem_shared>>
        %dma_start3A_32 = arith.constant 0 : i32
        %dma_start3A_33 = tpu.memref_slice %arg4[%mul3A_13, %dma_start3A_32] : memref<12928x128xf32, #tpu.memory_space<hbm>> -> memref<808x128xf32, #tpu.memory_space<hbm>>
        tpu.enqueue_dma source(%dma_start3A_33 : memref<808x128xf32, #tpu.memory_space<hbm>>) target(%dma_start3A_31 : memref<808x128xf32, #tpu.memory_space<vmem_shared>>) target_semaphore(%run_scoped3A : memref<!tpu.dma_semaphore, #tpu.memory_space<semaphore_mem>>)
        %dma_wait3A = arith.constant 0 : i32
        %dma_wait3A_34 = tpu.memref_slice %arg10[%mul3A_15, %dma_wait3A] : memref<12928x128xf32, #tpu.memory_space<vmem_shared>> -> memref<808x128xf32, #tpu.memory_space<vmem_shared>>
        %dma_wait3A_35 = arith.constant 0 : i32
        %dma_wait3A_36 = tpu.memref_slice %arg4[%mul3A_13, %dma_wait3A_35] : memref<12928x128xf32, #tpu.memory_space<hbm>> -> memref<808x128xf32, #tpu.memory_space<hbm>>
        tpu.wait_dma2 semaphore(%run_scoped3A : memref<!tpu.dma_semaphore, #tpu.memory_space<semaphore_mem>>) src(%dma_wait3A_36 : memref<808x128xf32, #tpu.memory_space<hbm>>) dst(%dma_wait3A_34 : memref<808x128xf32, #tpu.memory_space<vmem_shared>>)
        tpu.yield
      }) : () -> ()
      %barrier3A = arith.constant 0 : index
      tpu.barrier barrier_id(%barrier3A)
      %scan3A_16 = arith.constant 0 : i32
      %scan3A_17 = arith.constant 0 : i32
      %scan3A_18 = arith.constant 37 : i32
      %scan3A_19 = arith.addi %scan3A_17, %scan3A_18 : i32
      %scan3A_20 = arith.constant 1 : i32
      scf.for %scan3A_31 = %scan3A_17 to %scan3A_19 step %scan3A_20  : i32 {
        %mul3A_32 = arith.constant 37 : i32
        %mul3A_33 = arith.muli %add3A, %mul3A_32 : i32
        %add3A_34 = arith.addi %mul3A_33, %scan3A_31 : i32
        %mul3A_35 = arith.constant 128 : i32
        %mul3A_36 = arith.muli %add3A_34, %mul3A_35 : i32
        "tpu.region"() ({
          %run_scoped3A = tpu.sem_alloc : memref<!tpu.dma_semaphore, #tpu.memory_space<semaphore_mem>>
          %dma_start3A = tpu.memref_slice %arg3[%mul3A_36] : memref<151552xi32, #tpu.memory_space<hbm>> -> memref<128xi32, #tpu.memory_space<hbm>>
          %dma_start3A_164 = tpu.memref_slice %arg3[%mul3A_36] : memref<151552xi32, #tpu.memory_space<hbm>> -> memref<128xi32, #tpu.memory_space<hbm>>
          tpu.enqueue_dma source(%dma_start3A_164 : memref<128xi32, #tpu.memory_space<hbm>>) target(%arg7 : memref<128xi32, #tpu.memory_space<vmem>>) target_semaphore(%run_scoped3A : memref<!tpu.dma_semaphore, #tpu.memory_space<semaphore_mem>>)
          %dma_wait3A = tpu.memref_slice %arg3[%mul3A_36] : memref<151552xi32, #tpu.memory_space<hbm>> -> memref<128xi32, #tpu.memory_space<hbm>>
          %dma_wait3A_165 = tpu.memref_slice %arg3[%mul3A_36] : memref<151552xi32, #tpu.memory_space<hbm>> -> memref<128xi32, #tpu.memory_space<hbm>>
          tpu.wait_dma2 semaphore(%run_scoped3A : memref<!tpu.dma_semaphore, #tpu.memory_space<semaphore_mem>>) src(%dma_wait3A_165 : memref<128xi32, #tpu.memory_space<hbm>>) dst(%arg7 : memref<128xi32, #tpu.memory_space<vmem>>)
          tpu.yield
        }) : () -> ()
        %get3A = arith.constant 0 : index
        %get3A_37 = tpu.vector_load %arg7[%get3A] {strides = array<i32>} : memref<128xi32, #tpu.memory_space<vmem>>, vector<16xi32>,
        %get3A_38 = vector.shape_cast %get3A_37 : vector<16xi32> to vector<16xi32>
        %ge3A = vector.broadcast %mul3A_8 : i32 to vector<16xi32>
        %ge3A_39 = arith.cmpi sge, %get3A_38, %ge3A : vector<16xi32>
        %lt3A = vector.broadcast %min3A_11 : i32 to vector<16xi32>
        %lt3A_40 = arith.cmpi slt, %get3A_38, %lt3A : vector<16xi32>
        %and3A = arith.andi %ge3A_39, %lt3A_40 : vector<16xi1>
        %sub3A = vector.broadcast %mul3A_8 : i32 to vector<16xi32>
        %sub3A_41 = arith.subi %get3A_38, %sub3A : vector<16xi32>
        %jit3A = arith.constant 12800 : i32
        %broadcast_in_dim3A = vector.broadcast %jit3A : i32 to vector<16xi32>
        %select_n3A = arith.select %and3A, %sub3A_41, %broadcast_in_dim3A : vector<16xi1>, vector<16xi32>
        %swap3A = arith.constant 0 : index
        %swap3A_42 = tpu.vector_load %arg8[%swap3A] {strides = array<i32>} : memref<128xi32, #tpu.memory_space<vmem>>, vector<16xi32>,
        %swap3A_43 = vector.shape_cast %swap3A_42 : vector<16xi32> to vector<16xi32>
        %swap3A_44 = vector.shape_cast %select_n3A : vector<16xi32> to vector<16xi32>
        tpu.vector_store %arg8[%swap3A], %swap3A_44 {strides = array<i32>} : memref<128xi32, #tpu.memory_space<vmem>>, vector<16xi32>,
        %get3A_45 = arith.constant 16 : index
        %get3A_46 = tpu.vector_load %arg7[%get3A_45] {strides = array<i32>} : memref<128xi32, #tpu.memory_space<vmem>>, vector<16xi32>,
        %get3A_47 = vector.shape_cast %get3A_46 : vector<16xi32> to vector<16xi32>
        %ge3A_48 = vector.broadcast %mul3A_8 : i32 to vector<16xi32>
        %ge3A_49 = arith.cmpi sge, %get3A_47, %ge3A_48 : vector<16xi32>
        %lt3A_50 = vector.broadcast %min3A_11 : i32 to vector<16xi32>
        %lt3A_51 = arith.cmpi slt, %get3A_47, %lt3A_50 : vector<16xi32>
        %and3A_52 = arith.andi %ge3A_49, %lt3A_51 : vector<16xi1>
        %sub3A_53 = vector.broadcast %mul3A_8 : i32 to vector<16xi32>
        %sub3A_54 = arith.subi %get3A_47, %sub3A_53 : vector<16xi32>
        %jit3A_55 = arith.constant 12800 : i32
        %broadcast_in_dim3A_56 = vector.broadcast %jit3A_55 : i32 to vector<16xi32>
        %select_n3A_57 = arith.select %and3A_52, %sub3A_54, %broadcast_in_dim3A_56 : vector<16xi1>, vector<16xi32>
        %swap3A_58 = arith.constant 16 : index
        %swap3A_59 = tpu.vector_load %arg8[%swap3A_58] {strides = array<i32>} : memref<128xi32, #tpu.memory_space<vmem>>, vector<16xi32>,
        %swap3A_60 = vector.shape_cast %swap3A_59 : vector<16xi32> to vector<16xi32>
        %swap3A_61 = vector.shape_cast %select_n3A_57 : vector<16xi32> to vector<16xi32>
        tpu.vector_store %arg8[%swap3A_58], %swap3A_61 {strides = array<i32>} : memref<128xi32, #tpu.memory_space<vmem>>, vector<16xi32>,
        %get3A_62 = arith.constant 32 : index
        %get3A_63 = tpu.vector_load %arg7[%get3A_62] {strides = array<i32>} : memref<128xi32, #tpu.memory_space<vmem>>, vector<16xi32>,
        %get3A_64 = vector.shape_cast %get3A_63 : vector<16xi32> to vector<16xi32>
        %ge3A_65 = vector.broadcast %mul3A_8 : i32 to vector<16xi32>
        %ge3A_66 = arith.cmpi sge, %get3A_64, %ge3A_65 : vector<16xi32>
        %lt3A_67 = vector.broadcast %min3A_11 : i32 to vector<16xi32>
        %lt3A_68 = arith.cmpi slt, %get3A_64, %lt3A_67 : vector<16xi32>
        %and3A_69 = arith.andi %ge3A_66, %lt3A_68 : vector<16xi1>
        %sub3A_70 = vector.broadcast %mul3A_8 : i32 to vector<16xi32>
        %sub3A_71 = arith.subi %get3A_64, %sub3A_70 : vector<16xi32>
        %jit3A_72 = arith.constant 12800 : i32
        %broadcast_in_dim3A_73 = vector.broadcast %jit3A_72 : i32 to vector<16xi32>
        %select_n3A_74 = arith.select %and3A_69, %sub3A_71, %broadcast_in_dim3A_73 : vector<16xi1>, vector<16xi32>
        %swap3A_75 = arith.constant 32 : index
        %swap3A_76 = tpu.vector_load %arg8[%swap3A_75] {strides = array<i32>} : memref<128xi32, #tpu.memory_space<vmem>>, vector<16xi32>,
        %swap3A_77 = vector.shape_cast %swap3A_76 : vector<16xi32> to vector<16xi32>
        %swap3A_78 = vector.shape_cast %select_n3A_74 : vector<16xi32> to vector<16xi32>
        tpu.vector_store %arg8[%swap3A_75], %swap3A_78 {strides = array<i32>} : memref<128xi32, #tpu.memory_space<vmem>>, vector<16xi32>,
        %get3A_79 = arith.constant 48 : index
        %get3A_80 = tpu.vector_load %arg7[%get3A_79] {strides = array<i32>} : memref<128xi32, #tpu.memory_space<vmem>>, vector<16xi32>,
        %get3A_81 = vector.shape_cast %get3A_80 : vector<16xi32> to vector<16xi32>
        %ge3A_82 = vector.broadcast %mul3A_8 : i32 to vector<16xi32>
        %ge3A_83 = arith.cmpi sge, %get3A_81, %ge3A_82 : vector<16xi32>
        %lt3A_84 = vector.broadcast %min3A_11 : i32 to vector<16xi32>
        %lt3A_85 = arith.cmpi slt, %get3A_81, %lt3A_84 : vector<16xi32>
        %and3A_86 = arith.andi %ge3A_83, %lt3A_85 : vector<16xi1>
        %sub3A_87 = vector.broadcast %mul3A_8 : i32 to vector<16xi32>
        %sub3A_88 = arith.subi %get3A_81, %sub3A_87 : vector<16xi32>
        %jit3A_89 = arith.constant 12800 : i32
        %broadcast_in_dim3A_90 = vector.broadcast %jit3A_89 : i32 to vector<16xi32>
        %select_n3A_91 = arith.select %and3A_86, %sub3A_88, %broadcast_in_dim3A_90 : vector<16xi1>, vector<16xi32>
        %swap3A_92 = arith.constant 48 : index
        %swap3A_93 = tpu.vector_load %arg8[%swap3A_92] {strides = array<i32>} : memref<128xi32, #tpu.memory_space<vmem>>, vector<16xi32>,
        %swap3A_94 = vector.shape_cast %swap3A_93 : vector<16xi32> to vector<16xi32>
        %swap3A_95 = vector.shape_cast %select_n3A_91 : vector<16xi32> to vector<16xi32>
        tpu.vector_store %arg8[%swap3A_92], %swap3A_95 {strides = array<i32>} : memref<128xi32, #tpu.memory_space<vmem>>, vector<16xi32>,
        %get3A_96 = arith.constant 64 : index
        %get3A_97 = tpu.vector_load %arg7[%get3A_96] {strides = array<i32>} : memref<128xi32, #tpu.memory_space<vmem>>, vector<16xi32>,
        %get3A_98 = vector.shape_cast %get3A_97 : vector<16xi32> to vector<16xi32>
        %ge3A_99 = vector.broadcast %mul3A_8 : i32 to vector<16xi32>
        %ge3A_100 = arith.cmpi sge, %get3A_98, %ge3A_99 : vector<16xi32>
        %lt3A_101 = vector.broadcast %min3A_11 : i32 to vector<16xi32>
        %lt3A_102 = arith.cmpi slt, %get3A_98, %lt3A_101 : vector<16xi32>
        %and3A_103 = arith.andi %ge3A_100, %lt3A_102 : vector<16xi1>
        %sub3A_104 = vector.broadcast %mul3A_8 : i32 to vector<16xi32>
        %sub3A_105 = arith.subi %get3A_98, %sub3A_104 : vector<16xi32>
        %jit3A_106 = arith.constant 12800 : i32
        %broadcast_in_dim3A_107 = vector.broadcast %jit3A_106 : i32 to vector<16xi32>
        %select_n3A_108 = arith.select %and3A_103, %sub3A_105, %broadcast_in_dim3A_107 : vector<16xi1>, vector<16xi32>
        %swap3A_109 = arith.constant 64 : index
        %swap3A_110 = tpu.vector_load %arg8[%swap3A_109] {strides = array<i32>} : memref<128xi32, #tpu.memory_space<vmem>>, vector<16xi32>,
        %swap3A_111 = vector.shape_cast %swap3A_110 : vector<16xi32> to vector<16xi32>
        %swap3A_112 = vector.shape_cast %select_n3A_108 : vector<16xi32> to vector<16xi32>
        tpu.vector_store %arg8[%swap3A_109], %swap3A_112 {strides = array<i32>} : memref<128xi32, #tpu.memory_space<vmem>>, vector<16xi32>,
        %get3A_113 = arith.constant 80 : index
        %get3A_114 = tpu.vector_load %arg7[%get3A_113] {strides = array<i32>} : memref<128xi32, #tpu.memory_space<vmem>>, vector<16xi32>,
        %get3A_115 = vector.shape_cast %get3A_114 : vector<16xi32> to vector<16xi32>
        %ge3A_116 = vector.broadcast %mul3A_8 : i32 to vector<16xi32>
        %ge3A_117 = arith.cmpi sge, %get3A_115, %ge3A_116 : vector<16xi32>
        %lt3A_118 = vector.broadcast %min3A_11 : i32 to vector<16xi32>
        %lt3A_119 = arith.cmpi slt, %get3A_115, %lt3A_118 : vector<16xi32>
        %and3A_120 = arith.andi %ge3A_117, %lt3A_119 : vector<16xi1>
        %sub3A_121 = vector.broadcast %mul3A_8 : i32 to vector<16xi32>
        %sub3A_122 = arith.subi %get3A_115, %sub3A_121 : vector<16xi32>
        %jit3A_123 = arith.constant 12800 : i32
        %broadcast_in_dim3A_124 = vector.broadcast %jit3A_123 : i32 to vector<16xi32>
        %select_n3A_125 = arith.select %and3A_120, %sub3A_122, %broadcast_in_dim3A_124 : vector<16xi1>, vector<16xi32>
        %swap3A_126 = arith.constant 80 : index
        %swap3A_127 = tpu.vector_load %arg8[%swap3A_126] {strides = array<i32>} : memref<128xi32, #tpu.memory_space<vmem>>, vector<16xi32>,
        %swap3A_128 = vector.shape_cast %swap3A_127 : vector<16xi32> to vector<16xi32>
        %swap3A_129 = vector.shape_cast %select_n3A_125 : vector<16xi32> to vector<16xi32>
        tpu.vector_store %arg8[%swap3A_126], %swap3A_129 {strides = array<i32>} : memref<128xi32, #tpu.memory_space<vmem>>, vector<16xi32>,
        %get3A_130 = arith.constant 96 : index
        %get3A_131 = tpu.vector_load %arg7[%get3A_130] {strides = array<i32>} : memref<128xi32, #tpu.memory_space<vmem>>, vector<16xi32>,
        %get3A_132 = vector.shape_cast %get3A_131 : vector<16xi32> to vector<16xi32>
        %ge3A_133 = vector.broadcast %mul3A_8 : i32 to vector<16xi32>
        %ge3A_134 = arith.cmpi sge, %get3A_132, %ge3A_133 : vector<16xi32>
        %lt3A_135 = vector.broadcast %min3A_11 : i32 to vector<16xi32>
        %lt3A_136 = arith.cmpi slt, %get3A_132, %lt3A_135 : vector<16xi32>
        %and3A_137 = arith.andi %ge3A_134, %lt3A_136 : vector<16xi1>
        %sub3A_138 = vector.broadcast %mul3A_8 : i32 to vector<16xi32>
        %sub3A_139 = arith.subi %get3A_132, %sub3A_138 : vector<16xi32>
        %jit3A_140 = arith.constant 12800 : i32
        %broadcast_in_dim3A_141 = vector.broadcast %jit3A_140 : i32 to vector<16xi32>
        %select_n3A_142 = arith.select %and3A_137, %sub3A_139, %broadcast_in_dim3A_141 : vector<16xi1>, vector<16xi32>
        %swap3A_143 = arith.constant 96 : index
        %swap3A_144 = tpu.vector_load %arg8[%swap3A_143] {strides = array<i32>} : memref<128xi32, #tpu.memory_space<vmem>>, vector<16xi32>,
        %swap3A_145 = vector.shape_cast %swap3A_144 : vector<16xi32> to vector<16xi32>
        %swap3A_146 = vector.shape_cast %select_n3A_142 : vector<16xi32> to vector<16xi32>
        tpu.vector_store %arg8[%swap3A_143], %swap3A_146 {strides = array<i32>} : memref<128xi32, #tpu.memory_space<vmem>>, vector<16xi32>,
        %get3A_147 = arith.constant 112 : index
        %get3A_148 = tpu.vector_load %arg7[%get3A_147] {strides = array<i32>} : memref<128xi32, #tpu.memory_space<vmem>>, vector<16xi32>,
        %get3A_149 = vector.shape_cast %get3A_148 : vector<16xi32> to vector<16xi32>
        %ge3A_150 = vector.broadcast %mul3A_8 : i32 to vector<16xi32>
        %ge3A_151 = arith.cmpi sge, %get3A_149, %ge3A_150 : vector<16xi32>
        %lt3A_152 = vector.broadcast %min3A_11 : i32 to vector<16xi32>
        %lt3A_153 = arith.cmpi slt, %get3A_149, %lt3A_152 : vector<16xi32>
        %and3A_154 = arith.andi %ge3A_151, %lt3A_153 : vector<16xi1>
        %sub3A_155 = vector.broadcast %mul3A_8 : i32 to vector<16xi32>
        %sub3A_156 = arith.subi %get3A_149, %sub3A_155 : vector<16xi32>
        %jit3A_157 = arith.constant 12800 : i32
        %broadcast_in_dim3A_158 = vector.broadcast %jit3A_157 : i32 to vector<16xi32>
        %select_n3A_159 = arith.select %and3A_154, %sub3A_156, %broadcast_in_dim3A_158 : vector<16xi1>, vector<16xi32>
        %swap3A_160 = arith.constant 112 : index
        %swap3A_161 = tpu.vector_load %arg8[%swap3A_160] {strides = array<i32>} : memref<128xi32, #tpu.memory_space<vmem>>, vector<16xi32>,
        %swap3A_162 = vector.shape_cast %swap3A_161 : vector<16xi32> to vector<16xi32>
        %swap3A_163 = vector.shape_cast %select_n3A_159 : vector<16xi32> to vector<16xi32>
        tpu.vector_store %arg8[%swap3A_160], %swap3A_163 {strides = array<i32>} : memref<128xi32, #tpu.memory_space<vmem>>, vector<16xi32>,
        "tpu.region"() ({
          %run_scoped3A = tpu.sem_alloc : memref<!tpu.dma_semaphore, #tpu.memory_space<semaphore_mem>>
          %dma_start3A = arith.constant 0 : i32
          %dma_start3A_164 = tpu.memref_slice %arg2[%mul3A_36, %dma_start3A] : memref<151552x128xf32, #tpu.memory_space<hbm>> -> memref<128x128xf32, #tpu.memory_space<hbm>>
          %dma_start3A_165 = arith.constant 0 : i32
          %dma_start3A_166 = tpu.memref_slice %arg2[%mul3A_36, %dma_start3A_165] : memref<151552x128xf32, #tpu.memory_space<hbm>> -> memref<128x128xf32, #tpu.memory_space<hbm>>
          tpu.enqueue_dma source(%dma_start3A_166 : memref<128x128xf32, #tpu.memory_space<hbm>>) target(%arg9 : memref<128x128xf32, #tpu.memory_space<vmem>>) target_semaphore(%run_scoped3A : memref<!tpu.dma_semaphore, #tpu.memory_space<semaphore_mem>>)
          %dma_wait3A = arith.constant 0 : i32
          %dma_wait3A_167 = tpu.memref_slice %arg2[%mul3A_36, %dma_wait3A] : memref<151552x128xf32, #tpu.memory_space<hbm>> -> memref<128x128xf32, #tpu.memory_space<hbm>>
          %dma_wait3A_168 = arith.constant 0 : i32
          %dma_wait3A_169 = tpu.memref_slice %arg2[%mul3A_36, %dma_wait3A_168] : memref<151552x128xf32, #tpu.memory_space<hbm>> -> memref<128x128xf32, #tpu.memory_space<hbm>>
          tpu.wait_dma2 semaphore(%run_scoped3A : memref<!tpu.dma_semaphore, #tpu.memory_space<semaphore_mem>>) src(%dma_wait3A_169 : memref<128x128xf32, #tpu.memory_space<hbm>>) dst(%arg9 : memref<128x128xf32, #tpu.memory_space<vmem>>)
          tpu.yield
        }) : () -> ()
        "tpu.region"() ({
          %run_scoped3A = tpu.sem_alloc : memref<!tpu.dma_semaphore, #tpu.memory_space<semaphore_mem>>
          %dma_start3A = arith.constant 0 : i32
          %dma_start3A_164 = arith.constant 0 : i32
          %dma_start3A_165 = tpu.memref_slice %arg10[%dma_start3A, %dma_start3A_164] : memref<12928x128xf32, #tpu.memory_space<vmem_shared>> -> memref<12928x128xf32, #tpu.memory_space<vmem_shared>>
          tpu.enqueue_indirect_dma source(%arg9 : memref<128x128xf32, #tpu.memory_space<vmem>>) target(%dma_start3A_165 : memref<12928x128xf32, #tpu.memory_space<vmem_shared>>) offsets(%arg8 : memref<128xi32, #tpu.memory_space<vmem>>) semaphore(%run_scoped3A : memref<!tpu.dma_semaphore, #tpu.memory_space<semaphore_mem>>) {add = true}
          %dma_wait3A = arith.constant 0 : i32
          %dma_wait3A_166 = arith.constant 0 : i32
          %dma_wait3A_167 = tpu.memref_slice %arg10[%dma_wait3A, %dma_wait3A_166] : memref<12928x128xf32, #tpu.memory_space<vmem_shared>> -> memref<12928x128xf32, #tpu.memory_space<vmem_shared>>
          tpu.wait_indirect_dma semaphore(%run_scoped3A : memref<!tpu.dma_semaphore, #tpu.memory_space<semaphore_mem>>) src(%arg9 : memref<128x128xf32, #tpu.memory_space<vmem>>) dst(%dma_wait3A_167 : memref<12928x128xf32, #tpu.memory_space<vmem_shared>>)
          tpu.yield
        }) : () -> ()
      }
      %scan3A_21 = arith.constant 37 : i32
      %barrier3A_22 = arith.constant 0 : index
      tpu.barrier barrier_id(%barrier3A_22)
      %eq3A = arith.constant 0 : i32
      %eq3A_23 = arith.cmpi eq, %arg0, %eq3A : i32
      %convert_element_type3A = arith.extui %eq3A_23 : i1 to i32
      %cond3A = arith.constant 0 : i32
      %cond3A_24 = arith.cmpi ne, %convert_element_type3A, %cond3A : i32
      scf.if %cond3A_24 {
        %mul3A_31 = arith.constant 800 : i32
        %mul3A_32 = arith.muli %arg1, %mul3A_31 : i32
        %mul3A_33 = arith.constant 800 : i32
        %mul3A_34 = arith.muli %arg1, %mul3A_33 : i32
        %add3A_35 = arith.addi %mul3A_8, %mul3A_34 : i32
        "tpu.region"() ({
          %run_scoped3A = tpu.sem_alloc : memref<!tpu.dma_semaphore, #tpu.memory_space<semaphore_mem>>
          %dma_start3A = arith.constant 0 : i32
          %dma_start3A_36 = tpu.memref_slice %arg5[%add3A_35, %dma_start3A] : memref<51200x128xf32, #tpu.memory_space<hbm>> -> memref<800x128xf32, #tpu.memory_space<hbm>>
          %dma_start3A_37 = arith.constant 0 : i32
          %dma_start3A_38 = tpu.memref_slice %arg10[%mul3A_32, %dma_start3A_37] : memref<12928x128xf32, #tpu.memory_space<vmem_shared>> -> memref<800x128xf32, #tpu.memory_space<vmem_shared>>
          tpu.enqueue_dma source(%dma_start3A_38 : memref<800x128xf32, #tpu.memory_space<vmem_shared>>) target(%dma_start3A_36 : memref<800x128xf32, #tpu.memory_space<hbm>>) target_semaphore(%run_scoped3A : memref<!tpu.dma_semaphore, #tpu.memory_space<semaphore_mem>>)
          %dma_wait3A = arith.constant 0 : i32
          %dma_wait3A_39 = tpu.memref_slice %arg5[%add3A_35, %dma_wait3A] : memref<51200x128xf32, #tpu.memory_space<hbm>> -> memref<800x128xf32, #tpu.memory_space<hbm>>
          %dma_wait3A_40 = arith.constant 0 : i32
          %dma_wait3A_41 = tpu.memref_slice %arg10[%mul3A_32, %dma_wait3A_40] : memref<12928x128xf32, #tpu.memory_space<vmem_shared>> -> memref<800x128xf32, #tpu.memory_space<vmem_shared>>
          tpu.wait_dma2 semaphore(%run_scoped3A : memref<!tpu.dma_semaphore, #tpu.memory_space<semaphore_mem>>) src(%dma_wait3A_41 : memref<800x128xf32, #tpu.memory_space<vmem_shared>>) dst(%dma_wait3A_39 : memref<800x128xf32, #tpu.memory_space<hbm>>)
          tpu.yield
        }) : () -> ()
      } else {
      }
      %eq3A_25 = arith.constant 1 : i32
      %eq3A_26 = arith.cmpi eq, %arg0, %eq3A_25 : i32
      %convert_element_type3A_27 = arith.extui %eq3A_26 : i1 to i32
      %cond3A_28 = arith.constant 0 : i32
      %cond3A_29 = arith.cmpi ne, %convert_element_type3A_27, %cond3A_28 : i32
      scf.if %cond3A_29 {
        %mul3A_31 = arith.constant 800 : i32
        %mul3A_32 = arith.muli %arg1, %mul3A_31 : i32
        %mul3A_33 = arith.constant 800 : i32
        %mul3A_34 = arith.muli %arg1, %mul3A_33 : i32
        %add3A_35 = arith.addi %mul3A_8, %mul3A_34 : i32
        "tpu.region"() ({
          %run_scoped3A = tpu.sem_alloc : memref<!tpu.dma_semaphore, #tpu.memory_space<semaphore_mem>>
          %dma_start3A = arith.constant 0 : i32
          %dma_start3A_36 = tpu.memref_slice %arg6[%add3A_35, %dma_start3A] : memref<51200x128xf32, #tpu.memory_space<hbm>> -> memref<800x128xf32, #tpu.memory_space<hbm>>
          %dma_start3A_37 = arith.constant 0 : i32
          %dma_start3A_38 = tpu.memref_slice %arg10[%mul3A_32, %dma_start3A_37] : memref<12928x128xf32, #tpu.memory_space<vmem_shared>> -> memref<800x128xf32, #tpu.memory_space<vmem_shared>>
          tpu.enqueue_dma source(%dma_start3A_38 : memref<800x128xf32, #tpu.memory_space<vmem_shared>>) target(%dma_start3A_36 : memref<800x128xf32, #tpu.memory_space<hbm>>) target_semaphore(%run_scoped3A : memref<!tpu.dma_semaphore, #tpu.memory_space<semaphore_mem>>)
          %dma_wait3A = arith.constant 0 : i32
          %dma_wait3A_39 = tpu.memref_slice %arg6[%add3A_35, %dma_wait3A] : memref<51200x128xf32, #tpu.memory_space<hbm>> -> memref<800x128xf32, #tpu.memory_space<hbm>>
          %dma_wait3A_40 = arith.constant 0 : i32
          %dma_wait3A_41 = tpu.memref_slice %arg10[%mul3A_32, %dma_wait3A_40] : memref<12928x128xf32, #tpu.memory_space<vmem_shared>> -> memref<800x128xf32, #tpu.memory_space<vmem_shared>>
          tpu.wait_dma2 semaphore(%run_scoped3A : memref<!tpu.dma_semaphore, #tpu.memory_space<semaphore_mem>>) src(%dma_wait3A_41 : memref<800x128xf32, #tpu.memory_space<vmem_shared>>) dst(%dma_wait3A_39 : memref<800x128xf32, #tpu.memory_space<hbm>>)
          tpu.yield
        }) : () -> ()
      } else {
      }
      %barrier3A_30 = arith.constant 0 : index
      tpu.barrier barrier_id(%barrier3A_30)
    }
    %scan3A_5 = arith.constant 4 : i32
    return
  }
}

module attributes {stable_mosaic.version = 14 : i64} {
  func.func @body(%arg0: i32, %arg1: memref<1000x474xf32, #tpu.memory_space<vmem>>, %arg2: memref<474x128xf32, #tpu.memory_space<vmem>>, %arg3: memref<1x128xf32, #tpu.memory_space<vmem>>, %arg4: memref<128x128xf32, #tpu.memory_space<vmem>>, %arg5: memref<1x128xf32, #tpu.memory_space<vmem>>, %arg6: memref<1x128xf32, #tpu.memory_space<vmem>>, %arg7: memref<1x128xf32, #tpu.memory_space<vmem>>, %arg8: memref<1000x128xf32, #tpu.memory_space<vmem>>) attributes {dimension_semantics = [#tpu.dimension_semantics<arbitrary>], iteration_bounds = array<i64: 50>, scalar_prefetch = 0 : i64, scratch_operands = 0 : i64, tpu.core_type = #tpu.core_type<tc>, window_params = [{transform_indices = @transform_0, window_bounds = array<i64: 1000, 474>}, {pipeline_mode = #tpu.pipeline_mode<synchronous>, transform_indices = @transform_1, window_bounds = array<i64: 474, 128>}, {pipeline_mode = #tpu.pipeline_mode<synchronous>, transform_indices = @transform_2, window_bounds = array<i64: 1, 128>}, {pipeline_mode = #tpu.pipeline_mode<synchronous>, transform_indices = @transform_3, window_bounds = array<i64: 128, 128>}, {pipeline_mode = #tpu.pipeline_mode<synchronous>, transform_indices = @transform_4, window_bounds = array<i64: 1, 128>}, {pipeline_mode = #tpu.pipeline_mode<synchronous>, transform_indices = @transform_5, window_bounds = array<i64: 1, 128>}, {pipeline_mode = #tpu.pipeline_mode<synchronous>, transform_indices = @transform_6, window_bounds = array<i64: 1, 128>}, {transform_indices = @transform_7, window_bounds = array<i64: 1000, 128>}]} {
    %get3A = arith.constant 0 : index
    %get3A_0 = arith.constant 0 : index
    %get3A_1 = vector.load %arg3[%get3A, %get3A_0] : memref<1x128xf32, #tpu.memory_space<vmem>>, vector<1x128xf32>
    %get3A_2 = arith.constant 0 : index
    %get3A_3 = arith.constant 0 : index
    %get3A_4 = vector.load %arg1[%get3A_2, %get3A_3] : memref<1000x474xf32, #tpu.memory_space<vmem>>, vector<1000x474xf32>
    %get3A_5 = arith.constant 0 : index
    %get3A_6 = arith.constant 0 : index
    %get3A_7 = vector.load %arg2[%get3A_5, %get3A_6] : memref<474x128xf32, #tpu.memory_space<vmem>>, vector<474x128xf32>
    %dot_general3A = arith.constant dense<0.000000e+00> : vector<1000x128xf32>
    %dot_general3A_8 = tpu.matmul %get3A_4, %get3A_7, %dot_general3A {dimension_numbers = #tpu.dot_dimension_numbers<[1], [0], [0], [1], [0, 0, 1, 1], [], []>, transpose_lhs_hint = false} : vector<1000x474xf32>, vector<474x128xf32>, vector<1000x128xf32> -> vector<1000x128xf32>
    %add3A = vector.broadcast %get3A_1 : vector<1x128xf32> to vector<1000x128xf32>
    %add3A_9 = arith.addf %add3A, %dot_general3A_8 : vector<1000x128xf32>
    %logistic3A = arith.negf %add3A_9 : vector<1000x128xf32>
    %logistic3A_10 = math.exp %logistic3A : vector<1000x128xf32>
    %logistic3A_11 = arith.constant 1.000000e+00 : f32
    %logistic3A_12 = vector.broadcast %logistic3A_11 : f32 to vector<1000x128xf32>
    %logistic3A_13 = arith.addf %logistic3A_12, %logistic3A_10 : vector<1000x128xf32>
    %logistic3A_14 = arith.divf %logistic3A_12, %logistic3A_13 : vector<1000x128xf32>
    %mul3A = arith.mulf %add3A_9, %logistic3A_14 : vector<1000x128xf32>
    %get3A_15 = arith.constant 0 : index
    %get3A_16 = arith.constant 0 : index
    %get3A_17 = vector.load %arg4[%get3A_15, %get3A_16] : memref<128x128xf32, #tpu.memory_space<vmem>>, vector<128x128xf32>
    %dot_general3A_18 = arith.constant dense<0.000000e+00> : vector<1000x128xf32>
    %dot_general3A_19 = tpu.matmul %mul3A, %get3A_17, %dot_general3A_18 {dimension_numbers = #tpu.dot_dimension_numbers<[1], [0], [0], [1], [0, 0, 1, 1], [], []>, transpose_lhs_hint = false} : vector<1000x128xf32>, vector<128x128xf32>, vector<1000x128xf32> -> vector<1000x128xf32>
    %get3A_20 = arith.constant 0 : index
    %get3A_21 = arith.constant 0 : index
    %get3A_22 = vector.load %arg5[%get3A_20, %get3A_21] : memref<1x128xf32, #tpu.memory_space<vmem>>, vector<1x128xf32>
    %add3A_23 = vector.broadcast %get3A_22 : vector<1x128xf32> to vector<1000x128xf32>
    %add3A_24 = arith.addf %dot_general3A_19, %add3A_23 : vector<1000x128xf32>
    %reduce_sum3A = arith.constant dense<0.000000e+00> : vector<1000xf32>
    %reduce_sum3A_25 = vector.multi_reduction <add>, %add3A_24, %reduce_sum3A [1] : vector<1000x128xf32> to vector<1000xf32>
    %broadcast_in_dim3A = vector.shape_cast %reduce_sum3A_25 : vector<1000xf32> to vector<1000x1xf32>
    %div3A = arith.constant 1.280000e+02 : f32
    %div3A_26 = vector.broadcast %div3A : f32 to vector<1000x1xf32>
    %div3A_27 = arith.divf %broadcast_in_dim3A, %div3A_26 : vector<1000x1xf32>
    %sub3A = vector.broadcast %div3A_27 : vector<1000x1xf32> to vector<1000x128xf32>
    %sub3A_28 = arith.subf %add3A_24, %sub3A : vector<1000x128xf32>
    %integer_pow3A = arith.mulf %sub3A_28, %sub3A_28 : vector<1000x128xf32>
    %reduce_sum3A_29 = arith.constant dense<0.000000e+00> : vector<1000xf32>
    %reduce_sum3A_30 = vector.multi_reduction <add>, %integer_pow3A, %reduce_sum3A_29 [1] : vector<1000x128xf32> to vector<1000xf32>
    %broadcast_in_dim3A_31 = vector.shape_cast %reduce_sum3A_30 : vector<1000xf32> to vector<1000x1xf32>
    %div3A_32 = arith.constant 1.280000e+02 : f32
    %div3A_33 = vector.broadcast %div3A_32 : f32 to vector<1000x1xf32>
    %div3A_34 = arith.divf %broadcast_in_dim3A_31, %div3A_33 : vector<1000x1xf32>
    %sub3A_35 = vector.broadcast %div3A_27 : vector<1000x1xf32> to vector<1000x128xf32>
    %sub3A_36 = arith.subf %add3A_24, %sub3A_35 : vector<1000x128xf32>
    %add3A_37 = arith.constant 9.99999974E-6 : f32
    %add3A_38 = vector.broadcast %add3A_37 : f32 to vector<1000x1xf32>
    %add3A_39 = arith.addf %div3A_34, %add3A_38 : vector<1000x1xf32>
    %rsqrt3A = math.rsqrt %add3A_39 : vector<1000x1xf32>
    %mul3A_40 = vector.broadcast %rsqrt3A : vector<1000x1xf32> to vector<1000x128xf32>
    %mul3A_41 = arith.mulf %sub3A_36, %mul3A_40 : vector<1000x128xf32>
    %get3A_42 = arith.constant 0 : index
    %get3A_43 = arith.constant 0 : index
    %get3A_44 = vector.load %arg6[%get3A_42, %get3A_43] : memref<1x128xf32, #tpu.memory_space<vmem>>, vector<1x128xf32>
    %mul3A_45 = vector.broadcast %get3A_44 : vector<1x128xf32> to vector<1000x128xf32>
    %mul3A_46 = arith.mulf %mul3A_41, %mul3A_45 : vector<1000x128xf32>
    %get3A_47 = arith.constant 0 : index
    %get3A_48 = arith.constant 0 : index
    %get3A_49 = vector.load %arg7[%get3A_47, %get3A_48] : memref<1x128xf32, #tpu.memory_space<vmem>>, vector<1x128xf32>
    %add3A_50 = vector.broadcast %get3A_49 : vector<1x128xf32> to vector<1000x128xf32>
    %add3A_51 = arith.addf %mul3A_46, %add3A_50 : vector<1000x128xf32>
    %swap3A = arith.constant 0 : index
    %swap3A_52 = arith.constant 0 : index
    %swap3A_53 = vector.load %arg8[%swap3A, %swap3A_52] : memref<1000x128xf32, #tpu.memory_space<vmem>>, vector<1000x128xf32>
    tpu.vector_store %arg8[%swap3A, %swap3A_52], %add3A_51 {strides = array<i32>} : memref<1000x128xf32, #tpu.memory_space<vmem>>, vector<1000x128xf32>,
    return
  }
  func.func @transform_0(%arg0: i32) -> (i32, i32) {
    %min3A = arith.constant 49 : i32
    %min3A_0 = arith.minsi %arg0, %min3A : i32
    %c0_i32 = arith.constant 0 : i32
    %c0_i32_1 = arith.constant 0 : i32
    return %min3A_0, %c0_i32 : i32, i32
  }
  func.func @transform_1(%arg0: i32) -> (i32, i32) {
    %c0_i32 = arith.constant 0 : i32
    %c0_i32_0 = arith.constant 0 : i32
    %c0_i32_1 = arith.constant 0 : i32
    return %c0_i32, %c0_i32_0 : i32, i32
  }
  func.func @transform_2(%arg0: i32) -> (i32, i32) {
    %c0_i32 = arith.constant 0 : i32
    %c0_i32_0 = arith.constant 0 : i32
    %c0_i32_1 = arith.constant 0 : i32
    return %c0_i32, %c0_i32_0 : i32, i32
  }
  func.func @transform_3(%arg0: i32) -> (i32, i32) {
    %c0_i32 = arith.constant 0 : i32
    %c0_i32_0 = arith.constant 0 : i32
    %c0_i32_1 = arith.constant 0 : i32
    return %c0_i32, %c0_i32_0 : i32, i32
  }
  func.func @transform_4(%arg0: i32) -> (i32, i32) {
    %c0_i32 = arith.constant 0 : i32
    %c0_i32_0 = arith.constant 0 : i32
    %c0_i32_1 = arith.constant 0 : i32
    return %c0_i32, %c0_i32_0 : i32, i32
  }
  func.func @transform_5(%arg0: i32) -> (i32, i32) {
    %c0_i32 = arith.constant 0 : i32
    %c0_i32_0 = arith.constant 0 : i32
    %c0_i32_1 = arith.constant 0 : i32
    return %c0_i32, %c0_i32_0 : i32, i32
  }
  func.func @transform_6(%arg0: i32) -> (i32, i32) {
    %c0_i32 = arith.constant 0 : i32
    %c0_i32_0 = arith.constant 0 : i32
    %c0_i32_1 = arith.constant 0 : i32
    return %c0_i32, %c0_i32_0 : i32, i32
  }
  func.func @transform_7(%arg0: i32) -> (i32, i32) {
    %c0_i32 = arith.constant 0 : i32
    %c0_i32_0 = arith.constant 0 : i32
    return %arg0, %c0_i32 : i32, i32
  }
}

module attributes {stable_mosaic.version = 14 : i64} {
  func.func @body(%arg0: i32, %arg1: memref<1000x3xf32, #tpu.memory_space<vmem>>, %arg2: memref<3x128xf32, #tpu.memory_space<vmem>>, %arg3: memref<1x128xf32, #tpu.memory_space<vmem>>, %arg4: memref<128x128xf32, #tpu.memory_space<vmem>>, %arg5: memref<1x128xf32, #tpu.memory_space<vmem>>, %arg6: memref<1x128xf32, #tpu.memory_space<vmem>>, %arg7: memref<1x128xf32, #tpu.memory_space<vmem>>, %arg8: memref<1000x128xf32, #tpu.memory_space<vmem>>) attributes {dimension_semantics = [#tpu.dimension_semantics<arbitrary>], iteration_bounds = array<i64: 10>, scalar_prefetch = 0 : i64, scratch_operands = 0 : i64, tpu.core_type = #tpu.core_type<tc>, window_params = [{transform_indices = @transform_0, window_bounds = array<i64: 1000, 3>}, {pipeline_mode = #tpu.pipeline_mode<synchronous>, transform_indices = @transform_1, window_bounds = array<i64: 3, 128>}, {pipeline_mode = #tpu.pipeline_mode<synchronous>, transform_indices = @transform_2, window_bounds = array<i64: 1, 128>}, {pipeline_mode = #tpu.pipeline_mode<synchronous>, transform_indices = @transform_3, window_bounds = array<i64: 128, 128>}, {pipeline_mode = #tpu.pipeline_mode<synchronous>, transform_indices = @transform_4, window_bounds = array<i64: 1, 128>}, {pipeline_mode = #tpu.pipeline_mode<synchronous>, transform_indices = @transform_5, window_bounds = array<i64: 1, 128>}, {pipeline_mode = #tpu.pipeline_mode<synchronous>, transform_indices = @transform_6, window_bounds = array<i64: 1, 128>}, {transform_indices = @transform_7, window_bounds = array<i64: 1000, 128>}]} {
    %get3A = arith.constant 0 : index
    %get3A_0 = arith.constant 0 : index
    %get3A_1 = vector.load %arg3[%get3A, %get3A_0] : memref<1x128xf32, #tpu.memory_space<vmem>>, vector<1x128xf32>
    %get3A_2 = arith.constant 0 : index
    %get3A_3 = arith.constant 0 : index
    %get3A_4 = vector.load %arg1[%get3A_2, %get3A_3] : memref<1000x3xf32, #tpu.memory_space<vmem>>, vector<1000x3xf32>
    %get3A_5 = arith.constant 0 : index
    %get3A_6 = arith.constant 0 : index
    %get3A_7 = vector.load %arg2[%get3A_5, %get3A_6] : memref<3x128xf32, #tpu.memory_space<vmem>>, vector<3x128xf32>
    %dot_general3A = arith.constant dense<0.000000e+00> : vector<1000x128xf32>
    %dot_general3A_8 = tpu.matmul %get3A_4, %get3A_7, %dot_general3A {dimension_numbers = #tpu.dot_dimension_numbers<[1], [0], [0], [1], [0, 0, 1, 1], [], []>, transpose_lhs_hint = false} : vector<1000x3xf32>, vector<3x128xf32>, vector<1000x128xf32> -> vector<1000x128xf32>
    %add3A = vector.broadcast %get3A_1 : vector<1x128xf32> to vector<1000x128xf32>
    %add3A_9 = arith.addf %add3A, %dot_general3A_8 : vector<1000x128xf32>
    %logistic3A = arith.negf %add3A_9 : vector<1000x128xf32>
    %logistic3A_10 = math.exp %logistic3A : vector<1000x128xf32>
    %logistic3A_11 = arith.constant 1.000000e+00 : f32
    %logistic3A_12 = vector.broadcast %logistic3A_11 : f32 to vector<1000x128xf32>
    %logistic3A_13 = arith.addf %logistic3A_12, %logistic3A_10 : vector<1000x128xf32>
    %logistic3A_14 = arith.divf %logistic3A_12, %logistic3A_13 : vector<1000x128xf32>
    %mul3A = arith.mulf %add3A_9, %logistic3A_14 : vector<1000x128xf32>
    %get3A_15 = arith.constant 0 : index
    %get3A_16 = arith.constant 0 : index
    %get3A_17 = vector.load %arg4[%get3A_15, %get3A_16] : memref<128x128xf32, #tpu.memory_space<vmem>>, vector<128x128xf32>
    %dot_general3A_18 = arith.constant dense<0.000000e+00> : vector<1000x128xf32>
    %dot_general3A_19 = tpu.matmul %mul3A, %get3A_17, %dot_general3A_18 {dimension_numbers = #tpu.dot_dimension_numbers<[1], [0], [0], [1], [0, 0, 1, 1], [], []>, transpose_lhs_hint = false} : vector<1000x128xf32>, vector<128x128xf32>, vector<1000x128xf32> -> vector<1000x128xf32>
    %get3A_20 = arith.constant 0 : index
    %get3A_21 = arith.constant 0 : index
    %get3A_22 = vector.load %arg5[%get3A_20, %get3A_21] : memref<1x128xf32, #tpu.memory_space<vmem>>, vector<1x128xf32>
    %add3A_23 = vector.broadcast %get3A_22 : vector<1x128xf32> to vector<1000x128xf32>
    %add3A_24 = arith.addf %dot_general3A_19, %add3A_23 : vector<1000x128xf32>
    %reduce_sum3A = arith.constant dense<0.000000e+00> : vector<1000xf32>
    %reduce_sum3A_25 = vector.multi_reduction <add>, %add3A_24, %reduce_sum3A [1] : vector<1000x128xf32> to vector<1000xf32>
    %broadcast_in_dim3A = vector.shape_cast %reduce_sum3A_25 : vector<1000xf32> to vector<1000x1xf32>
    %div3A = arith.constant 1.280000e+02 : f32
    %div3A_26 = vector.broadcast %div3A : f32 to vector<1000x1xf32>
    %div3A_27 = arith.divf %broadcast_in_dim3A, %div3A_26 : vector<1000x1xf32>
    %sub3A = vector.broadcast %div3A_27 : vector<1000x1xf32> to vector<1000x128xf32>
    %sub3A_28 = arith.subf %add3A_24, %sub3A : vector<1000x128xf32>
    %integer_pow3A = arith.mulf %sub3A_28, %sub3A_28 : vector<1000x128xf32>
    %reduce_sum3A_29 = arith.constant dense<0.000000e+00> : vector<1000xf32>
    %reduce_sum3A_30 = vector.multi_reduction <add>, %integer_pow3A, %reduce_sum3A_29 [1] : vector<1000x128xf32> to vector<1000xf32>
    %broadcast_in_dim3A_31 = vector.shape_cast %reduce_sum3A_30 : vector<1000xf32> to vector<1000x1xf32>
    %div3A_32 = arith.constant 1.280000e+02 : f32
    %div3A_33 = vector.broadcast %div3A_32 : f32 to vector<1000x1xf32>
    %div3A_34 = arith.divf %broadcast_in_dim3A_31, %div3A_33 : vector<1000x1xf32>
    %sub3A_35 = vector.broadcast %div3A_27 : vector<1000x1xf32> to vector<1000x128xf32>
    %sub3A_36 = arith.subf %add3A_24, %sub3A_35 : vector<1000x128xf32>
    %add3A_37 = arith.constant 9.99999974E-6 : f32
    %add3A_38 = vector.broadcast %add3A_37 : f32 to vector<1000x1xf32>
    %add3A_39 = arith.addf %div3A_34, %add3A_38 : vector<1000x1xf32>
    %rsqrt3A = math.rsqrt %add3A_39 : vector<1000x1xf32>
    %mul3A_40 = vector.broadcast %rsqrt3A : vector<1000x1xf32> to vector<1000x128xf32>
    %mul3A_41 = arith.mulf %sub3A_36, %mul3A_40 : vector<1000x128xf32>
    %get3A_42 = arith.constant 0 : index
    %get3A_43 = arith.constant 0 : index
    %get3A_44 = vector.load %arg6[%get3A_42, %get3A_43] : memref<1x128xf32, #tpu.memory_space<vmem>>, vector<1x128xf32>
    %mul3A_45 = vector.broadcast %get3A_44 : vector<1x128xf32> to vector<1000x128xf32>
    %mul3A_46 = arith.mulf %mul3A_41, %mul3A_45 : vector<1000x128xf32>
    %get3A_47 = arith.constant 0 : index
    %get3A_48 = arith.constant 0 : index
    %get3A_49 = vector.load %arg7[%get3A_47, %get3A_48] : memref<1x128xf32, #tpu.memory_space<vmem>>, vector<1x128xf32>
    %add3A_50 = vector.broadcast %get3A_49 : vector<1x128xf32> to vector<1000x128xf32>
    %add3A_51 = arith.addf %mul3A_46, %add3A_50 : vector<1000x128xf32>
    %swap3A = arith.constant 0 : index
    %swap3A_52 = arith.constant 0 : index
    %swap3A_53 = vector.load %arg8[%swap3A, %swap3A_52] : memref<1000x128xf32, #tpu.memory_space<vmem>>, vector<1000x128xf32>
    tpu.vector_store %arg8[%swap3A, %swap3A_52], %add3A_51 {strides = array<i32>} : memref<1000x128xf32, #tpu.memory_space<vmem>>, vector<1000x128xf32>,
    return
  }
  func.func @transform_0(%arg0: i32) -> (i32, i32) {
    %min3A = arith.constant 9 : i32
    %min3A_0 = arith.minsi %arg0, %min3A : i32
    %c0_i32 = arith.constant 0 : i32
    %c0_i32_1 = arith.constant 0 : i32
    return %min3A_0, %c0_i32 : i32, i32
  }
  func.func @transform_1(%arg0: i32) -> (i32, i32) {
    %c0_i32 = arith.constant 0 : i32
    %c0_i32_0 = arith.constant 0 : i32
    %c0_i32_1 = arith.constant 0 : i32
    return %c0_i32, %c0_i32_0 : i32, i32
  }
  func.func @transform_2(%arg0: i32) -> (i32, i32) {
    %c0_i32 = arith.constant 0 : i32
    %c0_i32_0 = arith.constant 0 : i32
    %c0_i32_1 = arith.constant 0 : i32
    return %c0_i32, %c0_i32_0 : i32, i32
  }
  func.func @transform_3(%arg0: i32) -> (i32, i32) {
    %c0_i32 = arith.constant 0 : i32
    %c0_i32_0 = arith.constant 0 : i32
    %c0_i32_1 = arith.constant 0 : i32
    return %c0_i32, %c0_i32_0 : i32, i32
  }
  func.func @transform_4(%arg0: i32) -> (i32, i32) {
    %c0_i32 = arith.constant 0 : i32
    %c0_i32_0 = arith.constant 0 : i32
    %c0_i32_1 = arith.constant 0 : i32
    return %c0_i32, %c0_i32_0 : i32, i32
  }
  func.func @transform_5(%arg0: i32) -> (i32, i32) {
    %c0_i32 = arith.constant 0 : i32
    %c0_i32_0 = arith.constant 0 : i32
    %c0_i32_1 = arith.constant 0 : i32
    return %c0_i32, %c0_i32_0 : i32, i32
  }
  func.func @transform_6(%arg0: i32) -> (i32, i32) {
    %c0_i32 = arith.constant 0 : i32
    %c0_i32_0 = arith.constant 0 : i32
    %c0_i32_1 = arith.constant 0 : i32
    return %c0_i32, %c0_i32_0 : i32, i32
  }
  func.func @transform_7(%arg0: i32) -> (i32, i32) {
    %c0_i32 = arith.constant 0 : i32
    %c0_i32_0 = arith.constant 0 : i32
    return %arg0, %c0_i32 : i32, i32
  }
}

module attributes {stable_mosaic.version = 14 : i64} {
  func.func @body(%arg0: i32, %arg1: memref<1024x4xf32, #tpu.memory_space<vmem>>, %arg2: memref<4x128xf32, #tpu.memory_space<vmem>>, %arg3: memref<1x128xf32, #tpu.memory_space<vmem>>, %arg4: memref<128x128xf32, #tpu.memory_space<vmem>>, %arg5: memref<1x128xf32, #tpu.memory_space<vmem>>, %arg6: memref<1x128xf32, #tpu.memory_space<vmem>>, %arg7: memref<1x128xf32, #tpu.memory_space<vmem>>, %arg8: memref<1024x128xf32, #tpu.memory_space<vmem>>) attributes {dimension_semantics = [#tpu.dimension_semantics<arbitrary>], iteration_bounds = array<i64: 80>, scalar_prefetch = 0 : i64, scratch_operands = 0 : i64, tpu.core_type = #tpu.core_type<tc>, window_params = [{transform_indices = @transform_0, window_bounds = array<i64: 1024, 4>}, {pipeline_mode = #tpu.pipeline_mode<synchronous>, transform_indices = @transform_1, window_bounds = array<i64: 4, 128>}, {pipeline_mode = #tpu.pipeline_mode<synchronous>, transform_indices = @transform_2, window_bounds = array<i64: 1, 128>}, {pipeline_mode = #tpu.pipeline_mode<synchronous>, transform_indices = @transform_3, window_bounds = array<i64: 128, 128>}, {pipeline_mode = #tpu.pipeline_mode<synchronous>, transform_indices = @transform_4, window_bounds = array<i64: 1, 128>}, {pipeline_mode = #tpu.pipeline_mode<synchronous>, transform_indices = @transform_5, window_bounds = array<i64: 1, 128>}, {pipeline_mode = #tpu.pipeline_mode<synchronous>, transform_indices = @transform_6, window_bounds = array<i64: 1, 128>}, {transform_indices = @transform_7, window_bounds = array<i64: 1024, 128>}]} {
    %get3A = arith.constant 0 : index
    %get3A_0 = arith.constant 0 : index
    %get3A_1 = vector.load %arg3[%get3A, %get3A_0] : memref<1x128xf32, #tpu.memory_space<vmem>>, vector<1x128xf32>
    %get3A_2 = arith.constant 0 : index
    %get3A_3 = arith.constant 0 : index
    %get3A_4 = vector.load %arg1[%get3A_2, %get3A_3] : memref<1024x4xf32, #tpu.memory_space<vmem>>, vector<1024x4xf32>
    %get3A_5 = arith.constant 0 : index
    %get3A_6 = arith.constant 0 : index
    %get3A_7 = vector.load %arg2[%get3A_5, %get3A_6] : memref<4x128xf32, #tpu.memory_space<vmem>>, vector<4x128xf32>
    %dot_general3A = arith.constant dense<0.000000e+00> : vector<1024x128xf32>
    %dot_general3A_8 = tpu.matmul %get3A_4, %get3A_7, %dot_general3A {dimension_numbers = #tpu.dot_dimension_numbers<[1], [0], [0], [1], [0, 0, 1, 1], [], []>, transpose_lhs_hint = false} : vector<1024x4xf32>, vector<4x128xf32>, vector<1024x128xf32> -> vector<1024x128xf32>
    %add3A = vector.broadcast %get3A_1 : vector<1x128xf32> to vector<1024x128xf32>
    %add3A_9 = arith.addf %add3A, %dot_general3A_8 : vector<1024x128xf32>
    %logistic3A = arith.negf %add3A_9 : vector<1024x128xf32>
    %logistic3A_10 = math.exp %logistic3A : vector<1024x128xf32>
    %logistic3A_11 = arith.constant 1.000000e+00 : f32
    %logistic3A_12 = vector.broadcast %logistic3A_11 : f32 to vector<1024x128xf32>
    %logistic3A_13 = arith.addf %logistic3A_12, %logistic3A_10 : vector<1024x128xf32>
    %logistic3A_14 = arith.divf %logistic3A_12, %logistic3A_13 : vector<1024x128xf32>
    %mul3A = arith.mulf %add3A_9, %logistic3A_14 : vector<1024x128xf32>
    %get3A_15 = arith.constant 0 : index
    %get3A_16 = arith.constant 0 : index
    %get3A_17 = vector.load %arg4[%get3A_15, %get3A_16] : memref<128x128xf32, #tpu.memory_space<vmem>>, vector<128x128xf32>
    %dot_general3A_18 = arith.constant dense<0.000000e+00> : vector<1024x128xf32>
    %dot_general3A_19 = tpu.matmul %mul3A, %get3A_17, %dot_general3A_18 {dimension_numbers = #tpu.dot_dimension_numbers<[1], [0], [0], [1], [0, 0, 1, 1], [], []>, transpose_lhs_hint = false} : vector<1024x128xf32>, vector<128x128xf32>, vector<1024x128xf32> -> vector<1024x128xf32>
    %get3A_20 = arith.constant 0 : index
    %get3A_21 = arith.constant 0 : index
    %get3A_22 = vector.load %arg5[%get3A_20, %get3A_21] : memref<1x128xf32, #tpu.memory_space<vmem>>, vector<1x128xf32>
    %add3A_23 = vector.broadcast %get3A_22 : vector<1x128xf32> to vector<1024x128xf32>
    %add3A_24 = arith.addf %dot_general3A_19, %add3A_23 : vector<1024x128xf32>
    %reduce_sum3A = arith.constant dense<0.000000e+00> : vector<1024xf32>
    %reduce_sum3A_25 = vector.multi_reduction <add>, %add3A_24, %reduce_sum3A [1] : vector<1024x128xf32> to vector<1024xf32>
    %broadcast_in_dim3A = vector.shape_cast %reduce_sum3A_25 : vector<1024xf32> to vector<1024x1xf32>
    %div3A = arith.constant 1.280000e+02 : f32
    %div3A_26 = vector.broadcast %div3A : f32 to vector<1024x1xf32>
    %div3A_27 = arith.divf %broadcast_in_dim3A, %div3A_26 : vector<1024x1xf32>
    %sub3A = vector.broadcast %div3A_27 : vector<1024x1xf32> to vector<1024x128xf32>
    %sub3A_28 = arith.subf %add3A_24, %sub3A : vector<1024x128xf32>
    %integer_pow3A = arith.mulf %sub3A_28, %sub3A_28 : vector<1024x128xf32>
    %reduce_sum3A_29 = arith.constant dense<0.000000e+00> : vector<1024xf32>
    %reduce_sum3A_30 = vector.multi_reduction <add>, %integer_pow3A, %reduce_sum3A_29 [1] : vector<1024x128xf32> to vector<1024xf32>
    %broadcast_in_dim3A_31 = vector.shape_cast %reduce_sum3A_30 : vector<1024xf32> to vector<1024x1xf32>
    %div3A_32 = arith.constant 1.280000e+02 : f32
    %div3A_33 = vector.broadcast %div3A_32 : f32 to vector<1024x1xf32>
    %div3A_34 = arith.divf %broadcast_in_dim3A_31, %div3A_33 : vector<1024x1xf32>
    %sub3A_35 = vector.broadcast %div3A_27 : vector<1024x1xf32> to vector<1024x128xf32>
    %sub3A_36 = arith.subf %add3A_24, %sub3A_35 : vector<1024x128xf32>
    %add3A_37 = arith.constant 9.99999974E-6 : f32
    %add3A_38 = vector.broadcast %add3A_37 : f32 to vector<1024x1xf32>
    %add3A_39 = arith.addf %div3A_34, %add3A_38 : vector<1024x1xf32>
    %rsqrt3A = math.rsqrt %add3A_39 : vector<1024x1xf32>
    %mul3A_40 = vector.broadcast %rsqrt3A : vector<1024x1xf32> to vector<1024x128xf32>
    %mul3A_41 = arith.mulf %sub3A_36, %mul3A_40 : vector<1024x128xf32>
    %get3A_42 = arith.constant 0 : index
    %get3A_43 = arith.constant 0 : index
    %get3A_44 = vector.load %arg6[%get3A_42, %get3A_43] : memref<1x128xf32, #tpu.memory_space<vmem>>, vector<1x128xf32>
    %mul3A_45 = vector.broadcast %get3A_44 : vector<1x128xf32> to vector<1024x128xf32>
    %mul3A_46 = arith.mulf %mul3A_41, %mul3A_45 : vector<1024x128xf32>
    %get3A_47 = arith.constant 0 : index
    %get3A_48 = arith.constant 0 : index
    %get3A_49 = vector.load %arg7[%get3A_47, %get3A_48] : memref<1x128xf32, #tpu.memory_space<vmem>>, vector<1x128xf32>
    %add3A_50 = vector.broadcast %get3A_49 : vector<1x128xf32> to vector<1024x128xf32>
    %add3A_51 = arith.addf %mul3A_46, %add3A_50 : vector<1024x128xf32>
    %swap3A = arith.constant 0 : index
    %swap3A_52 = arith.constant 0 : index
    %swap3A_53 = vector.load %arg8[%swap3A, %swap3A_52] : memref<1024x128xf32, #tpu.memory_space<vmem>>, vector<1024x128xf32>
    tpu.vector_store %arg8[%swap3A, %swap3A_52], %add3A_51 {strides = array<i32>} : memref<1024x128xf32, #tpu.memory_space<vmem>>, vector<1024x128xf32>,
    return
  }
  func.func @transform_0(%arg0: i32) -> (i32, i32) {
    %min3A = arith.constant 78 : i32
    %min3A_0 = arith.minsi %arg0, %min3A : i32
    %c0_i32 = arith.constant 0 : i32
    %c0_i32_1 = arith.constant 0 : i32
    return %min3A_0, %c0_i32 : i32, i32
  }
  func.func @transform_1(%arg0: i32) -> (i32, i32) {
    %c0_i32 = arith.constant 0 : i32
    %c0_i32_0 = arith.constant 0 : i32
    %c0_i32_1 = arith.constant 0 : i32
    return %c0_i32, %c0_i32_0 : i32, i32
  }
  func.func @transform_2(%arg0: i32) -> (i32, i32) {
    %c0_i32 = arith.constant 0 : i32
    %c0_i32_0 = arith.constant 0 : i32
    %c0_i32_1 = arith.constant 0 : i32
    return %c0_i32, %c0_i32_0 : i32, i32
  }
  func.func @transform_3(%arg0: i32) -> (i32, i32) {
    %c0_i32 = arith.constant 0 : i32
    %c0_i32_0 = arith.constant 0 : i32
    %c0_i32_1 = arith.constant 0 : i32
    return %c0_i32, %c0_i32_0 : i32, i32
  }
  func.func @transform_4(%arg0: i32) -> (i32, i32) {
    %c0_i32 = arith.constant 0 : i32
    %c0_i32_0 = arith.constant 0 : i32
    %c0_i32_1 = arith.constant 0 : i32
    return %c0_i32, %c0_i32_0 : i32, i32
  }
  func.func @transform_5(%arg0: i32) -> (i32, i32) {
    %c0_i32 = arith.constant 0 : i32
    %c0_i32_0 = arith.constant 0 : i32
    %c0_i32_1 = arith.constant 0 : i32
    return %c0_i32, %c0_i32_0 : i32, i32
  }
  func.func @transform_6(%arg0: i32) -> (i32, i32) {
    %c0_i32 = arith.constant 0 : i32
    %c0_i32_0 = arith.constant 0 : i32
    %c0_i32_1 = arith.constant 0 : i32
    return %c0_i32, %c0_i32_0 : i32, i32
  }
  func.func @transform_7(%arg0: i32) -> (i32, i32) {
    %c0_i32 = arith.constant 0 : i32
    %c0_i32_0 = arith.constant 0 : i32
    return %arg0, %c0_i32 : i32, i32
  }
}

module attributes {stable_mosaic.version = 14 : i64} {
  func.func @body(%arg0: i32, %arg1: memref<1024x128xf32, #tpu.memory_space<vmem>>, %arg2: memref<1024x128xf32, #tpu.memory_space<vmem>>, %arg3: memref<1024x128xf32, #tpu.memory_space<vmem>>, %arg4: memref<128x128xf32, #tpu.memory_space<vmem>>, %arg5: memref<128x128xf32, #tpu.memory_space<vmem>>, %arg6: memref<128x128xf32, #tpu.memory_space<vmem>>, %arg7: memref<1x128xf32, #tpu.memory_space<vmem>>, %arg8: memref<128x128xf32, #tpu.memory_space<vmem>>, %arg9: memref<1x128xf32, #tpu.memory_space<vmem>>, %arg10: memref<1x128xf32, #tpu.memory_space<vmem>>, %arg11: memref<1x128xf32, #tpu.memory_space<vmem>>, %arg12: memref<1024x128xf32, #tpu.memory_space<vmem>>, %arg13: memref<1024x128xf32, #tpu.memory_space<vmem>>) attributes {dimension_semantics = [#tpu.dimension_semantics<arbitrary>], iteration_bounds = array<i64: 80>, scalar_prefetch = 0 : i64, scratch_operands = 0 : i64, tpu.core_type = #tpu.core_type<tc>, window_params = [{transform_indices = @transform_0, window_bounds = array<i64: 1024, 128>}, {transform_indices = @transform_1, window_bounds = array<i64: 1024, 128>}, {transform_indices = @transform_2, window_bounds = array<i64: 1024, 128>}, {pipeline_mode = #tpu.pipeline_mode<synchronous>, transform_indices = @transform_3, window_bounds = array<i64: 128, 128>}, {pipeline_mode = #tpu.pipeline_mode<synchronous>, transform_indices = @transform_4, window_bounds = array<i64: 128, 128>}, {pipeline_mode = #tpu.pipeline_mode<synchronous>, transform_indices = @transform_5, window_bounds = array<i64: 128, 128>}, {pipeline_mode = #tpu.pipeline_mode<synchronous>, transform_indices = @transform_6, window_bounds = array<i64: 1, 128>}, {pipeline_mode = #tpu.pipeline_mode<synchronous>, transform_indices = @transform_7, window_bounds = array<i64: 128, 128>}, {pipeline_mode = #tpu.pipeline_mode<synchronous>, transform_indices = @transform_8, window_bounds = array<i64: 1, 128>}, {pipeline_mode = #tpu.pipeline_mode<synchronous>, transform_indices = @transform_9, window_bounds = array<i64: 1, 128>}, {pipeline_mode = #tpu.pipeline_mode<synchronous>, transform_indices = @transform_10, window_bounds = array<i64: 1, 128>}, {transform_indices = @transform_11, window_bounds = array<i64: 1024, 128>}, {transform_indices = @transform_12, window_bounds = array<i64: 1024, 128>}]} {
    %get3A = arith.constant 0 : index
    %get3A_0 = arith.constant 0 : index
    %get3A_1 = vector.load %arg7[%get3A, %get3A_0] : memref<1x128xf32, #tpu.memory_space<vmem>>, vector<1x128xf32>
    %get3A_2 = arith.constant 0 : index
    %get3A_3 = arith.constant 0 : index
    %get3A_4 = vector.load %arg1[%get3A_2, %get3A_3] : memref<1024x128xf32, #tpu.memory_space<vmem>>, vector<1024x128xf32>
    %get3A_5 = arith.constant 0 : index
    %get3A_6 = arith.constant 0 : index
    %get3A_7 = vector.load %arg4[%get3A_5, %get3A_6] : memref<128x128xf32, #tpu.memory_space<vmem>>, vector<128x128xf32>
    %dot_general3A = arith.constant dense<0.000000e+00> : vector<1024x128xf32>
    %dot_general3A_8 = tpu.matmul %get3A_4, %get3A_7, %dot_general3A {dimension_numbers = #tpu.dot_dimension_numbers<[1], [0], [0], [1], [0, 0, 1, 1], [], []>, transpose_lhs_hint = false} : vector<1024x128xf32>, vector<128x128xf32>, vector<1024x128xf32> -> vector<1024x128xf32>
    %add3A = vector.broadcast %get3A_1 : vector<1x128xf32> to vector<1024x128xf32>
    %add3A_9 = arith.addf %add3A, %dot_general3A_8 : vector<1024x128xf32>
    %get3A_10 = arith.constant 0 : index
    %get3A_11 = arith.constant 0 : index
    %get3A_12 = vector.load %arg2[%get3A_10, %get3A_11] : memref<1024x128xf32, #tpu.memory_space<vmem>>, vector<1024x128xf32>
    %get3A_13 = arith.constant 0 : index
    %get3A_14 = arith.constant 0 : index
    %get3A_15 = vector.load %arg5[%get3A_13, %get3A_14] : memref<128x128xf32, #tpu.memory_space<vmem>>, vector<128x128xf32>
    %dot_general3A_16 = arith.constant dense<0.000000e+00> : vector<1024x128xf32>
    %dot_general3A_17 = tpu.matmul %get3A_12, %get3A_15, %dot_general3A_16 {dimension_numbers = #tpu.dot_dimension_numbers<[1], [0], [0], [1], [0, 0, 1, 1], [], []>, transpose_lhs_hint = false} : vector<1024x128xf32>, vector<128x128xf32>, vector<1024x128xf32> -> vector<1024x128xf32>
    %add3A_18 = arith.addf %add3A_9, %dot_general3A_17 : vector<1024x128xf32>
    %get3A_19 = arith.constant 0 : index
    %get3A_20 = arith.constant 0 : index
    %get3A_21 = vector.load %arg3[%get3A_19, %get3A_20] : memref<1024x128xf32, #tpu.memory_space<vmem>>, vector<1024x128xf32>
    %get3A_22 = arith.constant 0 : index
    %get3A_23 = arith.constant 0 : index
    %get3A_24 = vector.load %arg6[%get3A_22, %get3A_23] : memref<128x128xf32, #tpu.memory_space<vmem>>, vector<128x128xf32>
    %dot_general3A_25 = arith.constant dense<0.000000e+00> : vector<1024x128xf32>
    %dot_general3A_26 = tpu.matmul %get3A_21, %get3A_24, %dot_general3A_25 {dimension_numbers = #tpu.dot_dimension_numbers<[1], [0], [0], [1], [0, 0, 1, 1], [], []>, transpose_lhs_hint = false} : vector<1024x128xf32>, vector<128x128xf32>, vector<1024x128xf32> -> vector<1024x128xf32>
    %add3A_27 = arith.addf %add3A_18, %dot_general3A_26 : vector<1024x128xf32>
    %logistic3A = arith.negf %add3A_27 : vector<1024x128xf32>
    %logistic3A_28 = math.exp %logistic3A : vector<1024x128xf32>
    %logistic3A_29 = arith.constant 1.000000e+00 : f32
    %logistic3A_30 = vector.broadcast %logistic3A_29 : f32 to vector<1024x128xf32>
    %logistic3A_31 = arith.addf %logistic3A_30, %logistic3A_28 : vector<1024x128xf32>
    %logistic3A_32 = arith.divf %logistic3A_30, %logistic3A_31 : vector<1024x128xf32>
    %mul3A = arith.mulf %add3A_27, %logistic3A_32 : vector<1024x128xf32>
    %get3A_33 = arith.constant 0 : index
    %get3A_34 = arith.constant 0 : index
    %get3A_35 = vector.load %arg8[%get3A_33, %get3A_34] : memref<128x128xf32, #tpu.memory_space<vmem>>, vector<128x128xf32>
    %dot_general3A_36 = arith.constant dense<0.000000e+00> : vector<1024x128xf32>
    %dot_general3A_37 = tpu.matmul %mul3A, %get3A_35, %dot_general3A_36 {dimension_numbers = #tpu.dot_dimension_numbers<[1], [0], [0], [1], [0, 0, 1, 1], [], []>, transpose_lhs_hint = false} : vector<1024x128xf32>, vector<128x128xf32>, vector<1024x128xf32> -> vector<1024x128xf32>
    %get3A_38 = arith.constant 0 : index
    %get3A_39 = arith.constant 0 : index
    %get3A_40 = vector.load %arg9[%get3A_38, %get3A_39] : memref<1x128xf32, #tpu.memory_space<vmem>>, vector<1x128xf32>
    %add3A_41 = vector.broadcast %get3A_40 : vector<1x128xf32> to vector<1024x128xf32>
    %add3A_42 = arith.addf %dot_general3A_37, %add3A_41 : vector<1024x128xf32>
    %reduce_sum3A = arith.constant dense<0.000000e+00> : vector<1024xf32>
    %reduce_sum3A_43 = vector.multi_reduction <add>, %add3A_42, %reduce_sum3A [1] : vector<1024x128xf32> to vector<1024xf32>
    %broadcast_in_dim3A = vector.shape_cast %reduce_sum3A_43 : vector<1024xf32> to vector<1024x1xf32>
    %div3A = arith.constant 1.280000e+02 : f32
    %div3A_44 = vector.broadcast %div3A : f32 to vector<1024x1xf32>
    %div3A_45 = arith.divf %broadcast_in_dim3A, %div3A_44 : vector<1024x1xf32>
    %sub3A = vector.broadcast %div3A_45 : vector<1024x1xf32> to vector<1024x128xf32>
    %sub3A_46 = arith.subf %add3A_42, %sub3A : vector<1024x128xf32>
    %integer_pow3A = arith.mulf %sub3A_46, %sub3A_46 : vector<1024x128xf32>
    %reduce_sum3A_47 = arith.constant dense<0.000000e+00> : vector<1024xf32>
    %reduce_sum3A_48 = vector.multi_reduction <add>, %integer_pow3A, %reduce_sum3A_47 [1] : vector<1024x128xf32> to vector<1024xf32>
    %broadcast_in_dim3A_49 = vector.shape_cast %reduce_sum3A_48 : vector<1024xf32> to vector<1024x1xf32>
    %div3A_50 = arith.constant 1.280000e+02 : f32
    %div3A_51 = vector.broadcast %div3A_50 : f32 to vector<1024x1xf32>
    %div3A_52 = arith.divf %broadcast_in_dim3A_49, %div3A_51 : vector<1024x1xf32>
    %sub3A_53 = vector.broadcast %div3A_45 : vector<1024x1xf32> to vector<1024x128xf32>
    %sub3A_54 = arith.subf %add3A_42, %sub3A_53 : vector<1024x128xf32>
    %add3A_55 = arith.constant 9.99999974E-6 : f32
    %add3A_56 = vector.broadcast %add3A_55 : f32 to vector<1024x1xf32>
    %add3A_57 = arith.addf %div3A_52, %add3A_56 : vector<1024x1xf32>
    %rsqrt3A = math.rsqrt %add3A_57 : vector<1024x1xf32>
    %mul3A_58 = vector.broadcast %rsqrt3A : vector<1024x1xf32> to vector<1024x128xf32>
    %mul3A_59 = arith.mulf %sub3A_54, %mul3A_58 : vector<1024x128xf32>
    %get3A_60 = arith.constant 0 : index
    %get3A_61 = arith.constant 0 : index
    %get3A_62 = vector.load %arg10[%get3A_60, %get3A_61] : memref<1x128xf32, #tpu.memory_space<vmem>>, vector<1x128xf32>
    %mul3A_63 = vector.broadcast %get3A_62 : vector<1x128xf32> to vector<1024x128xf32>
    %mul3A_64 = arith.mulf %mul3A_59, %mul3A_63 : vector<1024x128xf32>
    %get3A_65 = arith.constant 0 : index
    %get3A_66 = arith.constant 0 : index
    %get3A_67 = vector.load %arg11[%get3A_65, %get3A_66] : memref<1x128xf32, #tpu.memory_space<vmem>>, vector<1x128xf32>
    %add3A_68 = vector.broadcast %get3A_67 : vector<1x128xf32> to vector<1024x128xf32>
    %add3A_69 = arith.addf %mul3A_64, %add3A_68 : vector<1024x128xf32>
    %get3A_70 = arith.constant 0 : index
    %get3A_71 = arith.constant 0 : index
    %get3A_72 = vector.load %arg12[%get3A_70, %get3A_71] : memref<1024x128xf32, #tpu.memory_space<vmem>>, vector<1024x128xf32>
    %add3A_73 = arith.addf %add3A_69, %get3A_72 : vector<1024x128xf32>
    %swap3A = arith.constant 0 : index
    %swap3A_74 = arith.constant 0 : index
    %swap3A_75 = vector.load %arg13[%swap3A, %swap3A_74] : memref<1024x128xf32, #tpu.memory_space<vmem>>, vector<1024x128xf32>
    tpu.vector_store %arg13[%swap3A, %swap3A_74], %add3A_73 {strides = array<i32>} : memref<1024x128xf32, #tpu.memory_space<vmem>>, vector<1024x128xf32>,
    return
  }
  func.func @transform_0(%arg0: i32) -> (i32, i32) {
    %min3A = arith.constant 79 : i32
    %min3A_0 = arith.minsi %arg0, %min3A : i32
    %c0_i32 = arith.constant 0 : i32
    %c0_i32_1 = arith.constant 0 : i32
    return %min3A_0, %c0_i32 : i32, i32
  }
  func.func @transform_1(%arg0: i32) -> (i32, i32) {
    %min3A = arith.constant 79 : i32
    %min3A_0 = arith.minsi %arg0, %min3A : i32
    %c0_i32 = arith.constant 0 : i32
    %c0_i32_1 = arith.constant 0 : i32
    return %min3A_0, %c0_i32 : i32, i32
  }
  func.func @transform_2(%arg0: i32) -> (i32, i32) {
    %min3A = arith.constant 79 : i32
    %min3A_0 = arith.minsi %arg0, %min3A : i32
    %c0_i32 = arith.constant 0 : i32
    %c0_i32_1 = arith.constant 0 : i32
    return %min3A_0, %c0_i32 : i32, i32
  }
  func.func @transform_3(%arg0: i32) -> (i32, i32) {
    %c0_i32 = arith.constant 0 : i32
    %c0_i32_0 = arith.constant 0 : i32
    %c0_i32_1 = arith.constant 0 : i32
    return %c0_i32, %c0_i32_0 : i32, i32
  }
  func.func @transform_4(%arg0: i32) -> (i32, i32) {
    %c0_i32 = arith.constant 0 : i32
    %c0_i32_0 = arith.constant 0 : i32
    %c0_i32_1 = arith.constant 0 : i32
    return %c0_i32, %c0_i32_0 : i32, i32
  }
  func.func @transform_5(%arg0: i32) -> (i32, i32) {
    %c0_i32 = arith.constant 0 : i32
    %c0_i32_0 = arith.constant 0 : i32
    %c0_i32_1 = arith.constant 0 : i32
    return %c0_i32, %c0_i32_0 : i32, i32
  }
  func.func @transform_6(%arg0: i32) -> (i32, i32) {
    %c0_i32 = arith.constant 0 : i32
    %c0_i32_0 = arith.constant 0 : i32
    %c0_i32_1 = arith.constant 0 : i32
    return %c0_i32, %c0_i32_0 : i32, i32
  }
  func.func @transform_7(%arg0: i32) -> (i32, i32) {
    %c0_i32 = arith.constant 0 : i32
    %c0_i32_0 = arith.constant 0 : i32
    %c0_i32_1 = arith.constant 0 : i32
    return %c0_i32, %c0_i32_0 : i32, i32
  }
  func.func @transform_8(%arg0: i32) -> (i32, i32) {
    %c0_i32 = arith.constant 0 : i32
    %c0_i32_0 = arith.constant 0 : i32
    %c0_i32_1 = arith.constant 0 : i32
    return %c0_i32, %c0_i32_0 : i32, i32
  }
  func.func @transform_9(%arg0: i32) -> (i32, i32) {
    %c0_i32 = arith.constant 0 : i32
    %c0_i32_0 = arith.constant 0 : i32
    %c0_i32_1 = arith.constant 0 : i32
    return %c0_i32, %c0_i32_0 : i32, i32
  }
  func.func @transform_10(%arg0: i32) -> (i32, i32) {
    %c0_i32 = arith.constant 0 : i32
    %c0_i32_0 = arith.constant 0 : i32
    %c0_i32_1 = arith.constant 0 : i32
    return %c0_i32, %c0_i32_0 : i32, i32
  }
  func.func @transform_11(%arg0: i32) -> (i32, i32) {
    %min3A = arith.constant 79 : i32
    %min3A_0 = arith.minsi %arg0, %min3A : i32
    %c0_i32 = arith.constant 0 : i32
    %c0_i32_1 = arith.constant 0 : i32
    return %min3A_0, %c0_i32 : i32, i32
  }
  func.func @transform_12(%arg0: i32) -> (i32, i32) {
    %c0_i32 = arith.constant 0 : i32
    %c0_i32_0 = arith.constant 0 : i32
    return %arg0, %c0_i32 : i32, i32
  }
}

module attributes {stable_mosaic.version = 14 : i64} {
  func.func @body(%arg0: i32, %arg1: memref<1000x128xf32, #tpu.memory_space<vmem>>, %arg2: memref<1000x128xf32, #tpu.memory_space<vmem>>, %arg3: memref<1000x128xf32, #tpu.memory_space<vmem>>, %arg4: memref<128x128xf32, #tpu.memory_space<vmem>>, %arg5: memref<128x128xf32, #tpu.memory_space<vmem>>, %arg6: memref<128x128xf32, #tpu.memory_space<vmem>>, %arg7: memref<1x128xf32, #tpu.memory_space<vmem>>, %arg8: memref<128x128xf32, #tpu.memory_space<vmem>>, %arg9: memref<1x128xf32, #tpu.memory_space<vmem>>, %arg10: memref<1x128xf32, #tpu.memory_space<vmem>>, %arg11: memref<1x128xf32, #tpu.memory_space<vmem>>, %arg12: memref<1000x128xf32, #tpu.memory_space<vmem>>, %arg13: memref<1000x128xf32, #tpu.memory_space<vmem>>) attributes {dimension_semantics = [#tpu.dimension_semantics<arbitrary>], iteration_bounds = array<i64: 10>, scalar_prefetch = 0 : i64, scratch_operands = 0 : i64, tpu.core_type = #tpu.core_type<tc>, window_params = [{transform_indices = @transform_0, window_bounds = array<i64: 1000, 128>}, {transform_indices = @transform_1, window_bounds = array<i64: 1000, 128>}, {transform_indices = @transform_2, window_bounds = array<i64: 1000, 128>}, {pipeline_mode = #tpu.pipeline_mode<synchronous>, transform_indices = @transform_3, window_bounds = array<i64: 128, 128>}, {pipeline_mode = #tpu.pipeline_mode<synchronous>, transform_indices = @transform_4, window_bounds = array<i64: 128, 128>}, {pipeline_mode = #tpu.pipeline_mode<synchronous>, transform_indices = @transform_5, window_bounds = array<i64: 128, 128>}, {pipeline_mode = #tpu.pipeline_mode<synchronous>, transform_indices = @transform_6, window_bounds = array<i64: 1, 128>}, {pipeline_mode = #tpu.pipeline_mode<synchronous>, transform_indices = @transform_7, window_bounds = array<i64: 128, 128>}, {pipeline_mode = #tpu.pipeline_mode<synchronous>, transform_indices = @transform_8, window_bounds = array<i64: 1, 128>}, {pipeline_mode = #tpu.pipeline_mode<synchronous>, transform_indices = @transform_9, window_bounds = array<i64: 1, 128>}, {pipeline_mode = #tpu.pipeline_mode<synchronous>, transform_indices = @transform_10, window_bounds = array<i64: 1, 128>}, {transform_indices = @transform_11, window_bounds = array<i64: 1000, 128>}, {transform_indices = @transform_12, window_bounds = array<i64: 1000, 128>}]} {
    %get3A = arith.constant 0 : index
    %get3A_0 = arith.constant 0 : index
    %get3A_1 = vector.load %arg7[%get3A, %get3A_0] : memref<1x128xf32, #tpu.memory_space<vmem>>, vector<1x128xf32>
    %get3A_2 = arith.constant 0 : index
    %get3A_3 = arith.constant 0 : index
    %get3A_4 = vector.load %arg1[%get3A_2, %get3A_3] : memref<1000x128xf32, #tpu.memory_space<vmem>>, vector<1000x128xf32>
    %get3A_5 = arith.constant 0 : index
    %get3A_6 = arith.constant 0 : index
    %get3A_7 = vector.load %arg4[%get3A_5, %get3A_6] : memref<128x128xf32, #tpu.memory_space<vmem>>, vector<128x128xf32>
    %dot_general3A = arith.constant dense<0.000000e+00> : vector<1000x128xf32>
    %dot_general3A_8 = tpu.matmul %get3A_4, %get3A_7, %dot_general3A {dimension_numbers = #tpu.dot_dimension_numbers<[1], [0], [0], [1], [0, 0, 1, 1], [], []>, transpose_lhs_hint = false} : vector<1000x128xf32>, vector<128x128xf32>, vector<1000x128xf32> -> vector<1000x128xf32>
    %add3A = vector.broadcast %get3A_1 : vector<1x128xf32> to vector<1000x128xf32>
    %add3A_9 = arith.addf %add3A, %dot_general3A_8 : vector<1000x128xf32>
    %get3A_10 = arith.constant 0 : index
    %get3A_11 = arith.constant 0 : index
    %get3A_12 = vector.load %arg2[%get3A_10, %get3A_11] : memref<1000x128xf32, #tpu.memory_space<vmem>>, vector<1000x128xf32>
    %get3A_13 = arith.constant 0 : index
    %get3A_14 = arith.constant 0 : index
    %get3A_15 = vector.load %arg5[%get3A_13, %get3A_14] : memref<128x128xf32, #tpu.memory_space<vmem>>, vector<128x128xf32>
    %dot_general3A_16 = arith.constant dense<0.000000e+00> : vector<1000x128xf32>
    %dot_general3A_17 = tpu.matmul %get3A_12, %get3A_15, %dot_general3A_16 {dimension_numbers = #tpu.dot_dimension_numbers<[1], [0], [0], [1], [0, 0, 1, 1], [], []>, transpose_lhs_hint = false} : vector<1000x128xf32>, vector<128x128xf32>, vector<1000x128xf32> -> vector<1000x128xf32>
    %add3A_18 = arith.addf %add3A_9, %dot_general3A_17 : vector<1000x128xf32>
    %get3A_19 = arith.constant 0 : index
    %get3A_20 = arith.constant 0 : index
    %get3A_21 = vector.load %arg3[%get3A_19, %get3A_20] : memref<1000x128xf32, #tpu.memory_space<vmem>>, vector<1000x128xf32>
    %get3A_22 = arith.constant 0 : index
    %get3A_23 = arith.constant 0 : index
    %get3A_24 = vector.load %arg6[%get3A_22, %get3A_23] : memref<128x128xf32, #tpu.memory_space<vmem>>, vector<128x128xf32>
    %dot_general3A_25 = arith.constant dense<0.000000e+00> : vector<1000x128xf32>
    %dot_general3A_26 = tpu.matmul %get3A_21, %get3A_24, %dot_general3A_25 {dimension_numbers = #tpu.dot_dimension_numbers<[1], [0], [0], [1], [0, 0, 1, 1], [], []>, transpose_lhs_hint = false} : vector<1000x128xf32>, vector<128x128xf32>, vector<1000x128xf32> -> vector<1000x128xf32>
    %add3A_27 = arith.addf %add3A_18, %dot_general3A_26 : vector<1000x128xf32>
    %logistic3A = arith.negf %add3A_27 : vector<1000x128xf32>
    %logistic3A_28 = math.exp %logistic3A : vector<1000x128xf32>
    %logistic3A_29 = arith.constant 1.000000e+00 : f32
    %logistic3A_30 = vector.broadcast %logistic3A_29 : f32 to vector<1000x128xf32>
    %logistic3A_31 = arith.addf %logistic3A_30, %logistic3A_28 : vector<1000x128xf32>
    %logistic3A_32 = arith.divf %logistic3A_30, %logistic3A_31 : vector<1000x128xf32>
    %mul3A = arith.mulf %add3A_27, %logistic3A_32 : vector<1000x128xf32>
    %get3A_33 = arith.constant 0 : index
    %get3A_34 = arith.constant 0 : index
    %get3A_35 = vector.load %arg8[%get3A_33, %get3A_34] : memref<128x128xf32, #tpu.memory_space<vmem>>, vector<128x128xf32>
    %dot_general3A_36 = arith.constant dense<0.000000e+00> : vector<1000x128xf32>
    %dot_general3A_37 = tpu.matmul %mul3A, %get3A_35, %dot_general3A_36 {dimension_numbers = #tpu.dot_dimension_numbers<[1], [0], [0], [1], [0, 0, 1, 1], [], []>, transpose_lhs_hint = false} : vector<1000x128xf32>, vector<128x128xf32>, vector<1000x128xf32> -> vector<1000x128xf32>
    %get3A_38 = arith.constant 0 : index
    %get3A_39 = arith.constant 0 : index
    %get3A_40 = vector.load %arg9[%get3A_38, %get3A_39] : memref<1x128xf32, #tpu.memory_space<vmem>>, vector<1x128xf32>
    %add3A_41 = vector.broadcast %get3A_40 : vector<1x128xf32> to vector<1000x128xf32>
    %add3A_42 = arith.addf %dot_general3A_37, %add3A_41 : vector<1000x128xf32>
    %reduce_sum3A = arith.constant dense<0.000000e+00> : vector<1000xf32>
    %reduce_sum3A_43 = vector.multi_reduction <add>, %add3A_42, %reduce_sum3A [1] : vector<1000x128xf32> to vector<1000xf32>
    %broadcast_in_dim3A = vector.shape_cast %reduce_sum3A_43 : vector<1000xf32> to vector<1000x1xf32>
    %div3A = arith.constant 1.280000e+02 : f32
    %div3A_44 = vector.broadcast %div3A : f32 to vector<1000x1xf32>
    %div3A_45 = arith.divf %broadcast_in_dim3A, %div3A_44 : vector<1000x1xf32>
    %sub3A = vector.broadcast %div3A_45 : vector<1000x1xf32> to vector<1000x128xf32>
    %sub3A_46 = arith.subf %add3A_42, %sub3A : vector<1000x128xf32>
    %integer_pow3A = arith.mulf %sub3A_46, %sub3A_46 : vector<1000x128xf32>
    %reduce_sum3A_47 = arith.constant dense<0.000000e+00> : vector<1000xf32>
    %reduce_sum3A_48 = vector.multi_reduction <add>, %integer_pow3A, %reduce_sum3A_47 [1] : vector<1000x128xf32> to vector<1000xf32>
    %broadcast_in_dim3A_49 = vector.shape_cast %reduce_sum3A_48 : vector<1000xf32> to vector<1000x1xf32>
    %div3A_50 = arith.constant 1.280000e+02 : f32
    %div3A_51 = vector.broadcast %div3A_50 : f32 to vector<1000x1xf32>
    %div3A_52 = arith.divf %broadcast_in_dim3A_49, %div3A_51 : vector<1000x1xf32>
    %sub3A_53 = vector.broadcast %div3A_45 : vector<1000x1xf32> to vector<1000x128xf32>
    %sub3A_54 = arith.subf %add3A_42, %sub3A_53 : vector<1000x128xf32>
    %add3A_55 = arith.constant 9.99999974E-6 : f32
    %add3A_56 = vector.broadcast %add3A_55 : f32 to vector<1000x1xf32>
    %add3A_57 = arith.addf %div3A_52, %add3A_56 : vector<1000x1xf32>
    %rsqrt3A = math.rsqrt %add3A_57 : vector<1000x1xf32>
    %mul3A_58 = vector.broadcast %rsqrt3A : vector<1000x1xf32> to vector<1000x128xf32>
    %mul3A_59 = arith.mulf %sub3A_54, %mul3A_58 : vector<1000x128xf32>
    %get3A_60 = arith.constant 0 : index
    %get3A_61 = arith.constant 0 : index
    %get3A_62 = vector.load %arg10[%get3A_60, %get3A_61] : memref<1x128xf32, #tpu.memory_space<vmem>>, vector<1x128xf32>
    %mul3A_63 = vector.broadcast %get3A_62 : vector<1x128xf32> to vector<1000x128xf32>
    %mul3A_64 = arith.mulf %mul3A_59, %mul3A_63 : vector<1000x128xf32>
    %get3A_65 = arith.constant 0 : index
    %get3A_66 = arith.constant 0 : index
    %get3A_67 = vector.load %arg11[%get3A_65, %get3A_66] : memref<1x128xf32, #tpu.memory_space<vmem>>, vector<1x128xf32>
    %add3A_68 = vector.broadcast %get3A_67 : vector<1x128xf32> to vector<1000x128xf32>
    %add3A_69 = arith.addf %mul3A_64, %add3A_68 : vector<1000x128xf32>
    %get3A_70 = arith.constant 0 : index
    %get3A_71 = arith.constant 0 : index
    %get3A_72 = vector.load %arg12[%get3A_70, %get3A_71] : memref<1000x128xf32, #tpu.memory_space<vmem>>, vector<1000x128xf32>
    %add3A_73 = arith.addf %add3A_69, %get3A_72 : vector<1000x128xf32>
    %swap3A = arith.constant 0 : index
    %swap3A_74 = arith.constant 0 : index
    %swap3A_75 = vector.load %arg13[%swap3A, %swap3A_74] : memref<1000x128xf32, #tpu.memory_space<vmem>>, vector<1000x128xf32>
    tpu.vector_store %arg13[%swap3A, %swap3A_74], %add3A_73 {strides = array<i32>} : memref<1000x128xf32, #tpu.memory_space<vmem>>, vector<1000x128xf32>,
    return
  }
  func.func @transform_0(%arg0: i32) -> (i32, i32) {
    %min3A = arith.constant 10 : i32
    %min3A_0 = arith.minsi %arg0, %min3A : i32
    %c0_i32 = arith.constant 0 : i32
    %c0_i32_1 = arith.constant 0 : i32
    return %min3A_0, %c0_i32 : i32, i32
  }
  func.func @transform_1(%arg0: i32) -> (i32, i32) {
    %min3A = arith.constant 10 : i32
    %min3A_0 = arith.minsi %arg0, %min3A : i32
    %c0_i32 = arith.constant 0 : i32
    %c0_i32_1 = arith.constant 0 : i32
    return %min3A_0, %c0_i32 : i32, i32
  }
  func.func @transform_2(%arg0: i32) -> (i32, i32) {
    %min3A = arith.constant 9 : i32
    %min3A_0 = arith.minsi %arg0, %min3A : i32
    %c0_i32 = arith.constant 0 : i32
    %c0_i32_1 = arith.constant 0 : i32
    return %min3A_0, %c0_i32 : i32, i32
  }
  func.func @transform_3(%arg0: i32) -> (i32, i32) {
    %c0_i32 = arith.constant 0 : i32
    %c0_i32_0 = arith.constant 0 : i32
    %c0_i32_1 = arith.constant 0 : i32
    return %c0_i32, %c0_i32_0 : i32, i32
  }
  func.func @transform_4(%arg0: i32) -> (i32, i32) {
    %c0_i32 = arith.constant 0 : i32
    %c0_i32_0 = arith.constant 0 : i32
    %c0_i32_1 = arith.constant 0 : i32
    return %c0_i32, %c0_i32_0 : i32, i32
  }
  func.func @transform_5(%arg0: i32) -> (i32, i32) {
    %c0_i32 = arith.constant 0 : i32
    %c0_i32_0 = arith.constant 0 : i32
    %c0_i32_1 = arith.constant 0 : i32
    return %c0_i32, %c0_i32_0 : i32, i32
  }
  func.func @transform_6(%arg0: i32) -> (i32, i32) {
    %c0_i32 = arith.constant 0 : i32
    %c0_i32_0 = arith.constant 0 : i32
    %c0_i32_1 = arith.constant 0 : i32
    return %c0_i32, %c0_i32_0 : i32, i32
  }
  func.func @transform_7(%arg0: i32) -> (i32, i32) {
    %c0_i32 = arith.constant 0 : i32
    %c0_i32_0 = arith.constant 0 : i32
    %c0_i32_1 = arith.constant 0 : i32
    return %c0_i32, %c0_i32_0 : i32, i32
  }
  func.func @transform_8(%arg0: i32) -> (i32, i32) {
    %c0_i32 = arith.constant 0 : i32
    %c0_i32_0 = arith.constant 0 : i32
    %c0_i32_1 = arith.constant 0 : i32
    return %c0_i32, %c0_i32_0 : i32, i32
  }
  func.func @transform_9(%arg0: i32) -> (i32, i32) {
    %c0_i32 = arith.constant 0 : i32
    %c0_i32_0 = arith.constant 0 : i32
    %c0_i32_1 = arith.constant 0 : i32
    return %c0_i32, %c0_i32_0 : i32, i32
  }
  func.func @transform_10(%arg0: i32) -> (i32, i32) {
    %c0_i32 = arith.constant 0 : i32
    %c0_i32_0 = arith.constant 0 : i32
    %c0_i32_1 = arith.constant 0 : i32
    return %c0_i32, %c0_i32_0 : i32, i32
  }
  func.func @transform_11(%arg0: i32) -> (i32, i32) {
    %min3A = arith.constant 9 : i32
    %min3A_0 = arith.minsi %arg0, %min3A : i32
    %c0_i32 = arith.constant 0 : i32
    %c0_i32_1 = arith.constant 0 : i32
    return %min3A_0, %c0_i32 : i32, i32
  }
  func.func @transform_12(%arg0: i32) -> (i32, i32) {
    %c0_i32 = arith.constant 0 : i32
    %c0_i32_0 = arith.constant 0 : i32
    return %arg0, %c0_i32 : i32, i32
  }
}

module attributes {stable_mosaic.version = 14 : i64} {
  func.func @body(%arg0: i32, %arg1: memref<1000x128xf32, #tpu.memory_space<vmem>>, %arg2: memref<128x128xf32, #tpu.memory_space<vmem>>, %arg3: memref<1x128xf32, #tpu.memory_space<vmem>>, %arg4: memref<128x128xf32, #tpu.memory_space<vmem>>, %arg5: memref<1x128xf32, #tpu.memory_space<vmem>>, %arg6: memref<1x128xf32, #tpu.memory_space<vmem>>, %arg7: memref<1x128xf32, #tpu.memory_space<vmem>>, %arg8: memref<1000x128xf32, #tpu.memory_space<vmem>>, %arg9: memref<1000x128xf32, #tpu.memory_space<vmem>>) attributes {dimension_semantics = [#tpu.dimension_semantics<arbitrary>], iteration_bounds = array<i64: 50>, scalar_prefetch = 0 : i64, scratch_operands = 0 : i64, tpu.core_type = #tpu.core_type<tc>, window_params = [{transform_indices = @transform_0, window_bounds = array<i64: 1000, 128>}, {pipeline_mode = #tpu.pipeline_mode<synchronous>, transform_indices = @transform_1, window_bounds = array<i64: 128, 128>}, {pipeline_mode = #tpu.pipeline_mode<synchronous>, transform_indices = @transform_2, window_bounds = array<i64: 1, 128>}, {pipeline_mode = #tpu.pipeline_mode<synchronous>, transform_indices = @transform_3, window_bounds = array<i64: 128, 128>}, {pipeline_mode = #tpu.pipeline_mode<synchronous>, transform_indices = @transform_4, window_bounds = array<i64: 1, 128>}, {pipeline_mode = #tpu.pipeline_mode<synchronous>, transform_indices = @transform_5, window_bounds = array<i64: 1, 128>}, {pipeline_mode = #tpu.pipeline_mode<synchronous>, transform_indices = @transform_6, window_bounds = array<i64: 1, 128>}, {transform_indices = @transform_7, window_bounds = array<i64: 1000, 128>}, {transform_indices = @transform_8, window_bounds = array<i64: 1000, 128>}]} {
    %get3A = arith.constant 0 : index
    %get3A_0 = arith.constant 0 : index
    %get3A_1 = vector.load %arg3[%get3A, %get3A_0] : memref<1x128xf32, #tpu.memory_space<vmem>>, vector<1x128xf32>
    %get3A_2 = arith.constant 0 : index
    %get3A_3 = arith.constant 0 : index
    %get3A_4 = vector.load %arg1[%get3A_2, %get3A_3] : memref<1000x128xf32, #tpu.memory_space<vmem>>, vector<1000x128xf32>
    %get3A_5 = arith.constant 0 : index
    %get3A_6 = arith.constant 0 : index
    %get3A_7 = vector.load %arg2[%get3A_5, %get3A_6] : memref<128x128xf32, #tpu.memory_space<vmem>>, vector<128x128xf32>
    %dot_general3A = arith.constant dense<0.000000e+00> : vector<1000x128xf32>
    %dot_general3A_8 = tpu.matmul %get3A_4, %get3A_7, %dot_general3A {dimension_numbers = #tpu.dot_dimension_numbers<[1], [0], [0], [1], [0, 0, 1, 1], [], []>, transpose_lhs_hint = false} : vector<1000x128xf32>, vector<128x128xf32>, vector<1000x128xf32> -> vector<1000x128xf32>
    %add3A = vector.broadcast %get3A_1 : vector<1x128xf32> to vector<1000x128xf32>
    %add3A_9 = arith.addf %add3A, %dot_general3A_8 : vector<1000x128xf32>
    %logistic3A = arith.negf %add3A_9 : vector<1000x128xf32>
    %logistic3A_10 = math.exp %logistic3A : vector<1000x128xf32>
    %logistic3A_11 = arith.constant 1.000000e+00 : f32
    %logistic3A_12 = vector.broadcast %logistic3A_11 : f32 to vector<1000x128xf32>
    %logistic3A_13 = arith.addf %logistic3A_12, %logistic3A_10 : vector<1000x128xf32>
    %logistic3A_14 = arith.divf %logistic3A_12, %logistic3A_13 : vector<1000x128xf32>
    %mul3A = arith.mulf %add3A_9, %logistic3A_14 : vector<1000x128xf32>
    %get3A_15 = arith.constant 0 : index
    %get3A_16 = arith.constant 0 : index
    %get3A_17 = vector.load %arg4[%get3A_15, %get3A_16] : memref<128x128xf32, #tpu.memory_space<vmem>>, vector<128x128xf32>
    %dot_general3A_18 = arith.constant dense<0.000000e+00> : vector<1000x128xf32>
    %dot_general3A_19 = tpu.matmul %mul3A, %get3A_17, %dot_general3A_18 {dimension_numbers = #tpu.dot_dimension_numbers<[1], [0], [0], [1], [0, 0, 1, 1], [], []>, transpose_lhs_hint = false} : vector<1000x128xf32>, vector<128x128xf32>, vector<1000x128xf32> -> vector<1000x128xf32>
    %get3A_20 = arith.constant 0 : index
    %get3A_21 = arith.constant 0 : index
    %get3A_22 = vector.load %arg5[%get3A_20, %get3A_21] : memref<1x128xf32, #tpu.memory_space<vmem>>, vector<1x128xf32>
    %add3A_23 = vector.broadcast %get3A_22 : vector<1x128xf32> to vector<1000x128xf32>
    %add3A_24 = arith.addf %dot_general3A_19, %add3A_23 : vector<1000x128xf32>
    %reduce_sum3A = arith.constant dense<0.000000e+00> : vector<1000xf32>
    %reduce_sum3A_25 = vector.multi_reduction <add>, %add3A_24, %reduce_sum3A [1] : vector<1000x128xf32> to vector<1000xf32>
    %broadcast_in_dim3A = vector.shape_cast %reduce_sum3A_25 : vector<1000xf32> to vector<1000x1xf32>
    %div3A = arith.constant 1.280000e+02 : f32
    %div3A_26 = vector.broadcast %div3A : f32 to vector<1000x1xf32>
    %div3A_27 = arith.divf %broadcast_in_dim3A, %div3A_26 : vector<1000x1xf32>
    %sub3A = vector.broadcast %div3A_27 : vector<1000x1xf32> to vector<1000x128xf32>
    %sub3A_28 = arith.subf %add3A_24, %sub3A : vector<1000x128xf32>
    %integer_pow3A = arith.mulf %sub3A_28, %sub3A_28 : vector<1000x128xf32>
    %reduce_sum3A_29 = arith.constant dense<0.000000e+00> : vector<1000xf32>
    %reduce_sum3A_30 = vector.multi_reduction <add>, %integer_pow3A, %reduce_sum3A_29 [1] : vector<1000x128xf32> to vector<1000xf32>
    %broadcast_in_dim3A_31 = vector.shape_cast %reduce_sum3A_30 : vector<1000xf32> to vector<1000x1xf32>
    %div3A_32 = arith.constant 1.280000e+02 : f32
    %div3A_33 = vector.broadcast %div3A_32 : f32 to vector<1000x1xf32>
    %div3A_34 = arith.divf %broadcast_in_dim3A_31, %div3A_33 : vector<1000x1xf32>
    %sub3A_35 = vector.broadcast %div3A_27 : vector<1000x1xf32> to vector<1000x128xf32>
    %sub3A_36 = arith.subf %add3A_24, %sub3A_35 : vector<1000x128xf32>
    %add3A_37 = arith.constant 9.99999974E-6 : f32
    %add3A_38 = vector.broadcast %add3A_37 : f32 to vector<1000x1xf32>
    %add3A_39 = arith.addf %div3A_34, %add3A_38 : vector<1000x1xf32>
    %rsqrt3A = math.rsqrt %add3A_39 : vector<1000x1xf32>
    %mul3A_40 = vector.broadcast %rsqrt3A : vector<1000x1xf32> to vector<1000x128xf32>
    %mul3A_41 = arith.mulf %sub3A_36, %mul3A_40 : vector<1000x128xf32>
    %get3A_42 = arith.constant 0 : index
    %get3A_43 = arith.constant 0 : index
    %get3A_44 = vector.load %arg6[%get3A_42, %get3A_43] : memref<1x128xf32, #tpu.memory_space<vmem>>, vector<1x128xf32>
    %mul3A_45 = vector.broadcast %get3A_44 : vector<1x128xf32> to vector<1000x128xf32>
    %mul3A_46 = arith.mulf %mul3A_41, %mul3A_45 : vector<1000x128xf32>
    %get3A_47 = arith.constant 0 : index
    %get3A_48 = arith.constant 0 : index
    %get3A_49 = vector.load %arg7[%get3A_47, %get3A_48] : memref<1x128xf32, #tpu.memory_space<vmem>>, vector<1x128xf32>
    %add3A_50 = vector.broadcast %get3A_49 : vector<1x128xf32> to vector<1000x128xf32>
    %add3A_51 = arith.addf %mul3A_46, %add3A_50 : vector<1000x128xf32>
    %get3A_52 = arith.constant 0 : index
    %get3A_53 = arith.constant 0 : index
    %get3A_54 = vector.load %arg8[%get3A_52, %get3A_53] : memref<1000x128xf32, #tpu.memory_space<vmem>>, vector<1000x128xf32>
    %add3A_55 = arith.addf %add3A_51, %get3A_54 : vector<1000x128xf32>
    %swap3A = arith.constant 0 : index
    %swap3A_56 = arith.constant 0 : index
    %swap3A_57 = vector.load %arg9[%swap3A, %swap3A_56] : memref<1000x128xf32, #tpu.memory_space<vmem>>, vector<1000x128xf32>
    tpu.vector_store %arg9[%swap3A, %swap3A_56], %add3A_55 {strides = array<i32>} : memref<1000x128xf32, #tpu.memory_space<vmem>>, vector<1000x128xf32>,
    return
  }
  func.func @transform_0(%arg0: i32) -> (i32, i32) {
    %min3A = arith.constant 49 : i32
    %min3A_0 = arith.minsi %arg0, %min3A : i32
    %c0_i32 = arith.constant 0 : i32
    %c0_i32_1 = arith.constant 0 : i32
    return %min3A_0, %c0_i32 : i32, i32
  }
  func.func @transform_1(%arg0: i32) -> (i32, i32) {
    %c0_i32 = arith.constant 0 : i32
    %c0_i32_0 = arith.constant 0 : i32
    %c0_i32_1 = arith.constant 0 : i32
    return %c0_i32, %c0_i32_0 : i32, i32
  }
  func.func @transform_2(%arg0: i32) -> (i32, i32) {
    %c0_i32 = arith.constant 0 : i32
    %c0_i32_0 = arith.constant 0 : i32
    %c0_i32_1 = arith.constant 0 : i32
    return %c0_i32, %c0_i32_0 : i32, i32
  }
  func.func @transform_3(%arg0: i32) -> (i32, i32) {
    %c0_i32 = arith.constant 0 : i32
    %c0_i32_0 = arith.constant 0 : i32
    %c0_i32_1 = arith.constant 0 : i32
    return %c0_i32, %c0_i32_0 : i32, i32
  }
  func.func @transform_4(%arg0: i32) -> (i32, i32) {
    %c0_i32 = arith.constant 0 : i32
    %c0_i32_0 = arith.constant 0 : i32
    %c0_i32_1 = arith.constant 0 : i32
    return %c0_i32, %c0_i32_0 : i32, i32
  }
  func.func @transform_5(%arg0: i32) -> (i32, i32) {
    %c0_i32 = arith.constant 0 : i32
    %c0_i32_0 = arith.constant 0 : i32
    %c0_i32_1 = arith.constant 0 : i32
    return %c0_i32, %c0_i32_0 : i32, i32
  }
  func.func @transform_6(%arg0: i32) -> (i32, i32) {
    %c0_i32 = arith.constant 0 : i32
    %c0_i32_0 = arith.constant 0 : i32
    %c0_i32_1 = arith.constant 0 : i32
    return %c0_i32, %c0_i32_0 : i32, i32
  }
  func.func @transform_7(%arg0: i32) -> (i32, i32) {
    %min3A = arith.constant 49 : i32
    %min3A_0 = arith.minsi %arg0, %min3A : i32
    %c0_i32 = arith.constant 0 : i32
    %c0_i32_1 = arith.constant 0 : i32
    return %min3A_0, %c0_i32 : i32, i32
  }
  func.func @transform_8(%arg0: i32) -> (i32, i32) {
    %c0_i32 = arith.constant 0 : i32
    %c0_i32_0 = arith.constant 0 : i32
    return %arg0, %c0_i32 : i32, i32
  }
}

module attributes {stable_mosaic.version = 14 : i64} {
  func.func @body(%arg0: i32, %arg1: memref<1024x4xf32, #tpu.memory_space<vmem>>, %arg2: memref<4x128xf32, #tpu.memory_space<vmem>>, %arg3: memref<1x128xf32, #tpu.memory_space<vmem>>, %arg4: memref<128x128xf32, #tpu.memory_space<vmem>>, %arg5: memref<1x128xf32, #tpu.memory_space<vmem>>, %arg6: memref<1x128xf32, #tpu.memory_space<vmem>>, %arg7: memref<1x128xf32, #tpu.memory_space<vmem>>, %arg8: memref<1024x128xf32, #tpu.memory_space<vmem>>) attributes {dimension_semantics = [#tpu.dimension_semantics<arbitrary>], iteration_bounds = array<i64: 148>, scalar_prefetch = 0 : i64, scratch_operands = 0 : i64, tpu.core_type = #tpu.core_type<tc>, window_params = [{transform_indices = @transform_0, window_bounds = array<i64: 1024, 4>}, {pipeline_mode = #tpu.pipeline_mode<synchronous>, transform_indices = @transform_1, window_bounds = array<i64: 4, 128>}, {pipeline_mode = #tpu.pipeline_mode<synchronous>, transform_indices = @transform_2, window_bounds = array<i64: 1, 128>}, {pipeline_mode = #tpu.pipeline_mode<synchronous>, transform_indices = @transform_3, window_bounds = array<i64: 128, 128>}, {pipeline_mode = #tpu.pipeline_mode<synchronous>, transform_indices = @transform_4, window_bounds = array<i64: 1, 128>}, {pipeline_mode = #tpu.pipeline_mode<synchronous>, transform_indices = @transform_5, window_bounds = array<i64: 1, 128>}, {pipeline_mode = #tpu.pipeline_mode<synchronous>, transform_indices = @transform_6, window_bounds = array<i64: 1, 128>}, {transform_indices = @transform_7, window_bounds = array<i64: 1024, 128>}]} {
    %get3A = arith.constant 0 : index
    %get3A_0 = arith.constant 0 : index
    %get3A_1 = vector.load %arg3[%get3A, %get3A_0] : memref<1x128xf32, #tpu.memory_space<vmem>>, vector<1x128xf32>
    %get3A_2 = arith.constant 0 : index
    %get3A_3 = arith.constant 0 : index
    %get3A_4 = vector.load %arg1[%get3A_2, %get3A_3] : memref<1024x4xf32, #tpu.memory_space<vmem>>, vector<1024x4xf32>
    %get3A_5 = arith.constant 0 : index
    %get3A_6 = arith.constant 0 : index
    %get3A_7 = vector.load %arg2[%get3A_5, %get3A_6] : memref<4x128xf32, #tpu.memory_space<vmem>>, vector<4x128xf32>
    %dot_general3A = arith.constant dense<0.000000e+00> : vector<1024x128xf32>
    %dot_general3A_8 = tpu.matmul %get3A_4, %get3A_7, %dot_general3A {dimension_numbers = #tpu.dot_dimension_numbers<[1], [0], [0], [1], [0, 0, 1, 1], [], []>, transpose_lhs_hint = false} : vector<1024x4xf32>, vector<4x128xf32>, vector<1024x128xf32> -> vector<1024x128xf32>
    %add3A = vector.broadcast %get3A_1 : vector<1x128xf32> to vector<1024x128xf32>
    %add3A_9 = arith.addf %add3A, %dot_general3A_8 : vector<1024x128xf32>
    %logistic3A = arith.negf %add3A_9 : vector<1024x128xf32>
    %logistic3A_10 = math.exp %logistic3A : vector<1024x128xf32>
    %logistic3A_11 = arith.constant 1.000000e+00 : f32
    %logistic3A_12 = vector.broadcast %logistic3A_11 : f32 to vector<1024x128xf32>
    %logistic3A_13 = arith.addf %logistic3A_12, %logistic3A_10 : vector<1024x128xf32>
    %logistic3A_14 = arith.divf %logistic3A_12, %logistic3A_13 : vector<1024x128xf32>
    %mul3A = arith.mulf %add3A_9, %logistic3A_14 : vector<1024x128xf32>
    %get3A_15 = arith.constant 0 : index
    %get3A_16 = arith.constant 0 : index
    %get3A_17 = vector.load %arg4[%get3A_15, %get3A_16] : memref<128x128xf32, #tpu.memory_space<vmem>>, vector<128x128xf32>
    %dot_general3A_18 = arith.constant dense<0.000000e+00> : vector<1024x128xf32>
    %dot_general3A_19 = tpu.matmul %mul3A, %get3A_17, %dot_general3A_18 {dimension_numbers = #tpu.dot_dimension_numbers<[1], [0], [0], [1], [0, 0, 1, 1], [], []>, transpose_lhs_hint = false} : vector<1024x128xf32>, vector<128x128xf32>, vector<1024x128xf32> -> vector<1024x128xf32>
    %get3A_20 = arith.constant 0 : index
    %get3A_21 = arith.constant 0 : index
    %get3A_22 = vector.load %arg5[%get3A_20, %get3A_21] : memref<1x128xf32, #tpu.memory_space<vmem>>, vector<1x128xf32>
    %add3A_23 = vector.broadcast %get3A_22 : vector<1x128xf32> to vector<1024x128xf32>
    %add3A_24 = arith.addf %dot_general3A_19, %add3A_23 : vector<1024x128xf32>
    %reduce_sum3A = arith.constant dense<0.000000e+00> : vector<1024xf32>
    %reduce_sum3A_25 = vector.multi_reduction <add>, %add3A_24, %reduce_sum3A [1] : vector<1024x128xf32> to vector<1024xf32>
    %broadcast_in_dim3A = vector.shape_cast %reduce_sum3A_25 : vector<1024xf32> to vector<1024x1xf32>
    %div3A = arith.constant 1.280000e+02 : f32
    %div3A_26 = vector.broadcast %div3A : f32 to vector<1024x1xf32>
    %div3A_27 = arith.divf %broadcast_in_dim3A, %div3A_26 : vector<1024x1xf32>
    %sub3A = vector.broadcast %div3A_27 : vector<1024x1xf32> to vector<1024x128xf32>
    %sub3A_28 = arith.subf %add3A_24, %sub3A : vector<1024x128xf32>
    %integer_pow3A = arith.mulf %sub3A_28, %sub3A_28 : vector<1024x128xf32>
    %reduce_sum3A_29 = arith.constant dense<0.000000e+00> : vector<1024xf32>
    %reduce_sum3A_30 = vector.multi_reduction <add>, %integer_pow3A, %reduce_sum3A_29 [1] : vector<1024x128xf32> to vector<1024xf32>
    %broadcast_in_dim3A_31 = vector.shape_cast %reduce_sum3A_30 : vector<1024xf32> to vector<1024x1xf32>
    %div3A_32 = arith.constant 1.280000e+02 : f32
    %div3A_33 = vector.broadcast %div3A_32 : f32 to vector<1024x1xf32>
    %div3A_34 = arith.divf %broadcast_in_dim3A_31, %div3A_33 : vector<1024x1xf32>
    %sub3A_35 = vector.broadcast %div3A_27 : vector<1024x1xf32> to vector<1024x128xf32>
    %sub3A_36 = arith.subf %add3A_24, %sub3A_35 : vector<1024x128xf32>
    %add3A_37 = arith.constant 9.99999974E-6 : f32
    %add3A_38 = vector.broadcast %add3A_37 : f32 to vector<1024x1xf32>
    %add3A_39 = arith.addf %div3A_34, %add3A_38 : vector<1024x1xf32>
    %rsqrt3A = math.rsqrt %add3A_39 : vector<1024x1xf32>
    %mul3A_40 = vector.broadcast %rsqrt3A : vector<1024x1xf32> to vector<1024x128xf32>
    %mul3A_41 = arith.mulf %sub3A_36, %mul3A_40 : vector<1024x128xf32>
    %get3A_42 = arith.constant 0 : index
    %get3A_43 = arith.constant 0 : index
    %get3A_44 = vector.load %arg6[%get3A_42, %get3A_43] : memref<1x128xf32, #tpu.memory_space<vmem>>, vector<1x128xf32>
    %mul3A_45 = vector.broadcast %get3A_44 : vector<1x128xf32> to vector<1024x128xf32>
    %mul3A_46 = arith.mulf %mul3A_41, %mul3A_45 : vector<1024x128xf32>
    %get3A_47 = arith.constant 0 : index
    %get3A_48 = arith.constant 0 : index
    %get3A_49 = vector.load %arg7[%get3A_47, %get3A_48] : memref<1x128xf32, #tpu.memory_space<vmem>>, vector<1x128xf32>
    %add3A_50 = vector.broadcast %get3A_49 : vector<1x128xf32> to vector<1024x128xf32>
    %add3A_51 = arith.addf %mul3A_46, %add3A_50 : vector<1024x128xf32>
    %swap3A = arith.constant 0 : index
    %swap3A_52 = arith.constant 0 : index
    %swap3A_53 = vector.load %arg8[%swap3A, %swap3A_52] : memref<1024x128xf32, #tpu.memory_space<vmem>>, vector<1024x128xf32>
    tpu.vector_store %arg8[%swap3A, %swap3A_52], %add3A_51 {strides = array<i32>} : memref<1024x128xf32, #tpu.memory_space<vmem>>, vector<1024x128xf32>,
    return
  }
  func.func @transform_0(%arg0: i32) -> (i32, i32) {
    %min3A = arith.constant 146 : i32
    %min3A_0 = arith.minsi %arg0, %min3A : i32
    %c0_i32 = arith.constant 0 : i32
    %c0_i32_1 = arith.constant 0 : i32
    return %min3A_0, %c0_i32 : i32, i32
  }
  func.func @transform_1(%arg0: i32) -> (i32, i32) {
    %c0_i32 = arith.constant 0 : i32
    %c0_i32_0 = arith.constant 0 : i32
    %c0_i32_1 = arith.constant 0 : i32
    return %c0_i32, %c0_i32_0 : i32, i32
  }
  func.func @transform_2(%arg0: i32) -> (i32, i32) {
    %c0_i32 = arith.constant 0 : i32
    %c0_i32_0 = arith.constant 0 : i32
    %c0_i32_1 = arith.constant 0 : i32
    return %c0_i32, %c0_i32_0 : i32, i32
  }
  func.func @transform_3(%arg0: i32) -> (i32, i32) {
    %c0_i32 = arith.constant 0 : i32
    %c0_i32_0 = arith.constant 0 : i32
    %c0_i32_1 = arith.constant 0 : i32
    return %c0_i32, %c0_i32_0 : i32, i32
  }
  func.func @transform_4(%arg0: i32) -> (i32, i32) {
    %c0_i32 = arith.constant 0 : i32
    %c0_i32_0 = arith.constant 0 : i32
    %c0_i32_1 = arith.constant 0 : i32
    return %c0_i32, %c0_i32_0 : i32, i32
  }
  func.func @transform_5(%arg0: i32) -> (i32, i32) {
    %c0_i32 = arith.constant 0 : i32
    %c0_i32_0 = arith.constant 0 : i32
    %c0_i32_1 = arith.constant 0 : i32
    return %c0_i32, %c0_i32_0 : i32, i32
  }
  func.func @transform_6(%arg0: i32) -> (i32, i32) {
    %c0_i32 = arith.constant 0 : i32
    %c0_i32_0 = arith.constant 0 : i32
    %c0_i32_1 = arith.constant 0 : i32
    return %c0_i32, %c0_i32_0 : i32, i32
  }
  func.func @transform_7(%arg0: i32) -> (i32, i32) {
    %c0_i32 = arith.constant 0 : i32
    %c0_i32_0 = arith.constant 0 : i32
    return %arg0, %c0_i32 : i32, i32
  }
}

module attributes {stable_mosaic.version = 14 : i64} {
  func.func @body(%arg0: i32, %arg1: memref<1024x128xf32, #tpu.memory_space<vmem>>, %arg2: memref<1024x128xf32, #tpu.memory_space<vmem>>, %arg3: memref<1024x128xf32, #tpu.memory_space<vmem>>, %arg4: memref<128x128xf32, #tpu.memory_space<vmem>>, %arg5: memref<128x128xf32, #tpu.memory_space<vmem>>, %arg6: memref<128x128xf32, #tpu.memory_space<vmem>>, %arg7: memref<1x128xf32, #tpu.memory_space<vmem>>, %arg8: memref<128x128xf32, #tpu.memory_space<vmem>>, %arg9: memref<1x128xf32, #tpu.memory_space<vmem>>, %arg10: memref<1x128xf32, #tpu.memory_space<vmem>>, %arg11: memref<1x128xf32, #tpu.memory_space<vmem>>, %arg12: memref<1024x128xf32, #tpu.memory_space<vmem>>, %arg13: memref<1024x128xf32, #tpu.memory_space<vmem>>) attributes {dimension_semantics = [#tpu.dimension_semantics<arbitrary>], iteration_bounds = array<i64: 148>, scalar_prefetch = 0 : i64, scratch_operands = 0 : i64, tpu.core_type = #tpu.core_type<tc>, window_params = [{transform_indices = @transform_0, window_bounds = array<i64: 1024, 128>}, {transform_indices = @transform_1, window_bounds = array<i64: 1024, 128>}, {transform_indices = @transform_2, window_bounds = array<i64: 1024, 128>}, {pipeline_mode = #tpu.pipeline_mode<synchronous>, transform_indices = @transform_3, window_bounds = array<i64: 128, 128>}, {pipeline_mode = #tpu.pipeline_mode<synchronous>, transform_indices = @transform_4, window_bounds = array<i64: 128, 128>}, {pipeline_mode = #tpu.pipeline_mode<synchronous>, transform_indices = @transform_5, window_bounds = array<i64: 128, 128>}, {pipeline_mode = #tpu.pipeline_mode<synchronous>, transform_indices = @transform_6, window_bounds = array<i64: 1, 128>}, {pipeline_mode = #tpu.pipeline_mode<synchronous>, transform_indices = @transform_7, window_bounds = array<i64: 128, 128>}, {pipeline_mode = #tpu.pipeline_mode<synchronous>, transform_indices = @transform_8, window_bounds = array<i64: 1, 128>}, {pipeline_mode = #tpu.pipeline_mode<synchronous>, transform_indices = @transform_9, window_bounds = array<i64: 1, 128>}, {pipeline_mode = #tpu.pipeline_mode<synchronous>, transform_indices = @transform_10, window_bounds = array<i64: 1, 128>}, {transform_indices = @transform_11, window_bounds = array<i64: 1024, 128>}, {transform_indices = @transform_12, window_bounds = array<i64: 1024, 128>}]} {
    %get3A = arith.constant 0 : index
    %get3A_0 = arith.constant 0 : index
    %get3A_1 = vector.load %arg7[%get3A, %get3A_0] : memref<1x128xf32, #tpu.memory_space<vmem>>, vector<1x128xf32>
    %get3A_2 = arith.constant 0 : index
    %get3A_3 = arith.constant 0 : index
    %get3A_4 = vector.load %arg1[%get3A_2, %get3A_3] : memref<1024x128xf32, #tpu.memory_space<vmem>>, vector<1024x128xf32>
    %get3A_5 = arith.constant 0 : index
    %get3A_6 = arith.constant 0 : index
    %get3A_7 = vector.load %arg4[%get3A_5, %get3A_6] : memref<128x128xf32, #tpu.memory_space<vmem>>, vector<128x128xf32>
    %dot_general3A = arith.constant dense<0.000000e+00> : vector<1024x128xf32>
    %dot_general3A_8 = tpu.matmul %get3A_4, %get3A_7, %dot_general3A {dimension_numbers = #tpu.dot_dimension_numbers<[1], [0], [0], [1], [0, 0, 1, 1], [], []>, transpose_lhs_hint = false} : vector<1024x128xf32>, vector<128x128xf32>, vector<1024x128xf32> -> vector<1024x128xf32>
    %add3A = vector.broadcast %get3A_1 : vector<1x128xf32> to vector<1024x128xf32>
    %add3A_9 = arith.addf %add3A, %dot_general3A_8 : vector<1024x128xf32>
    %get3A_10 = arith.constant 0 : index
    %get3A_11 = arith.constant 0 : index
    %get3A_12 = vector.load %arg2[%get3A_10, %get3A_11] : memref<1024x128xf32, #tpu.memory_space<vmem>>, vector<1024x128xf32>
    %get3A_13 = arith.constant 0 : index
    %get3A_14 = arith.constant 0 : index
    %get3A_15 = vector.load %arg5[%get3A_13, %get3A_14] : memref<128x128xf32, #tpu.memory_space<vmem>>, vector<128x128xf32>
    %dot_general3A_16 = arith.constant dense<0.000000e+00> : vector<1024x128xf32>
    %dot_general3A_17 = tpu.matmul %get3A_12, %get3A_15, %dot_general3A_16 {dimension_numbers = #tpu.dot_dimension_numbers<[1], [0], [0], [1], [0, 0, 1, 1], [], []>, transpose_lhs_hint = false} : vector<1024x128xf32>, vector<128x128xf32>, vector<1024x128xf32> -> vector<1024x128xf32>
    %add3A_18 = arith.addf %add3A_9, %dot_general3A_17 : vector<1024x128xf32>
    %get3A_19 = arith.constant 0 : index
    %get3A_20 = arith.constant 0 : index
    %get3A_21 = vector.load %arg3[%get3A_19, %get3A_20] : memref<1024x128xf32, #tpu.memory_space<vmem>>, vector<1024x128xf32>
    %get3A_22 = arith.constant 0 : index
    %get3A_23 = arith.constant 0 : index
    %get3A_24 = vector.load %arg6[%get3A_22, %get3A_23] : memref<128x128xf32, #tpu.memory_space<vmem>>, vector<128x128xf32>
    %dot_general3A_25 = arith.constant dense<0.000000e+00> : vector<1024x128xf32>
    %dot_general3A_26 = tpu.matmul %get3A_21, %get3A_24, %dot_general3A_25 {dimension_numbers = #tpu.dot_dimension_numbers<[1], [0], [0], [1], [0, 0, 1, 1], [], []>, transpose_lhs_hint = false} : vector<1024x128xf32>, vector<128x128xf32>, vector<1024x128xf32> -> vector<1024x128xf32>
    %add3A_27 = arith.addf %add3A_18, %dot_general3A_26 : vector<1024x128xf32>
    %logistic3A = arith.negf %add3A_27 : vector<1024x128xf32>
    %logistic3A_28 = math.exp %logistic3A : vector<1024x128xf32>
    %logistic3A_29 = arith.constant 1.000000e+00 : f32
    %logistic3A_30 = vector.broadcast %logistic3A_29 : f32 to vector<1024x128xf32>
    %logistic3A_31 = arith.addf %logistic3A_30, %logistic3A_28 : vector<1024x128xf32>
    %logistic3A_32 = arith.divf %logistic3A_30, %logistic3A_31 : vector<1024x128xf32>
    %mul3A = arith.mulf %add3A_27, %logistic3A_32 : vector<1024x128xf32>
    %get3A_33 = arith.constant 0 : index
    %get3A_34 = arith.constant 0 : index
    %get3A_35 = vector.load %arg8[%get3A_33, %get3A_34] : memref<128x128xf32, #tpu.memory_space<vmem>>, vector<128x128xf32>
    %dot_general3A_36 = arith.constant dense<0.000000e+00> : vector<1024x128xf32>
    %dot_general3A_37 = tpu.matmul %mul3A, %get3A_35, %dot_general3A_36 {dimension_numbers = #tpu.dot_dimension_numbers<[1], [0], [0], [1], [0, 0, 1, 1], [], []>, transpose_lhs_hint = false} : vector<1024x128xf32>, vector<128x128xf32>, vector<1024x128xf32> -> vector<1024x128xf32>
    %get3A_38 = arith.constant 0 : index
    %get3A_39 = arith.constant 0 : index
    %get3A_40 = vector.load %arg9[%get3A_38, %get3A_39] : memref<1x128xf32, #tpu.memory_space<vmem>>, vector<1x128xf32>
    %add3A_41 = vector.broadcast %get3A_40 : vector<1x128xf32> to vector<1024x128xf32>
    %add3A_42 = arith.addf %dot_general3A_37, %add3A_41 : vector<1024x128xf32>
    %reduce_sum3A = arith.constant dense<0.000000e+00> : vector<1024xf32>
    %reduce_sum3A_43 = vector.multi_reduction <add>, %add3A_42, %reduce_sum3A [1] : vector<1024x128xf32> to vector<1024xf32>
    %broadcast_in_dim3A = vector.shape_cast %reduce_sum3A_43 : vector<1024xf32> to vector<1024x1xf32>
    %div3A = arith.constant 1.280000e+02 : f32
    %div3A_44 = vector.broadcast %div3A : f32 to vector<1024x1xf32>
    %div3A_45 = arith.divf %broadcast_in_dim3A, %div3A_44 : vector<1024x1xf32>
    %sub3A = vector.broadcast %div3A_45 : vector<1024x1xf32> to vector<1024x128xf32>
    %sub3A_46 = arith.subf %add3A_42, %sub3A : vector<1024x128xf32>
    %integer_pow3A = arith.mulf %sub3A_46, %sub3A_46 : vector<1024x128xf32>
    %reduce_sum3A_47 = arith.constant dense<0.000000e+00> : vector<1024xf32>
    %reduce_sum3A_48 = vector.multi_reduction <add>, %integer_pow3A, %reduce_sum3A_47 [1] : vector<1024x128xf32> to vector<1024xf32>
    %broadcast_in_dim3A_49 = vector.shape_cast %reduce_sum3A_48 : vector<1024xf32> to vector<1024x1xf32>
    %div3A_50 = arith.constant 1.280000e+02 : f32
    %div3A_51 = vector.broadcast %div3A_50 : f32 to vector<1024x1xf32>
    %div3A_52 = arith.divf %broadcast_in_dim3A_49, %div3A_51 : vector<1024x1xf32>
    %sub3A_53 = vector.broadcast %div3A_45 : vector<1024x1xf32> to vector<1024x128xf32>
    %sub3A_54 = arith.subf %add3A_42, %sub3A_53 : vector<1024x128xf32>
    %add3A_55 = arith.constant 9.99999974E-6 : f32
    %add3A_56 = vector.broadcast %add3A_55 : f32 to vector<1024x1xf32>
    %add3A_57 = arith.addf %div3A_52, %add3A_56 : vector<1024x1xf32>
    %rsqrt3A = math.rsqrt %add3A_57 : vector<1024x1xf32>
    %mul3A_58 = vector.broadcast %rsqrt3A : vector<1024x1xf32> to vector<1024x128xf32>
    %mul3A_59 = arith.mulf %sub3A_54, %mul3A_58 : vector<1024x128xf32>
    %get3A_60 = arith.constant 0 : index
    %get3A_61 = arith.constant 0 : index
    %get3A_62 = vector.load %arg10[%get3A_60, %get3A_61] : memref<1x128xf32, #tpu.memory_space<vmem>>, vector<1x128xf32>
    %mul3A_63 = vector.broadcast %get3A_62 : vector<1x128xf32> to vector<1024x128xf32>
    %mul3A_64 = arith.mulf %mul3A_59, %mul3A_63 : vector<1024x128xf32>
    %get3A_65 = arith.constant 0 : index
    %get3A_66 = arith.constant 0 : index
    %get3A_67 = vector.load %arg11[%get3A_65, %get3A_66] : memref<1x128xf32, #tpu.memory_space<vmem>>, vector<1x128xf32>
    %add3A_68 = vector.broadcast %get3A_67 : vector<1x128xf32> to vector<1024x128xf32>
    %add3A_69 = arith.addf %mul3A_64, %add3A_68 : vector<1024x128xf32>
    %get3A_70 = arith.constant 0 : index
    %get3A_71 = arith.constant 0 : index
    %get3A_72 = vector.load %arg12[%get3A_70, %get3A_71] : memref<1024x128xf32, #tpu.memory_space<vmem>>, vector<1024x128xf32>
    %add3A_73 = arith.addf %add3A_69, %get3A_72 : vector<1024x128xf32>
    %swap3A = arith.constant 0 : index
    %swap3A_74 = arith.constant 0 : index
    %swap3A_75 = vector.load %arg13[%swap3A, %swap3A_74] : memref<1024x128xf32, #tpu.memory_space<vmem>>, vector<1024x128xf32>
    tpu.vector_store %arg13[%swap3A, %swap3A_74], %add3A_73 {strides = array<i32>} : memref<1024x128xf32, #tpu.memory_space<vmem>>, vector<1024x128xf32>,
    return
  }
  func.func @transform_0(%arg0: i32) -> (i32, i32) {
    %min3A = arith.constant 147 : i32
    %min3A_0 = arith.minsi %arg0, %min3A : i32
    %c0_i32 = arith.constant 0 : i32
    %c0_i32_1 = arith.constant 0 : i32
    return %min3A_0, %c0_i32 : i32, i32
  }
  func.func @transform_1(%arg0: i32) -> (i32, i32) {
    %min3A = arith.constant 147 : i32
    %min3A_0 = arith.minsi %arg0, %min3A : i32
    %c0_i32 = arith.constant 0 : i32
    %c0_i32_1 = arith.constant 0 : i32
    return %min3A_0, %c0_i32 : i32, i32
  }
  func.func @transform_2(%arg0: i32) -> (i32, i32) {
    %min3A = arith.constant 147 : i32
    %min3A_0 = arith.minsi %arg0, %min3A : i32
    %c0_i32 = arith.constant 0 : i32
    %c0_i32_1 = arith.constant 0 : i32
    return %min3A_0, %c0_i32 : i32, i32
  }
  func.func @transform_3(%arg0: i32) -> (i32, i32) {
    %c0_i32 = arith.constant 0 : i32
    %c0_i32_0 = arith.constant 0 : i32
    %c0_i32_1 = arith.constant 0 : i32
    return %c0_i32, %c0_i32_0 : i32, i32
  }
  func.func @transform_4(%arg0: i32) -> (i32, i32) {
    %c0_i32 = arith.constant 0 : i32
    %c0_i32_0 = arith.constant 0 : i32
    %c0_i32_1 = arith.constant 0 : i32
    return %c0_i32, %c0_i32_0 : i32, i32
  }
  func.func @transform_5(%arg0: i32) -> (i32, i32) {
    %c0_i32 = arith.constant 0 : i32
    %c0_i32_0 = arith.constant 0 : i32
    %c0_i32_1 = arith.constant 0 : i32
    return %c0_i32, %c0_i32_0 : i32, i32
  }
  func.func @transform_6(%arg0: i32) -> (i32, i32) {
    %c0_i32 = arith.constant 0 : i32
    %c0_i32_0 = arith.constant 0 : i32
    %c0_i32_1 = arith.constant 0 : i32
    return %c0_i32, %c0_i32_0 : i32, i32
  }
  func.func @transform_7(%arg0: i32) -> (i32, i32) {
    %c0_i32 = arith.constant 0 : i32
    %c0_i32_0 = arith.constant 0 : i32
    %c0_i32_1 = arith.constant 0 : i32
    return %c0_i32, %c0_i32_0 : i32, i32
  }
  func.func @transform_8(%arg0: i32) -> (i32, i32) {
    %c0_i32 = arith.constant 0 : i32
    %c0_i32_0 = arith.constant 0 : i32
    %c0_i32_1 = arith.constant 0 : i32
    return %c0_i32, %c0_i32_0 : i32, i32
  }
  func.func @transform_9(%arg0: i32) -> (i32, i32) {
    %c0_i32 = arith.constant 0 : i32
    %c0_i32_0 = arith.constant 0 : i32
    %c0_i32_1 = arith.constant 0 : i32
    return %c0_i32, %c0_i32_0 : i32, i32
  }
  func.func @transform_10(%arg0: i32) -> (i32, i32) {
    %c0_i32 = arith.constant 0 : i32
    %c0_i32_0 = arith.constant 0 : i32
    %c0_i32_1 = arith.constant 0 : i32
    return %c0_i32, %c0_i32_0 : i32, i32
  }
  func.func @transform_11(%arg0: i32) -> (i32, i32) {
    %min3A = arith.constant 147 : i32
    %min3A_0 = arith.minsi %arg0, %min3A : i32
    %c0_i32 = arith.constant 0 : i32
    %c0_i32_1 = arith.constant 0 : i32
    return %min3A_0, %c0_i32 : i32, i32
  }
  func.func @transform_12(%arg0: i32) -> (i32, i32) {
    %c0_i32 = arith.constant 0 : i32
    %c0_i32_0 = arith.constant 0 : i32
    return %arg0, %c0_i32 : i32, i32
  }
}

module attributes {stable_mosaic.version = 14 : i64} {
  func.func @body(%arg0: i32, %arg1: memref<1000x128xf32, #tpu.memory_space<vmem>>, %arg2: memref<1000x128xf32, #tpu.memory_space<vmem>>, %arg3: memref<1000x128xf32, #tpu.memory_space<vmem>>, %arg4: memref<128x128xf32, #tpu.memory_space<vmem>>, %arg5: memref<128x128xf32, #tpu.memory_space<vmem>>, %arg6: memref<128x128xf32, #tpu.memory_space<vmem>>, %arg7: memref<1x128xf32, #tpu.memory_space<vmem>>, %arg8: memref<128x128xf32, #tpu.memory_space<vmem>>, %arg9: memref<1x128xf32, #tpu.memory_space<vmem>>, %arg10: memref<1x128xf32, #tpu.memory_space<vmem>>, %arg11: memref<1x128xf32, #tpu.memory_space<vmem>>, %arg12: memref<1000x128xf32, #tpu.memory_space<vmem>>, %arg13: memref<128x128xf32, #tpu.memory_space<vmem>>, %arg14: memref<1x128xf32, #tpu.memory_space<vmem>>, %arg15: memref<128x227xf32, #tpu.memory_space<vmem>>, %arg16: memref<1x227xf32, #tpu.memory_space<vmem>>, %arg17: memref<1000x227xf32, #tpu.memory_space<vmem>>) attributes {dimension_semantics = [#tpu.dimension_semantics<arbitrary>], iteration_bounds = array<i64: 50>, scalar_prefetch = 0 : i64, scratch_operands = 0 : i64, tpu.core_type = #tpu.core_type<tc>, window_params = [{transform_indices = @transform_0, window_bounds = array<i64: 1000, 128>}, {transform_indices = @transform_1, window_bounds = array<i64: 1000, 128>}, {transform_indices = @transform_2, window_bounds = array<i64: 1000, 128>}, {pipeline_mode = #tpu.pipeline_mode<synchronous>, transform_indices = @transform_3, window_bounds = array<i64: 128, 128>}, {pipeline_mode = #tpu.pipeline_mode<synchronous>, transform_indices = @transform_4, window_bounds = array<i64: 128, 128>}, {pipeline_mode = #tpu.pipeline_mode<synchronous>, transform_indices = @transform_5, window_bounds = array<i64: 128, 128>}, {pipeline_mode = #tpu.pipeline_mode<synchronous>, transform_indices = @transform_6, window_bounds = array<i64: 1, 128>}, {pipeline_mode = #tpu.pipeline_mode<synchronous>, transform_indices = @transform_7, window_bounds = array<i64: 128, 128>}, {pipeline_mode = #tpu.pipeline_mode<synchronous>, transform_indices = @transform_8, window_bounds = array<i64: 1, 128>}, {pipeline_mode = #tpu.pipeline_mode<synchronous>, transform_indices = @transform_9, window_bounds = array<i64: 1, 128>}, {pipeline_mode = #tpu.pipeline_mode<synchronous>, transform_indices = @transform_10, window_bounds = array<i64: 1, 128>}, {transform_indices = @transform_11, window_bounds = array<i64: 1000, 128>}, {pipeline_mode = #tpu.pipeline_mode<synchronous>, transform_indices = @transform_12, window_bounds = array<i64: 128, 128>}, {pipeline_mode = #tpu.pipeline_mode<synchronous>, transform_indices = @transform_13, window_bounds = array<i64: 1, 128>}, {pipeline_mode = #tpu.pipeline_mode<synchronous>, transform_indices = @transform_14, window_bounds = array<i64: 128, 227>}, {pipeline_mode = #tpu.pipeline_mode<synchronous>, transform_indices = @transform_15, window_bounds = array<i64: 1, 227>}, {transform_indices = @transform_16, window_bounds = array<i64: 1000, 227>}]} {
    %get3A = arith.constant 0 : index
    %get3A_0 = arith.constant 0 : index
    %get3A_1 = vector.load %arg7[%get3A, %get3A_0] : memref<1x128xf32, #tpu.memory_space<vmem>>, vector<1x128xf32>
    %get3A_2 = arith.constant 0 : index
    %get3A_3 = arith.constant 0 : index
    %get3A_4 = vector.load %arg1[%get3A_2, %get3A_3] : memref<1000x128xf32, #tpu.memory_space<vmem>>, vector<1000x128xf32>
    %get3A_5 = arith.constant 0 : index
    %get3A_6 = arith.constant 0 : index
    %get3A_7 = vector.load %arg4[%get3A_5, %get3A_6] : memref<128x128xf32, #tpu.memory_space<vmem>>, vector<128x128xf32>
    %dot_general3A = arith.constant dense<0.000000e+00> : vector<1000x128xf32>
    %dot_general3A_8 = tpu.matmul %get3A_4, %get3A_7, %dot_general3A {dimension_numbers = #tpu.dot_dimension_numbers<[1], [0], [0], [1], [0, 0, 1, 1], [], []>, transpose_lhs_hint = false} : vector<1000x128xf32>, vector<128x128xf32>, vector<1000x128xf32> -> vector<1000x128xf32>
    %add3A = vector.broadcast %get3A_1 : vector<1x128xf32> to vector<1000x128xf32>
    %add3A_9 = arith.addf %add3A, %dot_general3A_8 : vector<1000x128xf32>
    %get3A_10 = arith.constant 0 : index
    %get3A_11 = arith.constant 0 : index
    %get3A_12 = vector.load %arg2[%get3A_10, %get3A_11] : memref<1000x128xf32, #tpu.memory_space<vmem>>, vector<1000x128xf32>
    %get3A_13 = arith.constant 0 : index
    %get3A_14 = arith.constant 0 : index
    %get3A_15 = vector.load %arg5[%get3A_13, %get3A_14] : memref<128x128xf32, #tpu.memory_space<vmem>>, vector<128x128xf32>
    %dot_general3A_16 = arith.constant dense<0.000000e+00> : vector<1000x128xf32>
    %dot_general3A_17 = tpu.matmul %get3A_12, %get3A_15, %dot_general3A_16 {dimension_numbers = #tpu.dot_dimension_numbers<[1], [0], [0], [1], [0, 0, 1, 1], [], []>, transpose_lhs_hint = false} : vector<1000x128xf32>, vector<128x128xf32>, vector<1000x128xf32> -> vector<1000x128xf32>
    %add3A_18 = arith.addf %add3A_9, %dot_general3A_17 : vector<1000x128xf32>
    %get3A_19 = arith.constant 0 : index
    %get3A_20 = arith.constant 0 : index
    %get3A_21 = vector.load %arg3[%get3A_19, %get3A_20] : memref<1000x128xf32, #tpu.memory_space<vmem>>, vector<1000x128xf32>
    %get3A_22 = arith.constant 0 : index
    %get3A_23 = arith.constant 0 : index
    %get3A_24 = vector.load %arg6[%get3A_22, %get3A_23] : memref<128x128xf32, #tpu.memory_space<vmem>>, vector<128x128xf32>
    %dot_general3A_25 = arith.constant dense<0.000000e+00> : vector<1000x128xf32>
    %dot_general3A_26 = tpu.matmul %get3A_21, %get3A_24, %dot_general3A_25 {dimension_numbers = #tpu.dot_dimension_numbers<[1], [0], [0], [1], [0, 0, 1, 1], [], []>, transpose_lhs_hint = false} : vector<1000x128xf32>, vector<128x128xf32>, vector<1000x128xf32> -> vector<1000x128xf32>
    %add3A_27 = arith.addf %add3A_18, %dot_general3A_26 : vector<1000x128xf32>
    %logistic3A = arith.negf %add3A_27 : vector<1000x128xf32>
    %logistic3A_28 = math.exp %logistic3A : vector<1000x128xf32>
    %logistic3A_29 = arith.constant 1.000000e+00 : f32
    %logistic3A_30 = vector.broadcast %logistic3A_29 : f32 to vector<1000x128xf32>
    %logistic3A_31 = arith.addf %logistic3A_30, %logistic3A_28 : vector<1000x128xf32>
    %logistic3A_32 = arith.divf %logistic3A_30, %logistic3A_31 : vector<1000x128xf32>
    %mul3A = arith.mulf %add3A_27, %logistic3A_32 : vector<1000x128xf32>
    %get3A_33 = arith.constant 0 : index
    %get3A_34 = arith.constant 0 : index
    %get3A_35 = vector.load %arg8[%get3A_33, %get3A_34] : memref<128x128xf32, #tpu.memory_space<vmem>>, vector<128x128xf32>
    %dot_general3A_36 = arith.constant dense<0.000000e+00> : vector<1000x128xf32>
    %dot_general3A_37 = tpu.matmul %mul3A, %get3A_35, %dot_general3A_36 {dimension_numbers = #tpu.dot_dimension_numbers<[1], [0], [0], [1], [0, 0, 1, 1], [], []>, transpose_lhs_hint = false} : vector<1000x128xf32>, vector<128x128xf32>, vector<1000x128xf32> -> vector<1000x128xf32>
    %get3A_38 = arith.constant 0 : index
    %get3A_39 = arith.constant 0 : index
    %get3A_40 = vector.load %arg9[%get3A_38, %get3A_39] : memref<1x128xf32, #tpu.memory_space<vmem>>, vector<1x128xf32>
    %add3A_41 = vector.broadcast %get3A_40 : vector<1x128xf32> to vector<1000x128xf32>
    %add3A_42 = arith.addf %dot_general3A_37, %add3A_41 : vector<1000x128xf32>
    %reduce_sum3A = arith.constant dense<0.000000e+00> : vector<1000xf32>
    %reduce_sum3A_43 = vector.multi_reduction <add>, %add3A_42, %reduce_sum3A [1] : vector<1000x128xf32> to vector<1000xf32>
    %broadcast_in_dim3A = vector.shape_cast %reduce_sum3A_43 : vector<1000xf32> to vector<1000x1xf32>
    %div3A = arith.constant 1.280000e+02 : f32
    %div3A_44 = vector.broadcast %div3A : f32 to vector<1000x1xf32>
    %div3A_45 = arith.divf %broadcast_in_dim3A, %div3A_44 : vector<1000x1xf32>
    %sub3A = vector.broadcast %div3A_45 : vector<1000x1xf32> to vector<1000x128xf32>
    %sub3A_46 = arith.subf %add3A_42, %sub3A : vector<1000x128xf32>
    %integer_pow3A = arith.mulf %sub3A_46, %sub3A_46 : vector<1000x128xf32>
    %reduce_sum3A_47 = arith.constant dense<0.000000e+00> : vector<1000xf32>
    %reduce_sum3A_48 = vector.multi_reduction <add>, %integer_pow3A, %reduce_sum3A_47 [1] : vector<1000x128xf32> to vector<1000xf32>
    %broadcast_in_dim3A_49 = vector.shape_cast %reduce_sum3A_48 : vector<1000xf32> to vector<1000x1xf32>
    %div3A_50 = arith.constant 1.280000e+02 : f32
    %div3A_51 = vector.broadcast %div3A_50 : f32 to vector<1000x1xf32>
    %div3A_52 = arith.divf %broadcast_in_dim3A_49, %div3A_51 : vector<1000x1xf32>
    %sub3A_53 = vector.broadcast %div3A_45 : vector<1000x1xf32> to vector<1000x128xf32>
    %sub3A_54 = arith.subf %add3A_42, %sub3A_53 : vector<1000x128xf32>
    %add3A_55 = arith.constant 9.99999974E-6 : f32
    %add3A_56 = vector.broadcast %add3A_55 : f32 to vector<1000x1xf32>
    %add3A_57 = arith.addf %div3A_52, %add3A_56 : vector<1000x1xf32>
    %rsqrt3A = math.rsqrt %add3A_57 : vector<1000x1xf32>
    %mul3A_58 = vector.broadcast %rsqrt3A : vector<1000x1xf32> to vector<1000x128xf32>
    %mul3A_59 = arith.mulf %sub3A_54, %mul3A_58 : vector<1000x128xf32>
    %get3A_60 = arith.constant 0 : index
    %get3A_61 = arith.constant 0 : index
    %get3A_62 = vector.load %arg10[%get3A_60, %get3A_61] : memref<1x128xf32, #tpu.memory_space<vmem>>, vector<1x128xf32>
    %mul3A_63 = vector.broadcast %get3A_62 : vector<1x128xf32> to vector<1000x128xf32>
    %mul3A_64 = arith.mulf %mul3A_59, %mul3A_63 : vector<1000x128xf32>
    %get3A_65 = arith.constant 0 : index
    %get3A_66 = arith.constant 0 : index
    %get3A_67 = vector.load %arg11[%get3A_65, %get3A_66] : memref<1x128xf32, #tpu.memory_space<vmem>>, vector<1x128xf32>
    %add3A_68 = vector.broadcast %get3A_67 : vector<1x128xf32> to vector<1000x128xf32>
    %add3A_69 = arith.addf %mul3A_64, %add3A_68 : vector<1000x128xf32>
    %get3A_70 = arith.constant 0 : index
    %get3A_71 = arith.constant 0 : index
    %get3A_72 = vector.load %arg12[%get3A_70, %get3A_71] : memref<1000x128xf32, #tpu.memory_space<vmem>>, vector<1000x128xf32>
    %add3A_73 = arith.addf %add3A_69, %get3A_72 : vector<1000x128xf32>
    %get3A_74 = arith.constant 0 : index
    %get3A_75 = arith.constant 0 : index
    %get3A_76 = vector.load %arg13[%get3A_74, %get3A_75] : memref<128x128xf32, #tpu.memory_space<vmem>>, vector<128x128xf32>
    %get3A_77 = arith.constant 0 : index
    %get3A_78 = arith.constant 0 : index
    %get3A_79 = vector.load %arg14[%get3A_77, %get3A_78] : memref<1x128xf32, #tpu.memory_space<vmem>>, vector<1x128xf32>
    %get3A_80 = arith.constant 0 : index
    %get3A_81 = arith.constant 0 : index
    %get3A_82 = vector.load %arg15[%get3A_80, %get3A_81] : memref<128x227xf32, #tpu.memory_space<vmem>>, vector<128x227xf32>
    %get3A_83 = arith.constant 0 : index
    %get3A_84 = arith.constant 0 : index
    %get3A_85 = vector.load %arg16[%get3A_83, %get3A_84] : memref<1x227xf32, #tpu.memory_space<vmem>>, vector<1x227xf32>
    %dot_general3A_86 = arith.constant dense<0.000000e+00> : vector<1000x128xf32>
    %dot_general3A_87 = tpu.matmul %add3A_73, %get3A_76, %dot_general3A_86 {dimension_numbers = #tpu.dot_dimension_numbers<[1], [0], [0], [1], [0, 0, 1, 1], [], []>, transpose_lhs_hint = false} : vector<1000x128xf32>, vector<128x128xf32>, vector<1000x128xf32> -> vector<1000x128xf32>
    %add3A_88 = vector.broadcast %get3A_79 : vector<1x128xf32> to vector<1000x128xf32>
    %add3A_89 = arith.addf %dot_general3A_87, %add3A_88 : vector<1000x128xf32>
    %logistic3A_90 = arith.negf %add3A_89 : vector<1000x128xf32>
    %logistic3A_91 = math.exp %logistic3A_90 : vector<1000x128xf32>
    %logistic3A_92 = arith.constant 1.000000e+00 : f32
    %logistic3A_93 = vector.broadcast %logistic3A_92 : f32 to vector<1000x128xf32>
    %logistic3A_94 = arith.addf %logistic3A_93, %logistic3A_91 : vector<1000x128xf32>
    %logistic3A_95 = arith.divf %logistic3A_93, %logistic3A_94 : vector<1000x128xf32>
    %mul3A_96 = arith.mulf %add3A_89, %logistic3A_95 : vector<1000x128xf32>
    %dot_general3A_97 = arith.constant dense<0.000000e+00> : vector<1000x227xf32>
    %dot_general3A_98 = tpu.matmul %mul3A_96, %get3A_82, %dot_general3A_97 {dimension_numbers = #tpu.dot_dimension_numbers<[1], [0], [0], [1], [0, 0, 1, 1], [], []>, transpose_lhs_hint = false} : vector<1000x128xf32>, vector<128x227xf32>, vector<1000x227xf32> -> vector<1000x227xf32>
    %add3A_99 = vector.broadcast %get3A_85 : vector<1x227xf32> to vector<1000x227xf32>
    %add3A_100 = arith.addf %dot_general3A_98, %add3A_99 : vector<1000x227xf32>
    %swap3A = arith.constant 0 : index
    %swap3A_101 = arith.constant 0 : index
    %swap3A_102 = vector.load %arg17[%swap3A, %swap3A_101] : memref<1000x227xf32, #tpu.memory_space<vmem>>, vector<1000x227xf32>
    tpu.vector_store %arg17[%swap3A, %swap3A_101], %add3A_100 {strides = array<i32>} : memref<1000x227xf32, #tpu.memory_space<vmem>>, vector<1000x227xf32>,
    return
  }
  func.func @transform_0(%arg0: i32) -> (i32, i32) {
    %min3A = arith.constant 51 : i32
    %min3A_0 = arith.minsi %arg0, %min3A : i32
    %c0_i32 = arith.constant 0 : i32
    %c0_i32_1 = arith.constant 0 : i32
    return %min3A_0, %c0_i32 : i32, i32
  }
  func.func @transform_1(%arg0: i32) -> (i32, i32) {
    %min3A = arith.constant 51 : i32
    %min3A_0 = arith.minsi %arg0, %min3A : i32
    %c0_i32 = arith.constant 0 : i32
    %c0_i32_1 = arith.constant 0 : i32
    return %min3A_0, %c0_i32 : i32, i32
  }
  func.func @transform_2(%arg0: i32) -> (i32, i32) {
    %min3A = arith.constant 49 : i32
    %min3A_0 = arith.minsi %arg0, %min3A : i32
    %c0_i32 = arith.constant 0 : i32
    %c0_i32_1 = arith.constant 0 : i32
    return %min3A_0, %c0_i32 : i32, i32
  }
  func.func @transform_3(%arg0: i32) -> (i32, i32) {
    %c0_i32 = arith.constant 0 : i32
    %c0_i32_0 = arith.constant 0 : i32
    %c0_i32_1 = arith.constant 0 : i32
    return %c0_i32, %c0_i32_0 : i32, i32
  }
  func.func @transform_4(%arg0: i32) -> (i32, i32) {
    %c0_i32 = arith.constant 0 : i32
    %c0_i32_0 = arith.constant 0 : i32
    %c0_i32_1 = arith.constant 0 : i32
    return %c0_i32, %c0_i32_0 : i32, i32
  }
  func.func @transform_5(%arg0: i32) -> (i32, i32) {
    %c0_i32 = arith.constant 0 : i32
    %c0_i32_0 = arith.constant 0 : i32
    %c0_i32_1 = arith.constant 0 : i32
    return %c0_i32, %c0_i32_0 : i32, i32
  }
  func.func @transform_6(%arg0: i32) -> (i32, i32) {
    %c0_i32 = arith.constant 0 : i32
    %c0_i32_0 = arith.constant 0 : i32
    %c0_i32_1 = arith.constant 0 : i32
    return %c0_i32, %c0_i32_0 : i32, i32
  }
  func.func @transform_7(%arg0: i32) -> (i32, i32) {
    %c0_i32 = arith.constant 0 : i32
    %c0_i32_0 = arith.constant 0 : i32
    %c0_i32_1 = arith.constant 0 : i32
    return %c0_i32, %c0_i32_0 : i32, i32
  }
  func.func @transform_8(%arg0: i32) -> (i32, i32) {
    %c0_i32 = arith.constant 0 : i32
    %c0_i32_0 = arith.constant 0 : i32
    %c0_i32_1 = arith.constant 0 : i32
    return %c0_i32, %c0_i32_0 : i32, i32
  }
  func.func @transform_9(%arg0: i32) -> (i32, i32) {
    %c0_i32 = arith.constant 0 : i32
    %c0_i32_0 = arith.constant 0 : i32
    %c0_i32_1 = arith.constant 0 : i32
    return %c0_i32, %c0_i32_0 : i32, i32
  }
  func.func @transform_10(%arg0: i32) -> (i32, i32) {
    %c0_i32 = arith.constant 0 : i32
    %c0_i32_0 = arith.constant 0 : i32
    %c0_i32_1 = arith.constant 0 : i32
    return %c0_i32, %c0_i32_0 : i32, i32
  }
  func.func @transform_11(%arg0: i32) -> (i32, i32) {
    %min3A = arith.constant 49 : i32
    %min3A_0 = arith.minsi %arg0, %min3A : i32
    %c0_i32 = arith.constant 0 : i32
    %c0_i32_1 = arith.constant 0 : i32
    return %min3A_0, %c0_i32 : i32, i32
  }
  func.func @transform_12(%arg0: i32) -> (i32, i32) {
    %c0_i32 = arith.constant 0 : i32
    %c0_i32_0 = arith.constant 0 : i32
    %c0_i32_1 = arith.constant 0 : i32
    return %c0_i32, %c0_i32_0 : i32, i32
  }
  func.func @transform_13(%arg0: i32) -> (i32, i32) {
    %c0_i32 = arith.constant 0 : i32
    %c0_i32_0 = arith.constant 0 : i32
    %c0_i32_1 = arith.constant 0 : i32
    return %c0_i32, %c0_i32_0 : i32, i32
  }
  func.func @transform_14(%arg0: i32) -> (i32, i32) {
    %c0_i32 = arith.constant 0 : i32
    %c0_i32_0 = arith.constant 0 : i32
    %c0_i32_1 = arith.constant 0 : i32
    return %c0_i32, %c0_i32_0 : i32, i32
  }
  func.func @transform_15(%arg0: i32) -> (i32, i32) {
    %c0_i32 = arith.constant 0 : i32
    %c0_i32_0 = arith.constant 0 : i32
    %c0_i32_1 = arith.constant 0 : i32
    return %c0_i32, %c0_i32_0 : i32, i32
  }
  func.func @transform_16(%arg0: i32) -> (i32, i32) {
    %c0_i32 = arith.constant 0 : i32
    %c0_i32_0 = arith.constant 0 : i32
    return %arg0, %c0_i32 : i32, i32
  }
}

</mosaic_0001>

<sc_bundles>
// kernel: kernel.28.cloned.1.call-start
scs
__scs_entry_jumppad:
0x0: {  	(pc) =	sbr.rel $0x88, $3  }
0x1: {  	(tag) =	ssettag $0x0;
	lr =	simm.s32 $0x1  }
0x2: {  	[smem:$0x3F35] =	sst lr;
	_ =	strace $0xD0000000  }
0x3: {  	_ = 	snop  }
0x4: {  	_ = 	snop  }
0x5: {  	_ = 	snop  }
0x6: {  	_ = 	snop  }
0x7: {  	_ = 	snop  }
__scs_overlays_trampoline_lowered:
0x8: {  	[smem:$0x3F44] =	sst s0  }
0x9: {  	[smem:$0x3F45] =	sst s1  }
0xa: {  	[smem:$0x3F46] =	sst s2  }
0xb: {  	[smem:$0x3F47] =	sst s3  }
0xc: {  	[smem:$0x3F48] =	sst s4  }
0xd: {  	[smem:$0x3F49] =	sst s5  }
0xe: {  	[smem:$0x3F4A] =	sst s6  }
0xf: {  	[smem:$0x3F4B] =	sst s7  }
0x10: {  	[smem:$0x3F4C] =	sst s8  }
0x11: {  	[smem:$0x3F4D] =	sst s9;
	s0 =	simm.s32 @!p0 $0x0  }
0x12: {  	s1 =	sld [smem:$0x3F33];
	s0 =	simm.s32 @p0 $0x1  }
0x13: {  	[smem:$0x3F4E] =	sst s0;
	s0 =	simm.s32 @!p1 $0x0  }
0x14: {  	s2 =	sld [smem:$0x3F32];
	s0 =	simm.s32 @p1 $0x1  }
0x15: {  	[smem:$0x3F4F] =	sst s0;
	s0 =	simm.s32 @!p2 $0x0  }
0x16: {  	s3 =	sld [smem:$0x3FDB];
	s0 =	simm.s32 @p2 $0x1  }
0x17: {  	s4 =	simm.s32 $0x1BF5;
	[smem:$0x3F51] =	sst s0  }
0x18: {  	s0 =	sld [smem:$0x3F34];
	_ =	swait.ge [sflag:s4], $0x0  }
0x19: {  	s7 =	sld [smem:$0x3F35]  }
0x1a: {  	s8 =	sadd.s32 $0xFFFFE003, lr  }
0x1b: {  	s9 =	sadd.s32 $0xFFFFFEF7, lr;
	s5 =	simm.s32 $0xFFFFFFFF;
	p2 =	slt.u32 s8, $0xFFFFF086  }
0x1c: {  	p1 =	slt.u32 s9, $0xF7A;
	s5 =	simm.s32 @!p2 $0x0  }
0x1d: {  	s5 =	simm.s32 @p1 $0x1;
	p0 =	seq.s32 s7, s2  }
0x1e: {  	s7 =	smul.u32 @!p0 $0xF7A, s2;
	p2 =	seq.s32 @!p0 s5, $0x0  }
0x1f: {  	s9 =	smul.u32 $0xF7A, s1;
	s8 =	simm.s32 @!p0 $0x1BF5;
	p2 =	por !p2, p0  }
0x20: {  	[sflag:s8] =	ssyncset.s32 @!p0 $0xFFFFF086;
	s6 =	sadd.s32 @!p0 s3, s7;
	s7 =	simm.s32 @!p0 $0x108  }
0x21: {  	s3 =	sadd.s32 s3, s9;
	s6 =	sadd.s32 @!p0 $0x88, s6;
	s7 =	simm.s32 @p2 $0x1082  }
0x22: {  	[simem:s7], [sflag:s8] =	dma.local @!p0 [hbm:s6], $0xF7A  }
0x23: {  	s9 =	sor.u32 $0xD0000000, s2;
	s6 =	simm.s32 $0x108;
	_ =	swait.ge @!p0 [sflag:s8], $0x0  }
0x24: {  	s3 =	sadd.s32 $0x88, s3;
	s6 =	simm.s32 @!p1 $0x1082;
	[sflag:s4] =	ssyncset.s32 $0xFFFFF086  }
0x25: {  	[simem:s6], [sflag:s4] =	dma.local [hbm:s3], $0xF7A  }
0x26: {  	[smem:$0x3F35] =	sst s1;
	(tag) =	ssettag s2;
	_ =	strace s9  }
0x27: {  	s1 =	sld [smem:$0x3F45]  }
0x28: {  	s2 =	sld [smem:$0x3F46]  }
0x29: {  	s4 =	sld [smem:$0x3F48]  }
0x2a: {  	p0 =	seq.s32 s5, $0x0;
	s5 =	sld [smem:$0x3F49]  }
0x2b: {  	s6 =	sld [smem:$0x3F4A]  }
0x2c: {  	s7 =	sld [smem:$0x3F4B]  }
0x2d: {  	s3 =	simm.s32 $0x108;
	s8 =	sld [smem:$0x3F4C]  }
0x2e: {  	s3 =	simm.s32 @!p0 $0x1082;
	s9 =	sld [smem:$0x3F4D]  }
0x2f: {  	lr =	sadd.s32 s0, s3;
	s0 =	sld [smem:$0x3F44]  }
0x30: {  	s3 =	sld [smem:$0x3F47]  }
0x31: {  	[smem:$0x3F50] =	sst s10  }
0x32: {  	s10 =	sld [smem:$0x3F4E];
	_ =	sdelay $0x3  }
0x33: {  	p0 =	seq.s32 s10, $0x1;
	s10 =	sld [smem:$0x3F50];
	_ =	sdelay $0x3  }
0x34: {  	[smem:$0x3F50] =	sst s10  }
0x35: {  	s10 =	sld [smem:$0x3F4F];
	_ =	sdelay $0x3  }
0x36: {  	p1 =	seq.s32 s10, $0x1;
	s10 =	sld [smem:$0x3F50];
	_ =	sdelay $0x3  }
0x37: {  	[smem:$0x3F50] =	sst s10  }
0x38: {  	s10 =	sld [smem:$0x3F51]  }
0x39: {  	_ = 	snop;
	(pc) =	sbr.ind lr, $3  }
0x3a: {  	_ = 	snop  }
0x3b: {  	_ = 	snop  }
0x3c: {  	p2 =	seq.s32 s10, $0x1;
	s10 =	sld [smem:$0x3F50]  }
0x3d: {  	_ =	shalt  }
0x3e: {  	_ =	shalt  }
0x3f: {  	_ =	shalt  }
0x40: {  	_ =	shalt  }
0x41: {  	_ =	shalt  }
0x42: {  	_ =	shalt  }
0x43: {  	_ =	shalt  }
0x44: {  	_ =	shalt  }
0x45: {  	_ =	shalt  }
0x46: {  	_ =	shalt  }
0x47: {  	_ =	shalt  }
0x48: {  	_ =	shalt  }
0x49: {  	_ =	shalt  }
0x4a: {  	_ =	shalt  }
0x4b: {  	_ =	shalt  }
0x4c: {  	_ =	shalt  }
0x4d: {  	_ =	shalt  }
0x4e: {  	_ =	shalt  }
0x4f: {  	_ =	shalt  }
0x50: {  	_ =	shalt  }
0x51: {  	_ =	shalt  }
0x52: {  	_ =	shalt  }
0x53: {  	_ =	shalt  }
0x54: {  	_ =	shalt  }
0x55: {  	_ =	shalt  }
0x56: {  	_ =	shalt  }
0x57: {  	_ =	shalt  }
0x58: {  	_ =	shalt  }
0x59: {  	_ =	shalt  }
0x5a: {  	_ =	shalt  }
0x5b: {  	_ =	shalt  }
0x5c: {  	_ =	shalt  }
0x5d: {  	_ =	shalt  }
0x5e: {  	_ =	shalt  }
0x5f: {  	_ =	shalt  }
0x60: {  	_ =	shalt  }
0x61: {  	_ =	shalt  }
0x62: {  	_ =	shalt  }
0x63: {  	_ =	shalt  }
0x64: {  	_ =	shalt  }
0x65: {  	_ =	shalt  }
0x66: {  	_ =	shalt  }
0x67: {  	_ =	shalt  }
0x68: {  	_ =	shalt  }
0x69: {  	_ =	shalt  }
0x6a: {  	_ =	shalt  }
0x6b: {  	_ =	shalt  }
0x6c: {  	_ =	shalt  }
0x6d: {  	_ =	shalt  }
0x6e: {  	_ =	shalt  }
0x6f: {  	_ =	shalt  }
0x70: {  	_ =	shalt  }
0x71: {  	_ =	shalt  }
0x72: {  	_ =	shalt  }
0x73: {  	_ =	shalt  }
0x74: {  	_ =	shalt  }
0x75: {  	_ =	shalt  }
0x76: {  	_ =	shalt  }
0x77: {  	_ =	shalt  }
0x78: {  	_ =	shalt  }
0x79: {  	_ =	shalt  }
0x7a: {  	_ =	shalt  }
0x7b: {  	_ =	shalt  }
0x7c: {  	_ =	shalt  }
0x7d: {  	_ =	shalt  }
0x7e: {  	_ =	shalt  }
0x7f: {  	_ =	shalt  }
0x80: {  	_ =	shalt  }
0x81: {  	_ =	shalt  }
0x82: {  	_ =	shalt  }
0x83: {  	_ =	shalt  }
0x84: {  	_ =	shalt  }
0x85: {  	_ =	shalt  }
0x86: {  	_ =	shalt  }
0x87: {  	_ =	shalt  }
.Lfunc_end0:
.L_simem_size_0:
called_computation_lowered:
.L_overlay_start_0:
0x88: {  	s2 =	sld [smem:$0x3FD9]  }
0x89: {  	s3 =	sld [smem:$0x3FFE];
	_ =	sdelay $0x1  }
0x8a: {  	s1 =	srdreg.scid  }
0x8b: {  	s0 =	sand.u32 $0x1, s1  }
0x8c: {  	s16 =	sshll.u32 s0, $0xA;
	s2 =	sadd.s32 s3, s2  }
0x8d: {  	s2 =	sadd.s32 s2, s16  }
0x8e: {  	[smem:$0x3F5C] =	sst s2  }
0x8f: {  	_ = 	snop  }
0x90: {  	(tm) =	ssettm $0x1  }
0x91: {  	s17 =	sld [smem:$0x3FFB];
	_ =	sdelay $0x3  }
0x92: {  	_ =	strace s17  }
0x93: {  	s2 =	sld [smem:$0x3FFC];
	_ =	sdelay $0x3  }
0x94: {  	_ =	strace s2  }
0x95: {  	s2 =	sld [smem:$0x3FFD];
	_ =	sdelay $0x3  }
0x96: {  	_ =	strace s2  }
0x97: {  	_ =	strace $0x8FFFFFFF  }
0x98: {  	s18 =	sld [smem:$0x3FDB];
	_ =	sdelay $0x1  }
0x99: {  	s19 =	simm.s32 $_scs_section_size  }
0x9a: {  	s4 =	simm.s32 $_size__tile_overlayer_lowered;
	s5 =	simm.s32 $_tile_overlayer_lowered  }
0x9b: {  	s22 =	simm.s32 $0x1BFF;
	s21 =	sshll.u32 s5, $0x1;
	s2 =	sadd.s32 s19, s18  }
0x9c: {  	s6 =	simm.s32 $0x0;
	s20 =	sshll.u32 s4, $0x1;
	s4 =	sadd.s32 s21, s2  }
0x9d: {  	[timem:s6], [sflag:s22] =	dma.local [hbm:s4], s20  }
0x9e: {  	_ =	swait.ge [sflag:s22], s20  }
0x9f: {  	s3 =	ssub.s32 $0x0, s20;
	[sflag:s22] =	ssyncset.done $0x0  }
0xa0: {  	[sflag:s22] =	ssyncadd.s32 s3;
	_ =	sdelay $0x1  }
0xa1: {  	s23 =	simm.s32 $0x1B8B  }
0xa2: {  	_ =	swait.ge [sflag:s23], $0x1  }
0xa3: {  	[sflag:s23] =	ssyncset.done $0x0  }
0xa4: {  	s25 =	simm.s32 $0x1B8E;
	s24 =	sld [smem:$0x3FFE];
	[sflag:s23] =	ssyncadd.s32 $0xFFFFFFFF  }
0xa5: {  	s26 =	simm.s32 $execute0_lowered;
	[smem:$0x3FD2] =	sst s25  }
0xa6: {  	s4 =	sshll.u32 s26, $0x1;
	_ =	strace $0x80000046;
	[dreg:$0x1] =	wrdreg $0xFFFFFFFF  }
0xa7: {  	s28 =	simm.s32 $_size_execute0_lowered;
	s2 =	sadd.s32 s2, s4;
	[dreg:$0x0] =	wrdreg $0x0  }
0xa8: {  	s4 =	sshll.u32 s28, $0x1;
	[dreg:$0x2] =	wrdreg s2  }
0xa9: {  	[dreg:$0x3] =	wrdreg s4  }
0xaa: {  	[dreg:$0x4] =	wrdreg $0xC0  }
0xab: {  	_ =	task [dreg:s6], $0x5FFFF  }
0xac: {  	[dreg:$0x1] =	wrdreg $0xFFFFFFFF  }
0xad: {  	[dreg:$0x0] =	wrdreg $0x60  }
0xae: {  	[dreg:$0x2] =	wrdreg s24  }
0xaf: {  	[dreg:$0x3] =	wrdreg $0x9  }
0xb0: {  	_ =	task.clear_ibuf [dreg:s6], $0x4FFFF;
	_ =	strace $0x90000046  }
0xb1: {  	s29 =	simm.s32 $0x9;
	_ =	strace $0x80000048  }
0xb2: {  	_ =	swait.ge [sflag:s29], $0x1  }
0xb3: {  	[sflag:s29] =	ssyncadd.s32 $0xFFFFFFFF  }
0xb4: {  	_ =	strace $0x90000048  }
0xb5: {  	_ =	sfence  }
0xb6: {  	s30 =	sld [smem:$0x0];
	_ =	sdelay $0x2  }
0xb7: {  	s31 =	sshll.u32 s1, $0xD;
	s1 =	sshrl.u32 s1, $0x2  }
0xb8: {  	s3 =	sand.u32 $0x4000, s31;
	s1 =	sadd.s32 s1, s30  }
0xb9: {  	s0 =	sor.u32 s3, s0;
	s1 =	sshll.u32 s1, $0x11  }
0xba: {  	s0 =	sor.u32 s1, s0  }
0xbb: {  	s0 =	sadd.s32 $0x8F2B, s0  }
0xbc: {  	[sflag:s0] =	ssyncadd.remote.s32 $0x1  }
0xbd: {  	_ =	sfence.sel $0xFFFF  }
0xbe: {  	[dreg:$0x0] =	wrdreg $0xFFFFFFFF;
	(pc) =	sbr.abs _section_cstart, $3  }
0xbf: {  	[dreg:$0x1] =	wrdreg $0xFFFFFFFF  }
0xc0: {  	_ =	task.clear_ibuf [dreg:s6], $0x2FFFF;
	_ =	strace $0x9FFFFFFF  }
0xc1: {  	(tm) =	ssettm $0x7FFFFFFF  }
tec
execute0_lowered:
.L_overlay_start_1:
0x0: {  	(tag) =	ssettag $0x1  }
0x1: {  	s4 =	rddreg [dreg:$0x0]  }
0x2: {  	s0 =	rddreg [dreg:$0x1];
	s2 =	simm.s32 $0x0  }
0x3: {  	s1 =	stileid.u32;
	s3 =	srdreg.scid;
	s11 =	simm.s32 $0x80  }
0x4: {  	s12 =	simm.s32 $0x4080;
	s13 =	simm.s32 $0x4100;
	s14 =	simm.s32 $0x1  }
0x5: {  	s15 =	simm.s32 $0x2;
	[smem:$0x7FF] =	sst s2;
	s5 =	smul.u32 $0x280, s1  }
0x6: {  	s6 =	sand.u32 $0x1, s3;
	s3 =	sadd.s32 $0x331E00, s4;
	s7 =	smul.u32 $0x14000, s1  }
0x7: {  	s16 =	simm.s32 $0x0;
	_ =	strace $0x80000047;
	s10 =	smul.u32 $0xA000, s6  }
0x8: {  	s8 =	ssub.s32 $0x2, s6;
	s31 =	smul.u32 $0x140, s6;
	s9 =	sadd.s32 s5, s4  }
0x9: {  	s30 =	sshrl.u32 s8, $0x1;
	s7 =	sadd.s32 s7, s4;
	s4 =	sadd.s32 $0x18200, s4  }
0xa: {  	s5 =	ssub.s32 s8, s30;
	s7 =	sadd.s32 s10, s7;
	s9 =	sadd.s32 s31, s9  }
0xb: {  	s10 =	simm.s32 $0x3;
	s6 =	sadd.s32 $0x17F400, s7;
	s7 =	sadd.s32 $0x3F400, s7  }
0xc: {  	s5 =	smax.u32 s5, $0x1;
	s8 =	sadd.s32 $0x325600, s9;
	s9 =	sadd.s32 $0x32F600, s9  }
.LBB2_1:
0xd: {  	s17 =	sadd.s32 $0x0, s9  }
0xe: {  	[tilespmem:s2], [sflag:$0x3] =	stream.linear.gather [hbm4b:s17+s2], $0x80, $0x38;
	[tilespmem:$0x8100] =	vst v63  }
0xf: {  	_ =	swait.ge [sflag:s10], $0x80  }
0x10: {  	[sflag:s10] =	ssyncset.done $0x0  }
0x11: {  	[sflag:s10] =	ssyncadd.s32 $0xFFFFFF80  }
0x12: {  	[tilespmem:s11], [sflag:$0x1] =	stream.indirect.gather [hbm4b:s3+s11], $0x80, s2, s11, $0xb8;
	[tilespmem:$0x8100] =	vst v63  }
0x13: {  	s31 =	sadd.s32 $0x0, s8  }
0x14: {  	[tilespmem:s12], [sflag:$0x3] =	stream.linear.gather [hbm4b:s31+s2], $0x80, $0x38;
	[tilespmem:$0x8100] =	vst v63  }
0x15: {  	_ =	swait.ge [sflag:s10], $0x80  }
0x16: {  	[sflag:s10] =	ssyncset.done $0x0  }
0x17: {  	[sflag:s10] =	ssyncadd.s32 $0xFFFFFF80  }
0x18: {  	[tilespmem:s13], [sflag:$0x2] =	stream.indirect.gather [hbm4b:s4+s11], $0x80, s12, s11, $0xb8;
	[tilespmem:$0x8100] =	vst v63  }
0x19: {  	_ =	swait.ge [sflag:s14], $0x4000  }
0x1a: {  	[sflag:s14] =	ssyncset.done $0x0  }
0x1b: {  	[sflag:s14] =	ssyncadd.s32 $0xFFFFC000  }
0x1c: {  	[hbm4b:s7+s2] =	stream.linear.scatter [tilespmem:s11], [sflag:$0x3], $0x4000, $0x38;
	[tilespmem:$0x8100] =	vst v63  }
0x1d: {  	_ =	swait.ge [sflag:s10], $0x4000  }
0x1e: {  	[sflag:s10] =	ssyncset.done $0x0  }
0x1f: {  	[sflag:s10] =	ssyncadd.s32 $0xFFFFC000  }
0x20: {  	_ =	swait.ge [sflag:s15], $0x4000  }
0x21: {  	[sflag:s15] =	ssyncset.done $0x0  }
0x22: {  	[sflag:s15] =	ssyncadd.s32 $0xFFFFC000  }
0x23: {  	[hbm4b:s6+s2] =	stream.linear.scatter [tilespmem:s13], [sflag:$0x3], $0x4000, $0x38;
	[tilespmem:$0x8100] =	vst v63  }
0x24: {  	s19 =	simm.s32 $0x10;
	s20 =	simm.s32 $0x20;
	_ =	swait.ge [sflag:s10], $0x4000  }
0x25: {  	s18 =	sadd.s32 $0x800, s7;
	s17 =	sadd.s32 $0x800, s6;
	[sflag:s10] =	ssyncset.done $0x0  }
.LBB2_2:
0x26: {  	s21 =	sadd.s32 s19, s9  }
0x27: {  	[sflag:s10] =	ssyncadd.s32 $0xFFFFC000;
	s22 =	smov.u32 s20;
	s23 =	sadd.s32 $0x10, s20  }
0x28: {  	[tilespmem:s2], [sflag:$0x3] =	stream.linear.gather [hbm4b:s21+s2], $0x80, $0x38;
	[tilespmem:$0x8100] =	vst v63  }
0x29: {  	p0 =	sne.s32 s20, $0x130;
	_ =	swait.ge [sflag:s10], $0x80  }
0x2a: {  	[sflag:s10] =	ssyncset.done $0x0  }
0x2b: {  	[sflag:s10] =	ssyncadd.s32 $0xFFFFFF80  }
0x2c: {  	[tilespmem:s11], [sflag:$0x1] =	stream.indirect.gather [hbm4b:s3+s11], $0x80, s2, s11, $0xb8;
	[tilespmem:$0x8100] =	vst v63  }
0x2d: {  	s20 =	sadd.s32 s19, s8;
	s19 =	smov.u32 s22  }
0x2e: {  	[tilespmem:s12], [sflag:$0x3] =	stream.linear.gather [hbm4b:s20+s2], $0x80, $0x38;
	[tilespmem:$0x8100] =	vst v63  }
0x2f: {  	_ =	swait.ge [sflag:s10], $0x80  }
0x30: {  	[sflag:s10] =	ssyncset.done $0x0  }
0x31: {  	[sflag:s10] =	ssyncadd.s32 $0xFFFFFF80  }
0x32: {  	[tilespmem:s13], [sflag:$0x2] =	stream.indirect.gather [hbm4b:s4+s11], $0x80, s12, s11, $0xb8;
	[tilespmem:$0x8100] =	vst v63  }
0x33: {  	_ =	swait.ge [sflag:s14], $0x4000  }
0x34: {  	[sflag:s14] =	ssyncset.done $0x0  }
0x35: {  	[sflag:s14] =	ssyncadd.s32 $0xFFFFC000  }
0x36: {  	[hbm4b:s18+s2] =	stream.linear.scatter [tilespmem:s11], [sflag:$0x3], $0x4000, $0x38;
	[tilespmem:$0x8100] =	vst v63  }
0x37: {  	_ =	swait.ge [sflag:s10], $0x4000  }
0x38: {  	[sflag:s10] =	ssyncset.done $0x0  }
0x39: {  	[sflag:s10] =	ssyncadd.s32 $0xFFFFC000  }
0x3a: {  	_ =	swait.ge [sflag:s15], $0x4000  }
.Ltmp0:
0x3b: {  	[sflag:s15] =	ssyncset.done $0x0;
	(pc) =	sbr.rel @p0 .LBB2_2-.Ltmp0, $4  }
0x3c: {  	[sflag:s15] =	ssyncadd.s32 $0xFFFFC000  }
0x3d: {  	[hbm4b:s17+s2] =	stream.linear.scatter [tilespmem:s13], [sflag:$0x3], $0x4000, $0x38;
	[tilespmem:$0x8100] =	vst v63  }
0x3e: {  	s20 =	smov.u32 s23;
	_ =	swait.ge [sflag:s10], $0x4000  }
0x3f: {  	s18 =	sadd.s32 $0x800, s18;
	s17 =	sadd.s32 $0x800, s17;
	[sflag:s10] =	ssyncset.done $0x0  }
0x40: {  	s20 =	sadd.s32 s19, s9;
	[sflag:s10] =	ssyncadd.s32 $0xFFFFC000  }
0x41: {  	[tilespmem:s2], [sflag:$0x3] =	stream.linear.gather [hbm4b:s20+s2], $0x80, $0x38;
	[tilespmem:$0x8100] =	vst v63  }
0x42: {  	_ =	swait.ge [sflag:s10], $0x80  }
0x43: {  	[sflag:s10] =	ssyncset.done $0x0  }
0x44: {  	[sflag:s10] =	ssyncadd.s32 $0xFFFFFF80  }
0x45: {  	[tilespmem:s11], [sflag:$0x1] =	stream.indirect.gather [hbm4b:s3+s11], $0x80, s2, s11, $0xb8;
	[tilespmem:$0x8100] =	vst v63  }
0x46: {  	s31 =	sadd.s32 s19, s8  }
0x47: {  	[tilespmem:s12], [sflag:$0x3] =	stream.linear.gather [hbm4b:s31+s2], $0x80, $0x38;
	[tilespmem:$0x8100] =	vst v63  }
0x48: {  	_ =	swait.ge [sflag:s10], $0x80  }
0x49: {  	[sflag:s10] =	ssyncset.done $0x0  }
0x4a: {  	[sflag:s10] =	ssyncadd.s32 $0xFFFFFF80  }
0x4b: {  	[tilespmem:s13], [sflag:$0x2] =	stream.indirect.gather [hbm4b:s4+s11], $0x80, s12, s11, $0xb8;
	[tilespmem:$0x8100] =	vst v63  }
0x4c: {  	_ =	swait.ge [sflag:s14], $0x4000  }
0x4d: {  	[sflag:s14] =	ssyncset.done $0x0  }
0x4e: {  	[sflag:s14] =	ssyncadd.s32 $0xFFFFC000  }
0x4f: {  	[hbm4b:s18+s2] =	stream.linear.scatter [tilespmem:s11], [sflag:$0x3], $0x4000, $0x38;
	[tilespmem:$0x8100] =	vst v63  }
0x50: {  	_ =	swait.ge [sflag:s10], $0x4000  }
0x51: {  	[sflag:s10] =	ssyncset.done $0x0  }
0x52: {  	[sflag:s10] =	ssyncadd.s32 $0xFFFFC000  }
0x53: {  	s16 =	sadd.s32 $0x1, s16;
	_ =	swait.ge [sflag:s15], $0x4000  }
0x54: {  	p0 =	sne.s32 s16, s5;
	[sflag:s15] =	ssyncset.done $0x0  }
.Ltmp1:
0x55: {  	[sflag:s15] =	ssyncadd.s32 $0xFFFFC000;
	(pc) =	sbr.rel @p0 .LBB2_1-.Ltmp1, $4  }
0x56: {  	[hbm4b:s17+s2] =	stream.linear.scatter [tilespmem:s13], [sflag:$0x3], $0x4000, $0x38;
	[tilespmem:$0x8100] =	vst v63  }
0x57: {  	_ =	swait.ge [sflag:s10], $0x4000  }
0x58: {  	[sflag:s10] =	ssyncset.done $0x0  }
0x59: {  	[sflag:s10] =	ssyncadd.s32 $0xFFFFC000  }
0x5a: {  	_ =	sfence.sel $0x180000  }
0x5b: {  	[bflag:$0x0] =	sbarrier.arrive $0xFFFF  }
0x5c: {  	p0 =	sne.s32 s1, $0x0;
	_ =	strace $0x90000047  }
0x5d: {  	s0 =	sadd.s32 @!p0 $0x100000, s0;
	[bflag:$0x2] =	sbarrier.arrive $0xFFFF  }
0x5e: {  	[sflag:s0] =	ssyncadd.tile.s32 @!p0 $0x1;
	_ =	shalt  }
.Lfunc_end2:
_tile_overlayer_lowered:
.L_overlay_start_2:
0x5f: {  	(tag) =	ssettag $0x2  }
0x60: {  	s0 =	rddreg [dreg:$0x0];
	s2 =	stileid.u32  }
0x61: {  	s1 =	rddreg [dreg:$0x1];
	p0 =	sne.s32 s2, $0x0  }
0x62: {  	s3 =	rddreg [dreg:$0x2];
	[bflag:$0x3] =	sbarrier.arrive $0xFFFF;
	s2 =	simm.s32 @!p0 $0x1C03  }
0x63: {  	[timem:s3], [sflag:s2] =	dma.local @!p0 [hbm:s0], s1  }
0x64: {  	s0 =	simm.s32 @!p0 $0x3  }
0x65: {  	_ =	swait.ge @!p0 [sflag:s0], s1  }
0x66: {  	s1 =	ssub.s32 @!p0 $0x0, s1;
	[sflag:s0] =	ssyncset.done @!p0 $0x0  }
0x67: {  	[sflag:s0] =	ssyncadd.s32 @!p0 s1  }
0x68: {  	[bflag:$0x3] =	sbarrier.arrive $0xFFFF  }
0x69: {  	_ =	shalt  }

// kernel: kernel.31.cloned.1.call-start
scs
__scs_entry_jumppad:
0x0: {  	(pc) =	sbr.rel $0x88, $3  }
0x1: {  	(tag) =	ssettag $0x0;
	lr =	simm.s32 $0x1  }
0x2: {  	[smem:$0x3F35] =	sst lr;
	_ =	strace $0xD0000000  }
0x3: {  	_ = 	snop  }
0x4: {  	_ = 	snop  }
0x5: {  	_ = 	snop  }
0x6: {  	_ = 	snop  }
0x7: {  	_ = 	snop  }
__scs_overlays_trampoline_lowered:
0x8: {  	[smem:$0x3F44] =	sst s0  }
0x9: {  	[smem:$0x3F45] =	sst s1  }
0xa: {  	[smem:$0x3F46] =	sst s2  }
0xb: {  	[smem:$0x3F47] =	sst s3  }
0xc: {  	[smem:$0x3F48] =	sst s4  }
0xd: {  	[smem:$0x3F49] =	sst s5  }
0xe: {  	[smem:$0x3F4A] =	sst s6  }
0xf: {  	[smem:$0x3F4B] =	sst s7  }
0x10: {  	[smem:$0x3F4C] =	sst s8  }
0x11: {  	[smem:$0x3F4D] =	sst s9;
	s0 =	simm.s32 @!p0 $0x0  }
0x12: {  	s1 =	sld [smem:$0x3F33];
	s0 =	simm.s32 @p0 $0x1  }
0x13: {  	[smem:$0x3F4E] =	sst s0;
	s0 =	simm.s32 @!p1 $0x0  }
0x14: {  	s2 =	sld [smem:$0x3F32];
	s0 =	simm.s32 @p1 $0x1  }
0x15: {  	[smem:$0x3F4F] =	sst s0;
	s0 =	simm.s32 @!p2 $0x0  }
0x16: {  	s3 =	sld [smem:$0x3FDB];
	s0 =	simm.s32 @p2 $0x1  }
0x17: {  	s4 =	simm.s32 $0x1BF5;
	[smem:$0x3F51] =	sst s0  }
0x18: {  	s0 =	sld [smem:$0x3F34];
	_ =	swait.ge [sflag:s4], $0x0  }
0x19: {  	s7 =	sld [smem:$0x3F35]  }
0x1a: {  	s8 =	sadd.s32 $0xFFFFE003, lr  }
0x1b: {  	s9 =	sadd.s32 $0xFFFFFEF7, lr;
	s5 =	simm.s32 $0xFFFFFFFF;
	p2 =	slt.u32 s8, $0xFFFFF086  }
0x1c: {  	p1 =	slt.u32 s9, $0xF7A;
	s5 =	simm.s32 @!p2 $0x0  }
0x1d: {  	s5 =	simm.s32 @p1 $0x1;
	p0 =	seq.s32 s7, s2  }
0x1e: {  	s7 =	smul.u32 @!p0 $0xF7A, s2;
	p2 =	seq.s32 @!p0 s5, $0x0  }
0x1f: {  	s9 =	smul.u32 $0xF7A, s1;
	s8 =	simm.s32 @!p0 $0x1BF5;
	p2 =	por !p2, p0  }
0x20: {  	[sflag:s8] =	ssyncset.s32 @!p0 $0xFFFFF086;
	s6 =	sadd.s32 @!p0 s3, s7;
	s7 =	simm.s32 @!p0 $0x108  }
0x21: {  	s3 =	sadd.s32 s3, s9;
	s6 =	sadd.s32 @!p0 $0x88, s6;
	s7 =	simm.s32 @p2 $0x1082  }
0x22: {  	[simem:s7], [sflag:s8] =	dma.local @!p0 [hbm:s6], $0xF7A  }
0x23: {  	s9 =	sor.u32 $0xD0000000, s2;
	s6 =	simm.s32 $0x108;
	_ =	swait.ge @!p0 [sflag:s8], $0x0  }
0x24: {  	s3 =	sadd.s32 $0x88, s3;
	s6 =	simm.s32 @!p1 $0x1082;
	[sflag:s4] =	ssyncset.s32 $0xFFFFF086  }
0x25: {  	[simem:s6], [sflag:s4] =	dma.local [hbm:s3], $0xF7A  }
0x26: {  	[smem:$0x3F35] =	sst s1;
	(tag) =	ssettag s2;
	_ =	strace s9  }
0x27: {  	s1 =	sld [smem:$0x3F45]  }
0x28: {  	s2 =	sld [smem:$0x3F46]  }
0x29: {  	s4 =	sld [smem:$0x3F48]  }
0x2a: {  	p0 =	seq.s32 s5, $0x0;
	s5 =	sld [smem:$0x3F49]  }
0x2b: {  	s6 =	sld [smem:$0x3F4A]  }
0x2c: {  	s7 =	sld [smem:$0x3F4B]  }
0x2d: {  	s3 =	simm.s32 $0x108;
	s8 =	sld [smem:$0x3F4C]  }
0x2e: {  	s3 =	simm.s32 @!p0 $0x1082;
	s9 =	sld [smem:$0x3F4D]  }
0x2f: {  	lr =	sadd.s32 s0, s3;
	s0 =	sld [smem:$0x3F44]  }
0x30: {  	s3 =	sld [smem:$0x3F47]  }
0x31: {  	[smem:$0x3F50] =	sst s10  }
0x32: {  	s10 =	sld [smem:$0x3F4E];
	_ =	sdelay $0x3  }
0x33: {  	p0 =	seq.s32 s10, $0x1;
	s10 =	sld [smem:$0x3F50];
	_ =	sdelay $0x3  }
0x34: {  	[smem:$0x3F50] =	sst s10  }
0x35: {  	s10 =	sld [smem:$0x3F4F];
	_ =	sdelay $0x3  }
0x36: {  	p1 =	seq.s32 s10, $0x1;
	s10 =	sld [smem:$0x3F50];
	_ =	sdelay $0x3  }
0x37: {  	[smem:$0x3F50] =	sst s10  }
0x38: {  	s10 =	sld [smem:$0x3F51]  }
0x39: {  	_ = 	snop;
	(pc) =	sbr.ind lr, $3  }
0x3a: {  	_ = 	snop  }
0x3b: {  	_ = 	snop  }
0x3c: {  	p2 =	seq.s32 s10, $0x1;
	s10 =	sld [smem:$0x3F50]  }
0x3d: {  	_ =	shalt  }
0x3e: {  	_ =	shalt  }
0x3f: {  	_ =	shalt  }
0x40: {  	_ =	shalt  }
0x41: {  	_ =	shalt  }
0x42: {  	_ =	shalt  }
0x43: {  	_ =	shalt  }
0x44: {  	_ =	shalt  }
0x45: {  	_ =	shalt  }
0x46: {  	_ =	shalt  }
0x47: {  	_ =	shalt  }
0x48: {  	_ =	shalt  }
0x49: {  	_ =	shalt  }
0x4a: {  	_ =	shalt  }
0x4b: {  	_ =	shalt  }
0x4c: {  	_ =	shalt  }
0x4d: {  	_ =	shalt  }
0x4e: {  	_ =	shalt  }
0x4f: {  	_ =	shalt  }
0x50: {  	_ =	shalt  }
0x51: {  	_ =	shalt  }
0x52: {  	_ =	shalt  }
0x53: {  	_ =	shalt  }
0x54: {  	_ =	shalt  }
0x55: {  	_ =	shalt  }
0x56: {  	_ =	shalt  }
0x57: {  	_ =	shalt  }
0x58: {  	_ =	shalt  }
0x59: {  	_ =	shalt  }
0x5a: {  	_ =	shalt  }
0x5b: {  	_ =	shalt  }
0x5c: {  	_ =	shalt  }
0x5d: {  	_ =	shalt  }
0x5e: {  	_ =	shalt  }
0x5f: {  	_ =	shalt  }
0x60: {  	_ =	shalt  }
0x61: {  	_ =	shalt  }
0x62: {  	_ =	shalt  }
0x63: {  	_ =	shalt  }
0x64: {  	_ =	shalt  }
0x65: {  	_ =	shalt  }
0x66: {  	_ =	shalt  }
0x67: {  	_ =	shalt  }
0x68: {  	_ =	shalt  }
0x69: {  	_ =	shalt  }
0x6a: {  	_ =	shalt  }
0x6b: {  	_ =	shalt  }
0x6c: {  	_ =	shalt  }
0x6d: {  	_ =	shalt  }
0x6e: {  	_ =	shalt  }
0x6f: {  	_ =	shalt  }
0x70: {  	_ =	shalt  }
0x71: {  	_ =	shalt  }
0x72: {  	_ =	shalt  }
0x73: {  	_ =	shalt  }
0x74: {  	_ =	shalt  }
0x75: {  	_ =	shalt  }
0x76: {  	_ =	shalt  }
0x77: {  	_ =	shalt  }
0x78: {  	_ =	shalt  }
0x79: {  	_ =	shalt  }
0x7a: {  	_ =	shalt  }
0x7b: {  	_ =	shalt  }
0x7c: {  	_ =	shalt  }
0x7d: {  	_ =	shalt  }
0x7e: {  	_ =	shalt  }
0x7f: {  	_ =	shalt  }
0x80: {  	_ =	shalt  }
0x81: {  	_ =	shalt  }
0x82: {  	_ =	shalt  }
0x83: {  	_ =	shalt  }
0x84: {  	_ =	shalt  }
0x85: {  	_ =	shalt  }
0x86: {  	_ =	shalt  }
0x87: {  	_ =	shalt  }
.Lfunc_end0:
.L_simem_size_0:
called_computation.1_lowered:
.L_overlay_start_0:
0x88: {  	s2 =	sld [smem:$0x3FD9]  }
0x89: {  	s3 =	sld [smem:$0x3FFE];
	_ =	sdelay $0x1  }
0x8a: {  	s1 =	srdreg.scid  }
0x8b: {  	s0 =	sand.u32 $0x1, s1  }
0x8c: {  	s17 =	sshll.u32 s0, $0xA;
	s2 =	sadd.s32 s3, s2  }
0x8d: {  	s2 =	sadd.s32 s2, s17  }
0x8e: {  	[smem:$0x3F5C] =	sst s2  }
0x8f: {  	_ = 	snop  }
0x90: {  	s2 =	sld [smem:$0x3FD0];
	(tm) =	ssettm $0x1  }
0x91: {  	s18 =	sld [smem:$0x3FFB];
	_ =	sdelay $0x3  }
0x92: {  	_ =	strace s18  }
0x93: {  	s3 =	sld [smem:$0x3FFC];
	_ =	sdelay $0x3  }
0x94: {  	_ =	strace s3  }
0x95: {  	s3 =	sld [smem:$0x3FFD];
	_ =	sdelay $0x3  }
0x96: {  	_ =	strace s3  }
0x97: {  	_ =	strace $0x8FFFFFFF  }
0x98: {  	s19 =	sld [smem:$0x3FDB];
	_ =	sdelay $0x1  }
0x99: {  	s4 =	simm.s32 $_scs_section_size  }
0x9a: {  	s5 =	simm.s32 $_size__tile_overlayer_lowered;
	s6 =	simm.s32 $_tile_overlayer_lowered  }
0x9b: {  	s22 =	simm.s32 $0x1BFF;
	s21 =	sshll.u32 s6, $0x1;
	s3 =	sadd.s32 s4, s19  }
0x9c: {  	s7 =	simm.s32 $0x0;
	s20 =	sshll.u32 s5, $0x1;
	s5 =	sadd.s32 s21, s3  }
0x9d: {  	[timem:s7], [sflag:s22] =	dma.local [hbm:s5], s20  }
0x9e: {  	_ =	swait.ge [sflag:s22], s20  }
0x9f: {  	s4 =	ssub.s32 $0x0, s20;
	[sflag:s22] =	ssyncset.done $0x0  }
0xa0: {  	[sflag:s22] =	ssyncadd.s32 s4;
	_ =	sdelay $0x1  }
0xa1: {  	s23 =	simm.s32 $0x1B8B  }
0xa2: {  	_ =	swait.ge [sflag:s23], $0x1  }
0xa3: {  	[sflag:s23] =	ssyncset.done $0x0  }
0xa4: {  	s25 =	simm.s32 $0x1B8E;
	s24 =	sld [smem:$0x3FFE];
	[sflag:s23] =	ssyncadd.s32 $0xFFFFFFFF  }
0xa5: {  	s26 =	simm.s32 $execute0_lowered;
	[smem:$0x3FD2] =	sst s25  }
0xa6: {  	s5 =	sshll.u32 s26, $0x1;
	_ =	strace $0x80000049;
	[dreg:$0x1] =	wrdreg $0xFFFFFFFF  }
0xa7: {  	s28 =	simm.s32 $_size_execute0_lowered;
	s3 =	sadd.s32 s3, s5;
	[dreg:$0x0] =	wrdreg $0x0  }
0xa8: {  	s5 =	sshll.u32 s28, $0x1;
	[dreg:$0x2] =	wrdreg s3  }
0xa9: {  	[dreg:$0x3] =	wrdreg s5  }
0xaa: {  	[dreg:$0x4] =	wrdreg $0xC0  }
0xab: {  	_ =	task [dreg:s7], $0x5FFFF  }
0xac: {  	[dreg:$0x1] =	wrdreg $0xFFFFFFFF  }
0xad: {  	[dreg:$0x0] =	wrdreg $0x60  }
0xae: {  	[dreg:$0x2] =	wrdreg s24  }
0xaf: {  	[dreg:$0x3] =	wrdreg s2  }
0xb0: {  	[dreg:$0x4] =	wrdreg $0x40800  }
0xb1: {  	[dreg:$0x5] =	wrdreg $0x9  }
0xb2: {  	_ =	task.clear_ibuf [dreg:s7], $0x6FFFF;
	_ =	strace $0x90000049  }
0xb3: {  	s29 =	simm.s32 $0x9;
	_ =	strace $0x8000004B  }
0xb4: {  	_ =	swait.ge [sflag:s29], $0x1  }
0xb5: {  	[sflag:s29] =	ssyncadd.s32 $0xFFFFFFFF  }
0xb6: {  	_ =	strace $0x9000004B  }
0xb7: {  	_ =	sfence  }
0xb8: {  	s30 =	sld [smem:$0x0];
	_ =	sdelay $0x2  }
0xb9: {  	s31 =	sshll.u32 s1, $0xD;
	s1 =	sshrl.u32 s1, $0x2  }
0xba: {  	s3 =	sand.u32 $0x4000, s31;
	s1 =	sadd.s32 s1, s30  }
0xbb: {  	s0 =	sor.u32 s3, s0;
	s1 =	sshll.u32 s1, $0x11  }
0xbc: {  	s0 =	sor.u32 s1, s0  }
0xbd: {  	s0 =	sadd.s32 $0x8F2B, s0  }
0xbe: {  	[sflag:s0] =	ssyncadd.remote.s32 $0x1  }
0xbf: {  	_ =	sfence.sel $0xFFFF  }
0xc0: {  	[dreg:$0x0] =	wrdreg $0xFFFFFFFF;
	(pc) =	sbr.abs _section_cstart, $3  }
0xc1: {  	[dreg:$0x1] =	wrdreg $0xFFFFFFFF  }
0xc2: {  	_ =	task.clear_ibuf [dreg:s7], $0x2FFFF;
	_ =	strace $0x9FFFFFFF  }
0xc3: {  	(tm) =	ssettm $0x7FFFFFFF  }
tec
execute0_lowered:
.L_overlay_start_1:
0x0: {  	(tag) =	ssettag $0x1  }
0x1: {  	s4 =	rddreg [dreg:$0x0]  }
0x2: {  	s7 =	rddreg [dreg:$0x1];
	s1 =	stileid.u32  }
0x3: {  	s2 =	rddreg [dreg:$0x2];
	s5 =	smul.u32 $0x14000, s1  }
0x4: {  	s0 =	rddreg [dreg:$0x3];
	s6 =	smul.u32 $0x280, s1  }
0x5: {  	s3 =	simm.s32 $0x0;
	s8 =	srdreg.scid;
	s9 =	smul.u32 $0x2800, s1  }
0x6: {  	[smem:$0x7FF] =	sst s3;
	s8 =	sand.u32 $0x1, s8;
	s11 =	smul.u32 $0x50000, s1  }
0x7: {  	s29 =	sshll.u32 s1, $0x6;
	_ =	strace $0x8000004A;
	s14 =	smul.u32 $0xA000, s8  }
0x8: {  	s25 =	ssub.s32 $0x2, s8;
	p0 =	seq.s32 s8, $0x1;
	s8 =	smul.u32 $0x140, s8  }
0x9: {  	s10 =	sadd.s32 s5, s4;
	s12 =	sadd.s32 s6, s4;
	s26 =	sadd.s32 s9, s4  }
0xa: {  	s13 =	sshrl.u32 s25, $0x1;
	s4 =	sadd.s32 $0x71C00, s4;
	s28 =	sshrl.u32 s11, $0x2  }
0xb: {  	s5 =	sor.u32 $0x1C01, s29;
	s13 =	ssub.s32 s25, s13;
	s11 =	sadd.s32 s28, s2  }
0xc: {  	s7 =	smov.u32 @p0 s4;
	s4 =	sadd.s32 $0x3F400, s26;
	s30 =	sadd.s32 s14, s10  }
0xd: {  	s31 =	sadd.s32 s8, s12;
	s12 =	simm.s32 $0x80;
	s6 =	smax.u32 s13, $0x1  }
0xe: {  	s7 =	sadd.s32 s7, s9;
	s8 =	sadd.s32 $0x3F5400, s30;
	s9 =	sadd.s32 $0x327E00, s31  }
0xf: {  	s10 =	sshrl.u32 s11, $0x3;
	s11 =	simm.s32 $0x1;
	s13 =	simm.s32 $0x0  }
.LBB2_1:
0x10: {  	[spmem:s10], [sflag:s5] =	dma.local [hbm:s4], $0x2800  }
0x11: {  	_ =	swait.ge [sflag:s11], $0x2800  }
0x12: {  	[sflag:s11] =	ssyncset.done $0x0  }
0x13: {  	[sflag:s11] =	ssyncadd.s32 $0xFFFFD800  }
0x14: {  	s14 =	sadd.s32 $0x0, s9;
	[bflag:$0x0] =	sbarrier.arrive $0xFFFF  }
0x15: {  	[tilespmem:s3], [sflag:$0x1] =	stream.linear.gather [hbm4b:s14+s3], $0x80, $0x38;
	[tilespmem:$0x18080] =	vst v63  }
0x16: {  	_ =	swait.ge [sflag:s11], $0x80  }
0x17: {  	[sflag:s11] =	ssyncset.done $0x0  }
0x18: {  	[sflag:s11] =	ssyncadd.s32 $0xFFFFFF80  }
0x19: {  	[tilespmem:s12], [sflag:$0x1] =	stream.linear.gather [hbm4b:s8+s3], $0x4000, $0x38;
	[tilespmem:$0x18080] =	vst v63  }
0x1a: {  	_ =	swait.ge [sflag:s11], $0x4000  }
0x1b: {  	[sflag:s11] =	ssyncset.done $0x0  }
0x1c: {  	[sflag:s11] =	ssyncadd.s32 $0xFFFFC000  }
0x1d: {  	[spmem:s2] =	stream.indirect.scatter.add.f32 [tilespmem:s12], [sflag:$0x1], $0x80, s3, s12, $0xb8;
	[tilespmem:$0x18080] =	vst v63  }
0x1e: {  	s15 =	simm.s32 $0x10;
	_ =	swait.ge [sflag:s11], $0x4000  }
0x1f: {  	s16 =	simm.s32 $0x20;
	s14 =	sadd.s32 $0x800, s8;
	[sflag:s11] =	ssyncset.done $0x0  }
.LBB2_2:
0x20: {  	s17 =	sadd.s32 s15, s9  }
0x21: {  	[sflag:s11] =	ssyncadd.s32 $0xFFFFC000;
	s15 =	smov.u32 s16;
	s18 =	sadd.s32 $0x10, s16  }
0x22: {  	[tilespmem:s3], [sflag:$0x1] =	stream.linear.gather [hbm4b:s17+s3], $0x80, $0x38;
	[tilespmem:$0x18080] =	vst v63  }
0x23: {  	p0 =	sne.s32 s16, $0x130;
	_ =	swait.ge [sflag:s11], $0x80  }
0x24: {  	[sflag:s11] =	ssyncset.done $0x0  }
0x25: {  	[sflag:s11] =	ssyncadd.s32 $0xFFFFFF80  }
0x26: {  	[tilespmem:s12], [sflag:$0x1] =	stream.linear.gather [hbm4b:s14+s3], $0x4000, $0x38;
	[tilespmem:$0x18080] =	vst v63  }
0x27: {  	_ =	swait.ge [sflag:s11], $0x4000  }
.Ltmp0:
0x28: {  	[sflag:s11] =	ssyncset.done $0x0;
	(pc) =	sbr.rel @p0 .LBB2_2-.Ltmp0, $4  }
0x29: {  	[sflag:s11] =	ssyncadd.s32 $0xFFFFC000  }
0x2a: {  	[spmem:s2] =	stream.indirect.scatter.add.f32 [tilespmem:s12], [sflag:$0x1], $0x80, s3, s12, $0xb8;
	[tilespmem:$0x18080] =	vst v63  }
0x2b: {  	_ =	swait.ge [sflag:s11], $0x4000  }
0x2c: {  	s16 =	smov.u32 s18;
	s14 =	sadd.s32 $0x800, s14;
	[sflag:s11] =	ssyncset.done $0x0  }
0x2d: {  	s15 =	sadd.s32 s15, s9;
	[sflag:s11] =	ssyncadd.s32 $0xFFFFC000  }
0x2e: {  	[tilespmem:s3], [sflag:$0x1] =	stream.linear.gather [hbm4b:s15+s3], $0x80, $0x38;
	[tilespmem:$0x18080] =	vst v63  }
0x2f: {  	_ =	swait.ge [sflag:s11], $0x80  }
0x30: {  	[sflag:s11] =	ssyncset.done $0x0  }
0x31: {  	[sflag:s11] =	ssyncadd.s32 $0xFFFFFF80  }
0x32: {  	[tilespmem:s12], [sflag:$0x1] =	stream.linear.gather [hbm4b:s14+s3], $0x4000, $0x38;
	[tilespmem:$0x18080] =	vst v63  }
0x33: {  	_ =	swait.ge [sflag:s11], $0x4000  }
0x34: {  	[sflag:s11] =	ssyncset.done $0x0  }
0x35: {  	[sflag:s11] =	ssyncadd.s32 $0xFFFFC000  }
0x36: {  	[spmem:s2] =	stream.indirect.scatter.add.f32 [tilespmem:s12], [sflag:$0x1], $0x80, s3, s12, $0xb8;
	[tilespmem:$0x18080] =	vst v63  }
0x37: {  	_ =	swait.ge [sflag:s11], $0x4000  }
0x38: {  	s13 =	sadd.s32 $0x1, s13;
	[sflag:s11] =	ssyncset.done $0x0  }
0x39: {  	p0 =	sne.s32 s13, s6;
	[sflag:s11] =	ssyncadd.s32 $0xFFFFC000  }
.Ltmp1:
0x3a: {  	[bflag:$0x0] =	sbarrier.arrive $0xFFFF;
	(pc) =	sbr.rel @p0 .LBB2_1-.Ltmp1, $4  }
0x3b: {  	[hbm:s7], [sflag:s5] =	dma.local [spmem:s10], $0x2800  }
0x3c: {  	_ =	swait.ge [sflag:s11], $0x2800  }
0x3d: {  	[sflag:s11] =	ssyncset.done $0x0  }
0x3e: {  	[sflag:s11] =	ssyncadd.s32 $0xFFFFD800  }
0x3f: {  	_ =	sfence.sel $0x180000  }
0x40: {  	[bflag:$0x0] =	sbarrier.arrive $0xFFFF  }
0x41: {  	p0 =	sne.s32 s1, $0x0;
	_ =	strace $0x9000004A  }
0x42: {  	s0 =	sadd.s32 @!p0 $0x100000, s0;
	[bflag:$0x2] =	sbarrier.arrive $0xFFFF  }
0x43: {  	[sflag:s0] =	ssyncadd.tile.s32 @!p0 $0x1;
	_ =	shalt  }
.Lfunc_end2:
_tile_overlayer_lowered:
.L_overlay_start_2:
0x44: {  	(tag) =	ssettag $0x2  }
0x45: {  	s0 =	rddreg [dreg:$0x0];
	s2 =	stileid.u32  }
0x46: {  	s1 =	rddreg [dreg:$0x1];
	p0 =	sne.s32 s2, $0x0  }
0x47: {  	s3 =	rddreg [dreg:$0x2];
	[bflag:$0x3] =	sbarrier.arrive $0xFFFF;
	s2 =	simm.s32 @!p0 $0x1C01  }
0x48: {  	[timem:s3], [sflag:s2] =	dma.local @!p0 [hbm:s0], s1  }
0x49: {  	s0 =	simm.s32 @!p0 $0x1  }
0x4a: {  	_ =	swait.ge @!p0 [sflag:s0], s1  }
0x4b: {  	s1 =	ssub.s32 @!p0 $0x0, s1;
	[sflag:s0] =	ssyncset.done @!p0 $0x0  }
0x4c: {  	[sflag:s0] =	ssyncadd.s32 @!p0 s1  }
0x4d: {  	[bflag:$0x3] =	sbarrier.arrive $0xFFFF  }
0x4e: {  	_ =	shalt  }

// kernel: kernel.34.cloned.1.call-start
scs
__scs_entry_jumppad:
0x0: {  	(pc) =	sbr.rel $0x88, $3  }
0x1: {  	(tag) =	ssettag $0x0;
	lr =	simm.s32 $0x1  }
0x2: {  	[smem:$0x3F35] =	sst lr;
	_ =	strace $0xD0000000  }
0x3: {  	_ = 	snop  }
0x4: {  	_ = 	snop  }
0x5: {  	_ = 	snop  }
0x6: {  	_ = 	snop  }
0x7: {  	_ = 	snop  }
__scs_overlays_trampoline_lowered:
0x8: {  	[smem:$0x3F44] =	sst s0  }
0x9: {  	[smem:$0x3F45] =	sst s1  }
0xa: {  	[smem:$0x3F46] =	sst s2  }
0xb: {  	[smem:$0x3F47] =	sst s3  }
0xc: {  	[smem:$0x3F48] =	sst s4  }
0xd: {  	[smem:$0x3F49] =	sst s5  }
0xe: {  	[smem:$0x3F4A] =	sst s6  }
0xf: {  	[smem:$0x3F4B] =	sst s7  }
0x10: {  	[smem:$0x3F4C] =	sst s8  }
0x11: {  	[smem:$0x3F4D] =	sst s9;
	s0 =	simm.s32 @!p0 $0x0  }
0x12: {  	s1 =	sld [smem:$0x3F33];
	s0 =	simm.s32 @p0 $0x1  }
0x13: {  	[smem:$0x3F4E] =	sst s0;
	s0 =	simm.s32 @!p1 $0x0  }
0x14: {  	s2 =	sld [smem:$0x3F32];
	s0 =	simm.s32 @p1 $0x1  }
0x15: {  	[smem:$0x3F4F] =	sst s0;
	s0 =	simm.s32 @!p2 $0x0  }
0x16: {  	s3 =	sld [smem:$0x3FDB];
	s0 =	simm.s32 @p2 $0x1  }
0x17: {  	s4 =	simm.s32 $0x1BF5;
	[smem:$0x3F51] =	sst s0  }
0x18: {  	s0 =	sld [smem:$0x3F34];
	_ =	swait.ge [sflag:s4], $0x0  }
0x19: {  	s7 =	sld [smem:$0x3F35]  }
0x1a: {  	s8 =	sadd.s32 $0xFFFFE003, lr  }
0x1b: {  	s9 =	sadd.s32 $0xFFFFFEF7, lr;
	s5 =	simm.s32 $0xFFFFFFFF;
	p2 =	slt.u32 s8, $0xFFFFF086  }
0x1c: {  	p1 =	slt.u32 s9, $0xF7A;
	s5 =	simm.s32 @!p2 $0x0  }
0x1d: {  	s5 =	simm.s32 @p1 $0x1;
	p0 =	seq.s32 s7, s2  }
0x1e: {  	s7 =	smul.u32 @!p0 $0xF7A, s2;
	p2 =	seq.s32 @!p0 s5, $0x0  }
0x1f: {  	s9 =	smul.u32 $0xF7A, s1;
	s8 =	simm.s32 @!p0 $0x1BF5;
	p2 =	por !p2, p0  }
0x20: {  	[sflag:s8] =	ssyncset.s32 @!p0 $0xFFFFF086;
	s6 =	sadd.s32 @!p0 s3, s7;
	s7 =	simm.s32 @!p0 $0x108  }
0x21: {  	s3 =	sadd.s32 s3, s9;
	s6 =	sadd.s32 @!p0 $0x88, s6;
	s7 =	simm.s32 @p2 $0x1082  }
0x22: {  	[simem:s7], [sflag:s8] =	dma.local @!p0 [hbm:s6], $0xF7A  }
0x23: {  	s9 =	sor.u32 $0xD0000000, s2;
	s6 =	simm.s32 $0x108;
	_ =	swait.ge @!p0 [sflag:s8], $0x0  }
0x24: {  	s3 =	sadd.s32 $0x88, s3;
	s6 =	simm.s32 @!p1 $0x1082;
	[sflag:s4] =	ssyncset.s32 $0xFFFFF086  }
0x25: {  	[simem:s6], [sflag:s4] =	dma.local [hbm:s3], $0xF7A  }
0x26: {  	[smem:$0x3F35] =	sst s1;
	(tag) =	ssettag s2;
	_ =	strace s9  }
0x27: {  	s1 =	sld [smem:$0x3F45]  }
0x28: {  	s2 =	sld [smem:$0x3F46]  }
0x29: {  	s4 =	sld [smem:$0x3F48]  }
0x2a: {  	p0 =	seq.s32 s5, $0x0;
	s5 =	sld [smem:$0x3F49]  }
0x2b: {  	s6 =	sld [smem:$0x3F4A]  }
0x2c: {  	s7 =	sld [smem:$0x3F4B]  }
0x2d: {  	s3 =	simm.s32 $0x108;
	s8 =	sld [smem:$0x3F4C]  }
0x2e: {  	s3 =	simm.s32 @!p0 $0x1082;
	s9 =	sld [smem:$0x3F4D]  }
0x2f: {  	lr =	sadd.s32 s0, s3;
	s0 =	sld [smem:$0x3F44]  }
0x30: {  	s3 =	sld [smem:$0x3F47]  }
0x31: {  	[smem:$0x3F50] =	sst s10  }
0x32: {  	s10 =	sld [smem:$0x3F4E];
	_ =	sdelay $0x3  }
0x33: {  	p0 =	seq.s32 s10, $0x1;
	s10 =	sld [smem:$0x3F50];
	_ =	sdelay $0x3  }
0x34: {  	[smem:$0x3F50] =	sst s10  }
0x35: {  	s10 =	sld [smem:$0x3F4F];
	_ =	sdelay $0x3  }
0x36: {  	p1 =	seq.s32 s10, $0x1;
	s10 =	sld [smem:$0x3F50];
	_ =	sdelay $0x3  }
0x37: {  	[smem:$0x3F50] =	sst s10  }
0x38: {  	s10 =	sld [smem:$0x3F51]  }
0x39: {  	_ = 	snop;
	(pc) =	sbr.ind lr, $3  }
0x3a: {  	_ = 	snop  }
0x3b: {  	_ = 	snop  }
0x3c: {  	p2 =	seq.s32 s10, $0x1;
	s10 =	sld [smem:$0x3F50]  }
0x3d: {  	_ =	shalt  }
0x3e: {  	_ =	shalt  }
0x3f: {  	_ =	shalt  }
0x40: {  	_ =	shalt  }
0x41: {  	_ =	shalt  }
0x42: {  	_ =	shalt  }
0x43: {  	_ =	shalt  }
0x44: {  	_ =	shalt  }
0x45: {  	_ =	shalt  }
0x46: {  	_ =	shalt  }
0x47: {  	_ =	shalt  }
0x48: {  	_ =	shalt  }
0x49: {  	_ =	shalt  }
0x4a: {  	_ =	shalt  }
0x4b: {  	_ =	shalt  }
0x4c: {  	_ =	shalt  }
0x4d: {  	_ =	shalt  }
0x4e: {  	_ =	shalt  }
0x4f: {  	_ =	shalt  }
0x50: {  	_ =	shalt  }
0x51: {  	_ =	shalt  }
0x52: {  	_ =	shalt  }
0x53: {  	_ =	shalt  }
0x54: {  	_ =	shalt  }
0x55: {  	_ =	shalt  }
0x56: {  	_ =	shalt  }
0x57: {  	_ =	shalt  }
0x58: {  	_ =	shalt  }
0x59: {  	_ =	shalt  }
0x5a: {  	_ =	shalt  }
0x5b: {  	_ =	shalt  }
0x5c: {  	_ =	shalt  }
0x5d: {  	_ =	shalt  }
0x5e: {  	_ =	shalt  }
0x5f: {  	_ =	shalt  }
0x60: {  	_ =	shalt  }
0x61: {  	_ =	shalt  }
0x62: {  	_ =	shalt  }
0x63: {  	_ =	shalt  }
0x64: {  	_ =	shalt  }
0x65: {  	_ =	shalt  }
0x66: {  	_ =	shalt  }
0x67: {  	_ =	shalt  }
0x68: {  	_ =	shalt  }
0x69: {  	_ =	shalt  }
0x6a: {  	_ =	shalt  }
0x6b: {  	_ =	shalt  }
0x6c: {  	_ =	shalt  }
0x6d: {  	_ =	shalt  }
0x6e: {  	_ =	shalt  }
0x6f: {  	_ =	shalt  }
0x70: {  	_ =	shalt  }
0x71: {  	_ =	shalt  }
0x72: {  	_ =	shalt  }
0x73: {  	_ =	shalt  }
0x74: {  	_ =	shalt  }
0x75: {  	_ =	shalt  }
0x76: {  	_ =	shalt  }
0x77: {  	_ =	shalt  }
0x78: {  	_ =	shalt  }
0x79: {  	_ =	shalt  }
0x7a: {  	_ =	shalt  }
0x7b: {  	_ =	shalt  }
0x7c: {  	_ =	shalt  }
0x7d: {  	_ =	shalt  }
0x7e: {  	_ =	shalt  }
0x7f: {  	_ =	shalt  }
0x80: {  	_ =	shalt  }
0x81: {  	_ =	shalt  }
0x82: {  	_ =	shalt  }
0x83: {  	_ =	shalt  }
0x84: {  	_ =	shalt  }
0x85: {  	_ =	shalt  }
0x86: {  	_ =	shalt  }
0x87: {  	_ =	shalt  }
.Lfunc_end0:
.L_simem_size_0:
called_computation.2_lowered:
.L_overlay_start_0:
0x88: {  	s2 =	sld [smem:$0x3FD9]  }
0x89: {  	s3 =	sld [smem:$0x3FFE];
	_ =	sdelay $0x1  }
0x8a: {  	s1 =	srdreg.scid  }
0x8b: {  	s0 =	sand.u32 $0x1, s1  }
0x8c: {  	s16 =	sshll.u32 s0, $0xA;
	s2 =	sadd.s32 s3, s2  }
0x8d: {  	s2 =	sadd.s32 s2, s16  }
0x8e: {  	[smem:$0x3F5C] =	sst s2  }
0x8f: {  	_ = 	snop  }
0x90: {  	(tm) =	ssettm $0x1  }
0x91: {  	s17 =	sld [smem:$0x3FFB];
	_ =	sdelay $0x3  }
0x92: {  	_ =	strace s17  }
0x93: {  	s2 =	sld [smem:$0x3FFC];
	_ =	sdelay $0x3  }
0x94: {  	_ =	strace s2  }
0x95: {  	s2 =	sld [smem:$0x3FFD];
	_ =	sdelay $0x3  }
0x96: {  	_ =	strace s2  }
0x97: {  	_ =	strace $0x8FFFFFFF  }
0x98: {  	s18 =	sld [smem:$0x3FDB];
	_ =	sdelay $0x1  }
0x99: {  	s19 =	simm.s32 $_scs_section_size  }
0x9a: {  	s4 =	simm.s32 $_size__tile_overlayer_lowered;
	s5 =	simm.s32 $_tile_overlayer_lowered  }
0x9b: {  	s22 =	simm.s32 $0x1BFF;
	s21 =	sshll.u32 s5, $0x1;
	s2 =	sadd.s32 s19, s18  }
0x9c: {  	s6 =	simm.s32 $0x0;
	s20 =	sshll.u32 s4, $0x1;
	s4 =	sadd.s32 s21, s2  }
0x9d: {  	[timem:s6], [sflag:s22] =	dma.local [hbm:s4], s20  }
0x9e: {  	_ =	swait.ge [sflag:s22], s20  }
0x9f: {  	s3 =	ssub.s32 $0x0, s20;
	[sflag:s22] =	ssyncset.done $0x0  }
0xa0: {  	[sflag:s22] =	ssyncadd.s32 s3;
	_ =	sdelay $0x1  }
0xa1: {  	s23 =	simm.s32 $0x1B8B  }
0xa2: {  	_ =	swait.ge [sflag:s23], $0x1  }
0xa3: {  	[sflag:s23] =	ssyncset.done $0x0  }
0xa4: {  	s25 =	simm.s32 $0x1B8E;
	s24 =	sld [smem:$0x3FFE];
	[sflag:s23] =	ssyncadd.s32 $0xFFFFFFFF  }
0xa5: {  	s26 =	simm.s32 $execute0_lowered;
	[smem:$0x3FD2] =	sst s25  }
0xa6: {  	s4 =	sshll.u32 s26, $0x1;
	_ =	strace $0x8000004C;
	[dreg:$0x1] =	wrdreg $0xFFFFFFFF  }
0xa7: {  	s28 =	simm.s32 $_size_execute0_lowered;
	s2 =	sadd.s32 s2, s4;
	[dreg:$0x0] =	wrdreg $0x0  }
0xa8: {  	s4 =	sshll.u32 s28, $0x1;
	[dreg:$0x2] =	wrdreg s2  }
0xa9: {  	[dreg:$0x3] =	wrdreg s4  }
0xaa: {  	[dreg:$0x4] =	wrdreg $0xC0  }
0xab: {  	_ =	task [dreg:s6], $0x5FFFF  }
0xac: {  	[dreg:$0x1] =	wrdreg $0xFFFFFFFF  }
0xad: {  	[dreg:$0x0] =	wrdreg $0x60  }
0xae: {  	[dreg:$0x2] =	wrdreg s24  }
0xaf: {  	[dreg:$0x3] =	wrdreg $0x9  }
0xb0: {  	_ =	task.clear_ibuf [dreg:s6], $0x4FFFF;
	_ =	strace $0x9000004C  }
0xb1: {  	s29 =	simm.s32 $0x9;
	_ =	strace $0x8000004E  }
0xb2: {  	_ =	swait.ge [sflag:s29], $0x1  }
0xb3: {  	[sflag:s29] =	ssyncadd.s32 $0xFFFFFFFF  }
0xb4: {  	_ =	strace $0x9000004E  }
0xb5: {  	_ =	sfence  }
0xb6: {  	s30 =	sld [smem:$0x0];
	_ =	sdelay $0x2  }
0xb7: {  	s31 =	sshll.u32 s1, $0xD;
	s1 =	sshrl.u32 s1, $0x2  }
0xb8: {  	s3 =	sand.u32 $0x4000, s31;
	s1 =	sadd.s32 s1, s30  }
0xb9: {  	s0 =	sor.u32 s3, s0;
	s1 =	sshll.u32 s1, $0x11  }
0xba: {  	s0 =	sor.u32 s1, s0  }
0xbb: {  	s0 =	sadd.s32 $0x8F2B, s0  }
0xbc: {  	[sflag:s0] =	ssyncadd.remote.s32 $0x1  }
0xbd: {  	_ =	sfence.sel $0xFFFF  }
0xbe: {  	[dreg:$0x0] =	wrdreg $0xFFFFFFFF;
	(pc) =	sbr.abs _section_cstart, $3  }
0xbf: {  	[dreg:$0x1] =	wrdreg $0xFFFFFFFF  }
0xc0: {  	_ =	task.clear_ibuf [dreg:s6], $0x2FFFF;
	_ =	strace $0x9FFFFFFF  }
0xc1: {  	(tm) =	ssettm $0x7FFFFFFF  }
tec
execute0_lowered:
.L_overlay_start_1:
0x0: {  	(tag) =	ssettag $0x1  }
0x1: {  	s4 =	rddreg [dreg:$0x0]  }
0x2: {  	s0 =	rddreg [dreg:$0x1]  }
0x3: {  	s2 =	simm.s32 $0x0;
	s1 =	stileid.u32;
	s3 =	srdreg.scid  }
0x4: {  	s12 =	simm.s32 $0x4100;
	s13 =	simm.s32 $0x1;
	s14 =	simm.s32 $0x2  }
0x5: {  	s15 =	simm.s32 $0x0;
	[smem:$0x7FF] =	sst s2;
	s5 =	smul.u32 $0x280, s1  }
0x6: {  	s6 =	sand.u32 $0x1, s3;
	s7 =	smul.u32 $0x14000, s1;
	s3 =	sadd.s32 $0x15A00, s4  }
0x7: {  	_ =	strace $0x8000004D;
	s8 =	ssub.s32 $0x2, s6;
	s10 =	smul.u32 $0xA000, s6  }
0x8: {  	s29 =	smul.u32 $0x140, s6;
	s9 =	sshrl.u32 s8, $0x1;
	s7 =	sadd.s32 s7, s4  }
0x9: {  	s11 =	sadd.s32 s5, s4;
	s8 =	ssub.s32 s8, s9;
	s30 =	sadd.s32 s10, s7  }
0xa: {  	s31 =	sadd.s32 s29, s11;
	s9 =	simm.s32 $0x3;
	s10 =	simm.s32 $0x80  }
0xb: {  	s11 =	simm.s32 $0x4080;
	s5 =	sadd.s32 $0x1B1C00, s30;
	s6 =	sadd.s32 $0x71C00, s30  }
0xc: {  	s4 =	smax.u32 s8, $0x1;
	s7 =	sadd.s32 $0x32A600, s31;
	s8 =	sadd.s32 $0x32F600, s31  }
.LBB2_1:
0xd: {  	s16 =	sadd.s32 $0x0, s8  }
0xe: {  	[tilespmem:s2], [sflag:$0x3] =	stream.linear.gather [hbm4b:s16+s2], $0x80, $0x38;
	[tilespmem:$0x8100] =	vst v63  }
0xf: {  	_ =	swait.ge [sflag:s9], $0x80  }
0x10: {  	[sflag:s9] =	ssyncset.done $0x0  }
0x11: {  	[sflag:s9] =	ssyncadd.s32 $0xFFFFFF80  }
0x12: {  	[tilespmem:s10], [sflag:$0x1] =	stream.indirect.gather [hbm4b:s3+s10], $0x80, s2, s10, $0xb8;
	[tilespmem:$0x8100] =	vst v63  }
0x13: {  	s31 =	sadd.s32 $0x0, s7  }
0x14: {  	[tilespmem:s11], [sflag:$0x3] =	stream.linear.gather [hbm4b:s31+s2], $0x80, $0x38;
	[tilespmem:$0x8100] =	vst v63  }
0x15: {  	_ =	swait.ge [sflag:s9], $0x80  }
0x16: {  	[sflag:s9] =	ssyncset.done $0x0  }
0x17: {  	[sflag:s9] =	ssyncadd.s32 $0xFFFFFF80  }
0x18: {  	[tilespmem:s12], [sflag:$0x2] =	stream.indirect.gather [hbm4b:s3+s10], $0x80, s11, s10, $0xb8;
	[tilespmem:$0x8100] =	vst v63  }
0x19: {  	_ =	swait.ge [sflag:s13], $0x4000  }
0x1a: {  	[sflag:s13] =	ssyncset.done $0x0  }
0x1b: {  	[sflag:s13] =	ssyncadd.s32 $0xFFFFC000  }
0x1c: {  	[hbm4b:s6+s2] =	stream.linear.scatter [tilespmem:s10], [sflag:$0x3], $0x4000, $0x38;
	[tilespmem:$0x8100] =	vst v63  }
0x1d: {  	_ =	swait.ge [sflag:s9], $0x4000  }
0x1e: {  	[sflag:s9] =	ssyncset.done $0x0  }
0x1f: {  	[sflag:s9] =	ssyncadd.s32 $0xFFFFC000  }
0x20: {  	_ =	swait.ge [sflag:s14], $0x4000  }
0x21: {  	[sflag:s14] =	ssyncset.done $0x0  }
0x22: {  	[sflag:s14] =	ssyncadd.s32 $0xFFFFC000  }
0x23: {  	[hbm4b:s5+s2] =	stream.linear.scatter [tilespmem:s12], [sflag:$0x3], $0x4000, $0x38;
	[tilespmem:$0x8100] =	vst v63  }
0x24: {  	s18 =	simm.s32 $0x10;
	s19 =	simm.s32 $0x20;
	_ =	swait.ge [sflag:s9], $0x4000  }
0x25: {  	s17 =	sadd.s32 $0x800, s6;
	s16 =	sadd.s32 $0x800, s5;
	[sflag:s9] =	ssyncset.done $0x0  }
.LBB2_2:
0x26: {  	s20 =	sadd.s32 s18, s8  }
0x27: {  	[sflag:s9] =	ssyncadd.s32 $0xFFFFC000;
	s21 =	smov.u32 s19;
	s22 =	sadd.s32 $0x10, s19  }
0x28: {  	[tilespmem:s2], [sflag:$0x3] =	stream.linear.gather [hbm4b:s20+s2], $0x80, $0x38;
	[tilespmem:$0x8100] =	vst v63  }
0x29: {  	p0 =	sne.s32 s19, $0x130;
	_ =	swait.ge [sflag:s9], $0x80  }
0x2a: {  	[sflag:s9] =	ssyncset.done $0x0  }
0x2b: {  	[sflag:s9] =	ssyncadd.s32 $0xFFFFFF80  }
0x2c: {  	[tilespmem:s10], [sflag:$0x1] =	stream.indirect.gather [hbm4b:s3+s10], $0x80, s2, s10, $0xb8;
	[tilespmem:$0x8100] =	vst v63  }
0x2d: {  	s19 =	sadd.s32 s18, s7;
	s18 =	smov.u32 s21  }
0x2e: {  	[tilespmem:s11], [sflag:$0x3] =	stream.linear.gather [hbm4b:s19+s2], $0x80, $0x38;
	[tilespmem:$0x8100] =	vst v63  }
0x2f: {  	_ =	swait.ge [sflag:s9], $0x80  }
0x30: {  	[sflag:s9] =	ssyncset.done $0x0  }
0x31: {  	[sflag:s9] =	ssyncadd.s32 $0xFFFFFF80  }
0x32: {  	[tilespmem:s12], [sflag:$0x2] =	stream.indirect.gather [hbm4b:s3+s10], $0x80, s11, s10, $0xb8;
	[tilespmem:$0x8100] =	vst v63  }
0x33: {  	_ =	swait.ge [sflag:s13], $0x4000  }
0x34: {  	[sflag:s13] =	ssyncset.done $0x0  }
0x35: {  	[sflag:s13] =	ssyncadd.s32 $0xFFFFC000  }
0x36: {  	[hbm4b:s17+s2] =	stream.linear.scatter [tilespmem:s10], [sflag:$0x3], $0x4000, $0x38;
	[tilespmem:$0x8100] =	vst v63  }
0x37: {  	_ =	swait.ge [sflag:s9], $0x4000  }
0x38: {  	[sflag:s9] =	ssyncset.done $0x0  }
0x39: {  	[sflag:s9] =	ssyncadd.s32 $0xFFFFC000  }
0x3a: {  	_ =	swait.ge [sflag:s14], $0x4000  }
.Ltmp0:
0x3b: {  	[sflag:s14] =	ssyncset.done $0x0;
	(pc) =	sbr.rel @p0 .LBB2_2-.Ltmp0, $4  }
0x3c: {  	[sflag:s14] =	ssyncadd.s32 $0xFFFFC000  }
0x3d: {  	[hbm4b:s16+s2] =	stream.linear.scatter [tilespmem:s12], [sflag:$0x3], $0x4000, $0x38;
	[tilespmem:$0x8100] =	vst v63  }
0x3e: {  	s19 =	smov.u32 s22;
	_ =	swait.ge [sflag:s9], $0x4000  }
0x3f: {  	s17 =	sadd.s32 $0x800, s17;
	s16 =	sadd.s32 $0x800, s16;
	[sflag:s9] =	ssyncset.done $0x0  }
0x40: {  	s19 =	sadd.s32 s18, s8;
	[sflag:s9] =	ssyncadd.s32 $0xFFFFC000  }
0x41: {  	[tilespmem:s2], [sflag:$0x3] =	stream.linear.gather [hbm4b:s19+s2], $0x80, $0x38;
	[tilespmem:$0x8100] =	vst v63  }
0x42: {  	_ =	swait.ge [sflag:s9], $0x80  }
0x43: {  	[sflag:s9] =	ssyncset.done $0x0  }
0x44: {  	[sflag:s9] =	ssyncadd.s32 $0xFFFFFF80  }
0x45: {  	[tilespmem:s10], [sflag:$0x1] =	stream.indirect.gather [hbm4b:s3+s10], $0x80, s2, s10, $0xb8;
	[tilespmem:$0x8100] =	vst v63  }
0x46: {  	s31 =	sadd.s32 s18, s7  }
0x47: {  	[tilespmem:s11], [sflag:$0x3] =	stream.linear.gather [hbm4b:s31+s2], $0x80, $0x38;
	[tilespmem:$0x8100] =	vst v63  }
0x48: {  	_ =	swait.ge [sflag:s9], $0x80  }
0x49: {  	[sflag:s9] =	ssyncset.done $0x0  }
0x4a: {  	[sflag:s9] =	ssyncadd.s32 $0xFFFFFF80  }
0x4b: {  	[tilespmem:s12], [sflag:$0x2] =	stream.indirect.gather [hbm4b:s3+s10], $0x80, s11, s10, $0xb8;
	[tilespmem:$0x8100] =	vst v63  }
0x4c: {  	_ =	swait.ge [sflag:s13], $0x4000  }
0x4d: {  	[sflag:s13] =	ssyncset.done $0x0  }
0x4e: {  	[sflag:s13] =	ssyncadd.s32 $0xFFFFC000  }
0x4f: {  	[hbm4b:s17+s2] =	stream.linear.scatter [tilespmem:s10], [sflag:$0x3], $0x4000, $0x38;
	[tilespmem:$0x8100] =	vst v63  }
0x50: {  	_ =	swait.ge [sflag:s9], $0x4000  }
0x51: {  	[sflag:s9] =	ssyncset.done $0x0  }
0x52: {  	[sflag:s9] =	ssyncadd.s32 $0xFFFFC000  }
0x53: {  	s15 =	sadd.s32 $0x1, s15;
	_ =	swait.ge [sflag:s14], $0x4000  }
0x54: {  	p0 =	sne.s32 s15, s4;
	[sflag:s14] =	ssyncset.done $0x0  }
.Ltmp1:
0x55: {  	[sflag:s14] =	ssyncadd.s32 $0xFFFFC000;
	(pc) =	sbr.rel @p0 .LBB2_1-.Ltmp1, $4  }
0x56: {  	[hbm4b:s16+s2] =	stream.linear.scatter [tilespmem:s12], [sflag:$0x3], $0x4000, $0x38;
	[tilespmem:$0x8100] =	vst v63  }
0x57: {  	_ =	swait.ge [sflag:s9], $0x4000  }
0x58: {  	[sflag:s9] =	ssyncset.done $0x0  }
0x59: {  	[sflag:s9] =	ssyncadd.s32 $0xFFFFC000  }
0x5a: {  	_ =	sfence.sel $0x180000  }
0x5b: {  	[bflag:$0x0] =	sbarrier.arrive $0xFFFF  }
0x5c: {  	p0 =	sne.s32 s1, $0x0;
	_ =	strace $0x9000004D  }
0x5d: {  	s0 =	sadd.s32 @!p0 $0x100000, s0;
	[bflag:$0x2] =	sbarrier.arrive $0xFFFF  }
0x5e: {  	[sflag:s0] =	ssyncadd.tile.s32 @!p0 $0x1;
	_ =	shalt  }
.Lfunc_end2:
_tile_overlayer_lowered:
.L_overlay_start_2:
0x5f: {  	(tag) =	ssettag $0x2  }
0x60: {  	s0 =	rddreg [dreg:$0x0];
	s2 =	stileid.u32  }
0x61: {  	s1 =	rddreg [dreg:$0x1];
	p0 =	sne.s32 s2, $0x0  }
0x62: {  	s3 =	rddreg [dreg:$0x2];
	[bflag:$0x3] =	sbarrier.arrive $0xFFFF;
	s2 =	simm.s32 @!p0 $0x1C03  }
0x63: {  	[timem:s3], [sflag:s2] =	dma.local @!p0 [hbm:s0], s1  }
0x64: {  	s0 =	simm.s32 @!p0 $0x3  }
0x65: {  	_ =	swait.ge @!p0 [sflag:s0], s1  }
0x66: {  	s1 =	ssub.s32 @!p0 $0x0, s1;
	[sflag:s0] =	ssyncset.done @!p0 $0x0  }
0x67: {  	[sflag:s0] =	ssyncadd.s32 @!p0 s1  }
0x68: {  	[bflag:$0x3] =	sbarrier.arrive $0xFFFF  }
0x69: {  	_ =	shalt  }

// kernel: kernel.37.cloned.1.call-start
scs
__scs_entry_jumppad:
0x0: {  	(pc) =	sbr.rel $0x88, $3  }
0x1: {  	(tag) =	ssettag $0x0;
	lr =	simm.s32 $0x1  }
0x2: {  	[smem:$0x3F35] =	sst lr;
	_ =	strace $0xD0000000  }
0x3: {  	_ = 	snop  }
0x4: {  	_ = 	snop  }
0x5: {  	_ = 	snop  }
0x6: {  	_ = 	snop  }
0x7: {  	_ = 	snop  }
__scs_overlays_trampoline_lowered:
0x8: {  	[smem:$0x3F44] =	sst s0  }
0x9: {  	[smem:$0x3F45] =	sst s1  }
0xa: {  	[smem:$0x3F46] =	sst s2  }
0xb: {  	[smem:$0x3F47] =	sst s3  }
0xc: {  	[smem:$0x3F48] =	sst s4  }
0xd: {  	[smem:$0x3F49] =	sst s5  }
0xe: {  	[smem:$0x3F4A] =	sst s6  }
0xf: {  	[smem:$0x3F4B] =	sst s7  }
0x10: {  	[smem:$0x3F4C] =	sst s8  }
0x11: {  	[smem:$0x3F4D] =	sst s9;
	s0 =	simm.s32 @!p0 $0x0  }
0x12: {  	s1 =	sld [smem:$0x3F33];
	s0 =	simm.s32 @p0 $0x1  }
0x13: {  	[smem:$0x3F4E] =	sst s0;
	s0 =	simm.s32 @!p1 $0x0  }
0x14: {  	s2 =	sld [smem:$0x3F32];
	s0 =	simm.s32 @p1 $0x1  }
0x15: {  	[smem:$0x3F4F] =	sst s0;
	s0 =	simm.s32 @!p2 $0x0  }
0x16: {  	s3 =	sld [smem:$0x3FDB];
	s0 =	simm.s32 @p2 $0x1  }
0x17: {  	s4 =	simm.s32 $0x1BF5;
	[smem:$0x3F51] =	sst s0  }
0x18: {  	s0 =	sld [smem:$0x3F34];
	_ =	swait.ge [sflag:s4], $0x0  }
0x19: {  	s7 =	sld [smem:$0x3F35]  }
0x1a: {  	s8 =	sadd.s32 $0xFFFFE003, lr  }
0x1b: {  	s9 =	sadd.s32 $0xFFFFFEF7, lr;
	s5 =	simm.s32 $0xFFFFFFFF;
	p2 =	slt.u32 s8, $0xFFFFF086  }
0x1c: {  	p1 =	slt.u32 s9, $0xF7A;
	s5 =	simm.s32 @!p2 $0x0  }
0x1d: {  	s5 =	simm.s32 @p1 $0x1;
	p0 =	seq.s32 s7, s2  }
0x1e: {  	s7 =	smul.u32 @!p0 $0xF7A, s2;
	p2 =	seq.s32 @!p0 s5, $0x0  }
0x1f: {  	s9 =	smul.u32 $0xF7A, s1;
	s8 =	simm.s32 @!p0 $0x1BF5;
	p2 =	por !p2, p0  }
0x20: {  	[sflag:s8] =	ssyncset.s32 @!p0 $0xFFFFF086;
	s6 =	sadd.s32 @!p0 s3, s7;
	s7 =	simm.s32 @!p0 $0x108  }
0x21: {  	s3 =	sadd.s32 s3, s9;
	s6 =	sadd.s32 @!p0 $0x88, s6;
	s7 =	simm.s32 @p2 $0x1082  }
0x22: {  	[simem:s7], [sflag:s8] =	dma.local @!p0 [hbm:s6], $0xF7A  }
0x23: {  	s9 =	sor.u32 $0xD0000000, s2;
	s6 =	simm.s32 $0x108;
	_ =	swait.ge @!p0 [sflag:s8], $0x0  }
0x24: {  	s3 =	sadd.s32 $0x88, s3;
	s6 =	simm.s32 @!p1 $0x1082;
	[sflag:s4] =	ssyncset.s32 $0xFFFFF086  }
0x25: {  	[simem:s6], [sflag:s4] =	dma.local [hbm:s3], $0xF7A  }
0x26: {  	[smem:$0x3F35] =	sst s1;
	(tag) =	ssettag s2;
	_ =	strace s9  }
0x27: {  	s1 =	sld [smem:$0x3F45]  }
0x28: {  	s2 =	sld [smem:$0x3F46]  }
0x29: {  	s4 =	sld [smem:$0x3F48]  }
0x2a: {  	p0 =	seq.s32 s5, $0x0;
	s5 =	sld [smem:$0x3F49]  }
0x2b: {  	s6 =	sld [smem:$0x3F4A]  }
0x2c: {  	s7 =	sld [smem:$0x3F4B]  }
0x2d: {  	s3 =	simm.s32 $0x108;
	s8 =	sld [smem:$0x3F4C]  }
0x2e: {  	s3 =	simm.s32 @!p0 $0x1082;
	s9 =	sld [smem:$0x3F4D]  }
0x2f: {  	lr =	sadd.s32 s0, s3;
	s0 =	sld [smem:$0x3F44]  }
0x30: {  	s3 =	sld [smem:$0x3F47]  }
0x31: {  	[smem:$0x3F50] =	sst s10  }
0x32: {  	s10 =	sld [smem:$0x3F4E];
	_ =	sdelay $0x3  }
0x33: {  	p0 =	seq.s32 s10, $0x1;
	s10 =	sld [smem:$0x3F50];
	_ =	sdelay $0x3  }
0x34: {  	[smem:$0x3F50] =	sst s10  }
0x35: {  	s10 =	sld [smem:$0x3F4F];
	_ =	sdelay $0x3  }
0x36: {  	p1 =	seq.s32 s10, $0x1;
	s10 =	sld [smem:$0x3F50];
	_ =	sdelay $0x3  }
0x37: {  	[smem:$0x3F50] =	sst s10  }
0x38: {  	s10 =	sld [smem:$0x3F51]  }
0x39: {  	_ = 	snop;
	(pc) =	sbr.ind lr, $3  }
0x3a: {  	_ = 	snop  }
0x3b: {  	_ = 	snop  }
0x3c: {  	p2 =	seq.s32 s10, $0x1;
	s10 =	sld [smem:$0x3F50]  }
0x3d: {  	_ =	shalt  }
0x3e: {  	_ =	shalt  }
0x3f: {  	_ =	shalt  }
0x40: {  	_ =	shalt  }
0x41: {  	_ =	shalt  }
0x42: {  	_ =	shalt  }
0x43: {  	_ =	shalt  }
0x44: {  	_ =	shalt  }
0x45: {  	_ =	shalt  }
0x46: {  	_ =	shalt  }
0x47: {  	_ =	shalt  }
0x48: {  	_ =	shalt  }
0x49: {  	_ =	shalt  }
0x4a: {  	_ =	shalt  }
0x4b: {  	_ =	shalt  }
0x4c: {  	_ =	shalt  }
0x4d: {  	_ =	shalt  }
0x4e: {  	_ =	shalt  }
0x4f: {  	_ =	shalt  }
0x50: {  	_ =	shalt  }
0x51: {  	_ =	shalt  }
0x52: {  	_ =	shalt  }
0x53: {  	_ =	shalt  }
0x54: {  	_ =	shalt  }
0x55: {  	_ =	shalt  }
0x56: {  	_ =	shalt  }
0x57: {  	_ =	shalt  }
0x58: {  	_ =	shalt  }
0x59: {  	_ =	shalt  }
0x5a: {  	_ =	shalt  }
0x5b: {  	_ =	shalt  }
0x5c: {  	_ =	shalt  }
0x5d: {  	_ =	shalt  }
0x5e: {  	_ =	shalt  }
0x5f: {  	_ =	shalt  }
0x60: {  	_ =	shalt  }
0x61: {  	_ =	shalt  }
0x62: {  	_ =	shalt  }
0x63: {  	_ =	shalt  }
0x64: {  	_ =	shalt  }
0x65: {  	_ =	shalt  }
0x66: {  	_ =	shalt  }
0x67: {  	_ =	shalt  }
0x68: {  	_ =	shalt  }
0x69: {  	_ =	shalt  }
0x6a: {  	_ =	shalt  }
0x6b: {  	_ =	shalt  }
0x6c: {  	_ =	shalt  }
0x6d: {  	_ =	shalt  }
0x6e: {  	_ =	shalt  }
0x6f: {  	_ =	shalt  }
0x70: {  	_ =	shalt  }
0x71: {  	_ =	shalt  }
0x72: {  	_ =	shalt  }
0x73: {  	_ =	shalt  }
0x74: {  	_ =	shalt  }
0x75: {  	_ =	shalt  }
0x76: {  	_ =	shalt  }
0x77: {  	_ =	shalt  }
0x78: {  	_ =	shalt  }
0x79: {  	_ =	shalt  }
0x7a: {  	_ =	shalt  }
0x7b: {  	_ =	shalt  }
0x7c: {  	_ =	shalt  }
0x7d: {  	_ =	shalt  }
0x7e: {  	_ =	shalt  }
0x7f: {  	_ =	shalt  }
0x80: {  	_ =	shalt  }
0x81: {  	_ =	shalt  }
0x82: {  	_ =	shalt  }
0x83: {  	_ =	shalt  }
0x84: {  	_ =	shalt  }
0x85: {  	_ =	shalt  }
0x86: {  	_ =	shalt  }
0x87: {  	_ =	shalt  }
.Lfunc_end0:
.L_simem_size_0:
called_computation.3_lowered:
.L_overlay_start_0:
0x88: {  	s2 =	sld [smem:$0x3FD9]  }
0x89: {  	s3 =	sld [smem:$0x3FFE];
	_ =	sdelay $0x1  }
0x8a: {  	s1 =	srdreg.scid  }
0x8b: {  	s0 =	sand.u32 $0x1, s1  }
0x8c: {  	s17 =	sshll.u32 s0, $0xA;
	s2 =	sadd.s32 s3, s2  }
0x8d: {  	s2 =	sadd.s32 s2, s17  }
0x8e: {  	[smem:$0x3F5C] =	sst s2  }
0x8f: {  	_ = 	snop  }
0x90: {  	s2 =	sld [smem:$0x3FD0];
	(tm) =	ssettm $0x1  }
0x91: {  	s18 =	sld [smem:$0x3FFB];
	_ =	sdelay $0x3  }
0x92: {  	_ =	strace s18  }
0x93: {  	s3 =	sld [smem:$0x3FFC];
	_ =	sdelay $0x3  }
0x94: {  	_ =	strace s3  }
0x95: {  	s3 =	sld [smem:$0x3FFD];
	_ =	sdelay $0x3  }
0x96: {  	_ =	strace s3  }
0x97: {  	_ =	strace $0x8FFFFFFF  }
0x98: {  	s19 =	sld [smem:$0x3FDB];
	_ =	sdelay $0x1  }
0x99: {  	s4 =	simm.s32 $_scs_section_size  }
0x9a: {  	s5 =	simm.s32 $_size__tile_overlayer_lowered;
	s6 =	simm.s32 $_tile_overlayer_lowered  }
0x9b: {  	s22 =	simm.s32 $0x1BFF;
	s21 =	sshll.u32 s6, $0x1;
	s3 =	sadd.s32 s4, s19  }
0x9c: {  	s7 =	simm.s32 $0x0;
	s20 =	sshll.u32 s5, $0x1;
	s5 =	sadd.s32 s21, s3  }
0x9d: {  	[timem:s7], [sflag:s22] =	dma.local [hbm:s5], s20  }
0x9e: {  	_ =	swait.ge [sflag:s22], s20  }
0x9f: {  	s4 =	ssub.s32 $0x0, s20;
	[sflag:s22] =	ssyncset.done $0x0  }
0xa0: {  	[sflag:s22] =	ssyncadd.s32 s4;
	_ =	sdelay $0x1  }
0xa1: {  	s23 =	simm.s32 $0x1B8B  }
0xa2: {  	_ =	swait.ge [sflag:s23], $0x1  }
0xa3: {  	[sflag:s23] =	ssyncset.done $0x0  }
0xa4: {  	s25 =	simm.s32 $0x1B8E;
	s24 =	sld [smem:$0x3FFE];
	[sflag:s23] =	ssyncadd.s32 $0xFFFFFFFF  }
0xa5: {  	s26 =	simm.s32 $execute0_lowered;
	[smem:$0x3FD2] =	sst s25  }
0xa6: {  	s5 =	sshll.u32 s26, $0x1;
	_ =	strace $0x8000004F;
	[dreg:$0x1] =	wrdreg $0xFFFFFFFF  }
0xa7: {  	s28 =	simm.s32 $_size_execute0_lowered;
	s3 =	sadd.s32 s3, s5;
	[dreg:$0x0] =	wrdreg $0x0  }
0xa8: {  	s5 =	sshll.u32 s28, $0x1;
	[dreg:$0x2] =	wrdreg s3  }
0xa9: {  	[dreg:$0x3] =	wrdreg s5  }
0xaa: {  	[dreg:$0x4] =	wrdreg $0xC0  }
0xab: {  	_ =	task [dreg:s7], $0x5FFFF  }
0xac: {  	[dreg:$0x1] =	wrdreg $0xFFFFFFFF  }
0xad: {  	[dreg:$0x0] =	wrdreg $0x60  }
0xae: {  	[dreg:$0x2] =	wrdreg s24  }
0xaf: {  	[dreg:$0x3] =	wrdreg s2  }
0xb0: {  	[dreg:$0x4] =	wrdreg $0x40800  }
0xb1: {  	[dreg:$0x5] =	wrdreg $0x9  }
0xb2: {  	_ =	task.clear_ibuf [dreg:s7], $0x6FFFF;
	_ =	strace $0x9000004F  }
0xb3: {  	s29 =	simm.s32 $0x9;
	_ =	strace $0x80000051  }
0xb4: {  	_ =	swait.ge [sflag:s29], $0x1  }
0xb5: {  	[sflag:s29] =	ssyncadd.s32 $0xFFFFFFFF  }
0xb6: {  	_ =	strace $0x90000051  }
0xb7: {  	_ =	sfence  }
0xb8: {  	s30 =	sld [smem:$0x0];
	_ =	sdelay $0x2  }
0xb9: {  	s31 =	sshll.u32 s1, $0xD;
	s1 =	sshrl.u32 s1, $0x2  }
0xba: {  	s3 =	sand.u32 $0x4000, s31;
	s1 =	sadd.s32 s1, s30  }
0xbb: {  	s0 =	sor.u32 s3, s0;
	s1 =	sshll.u32 s1, $0x11  }
0xbc: {  	s0 =	sor.u32 s1, s0  }
0xbd: {  	s0 =	sadd.s32 $0x8F2B, s0  }
0xbe: {  	[sflag:s0] =	ssyncadd.remote.s32 $0x1  }
0xbf: {  	_ =	sfence.sel $0xFFFF  }
0xc0: {  	[dreg:$0x0] =	wrdreg $0xFFFFFFFF;
	(pc) =	sbr.abs _section_cstart, $3  }
0xc1: {  	[dreg:$0x1] =	wrdreg $0xFFFFFFFF  }
0xc2: {  	_ =	task.clear_ibuf [dreg:s7], $0x2FFFF;
	_ =	strace $0x9FFFFFFF  }
0xc3: {  	(tm) =	ssettm $0x7FFFFFFF  }
tec
execute0_lowered:
.L_overlay_start_1:
0x0: {  	(tag) =	ssettag $0x1  }
0x1: {  	s4 =	rddreg [dreg:$0x0]  }
0x2: {  	s7 =	rddreg [dreg:$0x1];
	s1 =	stileid.u32  }
0x3: {  	s2 =	rddreg [dreg:$0x2];
	s5 =	smul.u32 $0x14000, s1  }
0x4: {  	s0 =	rddreg [dreg:$0x3];
	s6 =	smul.u32 $0x280, s1  }
0x5: {  	s3 =	simm.s32 $0x0;
	s8 =	srdreg.scid;
	s9 =	smul.u32 $0x2800, s1  }
0x6: {  	[smem:$0x7FF] =	sst s3;
	s8 =	sand.u32 $0x1, s8;
	s11 =	smul.u32 $0x50000, s1  }
0x7: {  	s29 =	sshll.u32 s1, $0x6;
	_ =	strace $0x80000050;
	s14 =	smul.u32 $0xA000, s8  }
0x8: {  	s25 =	ssub.s32 $0x2, s8;
	p0 =	seq.s32 s8, $0x1;
	s8 =	smul.u32 $0x140, s8  }
0x9: {  	s10 =	sadd.s32 s5, s4;
	s12 =	sadd.s32 s6, s4;
	s26 =	sadd.s32 s9, s4  }
0xa: {  	s13 =	sshrl.u32 s25, $0x1;
	s4 =	sadd.s32 $0x71C00, s4;
	s28 =	sshrl.u32 s11, $0x2  }
0xb: {  	s5 =	sor.u32 $0x1C01, s29;
	s13 =	ssub.s32 s25, s13;
	s11 =	sadd.s32 s28, s2  }
0xc: {  	s7 =	smov.u32 @p0 s4;
	s4 =	sadd.s32 $0x3F400, s26;
	s30 =	sadd.s32 s14, s10  }
0xd: {  	s31 =	sadd.s32 s8, s12;
	s12 =	simm.s32 $0x80;
	s6 =	smax.u32 s13, $0x1  }
0xe: {  	s7 =	sadd.s32 s7, s9;
	s8 =	sadd.s32 $0x3F5400, s30;
	s9 =	sadd.s32 $0x32CE00, s31  }
0xf: {  	s10 =	sshrl.u32 s11, $0x3;
	s11 =	simm.s32 $0x1;
	s13 =	simm.s32 $0x0  }
.LBB2_1:
0x10: {  	[spmem:s10], [sflag:s5] =	dma.local [hbm:s4], $0x2800  }
0x11: {  	_ =	swait.ge [sflag:s11], $0x2800  }
0x12: {  	[sflag:s11] =	ssyncset.done $0x0  }
0x13: {  	[sflag:s11] =	ssyncadd.s32 $0xFFFFD800  }
0x14: {  	s14 =	sadd.s32 $0x0, s9;
	[bflag:$0x0] =	sbarrier.arrive $0xFFFF  }
0x15: {  	[tilespmem:s3], [sflag:$0x1] =	stream.linear.gather [hbm4b:s14+s3], $0x80, $0x38;
	[tilespmem:$0x18080] =	vst v63  }
0x16: {  	_ =	swait.ge [sflag:s11], $0x80  }
0x17: {  	[sflag:s11] =	ssyncset.done $0x0  }
0x18: {  	[sflag:s11] =	ssyncadd.s32 $0xFFFFFF80  }
0x19: {  	[tilespmem:s12], [sflag:$0x1] =	stream.linear.gather [hbm4b:s8+s3], $0x4000, $0x38;
	[tilespmem:$0x18080] =	vst v63  }
0x1a: {  	_ =	swait.ge [sflag:s11], $0x4000  }
0x1b: {  	[sflag:s11] =	ssyncset.done $0x0  }
0x1c: {  	[sflag:s11] =	ssyncadd.s32 $0xFFFFC000  }
0x1d: {  	[spmem:s2] =	stream.indirect.scatter.add.f32 [tilespmem:s12], [sflag:$0x1], $0x80, s3, s12, $0xb8;
	[tilespmem:$0x18080] =	vst v63  }
0x1e: {  	s15 =	simm.s32 $0x10;
	_ =	swait.ge [sflag:s11], $0x4000  }
0x1f: {  	s16 =	simm.s32 $0x20;
	s14 =	sadd.s32 $0x800, s8;
	[sflag:s11] =	ssyncset.done $0x0  }
.LBB2_2:
0x20: {  	s17 =	sadd.s32 s15, s9  }
0x21: {  	[sflag:s11] =	ssyncadd.s32 $0xFFFFC000;
	s15 =	smov.u32 s16;
	s18 =	sadd.s32 $0x10, s16  }
0x22: {  	[tilespmem:s3], [sflag:$0x1] =	stream.linear.gather [hbm4b:s17+s3], $0x80, $0x38;
	[tilespmem:$0x18080] =	vst v63  }
0x23: {  	p0 =	sne.s32 s16, $0x130;
	_ =	swait.ge [sflag:s11], $0x80  }
0x24: {  	[sflag:s11] =	ssyncset.done $0x0  }
0x25: {  	[sflag:s11] =	ssyncadd.s32 $0xFFFFFF80  }
0x26: {  	[tilespmem:s12], [sflag:$0x1] =	stream.linear.gather [hbm4b:s14+s3], $0x4000, $0x38;
	[tilespmem:$0x18080] =	vst v63  }
0x27: {  	_ =	swait.ge [sflag:s11], $0x4000  }
.Ltmp0:
0x28: {  	[sflag:s11] =	ssyncset.done $0x0;
	(pc) =	sbr.rel @p0 .LBB2_2-.Ltmp0, $4  }
0x29: {  	[sflag:s11] =	ssyncadd.s32 $0xFFFFC000  }
0x2a: {  	[spmem:s2] =	stream.indirect.scatter.add.f32 [tilespmem:s12], [sflag:$0x1], $0x80, s3, s12, $0xb8;
	[tilespmem:$0x18080] =	vst v63  }
0x2b: {  	_ =	swait.ge [sflag:s11], $0x4000  }
0x2c: {  	s16 =	smov.u32 s18;
	s14 =	sadd.s32 $0x800, s14;
	[sflag:s11] =	ssyncset.done $0x0  }
0x2d: {  	s15 =	sadd.s32 s15, s9;
	[sflag:s11] =	ssyncadd.s32 $0xFFFFC000  }
0x2e: {  	[tilespmem:s3], [sflag:$0x1] =	stream.linear.gather [hbm4b:s15+s3], $0x80, $0x38;
	[tilespmem:$0x18080] =	vst v63  }
0x2f: {  	_ =	swait.ge [sflag:s11], $0x80  }
0x30: {  	[sflag:s11] =	ssyncset.done $0x0  }
0x31: {  	[sflag:s11] =	ssyncadd.s32 $0xFFFFFF80  }
0x32: {  	[tilespmem:s12], [sflag:$0x1] =	stream.linear.gather [hbm4b:s14+s3], $0x4000, $0x38;
	[tilespmem:$0x18080] =	vst v63  }
0x33: {  	_ =	swait.ge [sflag:s11], $0x4000  }
0x34: {  	[sflag:s11] =	ssyncset.done $0x0  }
0x35: {  	[sflag:s11] =	ssyncadd.s32 $0xFFFFC000  }
0x36: {  	[spmem:s2] =	stream.indirect.scatter.add.f32 [tilespmem:s12], [sflag:$0x1], $0x80, s3, s12, $0xb8;
	[tilespmem:$0x18080] =	vst v63  }
0x37: {  	_ =	swait.ge [sflag:s11], $0x4000  }
0x38: {  	s13 =	sadd.s32 $0x1, s13;
	[sflag:s11] =	ssyncset.done $0x0  }
0x39: {  	p0 =	sne.s32 s13, s6;
	[sflag:s11] =	ssyncadd.s32 $0xFFFFC000  }
.Ltmp1:
0x3a: {  	[bflag:$0x0] =	sbarrier.arrive $0xFFFF;
	(pc) =	sbr.rel @p0 .LBB2_1-.Ltmp1, $4  }
0x3b: {  	[hbm:s7], [sflag:s5] =	dma.local [spmem:s10], $0x2800  }
0x3c: {  	_ =	swait.ge [sflag:s11], $0x2800  }
0x3d: {  	[sflag:s11] =	ssyncset.done $0x0  }
0x3e: {  	[sflag:s11] =	ssyncadd.s32 $0xFFFFD800  }
0x3f: {  	_ =	sfence.sel $0x180000  }
0x40: {  	[bflag:$0x0] =	sbarrier.arrive $0xFFFF  }
0x41: {  	p0 =	sne.s32 s1, $0x0;
	_ =	strace $0x90000050  }
0x42: {  	s0 =	sadd.s32 @!p0 $0x100000, s0;
	[bflag:$0x2] =	sbarrier.arrive $0xFFFF  }
0x43: {  	[sflag:s0] =	ssyncadd.tile.s32 @!p0 $0x1;
	_ =	shalt  }
.Lfunc_end2:
_tile_overlayer_lowered:
.L_overlay_start_2:
0x44: {  	(tag) =	ssettag $0x2  }
0x45: {  	s0 =	rddreg [dreg:$0x0];
	s2 =	stileid.u32  }
0x46: {  	s1 =	rddreg [dreg:$0x1];
	p0 =	sne.s32 s2, $0x0  }
0x47: {  	s3 =	rddreg [dreg:$0x2];
	[bflag:$0x3] =	sbarrier.arrive $0xFFFF;
	s2 =	simm.s32 @!p0 $0x1C01  }
0x48: {  	[timem:s3], [sflag:s2] =	dma.local @!p0 [hbm:s0], s1  }
0x49: {  	s0 =	simm.s32 @!p0 $0x1  }
0x4a: {  	_ =	swait.ge @!p0 [sflag:s0], s1  }
0x4b: {  	s1 =	ssub.s32 @!p0 $0x0, s1;
	[sflag:s0] =	ssyncset.done @!p0 $0x0  }
0x4c: {  	[sflag:s0] =	ssyncadd.s32 @!p0 s1  }
0x4d: {  	[bflag:$0x3] =	sbarrier.arrive $0xFFFF  }
0x4e: {  	_ =	shalt  }

// kernel: kernel.40.cloned.1.call-start
scs
__scs_entry_jumppad:
0x0: {  	(pc) =	sbr.rel $0x88, $3  }
0x1: {  	(tag) =	ssettag $0x0;
	lr =	simm.s32 $0x1  }
0x2: {  	[smem:$0x3F35] =	sst lr;
	_ =	strace $0xD0000000  }
0x3: {  	_ = 	snop  }
0x4: {  	_ = 	snop  }
0x5: {  	_ = 	snop  }
0x6: {  	_ = 	snop  }
0x7: {  	_ = 	snop  }
__scs_overlays_trampoline_lowered:
0x8: {  	[smem:$0x3F44] =	sst s0  }
0x9: {  	[smem:$0x3F45] =	sst s1  }
0xa: {  	[smem:$0x3F46] =	sst s2  }
0xb: {  	[smem:$0x3F47] =	sst s3  }
0xc: {  	[smem:$0x3F48] =	sst s4  }
0xd: {  	[smem:$0x3F49] =	sst s5  }
0xe: {  	[smem:$0x3F4A] =	sst s6  }
0xf: {  	[smem:$0x3F4B] =	sst s7  }
0x10: {  	[smem:$0x3F4C] =	sst s8  }
0x11: {  	[smem:$0x3F4D] =	sst s9;
	s0 =	simm.s32 @!p0 $0x0  }
0x12: {  	s1 =	sld [smem:$0x3F33];
	s0 =	simm.s32 @p0 $0x1  }
0x13: {  	[smem:$0x3F4E] =	sst s0;
	s0 =	simm.s32 @!p1 $0x0  }
0x14: {  	s2 =	sld [smem:$0x3F32];
	s0 =	simm.s32 @p1 $0x1  }
0x15: {  	[smem:$0x3F4F] =	sst s0;
	s0 =	simm.s32 @!p2 $0x0  }
0x16: {  	s3 =	sld [smem:$0x3FDB];
	s0 =	simm.s32 @p2 $0x1  }
0x17: {  	s4 =	simm.s32 $0x1BF5;
	[smem:$0x3F51] =	sst s0  }
0x18: {  	s0 =	sld [smem:$0x3F34];
	_ =	swait.ge [sflag:s4], $0x0  }
0x19: {  	s7 =	sld [smem:$0x3F35]  }
0x1a: {  	s8 =	sadd.s32 $0xFFFFE003, lr  }
0x1b: {  	s9 =	sadd.s32 $0xFFFFFEF7, lr;
	s5 =	simm.s32 $0xFFFFFFFF;
	p2 =	slt.u32 s8, $0xFFFFF086  }
0x1c: {  	p1 =	slt.u32 s9, $0xF7A;
	s5 =	simm.s32 @!p2 $0x0  }
0x1d: {  	s5 =	simm.s32 @p1 $0x1;
	p0 =	seq.s32 s7, s2  }
0x1e: {  	s7 =	smul.u32 @!p0 $0xF7A, s2;
	p2 =	seq.s32 @!p0 s5, $0x0  }
0x1f: {  	s9 =	smul.u32 $0xF7A, s1;
	s8 =	simm.s32 @!p0 $0x1BF5;
	p2 =	por !p2, p0  }
0x20: {  	[sflag:s8] =	ssyncset.s32 @!p0 $0xFFFFF086;
	s6 =	sadd.s32 @!p0 s3, s7;
	s7 =	simm.s32 @!p0 $0x108  }
0x21: {  	s3 =	sadd.s32 s3, s9;
	s6 =	sadd.s32 @!p0 $0x88, s6;
	s7 =	simm.s32 @p2 $0x1082  }
0x22: {  	[simem:s7], [sflag:s8] =	dma.local @!p0 [hbm:s6], $0xF7A  }
0x23: {  	s9 =	sor.u32 $0xD0000000, s2;
	s6 =	simm.s32 $0x108;
	_ =	swait.ge @!p0 [sflag:s8], $0x0  }
0x24: {  	s3 =	sadd.s32 $0x88, s3;
	s6 =	simm.s32 @!p1 $0x1082;
	[sflag:s4] =	ssyncset.s32 $0xFFFFF086  }
0x25: {  	[simem:s6], [sflag:s4] =	dma.local [hbm:s3], $0xF7A  }
0x26: {  	[smem:$0x3F35] =	sst s1;
	(tag) =	ssettag s2;
	_ =	strace s9  }
0x27: {  	s1 =	sld [smem:$0x3F45]  }
0x28: {  	s2 =	sld [smem:$0x3F46]  }
0x29: {  	s4 =	sld [smem:$0x3F48]  }
0x2a: {  	p0 =	seq.s32 s5, $0x0;
	s5 =	sld [smem:$0x3F49]  }
0x2b: {  	s6 =	sld [smem:$0x3F4A]  }
0x2c: {  	s7 =	sld [smem:$0x3F4B]  }
0x2d: {  	s3 =	simm.s32 $0x108;
	s8 =	sld [smem:$0x3F4C]  }
0x2e: {  	s3 =	simm.s32 @!p0 $0x1082;
	s9 =	sld [smem:$0x3F4D]  }
0x2f: {  	lr =	sadd.s32 s0, s3;
	s0 =	sld [smem:$0x3F44]  }
0x30: {  	s3 =	sld [smem:$0x3F47]  }
0x31: {  	[smem:$0x3F50] =	sst s10  }
0x32: {  	s10 =	sld [smem:$0x3F4E];
	_ =	sdelay $0x3  }
0x33: {  	p0 =	seq.s32 s10, $0x1;
	s10 =	sld [smem:$0x3F50];
	_ =	sdelay $0x3  }
0x34: {  	[smem:$0x3F50] =	sst s10  }
0x35: {  	s10 =	sld [smem:$0x3F4F];
	_ =	sdelay $0x3  }
0x36: {  	p1 =	seq.s32 s10, $0x1;
	s10 =	sld [smem:$0x3F50];
	_ =	sdelay $0x3  }
0x37: {  	[smem:$0x3F50] =	sst s10  }
0x38: {  	s10 =	sld [smem:$0x3F51]  }
0x39: {  	_ = 	snop;
	(pc) =	sbr.ind lr, $3  }
0x3a: {  	_ = 	snop  }
0x3b: {  	_ = 	snop  }
0x3c: {  	p2 =	seq.s32 s10, $0x1;
	s10 =	sld [smem:$0x3F50]  }
0x3d: {  	_ =	shalt  }
0x3e: {  	_ =	shalt  }
0x3f: {  	_ =	shalt  }
0x40: {  	_ =	shalt  }
0x41: {  	_ =	shalt  }
0x42: {  	_ =	shalt  }
0x43: {  	_ =	shalt  }
0x44: {  	_ =	shalt  }
0x45: {  	_ =	shalt  }
0x46: {  	_ =	shalt  }
0x47: {  	_ =	shalt  }
0x48: {  	_ =	shalt  }
0x49: {  	_ =	shalt  }
0x4a: {  	_ =	shalt  }
0x4b: {  	_ =	shalt  }
0x4c: {  	_ =	shalt  }
0x4d: {  	_ =	shalt  }
0x4e: {  	_ =	shalt  }
0x4f: {  	_ =	shalt  }
0x50: {  	_ =	shalt  }
0x51: {  	_ =	shalt  }
0x52: {  	_ =	shalt  }
0x53: {  	_ =	shalt  }
0x54: {  	_ =	shalt  }
0x55: {  	_ =	shalt  }
0x56: {  	_ =	shalt  }
0x57: {  	_ =	shalt  }
0x58: {  	_ =	shalt  }
0x59: {  	_ =	shalt  }
0x5a: {  	_ =	shalt  }
0x5b: {  	_ =	shalt  }
0x5c: {  	_ =	shalt  }
0x5d: {  	_ =	shalt  }
0x5e: {  	_ =	shalt  }
0x5f: {  	_ =	shalt  }
0x60: {  	_ =	shalt  }
0x61: {  	_ =	shalt  }
0x62: {  	_ =	shalt  }
0x63: {  	_ =	shalt  }
0x64: {  	_ =	shalt  }
0x65: {  	_ =	shalt  }
0x66: {  	_ =	shalt  }
0x67: {  	_ =	shalt  }
0x68: {  	_ =	shalt  }
0x69: {  	_ =	shalt  }
0x6a: {  	_ =	shalt  }
0x6b: {  	_ =	shalt  }
0x6c: {  	_ =	shalt  }
0x6d: {  	_ =	shalt  }
0x6e: {  	_ =	shalt  }
0x6f: {  	_ =	shalt  }
0x70: {  	_ =	shalt  }
0x71: {  	_ =	shalt  }
0x72: {  	_ =	shalt  }
0x73: {  	_ =	shalt  }
0x74: {  	_ =	shalt  }
0x75: {  	_ =	shalt  }
0x76: {  	_ =	shalt  }
0x77: {  	_ =	shalt  }
0x78: {  	_ =	shalt  }
0x79: {  	_ =	shalt  }
0x7a: {  	_ =	shalt  }
0x7b: {  	_ =	shalt  }
0x7c: {  	_ =	shalt  }
0x7d: {  	_ =	shalt  }
0x7e: {  	_ =	shalt  }
0x7f: {  	_ =	shalt  }
0x80: {  	_ =	shalt  }
0x81: {  	_ =	shalt  }
0x82: {  	_ =	shalt  }
0x83: {  	_ =	shalt  }
0x84: {  	_ =	shalt  }
0x85: {  	_ =	shalt  }
0x86: {  	_ =	shalt  }
0x87: {  	_ =	shalt  }
.Lfunc_end0:
.L_simem_size_0:
called_computation.4_lowered:
.L_overlay_start_0:
0x88: {  	s2 =	sld [smem:$0x3FD9]  }
0x89: {  	s3 =	sld [smem:$0x3FFE];
	_ =	sdelay $0x1  }
0x8a: {  	s1 =	srdreg.scid  }
0x8b: {  	s0 =	sand.u32 $0x1, s1  }
0x8c: {  	s16 =	sshll.u32 s0, $0xA;
	s2 =	sadd.s32 s3, s2  }
0x8d: {  	s2 =	sadd.s32 s2, s16  }
0x8e: {  	[smem:$0x3F5C] =	sst s2  }
0x8f: {  	_ = 	snop  }
0x90: {  	(tm) =	ssettm $0x1  }
0x91: {  	s17 =	sld [smem:$0x3FFB];
	_ =	sdelay $0x3  }
0x92: {  	_ =	strace s17  }
0x93: {  	s2 =	sld [smem:$0x3FFC];
	_ =	sdelay $0x3  }
0x94: {  	_ =	strace s2  }
0x95: {  	s2 =	sld [smem:$0x3FFD];
	_ =	sdelay $0x3  }
0x96: {  	_ =	strace s2  }
0x97: {  	_ =	strace $0x8FFFFFFF  }
0x98: {  	s18 =	sld [smem:$0x3FDB];
	_ =	sdelay $0x1  }
0x99: {  	s19 =	simm.s32 $_scs_section_size  }
0x9a: {  	s4 =	simm.s32 $_size__tile_overlayer_lowered;
	s5 =	simm.s32 $_tile_overlayer_lowered  }
0x9b: {  	s22 =	simm.s32 $0x1BFF;
	s21 =	sshll.u32 s5, $0x1;
	s2 =	sadd.s32 s19, s18  }
0x9c: {  	s6 =	simm.s32 $0x0;
	s20 =	sshll.u32 s4, $0x1;
	s4 =	sadd.s32 s21, s2  }
0x9d: {  	[timem:s6], [sflag:s22] =	dma.local [hbm:s4], s20  }
0x9e: {  	_ =	swait.ge [sflag:s22], s20  }
0x9f: {  	s3 =	ssub.s32 $0x0, s20;
	[sflag:s22] =	ssyncset.done $0x0  }
0xa0: {  	[sflag:s22] =	ssyncadd.s32 s3;
	_ =	sdelay $0x1  }
0xa1: {  	s23 =	simm.s32 $0x1B8B  }
0xa2: {  	_ =	swait.ge [sflag:s23], $0x1  }
0xa3: {  	[sflag:s23] =	ssyncset.done $0x0  }
0xa4: {  	s25 =	simm.s32 $0x1B8E;
	s24 =	sld [smem:$0x3FFE];
	[sflag:s23] =	ssyncadd.s32 $0xFFFFFFFF  }
0xa5: {  	s26 =	simm.s32 $execute0_lowered;
	[smem:$0x3FD2] =	sst s25  }
0xa6: {  	s4 =	sshll.u32 s26, $0x1;
	_ =	strace $0x80000052;
	[dreg:$0x1] =	wrdreg $0xFFFFFFFF  }
0xa7: {  	s28 =	simm.s32 $_size_execute0_lowered;
	s2 =	sadd.s32 s2, s4;
	[dreg:$0x0] =	wrdreg $0x0  }
0xa8: {  	s4 =	sshll.u32 s28, $0x1;
	[dreg:$0x2] =	wrdreg s2  }
0xa9: {  	[dreg:$0x3] =	wrdreg s4  }
0xaa: {  	[dreg:$0x4] =	wrdreg $0xC0  }
0xab: {  	_ =	task [dreg:s6], $0x5FFFF  }
0xac: {  	[dreg:$0x1] =	wrdreg $0xFFFFFFFF  }
0xad: {  	[dreg:$0x0] =	wrdreg $0x60  }
0xae: {  	[dreg:$0x2] =	wrdreg s24  }
0xaf: {  	[dreg:$0x3] =	wrdreg $0x9  }
0xb0: {  	_ =	task.clear_ibuf [dreg:s6], $0x4FFFF;
	_ =	strace $0x90000052  }
0xb1: {  	s29 =	simm.s32 $0x9;
	_ =	strace $0x80000054  }
0xb2: {  	_ =	swait.ge [sflag:s29], $0x1  }
0xb3: {  	[sflag:s29] =	ssyncadd.s32 $0xFFFFFFFF  }
0xb4: {  	_ =	strace $0x90000054  }
0xb5: {  	_ =	sfence  }
0xb6: {  	s30 =	sld [smem:$0x0];
	_ =	sdelay $0x2  }
0xb7: {  	s31 =	sshll.u32 s1, $0xD;
	s1 =	sshrl.u32 s1, $0x2  }
0xb8: {  	s3 =	sand.u32 $0x4000, s31;
	s1 =	sadd.s32 s1, s30  }
0xb9: {  	s0 =	sor.u32 s3, s0;
	s1 =	sshll.u32 s1, $0x11  }
0xba: {  	s0 =	sor.u32 s1, s0  }
0xbb: {  	s0 =	sadd.s32 $0x8F2B, s0  }
0xbc: {  	[sflag:s0] =	ssyncadd.remote.s32 $0x1  }
0xbd: {  	_ =	sfence.sel $0xFFFF  }
0xbe: {  	[dreg:$0x0] =	wrdreg $0xFFFFFFFF;
	(pc) =	sbr.abs _section_cstart, $3  }
0xbf: {  	[dreg:$0x1] =	wrdreg $0xFFFFFFFF  }
0xc0: {  	_ =	task.clear_ibuf [dreg:s6], $0x2FFFF;
	_ =	strace $0x9FFFFFFF  }
0xc1: {  	(tm) =	ssettm $0x7FFFFFFF  }
tec
execute0_lowered:
.L_overlay_start_1:
0x0: {  	(tag) =	ssettag $0x1  }
0x1: {  	s4 =	rddreg [dreg:$0x0]  }
0x2: {  	s0 =	rddreg [dreg:$0x1]  }
0x3: {  	s2 =	simm.s32 $0x0;
	s1 =	stileid.u32;
	s3 =	srdreg.scid  }
0x4: {  	s12 =	simm.s32 $0x4100;
	s13 =	simm.s32 $0x1;
	s14 =	simm.s32 $0x2  }
0x5: {  	s15 =	simm.s32 $0x0;
	[smem:$0x7FF] =	sst s2;
	s5 =	smul.u32 $0x280, s1  }
0x6: {  	s6 =	sand.u32 $0x1, s3;
	s7 =	smul.u32 $0x14000, s1;
	s3 =	sadd.s32 $0x15A00, s4  }
0x7: {  	_ =	strace $0x80000053;
	s8 =	ssub.s32 $0x2, s6;
	s10 =	smul.u32 $0xA000, s6  }
0x8: {  	s29 =	smul.u32 $0x140, s6;
	s9 =	sshrl.u32 s8, $0x1;
	s7 =	sadd.s32 s7, s4  }
0x9: {  	s11 =	sadd.s32 s5, s4;
	s8 =	ssub.s32 s8, s9;
	s30 =	sadd.s32 s10, s7  }
0xa: {  	s31 =	sadd.s32 s29, s11;
	s9 =	simm.s32 $0x3;
	s10 =	simm.s32 $0x80  }
0xb: {  	s11 =	simm.s32 $0x4080;
	s5 =	sadd.s32 $0x1B1C00, s30;
	s6 =	sadd.s32 $0x71C00, s30  }
0xc: {  	s4 =	smax.u32 s8, $0x1;
	s7 =	sadd.s32 $0x32A600, s31;
	s8 =	sadd.s32 $0x32F600, s31  }
.LBB2_1:
0xd: {  	s16 =	sadd.s32 $0x0, s8  }
0xe: {  	[tilespmem:s2], [sflag:$0x3] =	stream.linear.gather [hbm4b:s16+s2], $0x80, $0x38;
	[tilespmem:$0x8100] =	vst v63  }
0xf: {  	_ =	swait.ge [sflag:s9], $0x80  }
0x10: {  	[sflag:s9] =	ssyncset.done $0x0  }
0x11: {  	[sflag:s9] =	ssyncadd.s32 $0xFFFFFF80  }
0x12: {  	[tilespmem:s10], [sflag:$0x1] =	stream.indirect.gather [hbm4b:s3+s10], $0x80, s2, s10, $0xb8;
	[tilespmem:$0x8100] =	vst v63  }
0x13: {  	s31 =	sadd.s32 $0x0, s7  }
0x14: {  	[tilespmem:s11], [sflag:$0x3] =	stream.linear.gather [hbm4b:s31+s2], $0x80, $0x38;
	[tilespmem:$0x8100] =	vst v63  }
0x15: {  	_ =	swait.ge [sflag:s9], $0x80  }
0x16: {  	[sflag:s9] =	ssyncset.done $0x0  }
0x17: {  	[sflag:s9] =	ssyncadd.s32 $0xFFFFFF80  }
0x18: {  	[tilespmem:s12], [sflag:$0x2] =	stream.indirect.gather [hbm4b:s3+s10], $0x80, s11, s10, $0xb8;
	[tilespmem:$0x8100] =	vst v63  }
0x19: {  	_ =	swait.ge [sflag:s13], $0x4000  }
0x1a: {  	[sflag:s13] =	ssyncset.done $0x0  }
0x1b: {  	[sflag:s13] =	ssyncadd.s32 $0xFFFFC000  }
0x1c: {  	[hbm4b:s6+s2] =	stream.linear.scatter [tilespmem:s10], [sflag:$0x3], $0x4000, $0x38;
	[tilespmem:$0x8100] =	vst v63  }
0x1d: {  	_ =	swait.ge [sflag:s9], $0x4000  }
0x1e: {  	[sflag:s9] =	ssyncset.done $0x0  }
0x1f: {  	[sflag:s9] =	ssyncadd.s32 $0xFFFFC000  }
0x20: {  	_ =	swait.ge [sflag:s14], $0x4000  }
0x21: {  	[sflag:s14] =	ssyncset.done $0x0  }
0x22: {  	[sflag:s14] =	ssyncadd.s32 $0xFFFFC000  }
0x23: {  	[hbm4b:s5+s2] =	stream.linear.scatter [tilespmem:s12], [sflag:$0x3], $0x4000, $0x38;
	[tilespmem:$0x8100] =	vst v63  }
0x24: {  	s18 =	simm.s32 $0x10;
	s19 =	simm.s32 $0x20;
	_ =	swait.ge [sflag:s9], $0x4000  }
0x25: {  	s17 =	sadd.s32 $0x800, s6;
	s16 =	sadd.s32 $0x800, s5;
	[sflag:s9] =	ssyncset.done $0x0  }
.LBB2_2:
0x26: {  	s20 =	sadd.s32 s18, s8  }
0x27: {  	[sflag:s9] =	ssyncadd.s32 $0xFFFFC000;
	s21 =	smov.u32 s19;
	s22 =	sadd.s32 $0x10, s19  }
0x28: {  	[tilespmem:s2], [sflag:$0x3] =	stream.linear.gather [hbm4b:s20+s2], $0x80, $0x38;
	[tilespmem:$0x8100] =	vst v63  }
0x29: {  	p0 =	sne.s32 s19, $0x130;
	_ =	swait.ge [sflag:s9], $0x80  }
0x2a: {  	[sflag:s9] =	ssyncset.done $0x0  }
0x2b: {  	[sflag:s9] =	ssyncadd.s32 $0xFFFFFF80  }
0x2c: {  	[tilespmem:s10], [sflag:$0x1] =	stream.indirect.gather [hbm4b:s3+s10], $0x80, s2, s10, $0xb8;
	[tilespmem:$0x8100] =	vst v63  }
0x2d: {  	s19 =	sadd.s32 s18, s7;
	s18 =	smov.u32 s21  }
0x2e: {  	[tilespmem:s11], [sflag:$0x3] =	stream.linear.gather [hbm4b:s19+s2], $0x80, $0x38;
	[tilespmem:$0x8100] =	vst v63  }
0x2f: {  	_ =	swait.ge [sflag:s9], $0x80  }
0x30: {  	[sflag:s9] =	ssyncset.done $0x0  }
0x31: {  	[sflag:s9] =	ssyncadd.s32 $0xFFFFFF80  }
0x32: {  	[tilespmem:s12], [sflag:$0x2] =	stream.indirect.gather [hbm4b:s3+s10], $0x80, s11, s10, $0xb8;
	[tilespmem:$0x8100] =	vst v63  }
0x33: {  	_ =	swait.ge [sflag:s13], $0x4000  }
0x34: {  	[sflag:s13] =	ssyncset.done $0x0  }
0x35: {  	[sflag:s13] =	ssyncadd.s32 $0xFFFFC000  }
0x36: {  	[hbm4b:s17+s2] =	stream.linear.scatter [tilespmem:s10], [sflag:$0x3], $0x4000, $0x38;
	[tilespmem:$0x8100] =	vst v63  }
0x37: {  	_ =	swait.ge [sflag:s9], $0x4000  }
0x38: {  	[sflag:s9] =	ssyncset.done $0x0  }
0x39: {  	[sflag:s9] =	ssyncadd.s32 $0xFFFFC000  }
0x3a: {  	_ =	swait.ge [sflag:s14], $0x4000  }
.Ltmp0:
0x3b: {  	[sflag:s14] =	ssyncset.done $0x0;
	(pc) =	sbr.rel @p0 .LBB2_2-.Ltmp0, $4  }
0x3c: {  	[sflag:s14] =	ssyncadd.s32 $0xFFFFC000  }
0x3d: {  	[hbm4b:s16+s2] =	stream.linear.scatter [tilespmem:s12], [sflag:$0x3], $0x4000, $0x38;
	[tilespmem:$0x8100] =	vst v63  }
0x3e: {  	s19 =	smov.u32 s22;
	_ =	swait.ge [sflag:s9], $0x4000  }
0x3f: {  	s17 =	sadd.s32 $0x800, s17;
	s16 =	sadd.s32 $0x800, s16;
	[sflag:s9] =	ssyncset.done $0x0  }
0x40: {  	s19 =	sadd.s32 s18, s8;
	[sflag:s9] =	ssyncadd.s32 $0xFFFFC000  }
0x41: {  	[tilespmem:s2], [sflag:$0x3] =	stream.linear.gather [hbm4b:s19+s2], $0x80, $0x38;
	[tilespmem:$0x8100] =	vst v63  }
0x42: {  	_ =	swait.ge [sflag:s9], $0x80  }
0x43: {  	[sflag:s9] =	ssyncset.done $0x0  }
0x44: {  	[sflag:s9] =	ssyncadd.s32 $0xFFFFFF80  }
0x45: {  	[tilespmem:s10], [sflag:$0x1] =	stream.indirect.gather [hbm4b:s3+s10], $0x80, s2, s10, $0xb8;
	[tilespmem:$0x8100] =	vst v63  }
0x46: {  	s31 =	sadd.s32 s18, s7  }
0x47: {  	[tilespmem:s11], [sflag:$0x3] =	stream.linear.gather [hbm4b:s31+s2], $0x80, $0x38;
	[tilespmem:$0x8100] =	vst v63  }
0x48: {  	_ =	swait.ge [sflag:s9], $0x80  }
0x49: {  	[sflag:s9] =	ssyncset.done $0x0  }
0x4a: {  	[sflag:s9] =	ssyncadd.s32 $0xFFFFFF80  }
0x4b: {  	[tilespmem:s12], [sflag:$0x2] =	stream.indirect.gather [hbm4b:s3+s10], $0x80, s11, s10, $0xb8;
	[tilespmem:$0x8100] =	vst v63  }
0x4c: {  	_ =	swait.ge [sflag:s13], $0x4000  }
0x4d: {  	[sflag:s13] =	ssyncset.done $0x0  }
0x4e: {  	[sflag:s13] =	ssyncadd.s32 $0xFFFFC000  }
0x4f: {  	[hbm4b:s17+s2] =	stream.linear.scatter [tilespmem:s10], [sflag:$0x3], $0x4000, $0x38;
	[tilespmem:$0x8100] =	vst v63  }
0x50: {  	_ =	swait.ge [sflag:s9], $0x4000  }
0x51: {  	[sflag:s9] =	ssyncset.done $0x0  }
0x52: {  	[sflag:s9] =	ssyncadd.s32 $0xFFFFC000  }
0x53: {  	s15 =	sadd.s32 $0x1, s15;
	_ =	swait.ge [sflag:s14], $0x4000  }
0x54: {  	p0 =	sne.s32 s15, s4;
	[sflag:s14] =	ssyncset.done $0x0  }
.Ltmp1:
0x55: {  	[sflag:s14] =	ssyncadd.s32 $0xFFFFC000;
	(pc) =	sbr.rel @p0 .LBB2_1-.Ltmp1, $4  }
0x56: {  	[hbm4b:s16+s2] =	stream.linear.scatter [tilespmem:s12], [sflag:$0x3], $0x4000, $0x38;
	[tilespmem:$0x8100] =	vst v63  }
0x57: {  	_ =	swait.ge [sflag:s9], $0x4000  }
0x58: {  	[sflag:s9] =	ssyncset.done $0x0  }
0x59: {  	[sflag:s9] =	ssyncadd.s32 $0xFFFFC000  }
0x5a: {  	_ =	sfence.sel $0x180000  }
0x5b: {  	[bflag:$0x0] =	sbarrier.arrive $0xFFFF  }
0x5c: {  	p0 =	sne.s32 s1, $0x0;
	_ =	strace $0x90000053  }
0x5d: {  	s0 =	sadd.s32 @!p0 $0x100000, s0;
	[bflag:$0x2] =	sbarrier.arrive $0xFFFF  }
0x5e: {  	[sflag:s0] =	ssyncadd.tile.s32 @!p0 $0x1;
	_ =	shalt  }
.Lfunc_end2:
_tile_overlayer_lowered:
.L_overlay_start_2:
0x5f: {  	(tag) =	ssettag $0x2  }
0x60: {  	s0 =	rddreg [dreg:$0x0];
	s2 =	stileid.u32  }
0x61: {  	s1 =	rddreg [dreg:$0x1];
	p0 =	sne.s32 s2, $0x0  }
0x62: {  	s3 =	rddreg [dreg:$0x2];
	[bflag:$0x3] =	sbarrier.arrive $0xFFFF;
	s2 =	simm.s32 @!p0 $0x1C03  }
0x63: {  	[timem:s3], [sflag:s2] =	dma.local @!p0 [hbm:s0], s1  }
0x64: {  	s0 =	simm.s32 @!p0 $0x3  }
0x65: {  	_ =	swait.ge @!p0 [sflag:s0], s1  }
0x66: {  	s1 =	ssub.s32 @!p0 $0x0, s1;
	[sflag:s0] =	ssyncset.done @!p0 $0x0  }
0x67: {  	[sflag:s0] =	ssyncadd.s32 @!p0 s1  }
0x68: {  	[bflag:$0x3] =	sbarrier.arrive $0xFFFF  }
0x69: {  	_ =	shalt  }

// kernel: kernel.43.cloned.1.call-start
scs
__scs_entry_jumppad:
0x0: {  	(pc) =	sbr.rel $0x88, $3  }
0x1: {  	(tag) =	ssettag $0x0;
	lr =	simm.s32 $0x1  }
0x2: {  	[smem:$0x3F35] =	sst lr;
	_ =	strace $0xD0000000  }
0x3: {  	_ = 	snop  }
0x4: {  	_ = 	snop  }
0x5: {  	_ = 	snop  }
0x6: {  	_ = 	snop  }
0x7: {  	_ = 	snop  }
__scs_overlays_trampoline_lowered:
0x8: {  	[smem:$0x3F44] =	sst s0  }
0x9: {  	[smem:$0x3F45] =	sst s1  }
0xa: {  	[smem:$0x3F46] =	sst s2  }
0xb: {  	[smem:$0x3F47] =	sst s3  }
0xc: {  	[smem:$0x3F48] =	sst s4  }
0xd: {  	[smem:$0x3F49] =	sst s5  }
0xe: {  	[smem:$0x3F4A] =	sst s6  }
0xf: {  	[smem:$0x3F4B] =	sst s7  }
0x10: {  	[smem:$0x3F4C] =	sst s8  }
0x11: {  	[smem:$0x3F4D] =	sst s9;
	s0 =	simm.s32 @!p0 $0x0  }
0x12: {  	s1 =	sld [smem:$0x3F33];
	s0 =	simm.s32 @p0 $0x1  }
0x13: {  	[smem:$0x3F4E] =	sst s0;
	s0 =	simm.s32 @!p1 $0x0  }
0x14: {  	s2 =	sld [smem:$0x3F32];
	s0 =	simm.s32 @p1 $0x1  }
0x15: {  	[smem:$0x3F4F] =	sst s0;
	s0 =	simm.s32 @!p2 $0x0  }
0x16: {  	s3 =	sld [smem:$0x3FDB];
	s0 =	simm.s32 @p2 $0x1  }
0x17: {  	s4 =	simm.s32 $0x1BF5;
	[smem:$0x3F51] =	sst s0  }
0x18: {  	s0 =	sld [smem:$0x3F34];
	_ =	swait.ge [sflag:s4], $0x0  }
0x19: {  	s7 =	sld [smem:$0x3F35]  }
0x1a: {  	s8 =	sadd.s32 $0xFFFFE003, lr  }
0x1b: {  	s9 =	sadd.s32 $0xFFFFFEF7, lr;
	s5 =	simm.s32 $0xFFFFFFFF;
	p2 =	slt.u32 s8, $0xFFFFF086  }
0x1c: {  	p1 =	slt.u32 s9, $0xF7A;
	s5 =	simm.s32 @!p2 $0x0  }
0x1d: {  	s5 =	simm.s32 @p1 $0x1;
	p0 =	seq.s32 s7, s2  }
0x1e: {  	s7 =	smul.u32 @!p0 $0xF7A, s2;
	p2 =	seq.s32 @!p0 s5, $0x0  }
0x1f: {  	s9 =	smul.u32 $0xF7A, s1;
	s8 =	simm.s32 @!p0 $0x1BF5;
	p2 =	por !p2, p0  }
0x20: {  	[sflag:s8] =	ssyncset.s32 @!p0 $0xFFFFF086;
	s6 =	sadd.s32 @!p0 s3, s7;
	s7 =	simm.s32 @!p0 $0x108  }
0x21: {  	s3 =	sadd.s32 s3, s9;
	s6 =	sadd.s32 @!p0 $0x88, s6;
	s7 =	simm.s32 @p2 $0x1082  }
0x22: {  	[simem:s7], [sflag:s8] =	dma.local @!p0 [hbm:s6], $0xF7A  }
0x23: {  	s9 =	sor.u32 $0xD0000000, s2;
	s6 =	simm.s32 $0x108;
	_ =	swait.ge @!p0 [sflag:s8], $0x0  }
0x24: {  	s3 =	sadd.s32 $0x88, s3;
	s6 =	simm.s32 @!p1 $0x1082;
	[sflag:s4] =	ssyncset.s32 $0xFFFFF086  }
0x25: {  	[simem:s6], [sflag:s4] =	dma.local [hbm:s3], $0xF7A  }
0x26: {  	[smem:$0x3F35] =	sst s1;
	(tag) =	ssettag s2;
	_ =	strace s9  }
0x27: {  	s1 =	sld [smem:$0x3F45]  }
0x28: {  	s2 =	sld [smem:$0x3F46]  }
0x29: {  	s4 =	sld [smem:$0x3F48]  }
0x2a: {  	p0 =	seq.s32 s5, $0x0;
	s5 =	sld [smem:$0x3F49]  }
0x2b: {  	s6 =	sld [smem:$0x3F4A]  }
0x2c: {  	s7 =	sld [smem:$0x3F4B]  }
0x2d: {  	s3 =	simm.s32 $0x108;
	s8 =	sld [smem:$0x3F4C]  }
0x2e: {  	s3 =	simm.s32 @!p0 $0x1082;
	s9 =	sld [smem:$0x3F4D]  }
0x2f: {  	lr =	sadd.s32 s0, s3;
	s0 =	sld [smem:$0x3F44]  }
0x30: {  	s3 =	sld [smem:$0x3F47]  }
0x31: {  	[smem:$0x3F50] =	sst s10  }
0x32: {  	s10 =	sld [smem:$0x3F4E];
	_ =	sdelay $0x3  }
0x33: {  	p0 =	seq.s32 s10, $0x1;
	s10 =	sld [smem:$0x3F50];
	_ =	sdelay $0x3  }
0x34: {  	[smem:$0x3F50] =	sst s10  }
0x35: {  	s10 =	sld [smem:$0x3F4F];
	_ =	sdelay $0x3  }
0x36: {  	p1 =	seq.s32 s10, $0x1;
	s10 =	sld [smem:$0x3F50];
	_ =	sdelay $0x3  }
0x37: {  	[smem:$0x3F50] =	sst s10  }
0x38: {  	s10 =	sld [smem:$0x3F51]  }
0x39: {  	_ = 	snop;
	(pc) =	sbr.ind lr, $3  }
0x3a: {  	_ = 	snop  }
0x3b: {  	_ = 	snop  }
0x3c: {  	p2 =	seq.s32 s10, $0x1;
	s10 =	sld [smem:$0x3F50]  }
0x3d: {  	_ =	shalt  }
0x3e: {  	_ =	shalt  }
0x3f: {  	_ =	shalt  }
0x40: {  	_ =	shalt  }
0x41: {  	_ =	shalt  }
0x42: {  	_ =	shalt  }
0x43: {  	_ =	shalt  }
0x44: {  	_ =	shalt  }
0x45: {  	_ =	shalt  }
0x46: {  	_ =	shalt  }
0x47: {  	_ =	shalt  }
0x48: {  	_ =	shalt  }
0x49: {  	_ =	shalt  }
0x4a: {  	_ =	shalt  }
0x4b: {  	_ =	shalt  }
0x4c: {  	_ =	shalt  }
0x4d: {  	_ =	shalt  }
0x4e: {  	_ =	shalt  }
0x4f: {  	_ =	shalt  }
0x50: {  	_ =	shalt  }
0x51: {  	_ =	shalt  }
0x52: {  	_ =	shalt  }
0x53: {  	_ =	shalt  }
0x54: {  	_ =	shalt  }
0x55: {  	_ =	shalt  }
0x56: {  	_ =	shalt  }
0x57: {  	_ =	shalt  }
0x58: {  	_ =	shalt  }
0x59: {  	_ =	shalt  }
0x5a: {  	_ =	shalt  }
0x5b: {  	_ =	shalt  }
0x5c: {  	_ =	shalt  }
0x5d: {  	_ =	shalt  }
0x5e: {  	_ =	shalt  }
0x5f: {  	_ =	shalt  }
0x60: {  	_ =	shalt  }
0x61: {  	_ =	shalt  }
0x62: {  	_ =	shalt  }
0x63: {  	_ =	shalt  }
0x64: {  	_ =	shalt  }
0x65: {  	_ =	shalt  }
0x66: {  	_ =	shalt  }
0x67: {  	_ =	shalt  }
0x68: {  	_ =	shalt  }
0x69: {  	_ =	shalt  }
0x6a: {  	_ =	shalt  }
0x6b: {  	_ =	shalt  }
0x6c: {  	_ =	shalt  }
0x6d: {  	_ =	shalt  }
0x6e: {  	_ =	shalt  }
0x6f: {  	_ =	shalt  }
0x70: {  	_ =	shalt  }
0x71: {  	_ =	shalt  }
0x72: {  	_ =	shalt  }
0x73: {  	_ =	shalt  }
0x74: {  	_ =	shalt  }
0x75: {  	_ =	shalt  }
0x76: {  	_ =	shalt  }
0x77: {  	_ =	shalt  }
0x78: {  	_ =	shalt  }
0x79: {  	_ =	shalt  }
0x7a: {  	_ =	shalt  }
0x7b: {  	_ =	shalt  }
0x7c: {  	_ =	shalt  }
0x7d: {  	_ =	shalt  }
0x7e: {  	_ =	shalt  }
0x7f: {  	_ =	shalt  }
0x80: {  	_ =	shalt  }
0x81: {  	_ =	shalt  }
0x82: {  	_ =	shalt  }
0x83: {  	_ =	shalt  }
0x84: {  	_ =	shalt  }
0x85: {  	_ =	shalt  }
0x86: {  	_ =	shalt  }
0x87: {  	_ =	shalt  }
.Lfunc_end0:
.L_simem_size_0:
called_computation.5_lowered:
.L_overlay_start_0:
0x88: {  	s2 =	sld [smem:$0x3FD9]  }
0x89: {  	s3 =	sld [smem:$0x3FFE];
	_ =	sdelay $0x1  }
0x8a: {  	s1 =	srdreg.scid  }
0x8b: {  	s0 =	sand.u32 $0x1, s1  }
0x8c: {  	s17 =	sshll.u32 s0, $0xA;
	s2 =	sadd.s32 s3, s2  }
0x8d: {  	s2 =	sadd.s32 s2, s17  }
0x8e: {  	[smem:$0x3F5C] =	sst s2  }
0x8f: {  	_ = 	snop  }
0x90: {  	s2 =	sld [smem:$0x3FD0];
	(tm) =	ssettm $0x1  }
0x91: {  	s18 =	sld [smem:$0x3FFB];
	_ =	sdelay $0x3  }
0x92: {  	_ =	strace s18  }
0x93: {  	s3 =	sld [smem:$0x3FFC];
	_ =	sdelay $0x3  }
0x94: {  	_ =	strace s3  }
0x95: {  	s3 =	sld [smem:$0x3FFD];
	_ =	sdelay $0x3  }
0x96: {  	_ =	strace s3  }
0x97: {  	_ =	strace $0x8FFFFFFF  }
0x98: {  	s19 =	sld [smem:$0x3FDB];
	_ =	sdelay $0x1  }
0x99: {  	s4 =	simm.s32 $_scs_section_size  }
0x9a: {  	s5 =	simm.s32 $_size__tile_overlayer_lowered;
	s6 =	simm.s32 $_tile_overlayer_lowered  }
0x9b: {  	s22 =	simm.s32 $0x1BFF;
	s21 =	sshll.u32 s6, $0x1;
	s3 =	sadd.s32 s4, s19  }
0x9c: {  	s7 =	simm.s32 $0x0;
	s20 =	sshll.u32 s5, $0x1;
	s5 =	sadd.s32 s21, s3  }
0x9d: {  	[timem:s7], [sflag:s22] =	dma.local [hbm:s5], s20  }
0x9e: {  	_ =	swait.ge [sflag:s22], s20  }
0x9f: {  	s4 =	ssub.s32 $0x0, s20;
	[sflag:s22] =	ssyncset.done $0x0  }
0xa0: {  	[sflag:s22] =	ssyncadd.s32 s4;
	_ =	sdelay $0x1  }
0xa1: {  	s23 =	simm.s32 $0x1B8B  }
0xa2: {  	_ =	swait.ge [sflag:s23], $0x1  }
0xa3: {  	[sflag:s23] =	ssyncset.done $0x0  }
0xa4: {  	s25 =	simm.s32 $0x1B8E;
	s24 =	sld [smem:$0x3FFE];
	[sflag:s23] =	ssyncadd.s32 $0xFFFFFFFF  }
0xa5: {  	s26 =	simm.s32 $execute0_lowered;
	[smem:$0x3FD2] =	sst s25  }
0xa6: {  	s5 =	sshll.u32 s26, $0x1;
	_ =	strace $0x80000055;
	[dreg:$0x1] =	wrdreg $0xFFFFFFFF  }
0xa7: {  	s28 =	simm.s32 $_size_execute0_lowered;
	s3 =	sadd.s32 s3, s5;
	[dreg:$0x0] =	wrdreg $0x0  }
0xa8: {  	s5 =	sshll.u32 s28, $0x1;
	[dreg:$0x2] =	wrdreg s3  }
0xa9: {  	[dreg:$0x3] =	wrdreg s5  }
0xaa: {  	[dreg:$0x4] =	wrdreg $0xC0  }
0xab: {  	_ =	task [dreg:s7], $0x5FFFF  }
0xac: {  	[dreg:$0x1] =	wrdreg $0xFFFFFFFF  }
0xad: {  	[dreg:$0x0] =	wrdreg $0x60  }
0xae: {  	[dreg:$0x2] =	wrdreg s2  }
0xaf: {  	[dreg:$0x3] =	wrdreg s24  }
0xb0: {  	[dreg:$0x4] =	wrdreg $0x40800  }
0xb1: {  	[dreg:$0x5] =	wrdreg $0x9  }
0xb2: {  	_ =	task.clear_ibuf [dreg:s7], $0x6FFFF;
	_ =	strace $0x90000055  }
0xb3: {  	s29 =	simm.s32 $0x9;
	_ =	strace $0x80000057  }
0xb4: {  	_ =	swait.ge [sflag:s29], $0x1  }
0xb5: {  	[sflag:s29] =	ssyncadd.s32 $0xFFFFFFFF  }
0xb6: {  	_ =	strace $0x90000057  }
0xb7: {  	_ =	sfence  }
0xb8: {  	s30 =	sld [smem:$0x0];
	_ =	sdelay $0x2  }
0xb9: {  	s31 =	sshll.u32 s1, $0xD;
	s1 =	sshrl.u32 s1, $0x2  }
0xba: {  	s3 =	sand.u32 $0x4000, s31;
	s1 =	sadd.s32 s1, s30  }
0xbb: {  	s0 =	sor.u32 s3, s0;
	s1 =	sshll.u32 s1, $0x11  }
0xbc: {  	s0 =	sor.u32 s1, s0  }
0xbd: {  	s0 =	sadd.s32 $0x8F2B, s0  }
0xbe: {  	[sflag:s0] =	ssyncadd.remote.s32 $0x1  }
0xbf: {  	_ =	sfence.sel $0xFFFF  }
0xc0: {  	[dreg:$0x0] =	wrdreg $0xFFFFFFFF;
	(pc) =	sbr.abs _section_cstart, $3  }
0xc1: {  	[dreg:$0x1] =	wrdreg $0xFFFFFFFF  }
0xc2: {  	_ =	task.clear_ibuf [dreg:s7], $0x2FFFF;
	_ =	strace $0x9FFFFFFF  }
0xc3: {  	(tm) =	ssettm $0x7FFFFFFF  }
tec
execute0_lowered:
.L_overlay_start_1:
0x0: {  	(tag) =	ssettag $0x1  }
0x1: {  	s8 =	rddreg [dreg:$0x0]  }
0x2: {  	s4 =	rddreg [dreg:$0x1]  }
0x3: {  	s2 =	rddreg [dreg:$0x2];
	s1 =	stileid.u32  }
0x4: {  	s0 =	rddreg [dreg:$0x3];
	s6 =	smul.u32 $0x280, s1  }
0x5: {  	s5 =	srdreg.scid;
	s3 =	simm.s32 $0x0;
	s25 =	smul.u32 $0x2800, s1  }
0x6: {  	s7 =	sand.u32 $0x1, s5;
	[smem:$0x7FF] =	sst s3;
	s11 =	smul.u32 $0x50000, s1  }
0x7: {  	s29 =	smul.u32 $0x14000, s1;
	s13 =	sshll.u32 s1, $0x6;
	s9 =	ssub.s32 $0x2, s7  }
0x8: {  	_ =	strace $0x80000056;
	p0 =	seq.s32 s7, $0x1;
	s14 =	smul.u32 $0x140, s7  }
0x9: {  	s30 =	smul.u32 $0xA000, s7;
	s10 =	sshrl.u32 s9, $0x1;
	s12 =	sadd.s32 s6, s4  }
0xa: {  	s5 =	sadd.s32 s25, s4;
	s26 =	sshrl.u32 s11, $0x2;
	s6 =	simm.s32 $0x99C00  }
0xb: {  	s8 =	sadd.s32 s29, s8;
	s11 =	simm.s32 $0x1;
	s9 =	ssub.s32 s9, s10  }
0xc: {  	s28 =	sadd.s32 s26, s2;
	s6 =	simm.s32 @!p0 $0x71C00;
	s31 =	sadd.s32 s14, s12  }
0xd: {  	s8 =	sadd.s32 s30, s8;
	s12 =	simm.s32 $0x80;
	s4 =	sadd.s32 s6, s5  }
0xe: {  	s5 =	sadd.s32 $0x3F400, s5;
	s6 =	sor.u32 $0x1C01, s13;
	s7 =	smax.u32 s9, $0x1  }
0xf: {  	s9 =	sadd.s32 $0x32CE00, s31;
	s10 =	sshrl.u32 s28, $0x3;
	s13 =	simm.s32 $0x0  }
.LBB2_1:
0x10: {  	[spmem:s10], [sflag:s6] =	dma.local [hbm:s5], $0x2800  }
0x11: {  	_ =	swait.ge [sflag:s11], $0x2800  }
0x12: {  	[sflag:s11] =	ssyncset.done $0x0  }
0x13: {  	[sflag:s11] =	ssyncadd.s32 $0xFFFFD800  }
0x14: {  	s14 =	sadd.s32 $0x0, s9;
	[bflag:$0x0] =	sbarrier.arrive $0xFFFF  }
0x15: {  	[tilespmem:s3], [sflag:$0x1] =	stream.linear.gather [hbm4b:s14+s3], $0x80, $0x38;
	[tilespmem:$0x18080] =	vst v63  }
0x16: {  	_ =	swait.ge [sflag:s11], $0x80  }
0x17: {  	[sflag:s11] =	ssyncset.done $0x0  }
0x18: {  	[sflag:s11] =	ssyncadd.s32 $0xFFFFFF80  }
0x19: {  	[tilespmem:s12], [sflag:$0x1] =	stream.linear.gather [hbm4b:s8+s3], $0x4000, $0x38;
	[tilespmem:$0x18080] =	vst v63  }
0x1a: {  	_ =	swait.ge [sflag:s11], $0x4000  }
0x1b: {  	[sflag:s11] =	ssyncset.done $0x0  }
0x1c: {  	[sflag:s11] =	ssyncadd.s32 $0xFFFFC000  }
0x1d: {  	[spmem:s2] =	stream.indirect.scatter.add.f32 [tilespmem:s12], [sflag:$0x1], $0x80, s3, s12, $0xb8;
	[tilespmem:$0x18080] =	vst v63  }
0x1e: {  	s15 =	simm.s32 $0x10;
	_ =	swait.ge [sflag:s11], $0x4000  }
0x1f: {  	s16 =	simm.s32 $0x20;
	s14 =	sadd.s32 $0x800, s8;
	[sflag:s11] =	ssyncset.done $0x0  }
.LBB2_2:
0x20: {  	s17 =	sadd.s32 s15, s9  }
0x21: {  	[sflag:s11] =	ssyncadd.s32 $0xFFFFC000;
	s15 =	smov.u32 s16;
	s18 =	sadd.s32 $0x10, s16  }
0x22: {  	[tilespmem:s3], [sflag:$0x1] =	stream.linear.gather [hbm4b:s17+s3], $0x80, $0x38;
	[tilespmem:$0x18080] =	vst v63  }
0x23: {  	p0 =	sne.s32 s16, $0x130;
	_ =	swait.ge [sflag:s11], $0x80  }
0x24: {  	[sflag:s11] =	ssyncset.done $0x0  }
0x25: {  	[sflag:s11] =	ssyncadd.s32 $0xFFFFFF80  }
0x26: {  	[tilespmem:s12], [sflag:$0x1] =	stream.linear.gather [hbm4b:s14+s3], $0x4000, $0x38;
	[tilespmem:$0x18080] =	vst v63  }
0x27: {  	_ =	swait.ge [sflag:s11], $0x4000  }
.Ltmp0:
0x28: {  	[sflag:s11] =	ssyncset.done $0x0;
	(pc) =	sbr.rel @p0 .LBB2_2-.Ltmp0, $4  }
0x29: {  	[sflag:s11] =	ssyncadd.s32 $0xFFFFC000  }
0x2a: {  	[spmem:s2] =	stream.indirect.scatter.add.f32 [tilespmem:s12], [sflag:$0x1], $0x80, s3, s12, $0xb8;
	[tilespmem:$0x18080] =	vst v63  }
0x2b: {  	_ =	swait.ge [sflag:s11], $0x4000  }
0x2c: {  	s16 =	smov.u32 s18;
	s14 =	sadd.s32 $0x800, s14;
	[sflag:s11] =	ssyncset.done $0x0  }
0x2d: {  	s15 =	sadd.s32 s15, s9;
	[sflag:s11] =	ssyncadd.s32 $0xFFFFC000  }
0x2e: {  	[tilespmem:s3], [sflag:$0x1] =	stream.linear.gather [hbm4b:s15+s3], $0x80, $0x38;
	[tilespmem:$0x18080] =	vst v63  }
0x2f: {  	_ =	swait.ge [sflag:s11], $0x80  }
0x30: {  	[sflag:s11] =	ssyncset.done $0x0  }
0x31: {  	[sflag:s11] =	ssyncadd.s32 $0xFFFFFF80  }
0x32: {  	[tilespmem:s12], [sflag:$0x1] =	stream.linear.gather [hbm4b:s14+s3], $0x4000, $0x38;
	[tilespmem:$0x18080] =	vst v63  }
0x33: {  	_ =	swait.ge [sflag:s11], $0x4000  }
0x34: {  	[sflag:s11] =	ssyncset.done $0x0  }
0x35: {  	[sflag:s11] =	ssyncadd.s32 $0xFFFFC000  }
0x36: {  	[spmem:s2] =	stream.indirect.scatter.add.f32 [tilespmem:s12], [sflag:$0x1], $0x80, s3, s12, $0xb8;
	[tilespmem:$0x18080] =	vst v63  }
0x37: {  	_ =	swait.ge [sflag:s11], $0x4000  }
0x38: {  	s13 =	sadd.s32 $0x1, s13;
	[sflag:s11] =	ssyncset.done $0x0  }
0x39: {  	p0 =	sne.s32 s13, s7;
	[sflag:s11] =	ssyncadd.s32 $0xFFFFC000  }
.Ltmp1:
0x3a: {  	[bflag:$0x0] =	sbarrier.arrive $0xFFFF;
	(pc) =	sbr.rel @p0 .LBB2_1-.Ltmp1, $4  }
0x3b: {  	[hbm:s4], [sflag:s6] =	dma.local [spmem:s10], $0x2800  }
0x3c: {  	_ =	swait.ge [sflag:s11], $0x2800  }
0x3d: {  	[sflag:s11] =	ssyncset.done $0x0  }
0x3e: {  	[sflag:s11] =	ssyncadd.s32 $0xFFFFD800  }
0x3f: {  	_ =	sfence.sel $0x180000  }
0x40: {  	[bflag:$0x0] =	sbarrier.arrive $0xFFFF  }
0x41: {  	p0 =	sne.s32 s1, $0x0;
	_ =	strace $0x90000056  }
0x42: {  	s0 =	sadd.s32 @!p0 $0x100000, s0;
	[bflag:$0x2] =	sbarrier.arrive $0xFFFF  }
0x43: {  	[sflag:s0] =	ssyncadd.tile.s32 @!p0 $0x1;
	_ =	shalt  }
.Lfunc_end2:
_tile_overlayer_lowered:
.L_overlay_start_2:
0x44: {  	(tag) =	ssettag $0x2  }
0x45: {  	s0 =	rddreg [dreg:$0x0];
	s2 =	stileid.u32  }
0x46: {  	s1 =	rddreg [dreg:$0x1];
	p0 =	sne.s32 s2, $0x0  }
0x47: {  	s3 =	rddreg [dreg:$0x2];
	[bflag:$0x3] =	sbarrier.arrive $0xFFFF;
	s2 =	simm.s32 @!p0 $0x1C01  }
0x48: {  	[timem:s3], [sflag:s2] =	dma.local @!p0 [hbm:s0], s1  }
0x49: {  	s0 =	simm.s32 @!p0 $0x1  }
0x4a: {  	_ =	swait.ge @!p0 [sflag:s0], s1  }
0x4b: {  	s1 =	ssub.s32 @!p0 $0x0, s1;
	[sflag:s0] =	ssyncset.done @!p0 $0x0  }
0x4c: {  	[sflag:s0] =	ssyncadd.s32 @!p0 s1  }
0x4d: {  	[bflag:$0x3] =	sbarrier.arrive $0xFFFF  }
0x4e: {  	_ =	shalt  }

// kernel: kernel.46.cloned.1.call-start
scs
__scs_entry_jumppad:
0x0: {  	(pc) =	sbr.rel $0x88, $3  }
0x1: {  	(tag) =	ssettag $0x0;
	lr =	simm.s32 $0x1  }
0x2: {  	[smem:$0x3F35] =	sst lr;
	_ =	strace $0xD0000000  }
0x3: {  	_ = 	snop  }
0x4: {  	_ = 	snop  }
0x5: {  	_ = 	snop  }
0x6: {  	_ = 	snop  }
0x7: {  	_ = 	snop  }
__scs_overlays_trampoline_lowered:
0x8: {  	[smem:$0x3F44] =	sst s0  }
0x9: {  	[smem:$0x3F45] =	sst s1  }
0xa: {  	[smem:$0x3F46] =	sst s2  }
0xb: {  	[smem:$0x3F47] =	sst s3  }
0xc: {  	[smem:$0x3F48] =	sst s4  }
0xd: {  	[smem:$0x3F49] =	sst s5  }
0xe: {  	[smem:$0x3F4A] =	sst s6  }
0xf: {  	[smem:$0x3F4B] =	sst s7  }
0x10: {  	[smem:$0x3F4C] =	sst s8  }
0x11: {  	[smem:$0x3F4D] =	sst s9;
	s0 =	simm.s32 @!p0 $0x0  }
0x12: {  	s1 =	sld [smem:$0x3F33];
	s0 =	simm.s32 @p0 $0x1  }
0x13: {  	[smem:$0x3F4E] =	sst s0;
	s0 =	simm.s32 @!p1 $0x0  }
0x14: {  	s2 =	sld [smem:$0x3F32];
	s0 =	simm.s32 @p1 $0x1  }
0x15: {  	[smem:$0x3F4F] =	sst s0;
	s0 =	simm.s32 @!p2 $0x0  }
0x16: {  	s3 =	sld [smem:$0x3FDB];
	s0 =	simm.s32 @p2 $0x1  }
0x17: {  	s4 =	simm.s32 $0x1BF5;
	[smem:$0x3F51] =	sst s0  }
0x18: {  	s0 =	sld [smem:$0x3F34];
	_ =	swait.ge [sflag:s4], $0x0  }
0x19: {  	s7 =	sld [smem:$0x3F35]  }
0x1a: {  	s8 =	sadd.s32 $0xFFFFE003, lr  }
0x1b: {  	s9 =	sadd.s32 $0xFFFFFEF7, lr;
	s5 =	simm.s32 $0xFFFFFFFF;
	p2 =	slt.u32 s8, $0xFFFFF086  }
0x1c: {  	p1 =	slt.u32 s9, $0xF7A;
	s5 =	simm.s32 @!p2 $0x0  }
0x1d: {  	s5 =	simm.s32 @p1 $0x1;
	p0 =	seq.s32 s7, s2  }
0x1e: {  	s7 =	smul.u32 @!p0 $0xF7A, s2;
	p2 =	seq.s32 @!p0 s5, $0x0  }
0x1f: {  	s9 =	smul.u32 $0xF7A, s1;
	s8 =	simm.s32 @!p0 $0x1BF5;
	p2 =	por !p2, p0  }
0x20: {  	[sflag:s8] =	ssyncset.s32 @!p0 $0xFFFFF086;
	s6 =	sadd.s32 @!p0 s3, s7;
	s7 =	simm.s32 @!p0 $0x108  }
0x21: {  	s3 =	sadd.s32 s3, s9;
	s6 =	sadd.s32 @!p0 $0x88, s6;
	s7 =	simm.s32 @p2 $0x1082  }
0x22: {  	[simem:s7], [sflag:s8] =	dma.local @!p0 [hbm:s6], $0xF7A  }
0x23: {  	s9 =	sor.u32 $0xD0000000, s2;
	s6 =	simm.s32 $0x108;
	_ =	swait.ge @!p0 [sflag:s8], $0x0  }
0x24: {  	s3 =	sadd.s32 $0x88, s3;
	s6 =	simm.s32 @!p1 $0x1082;
	[sflag:s4] =	ssyncset.s32 $0xFFFFF086  }
0x25: {  	[simem:s6], [sflag:s4] =	dma.local [hbm:s3], $0xF7A  }
0x26: {  	[smem:$0x3F35] =	sst s1;
	(tag) =	ssettag s2;
	_ =	strace s9  }
0x27: {  	s1 =	sld [smem:$0x3F45]  }
0x28: {  	s2 =	sld [smem:$0x3F46]  }
0x29: {  	s4 =	sld [smem:$0x3F48]  }
0x2a: {  	p0 =	seq.s32 s5, $0x0;
	s5 =	sld [smem:$0x3F49]  }
0x2b: {  	s6 =	sld [smem:$0x3F4A]  }
0x2c: {  	s7 =	sld [smem:$0x3F4B]  }
0x2d: {  	s3 =	simm.s32 $0x108;
	s8 =	sld [smem:$0x3F4C]  }
0x2e: {  	s3 =	simm.s32 @!p0 $0x1082;
	s9 =	sld [smem:$0x3F4D]  }
0x2f: {  	lr =	sadd.s32 s0, s3;
	s0 =	sld [smem:$0x3F44]  }
0x30: {  	s3 =	sld [smem:$0x3F47]  }
0x31: {  	[smem:$0x3F50] =	sst s10  }
0x32: {  	s10 =	sld [smem:$0x3F4E];
	_ =	sdelay $0x3  }
0x33: {  	p0 =	seq.s32 s10, $0x1;
	s10 =	sld [smem:$0x3F50];
	_ =	sdelay $0x3  }
0x34: {  	[smem:$0x3F50] =	sst s10  }
0x35: {  	s10 =	sld [smem:$0x3F4F];
	_ =	sdelay $0x3  }
0x36: {  	p1 =	seq.s32 s10, $0x1;
	s10 =	sld [smem:$0x3F50];
	_ =	sdelay $0x3  }
0x37: {  	[smem:$0x3F50] =	sst s10  }
0x38: {  	s10 =	sld [smem:$0x3F51]  }
0x39: {  	_ = 	snop;
	(pc) =	sbr.ind lr, $3  }
0x3a: {  	_ = 	snop  }
0x3b: {  	_ = 	snop  }
0x3c: {  	p2 =	seq.s32 s10, $0x1;
	s10 =	sld [smem:$0x3F50]  }
0x3d: {  	_ =	shalt  }
0x3e: {  	_ =	shalt  }
0x3f: {  	_ =	shalt  }
0x40: {  	_ =	shalt  }
0x41: {  	_ =	shalt  }
0x42: {  	_ =	shalt  }
0x43: {  	_ =	shalt  }
0x44: {  	_ =	shalt  }
0x45: {  	_ =	shalt  }
0x46: {  	_ =	shalt  }
0x47: {  	_ =	shalt  }
0x48: {  	_ =	shalt  }
0x49: {  	_ =	shalt  }
0x4a: {  	_ =	shalt  }
0x4b: {  	_ =	shalt  }
0x4c: {  	_ =	shalt  }
0x4d: {  	_ =	shalt  }
0x4e: {  	_ =	shalt  }
0x4f: {  	_ =	shalt  }
0x50: {  	_ =	shalt  }
0x51: {  	_ =	shalt  }
0x52: {  	_ =	shalt  }
0x53: {  	_ =	shalt  }
0x54: {  	_ =	shalt  }
0x55: {  	_ =	shalt  }
0x56: {  	_ =	shalt  }
0x57: {  	_ =	shalt  }
0x58: {  	_ =	shalt  }
0x59: {  	_ =	shalt  }
0x5a: {  	_ =	shalt  }
0x5b: {  	_ =	shalt  }
0x5c: {  	_ =	shalt  }
0x5d: {  	_ =	shalt  }
0x5e: {  	_ =	shalt  }
0x5f: {  	_ =	shalt  }
0x60: {  	_ =	shalt  }
0x61: {  	_ =	shalt  }
0x62: {  	_ =	shalt  }
0x63: {  	_ =	shalt  }
0x64: {  	_ =	shalt  }
0x65: {  	_ =	shalt  }
0x66: {  	_ =	shalt  }
0x67: {  	_ =	shalt  }
0x68: {  	_ =	shalt  }
0x69: {  	_ =	shalt  }
0x6a: {  	_ =	shalt  }
0x6b: {  	_ =	shalt  }
0x6c: {  	_ =	shalt  }
0x6d: {  	_ =	shalt  }
0x6e: {  	_ =	shalt  }
0x6f: {  	_ =	shalt  }
0x70: {  	_ =	shalt  }
0x71: {  	_ =	shalt  }
0x72: {  	_ =	shalt  }
0x73: {  	_ =	shalt  }
0x74: {  	_ =	shalt  }
0x75: {  	_ =	shalt  }
0x76: {  	_ =	shalt  }
0x77: {  	_ =	shalt  }
0x78: {  	_ =	shalt  }
0x79: {  	_ =	shalt  }
0x7a: {  	_ =	shalt  }
0x7b: {  	_ =	shalt  }
0x7c: {  	_ =	shalt  }
0x7d: {  	_ =	shalt  }
0x7e: {  	_ =	shalt  }
0x7f: {  	_ =	shalt  }
0x80: {  	_ =	shalt  }
0x81: {  	_ =	shalt  }
0x82: {  	_ =	shalt  }
0x83: {  	_ =	shalt  }
0x84: {  	_ =	shalt  }
0x85: {  	_ =	shalt  }
0x86: {  	_ =	shalt  }
0x87: {  	_ =	shalt  }
.Lfunc_end0:
.L_simem_size_0:
called_computation.6_lowered:
.L_overlay_start_0:
0x88: {  	s2 =	sld [smem:$0x3FD9]  }
0x89: {  	s3 =	sld [smem:$0x3FFE];
	_ =	sdelay $0x1  }
0x8a: {  	s1 =	srdreg.scid  }
0x8b: {  	s0 =	sand.u32 $0x1, s1  }
0x8c: {  	s16 =	sshll.u32 s0, $0xA;
	s2 =	sadd.s32 s3, s2  }
0x8d: {  	s2 =	sadd.s32 s2, s16  }
0x8e: {  	[smem:$0x3F5C] =	sst s2  }
0x8f: {  	_ = 	snop  }
0x90: {  	(tm) =	ssettm $0x1  }
0x91: {  	s17 =	sld [smem:$0x3FFB];
	_ =	sdelay $0x3  }
0x92: {  	_ =	strace s17  }
0x93: {  	s2 =	sld [smem:$0x3FFC];
	_ =	sdelay $0x3  }
0x94: {  	_ =	strace s2  }
0x95: {  	s2 =	sld [smem:$0x3FFD];
	_ =	sdelay $0x3  }
0x96: {  	_ =	strace s2  }
0x97: {  	_ =	strace $0x8FFFFFFF  }
0x98: {  	s18 =	sld [smem:$0x3FDB];
	_ =	sdelay $0x1  }
0x99: {  	s19 =	simm.s32 $_scs_section_size  }
0x9a: {  	s4 =	simm.s32 $_size__tile_overlayer_lowered;
	s5 =	simm.s32 $_tile_overlayer_lowered  }
0x9b: {  	s22 =	simm.s32 $0x1BFF;
	s21 =	sshll.u32 s5, $0x1;
	s2 =	sadd.s32 s19, s18  }
0x9c: {  	s6 =	simm.s32 $0x0;
	s20 =	sshll.u32 s4, $0x1;
	s4 =	sadd.s32 s21, s2  }
0x9d: {  	[timem:s6], [sflag:s22] =	dma.local [hbm:s4], s20  }
0x9e: {  	_ =	swait.ge [sflag:s22], s20  }
0x9f: {  	s3 =	ssub.s32 $0x0, s20;
	[sflag:s22] =	ssyncset.done $0x0  }
0xa0: {  	[sflag:s22] =	ssyncadd.s32 s3;
	_ =	sdelay $0x1  }
0xa1: {  	s23 =	simm.s32 $0x1B8B  }
0xa2: {  	_ =	swait.ge [sflag:s23], $0x1  }
0xa3: {  	[sflag:s23] =	ssyncset.done $0x0  }
0xa4: {  	s25 =	simm.s32 $0x1B8E;
	s24 =	sld [smem:$0x3FFE];
	[sflag:s23] =	ssyncadd.s32 $0xFFFFFFFF  }
0xa5: {  	s26 =	simm.s32 $execute0_lowered;
	[smem:$0x3FD2] =	sst s25  }
0xa6: {  	s4 =	sshll.u32 s26, $0x1;
	_ =	strace $0x80000058;
	[dreg:$0x1] =	wrdreg $0xFFFFFFFF  }
0xa7: {  	s28 =	simm.s32 $_size_execute0_lowered;
	s2 =	sadd.s32 s2, s4;
	[dreg:$0x0] =	wrdreg $0x0  }
0xa8: {  	s4 =	sshll.u32 s28, $0x1;
	[dreg:$0x2] =	wrdreg s2  }
0xa9: {  	[dreg:$0x3] =	wrdreg s4  }
0xaa: {  	[dreg:$0x4] =	wrdreg $0xC0  }
0xab: {  	_ =	task [dreg:s6], $0x5FFFF  }
0xac: {  	[dreg:$0x1] =	wrdreg $0xFFFFFFFF  }
0xad: {  	[dreg:$0x0] =	wrdreg $0x60  }
0xae: {  	[dreg:$0x2] =	wrdreg s24  }
0xaf: {  	[dreg:$0x3] =	wrdreg $0x9  }
0xb0: {  	_ =	task.clear_ibuf [dreg:s6], $0x4FFFF;
	_ =	strace $0x90000058  }
0xb1: {  	s29 =	simm.s32 $0x9;
	_ =	strace $0x8000005A  }
0xb2: {  	_ =	swait.ge [sflag:s29], $0x1  }
0xb3: {  	[sflag:s29] =	ssyncadd.s32 $0xFFFFFFFF  }
0xb4: {  	_ =	strace $0x9000005A  }
0xb5: {  	_ =	sfence  }
0xb6: {  	s30 =	sld [smem:$0x0];
	_ =	sdelay $0x2  }
0xb7: {  	s31 =	sshll.u32 s1, $0xD;
	s1 =	sshrl.u32 s1, $0x2  }
0xb8: {  	s3 =	sand.u32 $0x4000, s31;
	s1 =	sadd.s32 s1, s30  }
0xb9: {  	s0 =	sor.u32 s3, s0;
	s1 =	sshll.u32 s1, $0x11  }
0xba: {  	s0 =	sor.u32 s1, s0  }
0xbb: {  	s0 =	sadd.s32 $0x8F2B, s0  }
0xbc: {  	[sflag:s0] =	ssyncadd.remote.s32 $0x1  }
0xbd: {  	_ =	sfence.sel $0xFFFF  }
0xbe: {  	[dreg:$0x0] =	wrdreg $0xFFFFFFFF;
	(pc) =	sbr.abs _section_cstart, $3  }
0xbf: {  	[dreg:$0x1] =	wrdreg $0xFFFFFFFF  }
0xc0: {  	_ =	task.clear_ibuf [dreg:s6], $0x2FFFF;
	_ =	strace $0x9FFFFFFF  }
0xc1: {  	(tm) =	ssettm $0x7FFFFFFF  }
tec
execute0_lowered:
.L_overlay_start_1:
0x0: {  	(tag) =	ssettag $0x1  }
0x1: {  	s4 =	rddreg [dreg:$0x0]  }
0x2: {  	s0 =	rddreg [dreg:$0x1]  }
0x3: {  	s2 =	simm.s32 $0x0;
	s1 =	stileid.u32;
	s3 =	srdreg.scid  }
0x4: {  	s12 =	simm.s32 $0x4100;
	s13 =	simm.s32 $0x1;
	s14 =	simm.s32 $0x2  }
0x5: {  	s15 =	simm.s32 $0x0;
	[smem:$0x7FF] =	sst s2;
	s5 =	smul.u32 $0x280, s1  }
0x6: {  	s6 =	sand.u32 $0x1, s3;
	s7 =	smul.u32 $0x14000, s1;
	s3 =	sadd.s32 $0x15A00, s4  }
0x7: {  	_ =	strace $0x80000059;
	s8 =	ssub.s32 $0x2, s6;
	s10 =	smul.u32 $0xA000, s6  }
0x8: {  	s29 =	smul.u32 $0x140, s6;
	s9 =	sshrl.u32 s8, $0x1;
	s7 =	sadd.s32 s7, s4  }
0x9: {  	s11 =	sadd.s32 s5, s4;
	s8 =	ssub.s32 s8, s9;
	s30 =	sadd.s32 s10, s7  }
0xa: {  	s31 =	sadd.s32 s29, s11;
	s9 =	simm.s32 $0x3;
	s10 =	simm.s32 $0x80  }
0xb: {  	s11 =	simm.s32 $0x4080;
	s5 =	sadd.s32 $0x1B1C00, s30;
	s6 =	sadd.s32 $0x71C00, s30  }
0xc: {  	s4 =	smax.u32 s8, $0x1;
	s7 =	sadd.s32 $0x32A600, s31;
	s8 =	sadd.s32 $0x32F600, s31  }
.LBB2_1:
0xd: {  	s16 =	sadd.s32 $0x0, s8  }
0xe: {  	[tilespmem:s2], [sflag:$0x3] =	stream.linear.gather [hbm4b:s16+s2], $0x80, $0x38;
	[tilespmem:$0x8100] =	vst v63  }
0xf: {  	_ =	swait.ge [sflag:s9], $0x80  }
0x10: {  	[sflag:s9] =	ssyncset.done $0x0  }
0x11: {  	[sflag:s9] =	ssyncadd.s32 $0xFFFFFF80  }
0x12: {  	[tilespmem:s10], [sflag:$0x1] =	stream.indirect.gather [hbm4b:s3+s10], $0x80, s2, s10, $0xb8;
	[tilespmem:$0x8100] =	vst v63  }
0x13: {  	s31 =	sadd.s32 $0x0, s7  }
0x14: {  	[tilespmem:s11], [sflag:$0x3] =	stream.linear.gather [hbm4b:s31+s2], $0x80, $0x38;
	[tilespmem:$0x8100] =	vst v63  }
0x15: {  	_ =	swait.ge [sflag:s9], $0x80  }
0x16: {  	[sflag:s9] =	ssyncset.done $0x0  }
0x17: {  	[sflag:s9] =	ssyncadd.s32 $0xFFFFFF80  }
0x18: {  	[tilespmem:s12], [sflag:$0x2] =	stream.indirect.gather [hbm4b:s3+s10], $0x80, s11, s10, $0xb8;
	[tilespmem:$0x8100] =	vst v63  }
0x19: {  	_ =	swait.ge [sflag:s13], $0x4000  }
0x1a: {  	[sflag:s13] =	ssyncset.done $0x0  }
0x1b: {  	[sflag:s13] =	ssyncadd.s32 $0xFFFFC000  }
0x1c: {  	[hbm4b:s6+s2] =	stream.linear.scatter [tilespmem:s10], [sflag:$0x3], $0x4000, $0x38;
	[tilespmem:$0x8100] =	vst v63  }
0x1d: {  	_ =	swait.ge [sflag:s9], $0x4000  }
0x1e: {  	[sflag:s9] =	ssyncset.done $0x0  }
0x1f: {  	[sflag:s9] =	ssyncadd.s32 $0xFFFFC000  }
0x20: {  	_ =	swait.ge [sflag:s14], $0x4000  }
0x21: {  	[sflag:s14] =	ssyncset.done $0x0  }
0x22: {  	[sflag:s14] =	ssyncadd.s32 $0xFFFFC000  }
0x23: {  	[hbm4b:s5+s2] =	stream.linear.scatter [tilespmem:s12], [sflag:$0x3], $0x4000, $0x38;
	[tilespmem:$0x8100] =	vst v63  }
0x24: {  	s18 =	simm.s32 $0x10;
	s19 =	simm.s32 $0x20;
	_ =	swait.ge [sflag:s9], $0x4000  }
0x25: {  	s17 =	sadd.s32 $0x800, s6;
	s16 =	sadd.s32 $0x800, s5;
	[sflag:s9] =	ssyncset.done $0x0  }
.LBB2_2:
0x26: {  	s20 =	sadd.s32 s18, s8  }
0x27: {  	[sflag:s9] =	ssyncadd.s32 $0xFFFFC000;
	s21 =	smov.u32 s19;
	s22 =	sadd.s32 $0x10, s19  }
0x28: {  	[tilespmem:s2], [sflag:$0x3] =	stream.linear.gather [hbm4b:s20+s2], $0x80, $0x38;
	[tilespmem:$0x8100] =	vst v63  }
0x29: {  	p0 =	sne.s32 s19, $0x130;
	_ =	swait.ge [sflag:s9], $0x80  }
0x2a: {  	[sflag:s9] =	ssyncset.done $0x0  }
0x2b: {  	[sflag:s9] =	ssyncadd.s32 $0xFFFFFF80  }
0x2c: {  	[tilespmem:s10], [sflag:$0x1] =	stream.indirect.gather [hbm4b:s3+s10], $0x80, s2, s10, $0xb8;
	[tilespmem:$0x8100] =	vst v63  }
0x2d: {  	s19 =	sadd.s32 s18, s7;
	s18 =	smov.u32 s21  }
0x2e: {  	[tilespmem:s11], [sflag:$0x3] =	stream.linear.gather [hbm4b:s19+s2], $0x80, $0x38;
	[tilespmem:$0x8100] =	vst v63  }
0x2f: {  	_ =	swait.ge [sflag:s9], $0x80  }
0x30: {  	[sflag:s9] =	ssyncset.done $0x0  }
0x31: {  	[sflag:s9] =	ssyncadd.s32 $0xFFFFFF80  }
0x32: {  	[tilespmem:s12], [sflag:$0x2] =	stream.indirect.gather [hbm4b:s3+s10], $0x80, s11, s10, $0xb8;
	[tilespmem:$0x8100] =	vst v63  }
0x33: {  	_ =	swait.ge [sflag:s13], $0x4000  }
0x34: {  	[sflag:s13] =	ssyncset.done $0x0  }
0x35: {  	[sflag:s13] =	ssyncadd.s32 $0xFFFFC000  }
0x36: {  	[hbm4b:s17+s2] =	stream.linear.scatter [tilespmem:s10], [sflag:$0x3], $0x4000, $0x38;
	[tilespmem:$0x8100] =	vst v63  }
0x37: {  	_ =	swait.ge [sflag:s9], $0x4000  }
0x38: {  	[sflag:s9] =	ssyncset.done $0x0  }
0x39: {  	[sflag:s9] =	ssyncadd.s32 $0xFFFFC000  }
0x3a: {  	_ =	swait.ge [sflag:s14], $0x4000  }
.Ltmp0:
0x3b: {  	[sflag:s14] =	ssyncset.done $0x0;
	(pc) =	sbr.rel @p0 .LBB2_2-.Ltmp0, $4  }
0x3c: {  	[sflag:s14] =	ssyncadd.s32 $0xFFFFC000  }
0x3d: {  	[hbm4b:s16+s2] =	stream.linear.scatter [tilespmem:s12], [sflag:$0x3], $0x4000, $0x38;
	[tilespmem:$0x8100] =	vst v63  }
0x3e: {  	s19 =	smov.u32 s22;
	_ =	swait.ge [sflag:s9], $0x4000  }
0x3f: {  	s17 =	sadd.s32 $0x800, s17;
	s16 =	sadd.s32 $0x800, s16;
	[sflag:s9] =	ssyncset.done $0x0  }
0x40: {  	s19 =	sadd.s32 s18, s8;
	[sflag:s9] =	ssyncadd.s32 $0xFFFFC000  }
0x41: {  	[tilespmem:s2], [sflag:$0x3] =	stream.linear.gather [hbm4b:s19+s2], $0x80, $0x38;
	[tilespmem:$0x8100] =	vst v63  }
0x42: {  	_ =	swait.ge [sflag:s9], $0x80  }
0x43: {  	[sflag:s9] =	ssyncset.done $0x0  }
0x44: {  	[sflag:s9] =	ssyncadd.s32 $0xFFFFFF80  }
0x45: {  	[tilespmem:s10], [sflag:$0x1] =	stream.indirect.gather [hbm4b:s3+s10], $0x80, s2, s10, $0xb8;
	[tilespmem:$0x8100] =	vst v63  }
0x46: {  	s31 =	sadd.s32 s18, s7  }
0x47: {  	[tilespmem:s11], [sflag:$0x3] =	stream.linear.gather [hbm4b:s31+s2], $0x80, $0x38;
	[tilespmem:$0x8100] =	vst v63  }
0x48: {  	_ =	swait.ge [sflag:s9], $0x80  }
0x49: {  	[sflag:s9] =	ssyncset.done $0x0  }
0x4a: {  	[sflag:s9] =	ssyncadd.s32 $0xFFFFFF80  }
0x4b: {  	[tilespmem:s12], [sflag:$0x2] =	stream.indirect.gather [hbm4b:s3+s10], $0x80, s11, s10, $0xb8;
	[tilespmem:$0x8100] =	vst v63  }
0x4c: {  	_ =	swait.ge [sflag:s13], $0x4000  }
0x4d: {  	[sflag:s13] =	ssyncset.done $0x0  }
0x4e: {  	[sflag:s13] =	ssyncadd.s32 $0xFFFFC000  }
0x4f: {  	[hbm4b:s17+s2] =	stream.linear.scatter [tilespmem:s10], [sflag:$0x3], $0x4000, $0x38;
	[tilespmem:$0x8100] =	vst v63  }
0x50: {  	_ =	swait.ge [sflag:s9], $0x4000  }
0x51: {  	[sflag:s9] =	ssyncset.done $0x0  }
0x52: {  	[sflag:s9] =	ssyncadd.s32 $0xFFFFC000  }
0x53: {  	s15 =	sadd.s32 $0x1, s15;
	_ =	swait.ge [sflag:s14], $0x4000  }
0x54: {  	p0 =	sne.s32 s15, s4;
	[sflag:s14] =	ssyncset.done $0x0  }
.Ltmp1:
0x55: {  	[sflag:s14] =	ssyncadd.s32 $0xFFFFC000;
	(pc) =	sbr.rel @p0 .LBB2_1-.Ltmp1, $4  }
0x56: {  	[hbm4b:s16+s2] =	stream.linear.scatter [tilespmem:s12], [sflag:$0x3], $0x4000, $0x38;
	[tilespmem:$0x8100] =	vst v63  }
0x57: {  	_ =	swait.ge [sflag:s9], $0x4000  }
0x58: {  	[sflag:s9] =	ssyncset.done $0x0  }
0x59: {  	[sflag:s9] =	ssyncadd.s32 $0xFFFFC000  }
0x5a: {  	_ =	sfence.sel $0x180000  }
0x5b: {  	[bflag:$0x0] =	sbarrier.arrive $0xFFFF  }
0x5c: {  	p0 =	sne.s32 s1, $0x0;
	_ =	strace $0x90000059  }
0x5d: {  	s0 =	sadd.s32 @!p0 $0x100000, s0;
	[bflag:$0x2] =	sbarrier.arrive $0xFFFF  }
0x5e: {  	[sflag:s0] =	ssyncadd.tile.s32 @!p0 $0x1;
	_ =	shalt  }
.Lfunc_end2:
_tile_overlayer_lowered:
.L_overlay_start_2:
0x5f: {  	(tag) =	ssettag $0x2  }
0x60: {  	s0 =	rddreg [dreg:$0x0];
	s2 =	stileid.u32  }
0x61: {  	s1 =	rddreg [dreg:$0x1];
	p0 =	sne.s32 s2, $0x0  }
0x62: {  	s3 =	rddreg [dreg:$0x2];
	[bflag:$0x3] =	sbarrier.arrive $0xFFFF;
	s2 =	simm.s32 @!p0 $0x1C03  }
0x63: {  	[timem:s3], [sflag:s2] =	dma.local @!p0 [hbm:s0], s1  }
0x64: {  	s0 =	simm.s32 @!p0 $0x3  }
0x65: {  	_ =	swait.ge @!p0 [sflag:s0], s1  }
0x66: {  	s1 =	ssub.s32 @!p0 $0x0, s1;
	[sflag:s0] =	ssyncset.done @!p0 $0x0  }
0x67: {  	[sflag:s0] =	ssyncadd.s32 @!p0 s1  }
0x68: {  	[bflag:$0x3] =	sbarrier.arrive $0xFFFF  }
0x69: {  	_ =	shalt  }

// kernel: kernel.49.cloned.1.call-start
scs
__scs_entry_jumppad:
0x0: {  	(pc) =	sbr.rel $0x88, $3  }
0x1: {  	(tag) =	ssettag $0x0;
	lr =	simm.s32 $0x1  }
0x2: {  	[smem:$0x3F35] =	sst lr;
	_ =	strace $0xD0000000  }
0x3: {  	_ = 	snop  }
0x4: {  	_ = 	snop  }
0x5: {  	_ = 	snop  }
0x6: {  	_ = 	snop  }
0x7: {  	_ = 	snop  }
__scs_overlays_trampoline_lowered:
0x8: {  	[smem:$0x3F44] =	sst s0  }
0x9: {  	[smem:$0x3F45] =	sst s1  }
0xa: {  	[smem:$0x3F46] =	sst s2  }
0xb: {  	[smem:$0x3F47] =	sst s3  }
0xc: {  	[smem:$0x3F48] =	sst s4  }
0xd: {  	[smem:$0x3F49] =	sst s5  }
0xe: {  	[smem:$0x3F4A] =	sst s6  }
0xf: {  	[smem:$0x3F4B] =	sst s7  }
0x10: {  	[smem:$0x3F4C] =	sst s8  }
0x11: {  	[smem:$0x3F4D] =	sst s9;
	s0 =	simm.s32 @!p0 $0x0  }
0x12: {  	s1 =	sld [smem:$0x3F33];
	s0 =	simm.s32 @p0 $0x1  }
0x13: {  	[smem:$0x3F4E] =	sst s0;
	s0 =	simm.s32 @!p1 $0x0  }
0x14: {  	s2 =	sld [smem:$0x3F32];
	s0 =	simm.s32 @p1 $0x1  }
0x15: {  	[smem:$0x3F4F] =	sst s0;
	s0 =	simm.s32 @!p2 $0x0  }
0x16: {  	s3 =	sld [smem:$0x3FDB];
	s0 =	simm.s32 @p2 $0x1  }
0x17: {  	s4 =	simm.s32 $0x1BF5;
	[smem:$0x3F51] =	sst s0  }
0x18: {  	s0 =	sld [smem:$0x3F34];
	_ =	swait.ge [sflag:s4], $0x0  }
0x19: {  	s7 =	sld [smem:$0x3F35]  }
0x1a: {  	s8 =	sadd.s32 $0xFFFFE003, lr  }
0x1b: {  	s9 =	sadd.s32 $0xFFFFFEF7, lr;
	s5 =	simm.s32 $0xFFFFFFFF;
	p2 =	slt.u32 s8, $0xFFFFF086  }
0x1c: {  	p1 =	slt.u32 s9, $0xF7A;
	s5 =	simm.s32 @!p2 $0x0  }
0x1d: {  	s5 =	simm.s32 @p1 $0x1;
	p0 =	seq.s32 s7, s2  }
0x1e: {  	s7 =	smul.u32 @!p0 $0xF7A, s2;
	p2 =	seq.s32 @!p0 s5, $0x0  }
0x1f: {  	s9 =	smul.u32 $0xF7A, s1;
	s8 =	simm.s32 @!p0 $0x1BF5;
	p2 =	por !p2, p0  }
0x20: {  	[sflag:s8] =	ssyncset.s32 @!p0 $0xFFFFF086;
	s6 =	sadd.s32 @!p0 s3, s7;
	s7 =	simm.s32 @!p0 $0x108  }
0x21: {  	s3 =	sadd.s32 s3, s9;
	s6 =	sadd.s32 @!p0 $0x88, s6;
	s7 =	simm.s32 @p2 $0x1082  }
0x22: {  	[simem:s7], [sflag:s8] =	dma.local @!p0 [hbm:s6], $0xF7A  }
0x23: {  	s9 =	sor.u32 $0xD0000000, s2;
	s6 =	simm.s32 $0x108;
	_ =	swait.ge @!p0 [sflag:s8], $0x0  }
0x24: {  	s3 =	sadd.s32 $0x88, s3;
	s6 =	simm.s32 @!p1 $0x1082;
	[sflag:s4] =	ssyncset.s32 $0xFFFFF086  }
0x25: {  	[simem:s6], [sflag:s4] =	dma.local [hbm:s3], $0xF7A  }
0x26: {  	[smem:$0x3F35] =	sst s1;
	(tag) =	ssettag s2;
	_ =	strace s9  }
0x27: {  	s1 =	sld [smem:$0x3F45]  }
0x28: {  	s2 =	sld [smem:$0x3F46]  }
0x29: {  	s4 =	sld [smem:$0x3F48]  }
0x2a: {  	p0 =	seq.s32 s5, $0x0;
	s5 =	sld [smem:$0x3F49]  }
0x2b: {  	s6 =	sld [smem:$0x3F4A]  }
0x2c: {  	s7 =	sld [smem:$0x3F4B]  }
0x2d: {  	s3 =	simm.s32 $0x108;
	s8 =	sld [smem:$0x3F4C]  }
0x2e: {  	s3 =	simm.s32 @!p0 $0x1082;
	s9 =	sld [smem:$0x3F4D]  }
0x2f: {  	lr =	sadd.s32 s0, s3;
	s0 =	sld [smem:$0x3F44]  }
0x30: {  	s3 =	sld [smem:$0x3F47]  }
0x31: {  	[smem:$0x3F50] =	sst s10  }
0x32: {  	s10 =	sld [smem:$0x3F4E];
	_ =	sdelay $0x3  }
0x33: {  	p0 =	seq.s32 s10, $0x1;
	s10 =	sld [smem:$0x3F50];
	_ =	sdelay $0x3  }
0x34: {  	[smem:$0x3F50] =	sst s10  }
0x35: {  	s10 =	sld [smem:$0x3F4F];
	_ =	sdelay $0x3  }
0x36: {  	p1 =	seq.s32 s10, $0x1;
	s10 =	sld [smem:$0x3F50];
	_ =	sdelay $0x3  }
0x37: {  	[smem:$0x3F50] =	sst s10  }
0x38: {  	s10 =	sld [smem:$0x3F51]  }
0x39: {  	_ = 	snop;
	(pc) =	sbr.ind lr, $3  }
0x3a: {  	_ = 	snop  }
0x3b: {  	_ = 	snop  }
0x3c: {  	p2 =	seq.s32 s10, $0x1;
	s10 =	sld [smem:$0x3F50]  }
0x3d: {  	_ =	shalt  }
0x3e: {  	_ =	shalt  }
0x3f: {  	_ =	shalt  }
0x40: {  	_ =	shalt  }
0x41: {  	_ =	shalt  }
0x42: {  	_ =	shalt  }
0x43: {  	_ =	shalt  }
0x44: {  	_ =	shalt  }
0x45: {  	_ =	shalt  }
0x46: {  	_ =	shalt  }
0x47: {  	_ =	shalt  }
0x48: {  	_ =	shalt  }
0x49: {  	_ =	shalt  }
0x4a: {  	_ =	shalt  }
0x4b: {  	_ =	shalt  }
0x4c: {  	_ =	shalt  }
0x4d: {  	_ =	shalt  }
0x4e: {  	_ =	shalt  }
0x4f: {  	_ =	shalt  }
0x50: {  	_ =	shalt  }
0x51: {  	_ =	shalt  }
0x52: {  	_ =	shalt  }
0x53: {  	_ =	shalt  }
0x54: {  	_ =	shalt  }
0x55: {  	_ =	shalt  }
0x56: {  	_ =	shalt  }
0x57: {  	_ =	shalt  }
0x58: {  	_ =	shalt  }
0x59: {  	_ =	shalt  }
0x5a: {  	_ =	shalt  }
0x5b: {  	_ =	shalt  }
0x5c: {  	_ =	shalt  }
0x5d: {  	_ =	shalt  }
0x5e: {  	_ =	shalt  }
0x5f: {  	_ =	shalt  }
0x60: {  	_ =	shalt  }
0x61: {  	_ =	shalt  }
0x62: {  	_ =	shalt  }
0x63: {  	_ =	shalt  }
0x64: {  	_ =	shalt  }
0x65: {  	_ =	shalt  }
0x66: {  	_ =	shalt  }
0x67: {  	_ =	shalt  }
0x68: {  	_ =	shalt  }
0x69: {  	_ =	shalt  }
0x6a: {  	_ =	shalt  }
0x6b: {  	_ =	shalt  }
0x6c: {  	_ =	shalt  }
0x6d: {  	_ =	shalt  }
0x6e: {  	_ =	shalt  }
0x6f: {  	_ =	shalt  }
0x70: {  	_ =	shalt  }
0x71: {  	_ =	shalt  }
0x72: {  	_ =	shalt  }
0x73: {  	_ =	shalt  }
0x74: {  	_ =	shalt  }
0x75: {  	_ =	shalt  }
0x76: {  	_ =	shalt  }
0x77: {  	_ =	shalt  }
0x78: {  	_ =	shalt  }
0x79: {  	_ =	shalt  }
0x7a: {  	_ =	shalt  }
0x7b: {  	_ =	shalt  }
0x7c: {  	_ =	shalt  }
0x7d: {  	_ =	shalt  }
0x7e: {  	_ =	shalt  }
0x7f: {  	_ =	shalt  }
0x80: {  	_ =	shalt  }
0x81: {  	_ =	shalt  }
0x82: {  	_ =	shalt  }
0x83: {  	_ =	shalt  }
0x84: {  	_ =	shalt  }
0x85: {  	_ =	shalt  }
0x86: {  	_ =	shalt  }
0x87: {  	_ =	shalt  }
.Lfunc_end0:
.L_simem_size_0:
called_computation.7_lowered:
.L_overlay_start_0:
0x88: {  	s2 =	sld [smem:$0x3FD9]  }
0x89: {  	s3 =	sld [smem:$0x3FFE];
	_ =	sdelay $0x1  }
0x8a: {  	s1 =	srdreg.scid  }
0x8b: {  	s0 =	sand.u32 $0x1, s1  }
0x8c: {  	s17 =	sshll.u32 s0, $0xA;
	s2 =	sadd.s32 s3, s2  }
0x8d: {  	s2 =	sadd.s32 s2, s17  }
0x8e: {  	[smem:$0x3F5C] =	sst s2  }
0x8f: {  	_ = 	snop  }
0x90: {  	s2 =	sld [smem:$0x3FD0];
	(tm) =	ssettm $0x1  }
0x91: {  	s18 =	sld [smem:$0x3FFB];
	_ =	sdelay $0x3  }
0x92: {  	_ =	strace s18  }
0x93: {  	s3 =	sld [smem:$0x3FFC];
	_ =	sdelay $0x3  }
0x94: {  	_ =	strace s3  }
0x95: {  	s3 =	sld [smem:$0x3FFD];
	_ =	sdelay $0x3  }
0x96: {  	_ =	strace s3  }
0x97: {  	_ =	strace $0x8FFFFFFF  }
0x98: {  	s19 =	sld [smem:$0x3FDB];
	_ =	sdelay $0x1  }
0x99: {  	s4 =	simm.s32 $_scs_section_size  }
0x9a: {  	s5 =	simm.s32 $_size__tile_overlayer_lowered;
	s6 =	simm.s32 $_tile_overlayer_lowered  }
0x9b: {  	s22 =	simm.s32 $0x1BFF;
	s21 =	sshll.u32 s6, $0x1;
	s3 =	sadd.s32 s4, s19  }
0x9c: {  	s7 =	simm.s32 $0x0;
	s20 =	sshll.u32 s5, $0x1;
	s5 =	sadd.s32 s21, s3  }
0x9d: {  	[timem:s7], [sflag:s22] =	dma.local [hbm:s5], s20  }
0x9e: {  	_ =	swait.ge [sflag:s22], s20  }
0x9f: {  	s4 =	ssub.s32 $0x0, s20;
	[sflag:s22] =	ssyncset.done $0x0  }
0xa0: {  	[sflag:s22] =	ssyncadd.s32 s4;
	_ =	sdelay $0x1  }
0xa1: {  	s23 =	simm.s32 $0x1B8B  }
0xa2: {  	_ =	swait.ge [sflag:s23], $0x1  }
0xa3: {  	[sflag:s23] =	ssyncset.done $0x0  }
0xa4: {  	s25 =	simm.s32 $0x1B8E;
	s24 =	sld [smem:$0x3FFE];
	[sflag:s23] =	ssyncadd.s32 $0xFFFFFFFF  }
0xa5: {  	s26 =	simm.s32 $execute0_lowered;
	[smem:$0x3FD2] =	sst s25  }
0xa6: {  	s5 =	sshll.u32 s26, $0x1;
	_ =	strace $0x8000005B;
	[dreg:$0x1] =	wrdreg $0xFFFFFFFF  }
0xa7: {  	s28 =	simm.s32 $_size_execute0_lowered;
	s3 =	sadd.s32 s3, s5;
	[dreg:$0x0] =	wrdreg $0x0  }
0xa8: {  	s5 =	sshll.u32 s28, $0x1;
	[dreg:$0x2] =	wrdreg s3  }
0xa9: {  	[dreg:$0x3] =	wrdreg s5  }
0xaa: {  	[dreg:$0x4] =	wrdreg $0xC0  }
0xab: {  	_ =	task [dreg:s7], $0x5FFFF  }
0xac: {  	[dreg:$0x1] =	wrdreg $0xFFFFFFFF  }
0xad: {  	[dreg:$0x0] =	wrdreg $0x60  }
0xae: {  	[dreg:$0x2] =	wrdreg s24  }
0xaf: {  	[dreg:$0x3] =	wrdreg s2  }
0xb0: {  	[dreg:$0x4] =	wrdreg $0x40800  }
0xb1: {  	[dreg:$0x5] =	wrdreg $0x9  }
0xb2: {  	_ =	task.clear_ibuf [dreg:s7], $0x6FFFF;
	_ =	strace $0x9000005B  }
0xb3: {  	s29 =	simm.s32 $0x9;
	_ =	strace $0x8000005D  }
0xb4: {  	_ =	swait.ge [sflag:s29], $0x1  }
0xb5: {  	[sflag:s29] =	ssyncadd.s32 $0xFFFFFFFF  }
0xb6: {  	_ =	strace $0x9000005D  }
0xb7: {  	_ =	sfence  }
0xb8: {  	s30 =	sld [smem:$0x0];
	_ =	sdelay $0x2  }
0xb9: {  	s31 =	sshll.u32 s1, $0xD;
	s1 =	sshrl.u32 s1, $0x2  }
0xba: {  	s3 =	sand.u32 $0x4000, s31;
	s1 =	sadd.s32 s1, s30  }
0xbb: {  	s0 =	sor.u32 s3, s0;
	s1 =	sshll.u32 s1, $0x11  }
0xbc: {  	s0 =	sor.u32 s1, s0  }
0xbd: {  	s0 =	sadd.s32 $0x8F2B, s0  }
0xbe: {  	[sflag:s0] =	ssyncadd.remote.s32 $0x1  }
0xbf: {  	_ =	sfence.sel $0xFFFF  }
0xc0: {  	[dreg:$0x0] =	wrdreg $0xFFFFFFFF;
	(pc) =	sbr.abs _section_cstart, $3  }
0xc1: {  	[dreg:$0x1] =	wrdreg $0xFFFFFFFF  }
0xc2: {  	_ =	task.clear_ibuf [dreg:s7], $0x2FFFF;
	_ =	strace $0x9FFFFFFF  }
0xc3: {  	(tm) =	ssettm $0x7FFFFFFF  }
tec
execute0_lowered:
.L_overlay_start_1:
0x0: {  	(tag) =	ssettag $0x1  }
0x1: {  	s4 =	rddreg [dreg:$0x0]  }
0x2: {  	s7 =	rddreg [dreg:$0x1];
	s1 =	stileid.u32  }
0x3: {  	s2 =	rddreg [dreg:$0x2];
	s5 =	smul.u32 $0x14000, s1  }
0x4: {  	s0 =	rddreg [dreg:$0x3];
	s6 =	smul.u32 $0x280, s1  }
0x5: {  	s3 =	simm.s32 $0x0;
	s8 =	srdreg.scid;
	s9 =	smul.u32 $0x2800, s1  }
0x6: {  	[smem:$0x7FF] =	sst s3;
	s8 =	sand.u32 $0x1, s8;
	s11 =	smul.u32 $0x50000, s1  }
0x7: {  	s29 =	sshll.u32 s1, $0x6;
	_ =	strace $0x8000005C;
	s14 =	smul.u32 $0xA000, s8  }
0x8: {  	s25 =	ssub.s32 $0x2, s8;
	p0 =	seq.s32 s8, $0x1;
	s8 =	smul.u32 $0x140, s8  }
0x9: {  	s10 =	sadd.s32 s5, s4;
	s12 =	sadd.s32 s6, s4;
	s26 =	sadd.s32 s9, s4  }
0xa: {  	s13 =	sshrl.u32 s25, $0x1;
	s4 =	sadd.s32 $0x71C00, s4;
	s28 =	sshrl.u32 s11, $0x2  }
0xb: {  	s5 =	sor.u32 $0x1C01, s29;
	s13 =	ssub.s32 s25, s13;
	s11 =	sadd.s32 s28, s2  }
0xc: {  	s7 =	smov.u32 @p0 s4;
	s4 =	sadd.s32 $0x3F400, s26;
	s30 =	sadd.s32 s14, s10  }
0xd: {  	s31 =	sadd.s32 s8, s12;
	s12 =	simm.s32 $0x80;
	s6 =	smax.u32 s13, $0x1  }
0xe: {  	s7 =	sadd.s32 s7, s9;
	s8 =	sadd.s32 $0x3F5400, s30;
	s9 =	sadd.s32 $0x32CE00, s31  }
0xf: {  	s10 =	sshrl.u32 s11, $0x3;
	s11 =	simm.s32 $0x1;
	s13 =	simm.s32 $0x0  }
.LBB2_1:
0x10: {  	[spmem:s10], [sflag:s5] =	dma.local [hbm:s4], $0x2800  }
0x11: {  	_ =	swait.ge [sflag:s11], $0x2800  }
0x12: {  	[sflag:s11] =	ssyncset.done $0x0  }
0x13: {  	[sflag:s11] =	ssyncadd.s32 $0xFFFFD800  }
0x14: {  	s14 =	sadd.s32 $0x0, s9;
	[bflag:$0x0] =	sbarrier.arrive $0xFFFF  }
0x15: {  	[tilespmem:s3], [sflag:$0x1] =	stream.linear.gather [hbm4b:s14+s3], $0x80, $0x38;
	[tilespmem:$0x18080] =	vst v63  }
0x16: {  	_ =	swait.ge [sflag:s11], $0x80  }
0x17: {  	[sflag:s11] =	ssyncset.done $0x0  }
0x18: {  	[sflag:s11] =	ssyncadd.s32 $0xFFFFFF80  }
0x19: {  	[tilespmem:s12], [sflag:$0x1] =	stream.linear.gather [hbm4b:s8+s3], $0x4000, $0x38;
	[tilespmem:$0x18080] =	vst v63  }
0x1a: {  	_ =	swait.ge [sflag:s11], $0x4000  }
0x1b: {  	[sflag:s11] =	ssyncset.done $0x0  }
0x1c: {  	[sflag:s11] =	ssyncadd.s32 $0xFFFFC000  }
0x1d: {  	[spmem:s2] =	stream.indirect.scatter.add.f32 [tilespmem:s12], [sflag:$0x1], $0x80, s3, s12, $0xb8;
	[tilespmem:$0x18080] =	vst v63  }
0x1e: {  	s15 =	simm.s32 $0x10;
	_ =	swait.ge [sflag:s11], $0x4000  }
0x1f: {  	s16 =	simm.s32 $0x20;
	s14 =	sadd.s32 $0x800, s8;
	[sflag:s11] =	ssyncset.done $0x0  }
.LBB2_2:
0x20: {  	s17 =	sadd.s32 s15, s9  }
0x21: {  	[sflag:s11] =	ssyncadd.s32 $0xFFFFC000;
	s15 =	smov.u32 s16;
	s18 =	sadd.s32 $0x10, s16  }
0x22: {  	[tilespmem:s3], [sflag:$0x1] =	stream.linear.gather [hbm4b:s17+s3], $0x80, $0x38;
	[tilespmem:$0x18080] =	vst v63  }
0x23: {  	p0 =	sne.s32 s16, $0x130;
	_ =	swait.ge [sflag:s11], $0x80  }
0x24: {  	[sflag:s11] =	ssyncset.done $0x0  }
0x25: {  	[sflag:s11] =	ssyncadd.s32 $0xFFFFFF80  }
0x26: {  	[tilespmem:s12], [sflag:$0x1] =	stream.linear.gather [hbm4b:s14+s3], $0x4000, $0x38;
	[tilespmem:$0x18080] =	vst v63  }
0x27: {  	_ =	swait.ge [sflag:s11], $0x4000  }
.Ltmp0:
0x28: {  	[sflag:s11] =	ssyncset.done $0x0;
	(pc) =	sbr.rel @p0 .LBB2_2-.Ltmp0, $4  }
0x29: {  	[sflag:s11] =	ssyncadd.s32 $0xFFFFC000  }
0x2a: {  	[spmem:s2] =	stream.indirect.scatter.add.f32 [tilespmem:s12], [sflag:$0x1], $0x80, s3, s12, $0xb8;
	[tilespmem:$0x18080] =	vst v63  }
0x2b: {  	_ =	swait.ge [sflag:s11], $0x4000  }
0x2c: {  	s16 =	smov.u32 s18;
	s14 =	sadd.s32 $0x800, s14;
	[sflag:s11] =	ssyncset.done $0x0  }
0x2d: {  	s15 =	sadd.s32 s15, s9;
	[sflag:s11] =	ssyncadd.s32 $0xFFFFC000  }
0x2e: {  	[tilespmem:s3], [sflag:$0x1] =	stream.linear.gather [hbm4b:s15+s3], $0x80, $0x38;
	[tilespmem:$0x18080] =	vst v63  }
0x2f: {  	_ =	swait.ge [sflag:s11], $0x80  }
0x30: {  	[sflag:s11] =	ssyncset.done $0x0  }
0x31: {  	[sflag:s11] =	ssyncadd.s32 $0xFFFFFF80  }
0x32: {  	[tilespmem:s12], [sflag:$0x1] =	stream.linear.gather [hbm4b:s14+s3], $0x4000, $0x38;
	[tilespmem:$0x18080] =	vst v63  }
0x33: {  	_ =	swait.ge [sflag:s11], $0x4000  }
0x34: {  	[sflag:s11] =	ssyncset.done $0x0  }
0x35: {  	[sflag:s11] =	ssyncadd.s32 $0xFFFFC000  }
0x36: {  	[spmem:s2] =	stream.indirect.scatter.add.f32 [tilespmem:s12], [sflag:$0x1], $0x80, s3, s12, $0xb8;
	[tilespmem:$0x18080] =	vst v63  }
0x37: {  	_ =	swait.ge [sflag:s11], $0x4000  }
0x38: {  	s13 =	sadd.s32 $0x1, s13;
	[sflag:s11] =	ssyncset.done $0x0  }
0x39: {  	p0 =	sne.s32 s13, s6;
	[sflag:s11] =	ssyncadd.s32 $0xFFFFC000  }
.Ltmp1:
0x3a: {  	[bflag:$0x0] =	sbarrier.arrive $0xFFFF;
	(pc) =	sbr.rel @p0 .LBB2_1-.Ltmp1, $4  }
0x3b: {  	[hbm:s7], [sflag:s5] =	dma.local [spmem:s10], $0x2800  }
0x3c: {  	_ =	swait.ge [sflag:s11], $0x2800  }
0x3d: {  	[sflag:s11] =	ssyncset.done $0x0  }
0x3e: {  	[sflag:s11] =	ssyncadd.s32 $0xFFFFD800  }
0x3f: {  	_ =	sfence.sel $0x180000  }
0x40: {  	[bflag:$0x0] =	sbarrier.arrive $0xFFFF  }
0x41: {  	p0 =	sne.s32 s1, $0x0;
	_ =	strace $0x9000005C  }
0x42: {  	s0 =	sadd.s32 @!p0 $0x100000, s0;
	[bflag:$0x2] =	sbarrier.arrive $0xFFFF  }
0x43: {  	[sflag:s0] =	ssyncadd.tile.s32 @!p0 $0x1;
	_ =	shalt  }
.Lfunc_end2:
_tile_overlayer_lowered:
.L_overlay_start_2:
0x44: {  	(tag) =	ssettag $0x2  }
0x45: {  	s0 =	rddreg [dreg:$0x0];
	s2 =	stileid.u32  }
0x46: {  	s1 =	rddreg [dreg:$0x1];
	p0 =	sne.s32 s2, $0x0  }
0x47: {  	s3 =	rddreg [dreg:$0x2];
	[bflag:$0x3] =	sbarrier.arrive $0xFFFF;
	s2 =	simm.s32 @!p0 $0x1C01  }
0x48: {  	[timem:s3], [sflag:s2] =	dma.local @!p0 [hbm:s0], s1  }
0x49: {  	s0 =	simm.s32 @!p0 $0x1  }
0x4a: {  	_ =	swait.ge @!p0 [sflag:s0], s1  }
0x4b: {  	s1 =	ssub.s32 @!p0 $0x0, s1;
	[sflag:s0] =	ssyncset.done @!p0 $0x0  }
0x4c: {  	[sflag:s0] =	ssyncadd.s32 @!p0 s1  }
0x4d: {  	[bflag:$0x3] =	sbarrier.arrive $0xFFFF  }
0x4e: {  	_ =	shalt  }

// kernel: kernel.52.cloned.1.call-start
scs
__scs_entry_jumppad:
0x0: {  	(pc) =	sbr.rel $0x88, $3  }
0x1: {  	(tag) =	ssettag $0x0;
	lr =	simm.s32 $0x1  }
0x2: {  	[smem:$0x3F35] =	sst lr;
	_ =	strace $0xD0000000  }
0x3: {  	_ = 	snop  }
0x4: {  	_ = 	snop  }
0x5: {  	_ = 	snop  }
0x6: {  	_ = 	snop  }
0x7: {  	_ = 	snop  }
__scs_overlays_trampoline_lowered:
0x8: {  	[smem:$0x3F44] =	sst s0  }
0x9: {  	[smem:$0x3F45] =	sst s1  }
0xa: {  	[smem:$0x3F46] =	sst s2  }
0xb: {  	[smem:$0x3F47] =	sst s3  }
0xc: {  	[smem:$0x3F48] =	sst s4  }
0xd: {  	[smem:$0x3F49] =	sst s5  }
0xe: {  	[smem:$0x3F4A] =	sst s6  }
0xf: {  	[smem:$0x3F4B] =	sst s7  }
0x10: {  	[smem:$0x3F4C] =	sst s8  }
0x11: {  	[smem:$0x3F4D] =	sst s9;
	s0 =	simm.s32 @!p0 $0x0  }
0x12: {  	s1 =	sld [smem:$0x3F33];
	s0 =	simm.s32 @p0 $0x1  }
0x13: {  	[smem:$0x3F4E] =	sst s0;
	s0 =	simm.s32 @!p1 $0x0  }
0x14: {  	s2 =	sld [smem:$0x3F32];
	s0 =	simm.s32 @p1 $0x1  }
0x15: {  	[smem:$0x3F4F] =	sst s0;
	s0 =	simm.s32 @!p2 $0x0  }
0x16: {  	s3 =	sld [smem:$0x3FDB];
	s0 =	simm.s32 @p2 $0x1  }
0x17: {  	s4 =	simm.s32 $0x1BF5;
	[smem:$0x3F51] =	sst s0  }
0x18: {  	s0 =	sld [smem:$0x3F34];
	_ =	swait.ge [sflag:s4], $0x0  }
0x19: {  	s7 =	sld [smem:$0x3F35]  }
0x1a: {  	s8 =	sadd.s32 $0xFFFFE003, lr  }
0x1b: {  	s9 =	sadd.s32 $0xFFFFFEF7, lr;
	s5 =	simm.s32 $0xFFFFFFFF;
	p2 =	slt.u32 s8, $0xFFFFF086  }
0x1c: {  	p1 =	slt.u32 s9, $0xF7A;
	s5 =	simm.s32 @!p2 $0x0  }
0x1d: {  	s5 =	simm.s32 @p1 $0x1;
	p0 =	seq.s32 s7, s2  }
0x1e: {  	s7 =	smul.u32 @!p0 $0xF7A, s2;
	p2 =	seq.s32 @!p0 s5, $0x0  }
0x1f: {  	s9 =	smul.u32 $0xF7A, s1;
	s8 =	simm.s32 @!p0 $0x1BF5;
	p2 =	por !p2, p0  }
0x20: {  	[sflag:s8] =	ssyncset.s32 @!p0 $0xFFFFF086;
	s6 =	sadd.s32 @!p0 s3, s7;
	s7 =	simm.s32 @!p0 $0x108  }
0x21: {  	s3 =	sadd.s32 s3, s9;
	s6 =	sadd.s32 @!p0 $0x88, s6;
	s7 =	simm.s32 @p2 $0x1082  }
0x22: {  	[simem:s7], [sflag:s8] =	dma.local @!p0 [hbm:s6], $0xF7A  }
0x23: {  	s9 =	sor.u32 $0xD0000000, s2;
	s6 =	simm.s32 $0x108;
	_ =	swait.ge @!p0 [sflag:s8], $0x0  }
0x24: {  	s3 =	sadd.s32 $0x88, s3;
	s6 =	simm.s32 @!p1 $0x1082;
	[sflag:s4] =	ssyncset.s32 $0xFFFFF086  }
0x25: {  	[simem:s6], [sflag:s4] =	dma.local [hbm:s3], $0xF7A  }
0x26: {  	[smem:$0x3F35] =	sst s1;
	(tag) =	ssettag s2;
	_ =	strace s9  }
0x27: {  	s1 =	sld [smem:$0x3F45]  }
0x28: {  	s2 =	sld [smem:$0x3F46]  }
0x29: {  	s4 =	sld [smem:$0x3F48]  }
0x2a: {  	p0 =	seq.s32 s5, $0x0;
	s5 =	sld [smem:$0x3F49]  }
0x2b: {  	s6 =	sld [smem:$0x3F4A]  }
0x2c: {  	s7 =	sld [smem:$0x3F4B]  }
0x2d: {  	s3 =	simm.s32 $0x108;
	s8 =	sld [smem:$0x3F4C]  }
0x2e: {  	s3 =	simm.s32 @!p0 $0x1082;
	s9 =	sld [smem:$0x3F4D]  }
0x2f: {  	lr =	sadd.s32 s0, s3;
	s0 =	sld [smem:$0x3F44]  }
0x30: {  	s3 =	sld [smem:$0x3F47]  }
0x31: {  	[smem:$0x3F50] =	sst s10  }
0x32: {  	s10 =	sld [smem:$0x3F4E];
	_ =	sdelay $0x3  }
0x33: {  	p0 =	seq.s32 s10, $0x1;
	s10 =	sld [smem:$0x3F50];
	_ =	sdelay $0x3  }
0x34: {  	[smem:$0x3F50] =	sst s10  }
0x35: {  	s10 =	sld [smem:$0x3F4F];
	_ =	sdelay $0x3  }
0x36: {  	p1 =	seq.s32 s10, $0x1;
	s10 =	sld [smem:$0x3F50];
	_ =	sdelay $0x3  }
0x37: {  	[smem:$0x3F50] =	sst s10  }
0x38: {  	s10 =	sld [smem:$0x3F51]  }
0x39: {  	_ = 	snop;
	(pc) =	sbr.ind lr, $3  }
0x3a: {  	_ = 	snop  }
0x3b: {  	_ = 	snop  }
0x3c: {  	p2 =	seq.s32 s10, $0x1;
	s10 =	sld [smem:$0x3F50]  }
0x3d: {  	_ =	shalt  }
0x3e: {  	_ =	shalt  }
0x3f: {  	_ =	shalt  }
0x40: {  	_ =	shalt  }
0x41: {  	_ =	shalt  }
0x42: {  	_ =	shalt  }
0x43: {  	_ =	shalt  }
0x44: {  	_ =	shalt  }
0x45: {  	_ =	shalt  }
0x46: {  	_ =	shalt  }
0x47: {  	_ =	shalt  }
0x48: {  	_ =	shalt  }
0x49: {  	_ =	shalt  }
0x4a: {  	_ =	shalt  }
0x4b: {  	_ =	shalt  }
0x4c: {  	_ =	shalt  }
0x4d: {  	_ =	shalt  }
0x4e: {  	_ =	shalt  }
0x4f: {  	_ =	shalt  }
0x50: {  	_ =	shalt  }
0x51: {  	_ =	shalt  }
0x52: {  	_ =	shalt  }
0x53: {  	_ =	shalt  }
0x54: {  	_ =	shalt  }
0x55: {  	_ =	shalt  }
0x56: {  	_ =	shalt  }
0x57: {  	_ =	shalt  }
0x58: {  	_ =	shalt  }
0x59: {  	_ =	shalt  }
0x5a: {  	_ =	shalt  }
0x5b: {  	_ =	shalt  }
0x5c: {  	_ =	shalt  }
0x5d: {  	_ =	shalt  }
0x5e: {  	_ =	shalt  }
0x5f: {  	_ =	shalt  }
0x60: {  	_ =	shalt  }
0x61: {  	_ =	shalt  }
0x62: {  	_ =	shalt  }
0x63: {  	_ =	shalt  }
0x64: {  	_ =	shalt  }
0x65: {  	_ =	shalt  }
0x66: {  	_ =	shalt  }
0x67: {  	_ =	shalt  }
0x68: {  	_ =	shalt  }
0x69: {  	_ =	shalt  }
0x6a: {  	_ =	shalt  }
0x6b: {  	_ =	shalt  }
0x6c: {  	_ =	shalt  }
0x6d: {  	_ =	shalt  }
0x6e: {  	_ =	shalt  }
0x6f: {  	_ =	shalt  }
0x70: {  	_ =	shalt  }
0x71: {  	_ =	shalt  }
0x72: {  	_ =	shalt  }
0x73: {  	_ =	shalt  }
0x74: {  	_ =	shalt  }
0x75: {  	_ =	shalt  }
0x76: {  	_ =	shalt  }
0x77: {  	_ =	shalt  }
0x78: {  	_ =	shalt  }
0x79: {  	_ =	shalt  }
0x7a: {  	_ =	shalt  }
0x7b: {  	_ =	shalt  }
0x7c: {  	_ =	shalt  }
0x7d: {  	_ =	shalt  }
0x7e: {  	_ =	shalt  }
0x7f: {  	_ =	shalt  }
0x80: {  	_ =	shalt  }
0x81: {  	_ =	shalt  }
0x82: {  	_ =	shalt  }
0x83: {  	_ =	shalt  }
0x84: {  	_ =	shalt  }
0x85: {  	_ =	shalt  }
0x86: {  	_ =	shalt  }
0x87: {  	_ =	shalt  }
.Lfunc_end0:
.L_simem_size_0:
called_computation.8_lowered:
.L_overlay_start_0:
0x88: {  	s2 =	sld [smem:$0x3FD9]  }
0x89: {  	s3 =	sld [smem:$0x3FFE];
	_ =	sdelay $0x1  }
0x8a: {  	s1 =	srdreg.scid  }
0x8b: {  	s0 =	sand.u32 $0x1, s1  }
0x8c: {  	s17 =	sshll.u32 s0, $0xA;
	s2 =	sadd.s32 s3, s2  }
0x8d: {  	s2 =	sadd.s32 s2, s17  }
0x8e: {  	[smem:$0x3F5C] =	sst s2  }
0x8f: {  	_ = 	snop  }
0x90: {  	s2 =	sld [smem:$0x3FD0];
	(tm) =	ssettm $0x1  }
0x91: {  	s18 =	sld [smem:$0x3FFB];
	_ =	sdelay $0x3  }
0x92: {  	_ =	strace s18  }
0x93: {  	s3 =	sld [smem:$0x3FFC];
	_ =	sdelay $0x3  }
0x94: {  	_ =	strace s3  }
0x95: {  	s3 =	sld [smem:$0x3FFD];
	_ =	sdelay $0x3  }
0x96: {  	_ =	strace s3  }
0x97: {  	_ =	strace $0x8FFFFFFF  }
0x98: {  	s19 =	sld [smem:$0x3FDB];
	_ =	sdelay $0x1  }
0x99: {  	s4 =	simm.s32 $_scs_section_size  }
0x9a: {  	s5 =	simm.s32 $_size__tile_overlayer_lowered;
	s6 =	simm.s32 $_tile_overlayer_lowered  }
0x9b: {  	s22 =	simm.s32 $0x1BFF;
	s21 =	sshll.u32 s6, $0x1;
	s3 =	sadd.s32 s4, s19  }
0x9c: {  	s7 =	simm.s32 $0x0;
	s20 =	sshll.u32 s5, $0x1;
	s5 =	sadd.s32 s21, s3  }
0x9d: {  	[timem:s7], [sflag:s22] =	dma.local [hbm:s5], s20  }
0x9e: {  	_ =	swait.ge [sflag:s22], s20  }
0x9f: {  	s4 =	ssub.s32 $0x0, s20;
	[sflag:s22] =	ssyncset.done $0x0  }
0xa0: {  	[sflag:s22] =	ssyncadd.s32 s4;
	_ =	sdelay $0x1  }
0xa1: {  	s23 =	simm.s32 $0x1B8B  }
0xa2: {  	_ =	swait.ge [sflag:s23], $0x1  }
0xa3: {  	[sflag:s23] =	ssyncset.done $0x0  }
0xa4: {  	s25 =	simm.s32 $0x1B8E;
	s24 =	sld [smem:$0x3FFE];
	[sflag:s23] =	ssyncadd.s32 $0xFFFFFFFF  }
0xa5: {  	s26 =	simm.s32 $execute0_lowered;
	[smem:$0x3FD2] =	sst s25  }
0xa6: {  	s5 =	sshll.u32 s26, $0x1;
	_ =	strace $0x8000005E;
	[dreg:$0x1] =	wrdreg $0xFFFFFFFF  }
0xa7: {  	s28 =	simm.s32 $_size_execute0_lowered;
	s3 =	sadd.s32 s3, s5;
	[dreg:$0x0] =	wrdreg $0x0  }
0xa8: {  	s5 =	sshll.u32 s28, $0x1;
	[dreg:$0x2] =	wrdreg s3  }
0xa9: {  	[dreg:$0x3] =	wrdreg s5  }
0xaa: {  	[dreg:$0x4] =	wrdreg $0xC0  }
0xab: {  	_ =	task [dreg:s7], $0x5FFFF  }
0xac: {  	[dreg:$0x1] =	wrdreg $0xFFFFFFFF  }
0xad: {  	[dreg:$0x0] =	wrdreg $0x60  }
0xae: {  	[dreg:$0x2] =	wrdreg s2  }
0xaf: {  	[dreg:$0x3] =	wrdreg s24  }
0xb0: {  	[dreg:$0x4] =	wrdreg $0x9  }
0xb1: {  	_ =	task.clear_ibuf [dreg:s7], $0x5FFFF;
	_ =	strace $0x9000005E  }
0xb2: {  	s29 =	simm.s32 $0x9;
	_ =	strace $0x80000060  }
0xb3: {  	_ =	swait.ge [sflag:s29], $0x1  }
0xb4: {  	[sflag:s29] =	ssyncadd.s32 $0xFFFFFFFF  }
0xb5: {  	_ =	strace $0x90000060  }
0xb6: {  	_ =	sfence  }
0xb7: {  	s30 =	sld [smem:$0x0];
	_ =	sdelay $0x2  }
0xb8: {  	s31 =	sshll.u32 s1, $0xD;
	s1 =	sshrl.u32 s1, $0x2  }
0xb9: {  	s3 =	sand.u32 $0x4000, s31;
	s1 =	sadd.s32 s1, s30  }
0xba: {  	s0 =	sor.u32 s3, s0;
	s1 =	sshll.u32 s1, $0x11  }
0xbb: {  	s0 =	sor.u32 s1, s0  }
0xbc: {  	s0 =	sadd.s32 $0x8F2B, s0  }
0xbd: {  	[sflag:s0] =	ssyncadd.remote.s32 $0x1  }
0xbe: {  	_ =	sfence.sel $0xFFFF  }
0xbf: {  	[dreg:$0x0] =	wrdreg $0xFFFFFFFF;
	(pc) =	sbr.abs _section_cstart, $3  }
0xc0: {  	[dreg:$0x1] =	wrdreg $0xFFFFFFFF  }
0xc1: {  	_ =	task.clear_ibuf [dreg:s7], $0x2FFFF;
	_ =	strace $0x9FFFFFFF  }
0xc2: {  	(tm) =	ssettm $0x7FFFFFFF  }
0xc3: {  	_ =	shalt  }
tec
execute0_lowered:
.L_overlay_start_1:
0x0: {  	(tag) =	ssettag $0x1  }
0x1: {  	s2 =	rddreg [dreg:$0x0]  }
0x2: {  	s4 =	rddreg [dreg:$0x1]  }
0x3: {  	s0 =	rddreg [dreg:$0x2]  }
0x4: {  	s3 =	simm.s32 $0x0;
	s1 =	stileid.u32;
	s5 =	srdreg.scid  }
0x5: {  	s11 =	simm.s32 $0x80;
	s12 =	simm.s32 $0x4080;
	s13 =	simm.s32 $0x4100  }
0x6: {  	s14 =	simm.s32 $0x1;
	s15 =	simm.s32 $0x2;
	s6 =	smul.u32 $0x4A0, s1  }
0x7: {  	[smem:$0x7FF] =	sst s3;
	s5 =	sand.u32 $0x1, s5;
	s7 =	smul.u32 $0x25000, s1  }
0x8: {  	s16 =	simm.s32 $0x0;
	_ =	strace $0x8000005F;
	s10 =	smul.u32 $0x12800, s5  }
0x9: {  	s8 =	ssub.s32 $0x2, s5;
	s31 =	smul.u32 $0x250, s5;
	s9 =	sadd.s32 s6, s4  }
0xa: {  	s30 =	sshrl.u32 s8, $0x1;
	s7 =	sadd.s32 s7, s4;
	s4 =	sadd.s32 $0x9E600, s4  }
0xb: {  	s6 =	ssub.s32 s8, s30;
	s7 =	sadd.s32 s10, s7;
	s9 =	sadd.s32 s31, s9  }
0xc: {  	s5 =	smax.u32 s6, $0x1;
	s6 =	sadd.s32 $0x588A00, s7;
	s7 =	sadd.s32 $0x338A00, s7  }
0xd: {  	s10 =	simm.s32 $0x3;
	s8 =	sadd.s32 $0x32F600, s9;
	s9 =	sadd.s32 $0x99C00, s9  }
.LBB2_1:
0xe: {  	s17 =	sadd.s32 $0x0, s9  }
0xf: {  	[tilespmem:s3], [sflag:$0x3] =	stream.linear.gather [hbm4b:s17+s3], $0x80, $0x38;
	[tilespmem:$0x8100] =	vst v63  }
0x10: {  	_ =	swait.ge [sflag:s10], $0x80  }
0x11: {  	[sflag:s10] =	ssyncset.done $0x0  }
0x12: {  	[sflag:s10] =	ssyncadd.s32 $0xFFFFFF80  }
0x13: {  	[tilespmem:s11], [sflag:$0x1] =	stream.indirect.gather [hbm4b:s2+s11], $0x80, s3, s11, $0xb8;
	[tilespmem:$0x8100] =	vst v63  }
0x14: {  	s31 =	sadd.s32 $0x0, s8  }
0x15: {  	[tilespmem:s12], [sflag:$0x3] =	stream.linear.gather [hbm4b:s31+s3], $0x80, $0x38;
	[tilespmem:$0x8100] =	vst v63  }
0x16: {  	_ =	swait.ge [sflag:s10], $0x80  }
0x17: {  	[sflag:s10] =	ssyncset.done $0x0  }
0x18: {  	[sflag:s10] =	ssyncadd.s32 $0xFFFFFF80  }
0x19: {  	[tilespmem:s13], [sflag:$0x2] =	stream.indirect.gather [hbm4b:s4+s11], $0x80, s12, s11, $0xb8;
	[tilespmem:$0x8100] =	vst v63  }
0x1a: {  	_ =	swait.ge [sflag:s14], $0x4000  }
0x1b: {  	[sflag:s14] =	ssyncset.done $0x0  }
0x1c: {  	[sflag:s14] =	ssyncadd.s32 $0xFFFFC000  }
0x1d: {  	[hbm4b:s7+s3] =	stream.linear.scatter [tilespmem:s11], [sflag:$0x3], $0x4000, $0x38;
	[tilespmem:$0x8100] =	vst v63  }
0x1e: {  	_ =	swait.ge [sflag:s10], $0x4000  }
0x1f: {  	[sflag:s10] =	ssyncset.done $0x0  }
0x20: {  	[sflag:s10] =	ssyncadd.s32 $0xFFFFC000  }
0x21: {  	_ =	swait.ge [sflag:s15], $0x4000  }
0x22: {  	[sflag:s15] =	ssyncset.done $0x0  }
0x23: {  	[sflag:s15] =	ssyncadd.s32 $0xFFFFC000  }
0x24: {  	[hbm4b:s6+s3] =	stream.linear.scatter [tilespmem:s13], [sflag:$0x3], $0x4000, $0x38;
	[tilespmem:$0x8100] =	vst v63  }
0x25: {  	s19 =	simm.s32 $0x10;
	s20 =	simm.s32 $0x20;
	_ =	swait.ge [sflag:s10], $0x4000  }
0x26: {  	s18 =	sadd.s32 $0x800, s7;
	s17 =	sadd.s32 $0x800, s6;
	[sflag:s10] =	ssyncset.done $0x0  }
.LBB2_2:
0x27: {  	s21 =	sadd.s32 s19, s9  }
0x28: {  	[sflag:s10] =	ssyncadd.s32 $0xFFFFC000;
	s22 =	smov.u32 s20;
	s23 =	sadd.s32 $0x10, s20  }
0x29: {  	[tilespmem:s3], [sflag:$0x3] =	stream.linear.gather [hbm4b:s21+s3], $0x80, $0x38;
	[tilespmem:$0x8100] =	vst v63  }
0x2a: {  	p0 =	sne.s32 s20, $0x240;
	_ =	swait.ge [sflag:s10], $0x80  }
0x2b: {  	[sflag:s10] =	ssyncset.done $0x0  }
0x2c: {  	[sflag:s10] =	ssyncadd.s32 $0xFFFFFF80  }
0x2d: {  	[tilespmem:s11], [sflag:$0x1] =	stream.indirect.gather [hbm4b:s2+s11], $0x80, s3, s11, $0xb8;
	[tilespmem:$0x8100] =	vst v63  }
0x2e: {  	s20 =	sadd.s32 s19, s8;
	s19 =	smov.u32 s22  }
0x2f: {  	[tilespmem:s12], [sflag:$0x3] =	stream.linear.gather [hbm4b:s20+s3], $0x80, $0x38;
	[tilespmem:$0x8100] =	vst v63  }
0x30: {  	_ =	swait.ge [sflag:s10], $0x80  }
0x31: {  	[sflag:s10] =	ssyncset.done $0x0  }
0x32: {  	[sflag:s10] =	ssyncadd.s32 $0xFFFFFF80  }
0x33: {  	[tilespmem:s13], [sflag:$0x2] =	stream.indirect.gather [hbm4b:s4+s11], $0x80, s12, s11, $0xb8;
	[tilespmem:$0x8100] =	vst v63  }
0x34: {  	_ =	swait.ge [sflag:s14], $0x4000  }
0x35: {  	[sflag:s14] =	ssyncset.done $0x0  }
0x36: {  	[sflag:s14] =	ssyncadd.s32 $0xFFFFC000  }
0x37: {  	[hbm4b:s18+s3] =	stream.linear.scatter [tilespmem:s11], [sflag:$0x3], $0x4000, $0x38;
	[tilespmem:$0x8100] =	vst v63  }
0x38: {  	_ =	swait.ge [sflag:s10], $0x4000  }
0x39: {  	[sflag:s10] =	ssyncset.done $0x0  }
0x3a: {  	[sflag:s10] =	ssyncadd.s32 $0xFFFFC000  }
0x3b: {  	_ =	swait.ge [sflag:s15], $0x4000  }
.Ltmp0:
0x3c: {  	[sflag:s15] =	ssyncset.done $0x0;
	(pc) =	sbr.rel @p0 .LBB2_2-.Ltmp0, $4  }
0x3d: {  	[sflag:s15] =	ssyncadd.s32 $0xFFFFC000  }
0x3e: {  	[hbm4b:s17+s3] =	stream.linear.scatter [tilespmem:s13], [sflag:$0x3], $0x4000, $0x38;
	[tilespmem:$0x8100] =	vst v63  }
0x3f: {  	s20 =	smov.u32 s23;
	_ =	swait.ge [sflag:s10], $0x4000  }
0x40: {  	s18 =	sadd.s32 $0x800, s18;
	s17 =	sadd.s32 $0x800, s17;
	[sflag:s10] =	ssyncset.done $0x0  }
0x41: {  	s20 =	sadd.s32 s19, s9;
	[sflag:s10] =	ssyncadd.s32 $0xFFFFC000  }
0x42: {  	[tilespmem:s3], [sflag:$0x3] =	stream.linear.gather [hbm4b:s20+s3], $0x80, $0x38;
	[tilespmem:$0x8100] =	vst v63  }
0x43: {  	_ =	swait.ge [sflag:s10], $0x80  }
0x44: {  	[sflag:s10] =	ssyncset.done $0x0  }
0x45: {  	[sflag:s10] =	ssyncadd.s32 $0xFFFFFF80  }
0x46: {  	[tilespmem:s11], [sflag:$0x1] =	stream.indirect.gather [hbm4b:s2+s11], $0x80, s3, s11, $0xb8;
	[tilespmem:$0x8100] =	vst v63  }
0x47: {  	s31 =	sadd.s32 s19, s8  }
0x48: {  	[tilespmem:s12], [sflag:$0x3] =	stream.linear.gather [hbm4b:s31+s3], $0x80, $0x38;
	[tilespmem:$0x8100] =	vst v63  }
0x49: {  	_ =	swait.ge [sflag:s10], $0x80  }
0x4a: {  	[sflag:s10] =	ssyncset.done $0x0  }
0x4b: {  	[sflag:s10] =	ssyncadd.s32 $0xFFFFFF80  }
0x4c: {  	[tilespmem:s13], [sflag:$0x2] =	stream.indirect.gather [hbm4b:s4+s11], $0x80, s12, s11, $0xb8;
	[tilespmem:$0x8100] =	vst v63  }
0x4d: {  	_ =	swait.ge [sflag:s14], $0x4000  }
0x4e: {  	[sflag:s14] =	ssyncset.done $0x0  }
0x4f: {  	[sflag:s14] =	ssyncadd.s32 $0xFFFFC000  }
0x50: {  	[hbm4b:s18+s3] =	stream.linear.scatter [tilespmem:s11], [sflag:$0x3], $0x4000, $0x38;
	[tilespmem:$0x8100] =	vst v63  }
0x51: {  	_ =	swait.ge [sflag:s10], $0x4000  }
0x52: {  	[sflag:s10] =	ssyncset.done $0x0  }
0x53: {  	[sflag:s10] =	ssyncadd.s32 $0xFFFFC000  }
0x54: {  	s16 =	sadd.s32 $0x1, s16;
	_ =	swait.ge [sflag:s15], $0x4000  }
0x55: {  	p0 =	sne.s32 s16, s5;
	[sflag:s15] =	ssyncset.done $0x0  }
.Ltmp1:
0x56: {  	[sflag:s15] =	ssyncadd.s32 $0xFFFFC000;
	(pc) =	sbr.rel @p0 .LBB2_1-.Ltmp1, $4  }
0x57: {  	[hbm4b:s17+s3] =	stream.linear.scatter [tilespmem:s13], [sflag:$0x3], $0x4000, $0x38;
	[tilespmem:$0x8100] =	vst v63  }
0x58: {  	_ =	swait.ge [sflag:s10], $0x4000  }
0x59: {  	[sflag:s10] =	ssyncset.done $0x0  }
0x5a: {  	[sflag:s10] =	ssyncadd.s32 $0xFFFFC000  }
0x5b: {  	_ =	sfence.sel $0x180000  }
0x5c: {  	[bflag:$0x0] =	sbarrier.arrive $0xFFFF  }
0x5d: {  	p0 =	sne.s32 s1, $0x0;
	_ =	strace $0x9000005F  }
0x5e: {  	s0 =	sadd.s32 @!p0 $0x100000, s0;
	[bflag:$0x2] =	sbarrier.arrive $0xFFFF  }
0x5f: {  	[sflag:s0] =	ssyncadd.tile.s32 @!p0 $0x1;
	_ =	shalt  }
.Lfunc_end2:
_tile_overlayer_lowered:
.L_overlay_start_2:
0x60: {  	(tag) =	ssettag $0x2  }
0x61: {  	s0 =	rddreg [dreg:$0x0];
	s2 =	stileid.u32  }
0x62: {  	s1 =	rddreg [dreg:$0x1];
	p0 =	sne.s32 s2, $0x0  }
0x63: {  	s3 =	rddreg [dreg:$0x2];
	[bflag:$0x3] =	sbarrier.arrive $0xFFFF;
	s2 =	simm.s32 @!p0 $0x1C03  }
0x64: {  	[timem:s3], [sflag:s2] =	dma.local @!p0 [hbm:s0], s1  }
0x65: {  	s0 =	simm.s32 @!p0 $0x3  }
0x66: {  	_ =	swait.ge @!p0 [sflag:s0], s1  }
0x67: {  	s1 =	ssub.s32 @!p0 $0x0, s1;
	[sflag:s0] =	ssyncset.done @!p0 $0x0  }
0x68: {  	[sflag:s0] =	ssyncadd.s32 @!p0 s1  }
0x69: {  	[bflag:$0x3] =	sbarrier.arrive $0xFFFF  }
0x6a: {  	_ =	shalt  }

// kernel: kernel.55.cloned.1.call-start
scs
__scs_entry_jumppad:
0x0: {  	(pc) =	sbr.rel $0x88, $3  }
0x1: {  	(tag) =	ssettag $0x0;
	lr =	simm.s32 $0x1  }
0x2: {  	[smem:$0x3F35] =	sst lr;
	_ =	strace $0xD0000000  }
0x3: {  	_ = 	snop  }
0x4: {  	_ = 	snop  }
0x5: {  	_ = 	snop  }
0x6: {  	_ = 	snop  }
0x7: {  	_ = 	snop  }
__scs_overlays_trampoline_lowered:
0x8: {  	[smem:$0x3F44] =	sst s0  }
0x9: {  	[smem:$0x3F45] =	sst s1  }
0xa: {  	[smem:$0x3F46] =	sst s2  }
0xb: {  	[smem:$0x3F47] =	sst s3  }
0xc: {  	[smem:$0x3F48] =	sst s4  }
0xd: {  	[smem:$0x3F49] =	sst s5  }
0xe: {  	[smem:$0x3F4A] =	sst s6  }
0xf: {  	[smem:$0x3F4B] =	sst s7  }
0x10: {  	[smem:$0x3F4C] =	sst s8  }
0x11: {  	[smem:$0x3F4D] =	sst s9;
	s0 =	simm.s32 @!p0 $0x0  }
0x12: {  	s1 =	sld [smem:$0x3F33];
	s0 =	simm.s32 @p0 $0x1  }
0x13: {  	[smem:$0x3F4E] =	sst s0;
	s0 =	simm.s32 @!p1 $0x0  }
0x14: {  	s2 =	sld [smem:$0x3F32];
	s0 =	simm.s32 @p1 $0x1  }
0x15: {  	[smem:$0x3F4F] =	sst s0;
	s0 =	simm.s32 @!p2 $0x0  }
0x16: {  	s3 =	sld [smem:$0x3FDB];
	s0 =	simm.s32 @p2 $0x1  }
0x17: {  	s4 =	simm.s32 $0x1BF5;
	[smem:$0x3F51] =	sst s0  }
0x18: {  	s0 =	sld [smem:$0x3F34];
	_ =	swait.ge [sflag:s4], $0x0  }
0x19: {  	s7 =	sld [smem:$0x3F35]  }
0x1a: {  	s8 =	sadd.s32 $0xFFFFE003, lr  }
0x1b: {  	s9 =	sadd.s32 $0xFFFFFEF7, lr;
	s5 =	simm.s32 $0xFFFFFFFF;
	p2 =	slt.u32 s8, $0xFFFFF086  }
0x1c: {  	p1 =	slt.u32 s9, $0xF7A;
	s5 =	simm.s32 @!p2 $0x0  }
0x1d: {  	s5 =	simm.s32 @p1 $0x1;
	p0 =	seq.s32 s7, s2  }
0x1e: {  	s7 =	smul.u32 @!p0 $0xF7A, s2;
	p2 =	seq.s32 @!p0 s5, $0x0  }
0x1f: {  	s9 =	smul.u32 $0xF7A, s1;
	s8 =	simm.s32 @!p0 $0x1BF5;
	p2 =	por !p2, p0  }
0x20: {  	[sflag:s8] =	ssyncset.s32 @!p0 $0xFFFFF086;
	s6 =	sadd.s32 @!p0 s3, s7;
	s7 =	simm.s32 @!p0 $0x108  }
0x21: {  	s3 =	sadd.s32 s3, s9;
	s6 =	sadd.s32 @!p0 $0x88, s6;
	s7 =	simm.s32 @p2 $0x1082  }
0x22: {  	[simem:s7], [sflag:s8] =	dma.local @!p0 [hbm:s6], $0xF7A  }
0x23: {  	s9 =	sor.u32 $0xD0000000, s2;
	s6 =	simm.s32 $0x108;
	_ =	swait.ge @!p0 [sflag:s8], $0x0  }
0x24: {  	s3 =	sadd.s32 $0x88, s3;
	s6 =	simm.s32 @!p1 $0x1082;
	[sflag:s4] =	ssyncset.s32 $0xFFFFF086  }
0x25: {  	[simem:s6], [sflag:s4] =	dma.local [hbm:s3], $0xF7A  }
0x26: {  	[smem:$0x3F35] =	sst s1;
	(tag) =	ssettag s2;
	_ =	strace s9  }
0x27: {  	s1 =	sld [smem:$0x3F45]  }
0x28: {  	s2 =	sld [smem:$0x3F46]  }
0x29: {  	s4 =	sld [smem:$0x3F48]  }
0x2a: {  	p0 =	seq.s32 s5, $0x0;
	s5 =	sld [smem:$0x3F49]  }
0x2b: {  	s6 =	sld [smem:$0x3F4A]  }
0x2c: {  	s7 =	sld [smem:$0x3F4B]  }
0x2d: {  	s3 =	simm.s32 $0x108;
	s8 =	sld [smem:$0x3F4C]  }
0x2e: {  	s3 =	simm.s32 @!p0 $0x1082;
	s9 =	sld [smem:$0x3F4D]  }
0x2f: {  	lr =	sadd.s32 s0, s3;
	s0 =	sld [smem:$0x3F44]  }
0x30: {  	s3 =	sld [smem:$0x3F47]  }
0x31: {  	[smem:$0x3F50] =	sst s10  }
0x32: {  	s10 =	sld [smem:$0x3F4E];
	_ =	sdelay $0x3  }
0x33: {  	p0 =	seq.s32 s10, $0x1;
	s10 =	sld [smem:$0x3F50];
	_ =	sdelay $0x3  }
0x34: {  	[smem:$0x3F50] =	sst s10  }
0x35: {  	s10 =	sld [smem:$0x3F4F];
	_ =	sdelay $0x3  }
0x36: {  	p1 =	seq.s32 s10, $0x1;
	s10 =	sld [smem:$0x3F50];
	_ =	sdelay $0x3  }
0x37: {  	[smem:$0x3F50] =	sst s10  }
0x38: {  	s10 =	sld [smem:$0x3F51]  }
0x39: {  	_ = 	snop;
	(pc) =	sbr.ind lr, $3  }
0x3a: {  	_ = 	snop  }
0x3b: {  	_ = 	snop  }
0x3c: {  	p2 =	seq.s32 s10, $0x1;
	s10 =	sld [smem:$0x3F50]  }
0x3d: {  	_ =	shalt  }
0x3e: {  	_ =	shalt  }
0x3f: {  	_ =	shalt  }
0x40: {  	_ =	shalt  }
0x41: {  	_ =	shalt  }
0x42: {  	_ =	shalt  }
0x43: {  	_ =	shalt  }
0x44: {  	_ =	shalt  }
0x45: {  	_ =	shalt  }
0x46: {  	_ =	shalt  }
0x47: {  	_ =	shalt  }
0x48: {  	_ =	shalt  }
0x49: {  	_ =	shalt  }
0x4a: {  	_ =	shalt  }
0x4b: {  	_ =	shalt  }
0x4c: {  	_ =	shalt  }
0x4d: {  	_ =	shalt  }
0x4e: {  	_ =	shalt  }
0x4f: {  	_ =	shalt  }
0x50: {  	_ =	shalt  }
0x51: {  	_ =	shalt  }
0x52: {  	_ =	shalt  }
0x53: {  	_ =	shalt  }
0x54: {  	_ =	shalt  }
0x55: {  	_ =	shalt  }
0x56: {  	_ =	shalt  }
0x57: {  	_ =	shalt  }
0x58: {  	_ =	shalt  }
0x59: {  	_ =	shalt  }
0x5a: {  	_ =	shalt  }
0x5b: {  	_ =	shalt  }
0x5c: {  	_ =	shalt  }
0x5d: {  	_ =	shalt  }
0x5e: {  	_ =	shalt  }
0x5f: {  	_ =	shalt  }
0x60: {  	_ =	shalt  }
0x61: {  	_ =	shalt  }
0x62: {  	_ =	shalt  }
0x63: {  	_ =	shalt  }
0x64: {  	_ =	shalt  }
0x65: {  	_ =	shalt  }
0x66: {  	_ =	shalt  }
0x67: {  	_ =	shalt  }
0x68: {  	_ =	shalt  }
0x69: {  	_ =	shalt  }
0x6a: {  	_ =	shalt  }
0x6b: {  	_ =	shalt  }
0x6c: {  	_ =	shalt  }
0x6d: {  	_ =	shalt  }
0x6e: {  	_ =	shalt  }
0x6f: {  	_ =	shalt  }
0x70: {  	_ =	shalt  }
0x71: {  	_ =	shalt  }
0x72: {  	_ =	shalt  }
0x73: {  	_ =	shalt  }
0x74: {  	_ =	shalt  }
0x75: {  	_ =	shalt  }
0x76: {  	_ =	shalt  }
0x77: {  	_ =	shalt  }
0x78: {  	_ =	shalt  }
0x79: {  	_ =	shalt  }
0x7a: {  	_ =	shalt  }
0x7b: {  	_ =	shalt  }
0x7c: {  	_ =	shalt  }
0x7d: {  	_ =	shalt  }
0x7e: {  	_ =	shalt  }
0x7f: {  	_ =	shalt  }
0x80: {  	_ =	shalt  }
0x81: {  	_ =	shalt  }
0x82: {  	_ =	shalt  }
0x83: {  	_ =	shalt  }
0x84: {  	_ =	shalt  }
0x85: {  	_ =	shalt  }
0x86: {  	_ =	shalt  }
0x87: {  	_ =	shalt  }
.Lfunc_end0:
.L_simem_size_0:
called_computation.9_lowered:
.L_overlay_start_0:
0x88: {  	s2 =	sld [smem:$0x3FD9]  }
0x89: {  	s3 =	sld [smem:$0x3FFE];
	_ =	sdelay $0x1  }
0x8a: {  	s1 =	srdreg.scid  }
0x8b: {  	s0 =	sand.u32 $0x1, s1  }
0x8c: {  	s17 =	sshll.u32 s0, $0xA;
	s2 =	sadd.s32 s3, s2  }
0x8d: {  	s2 =	sadd.s32 s2, s17  }
0x8e: {  	[smem:$0x3F5C] =	sst s2  }
0x8f: {  	_ = 	snop  }
0x90: {  	s2 =	sld [smem:$0x3FD0];
	(tm) =	ssettm $0x1  }
0x91: {  	s18 =	sld [smem:$0x3FFB];
	_ =	sdelay $0x3  }
0x92: {  	_ =	strace s18  }
0x93: {  	s3 =	sld [smem:$0x3FFC];
	_ =	sdelay $0x3  }
0x94: {  	_ =	strace s3  }
0x95: {  	s3 =	sld [smem:$0x3FFD];
	_ =	sdelay $0x3  }
0x96: {  	_ =	strace s3  }
0x97: {  	_ =	strace $0x8FFFFFFF  }
0x98: {  	s19 =	sld [smem:$0x3FDB];
	_ =	sdelay $0x1  }
0x99: {  	s4 =	simm.s32 $_scs_section_size  }
0x9a: {  	s5 =	simm.s32 $_size__tile_overlayer_lowered;
	s6 =	simm.s32 $_tile_overlayer_lowered  }
0x9b: {  	s22 =	simm.s32 $0x1BFF;
	s21 =	sshll.u32 s6, $0x1;
	s3 =	sadd.s32 s4, s19  }
0x9c: {  	s7 =	simm.s32 $0x0;
	s20 =	sshll.u32 s5, $0x1;
	s5 =	sadd.s32 s21, s3  }
0x9d: {  	[timem:s7], [sflag:s22] =	dma.local [hbm:s5], s20  }
0x9e: {  	_ =	swait.ge [sflag:s22], s20  }
0x9f: {  	s4 =	ssub.s32 $0x0, s20;
	[sflag:s22] =	ssyncset.done $0x0  }
0xa0: {  	[sflag:s22] =	ssyncadd.s32 s4;
	_ =	sdelay $0x1  }
0xa1: {  	s23 =	simm.s32 $0x1B8B  }
0xa2: {  	_ =	swait.ge [sflag:s23], $0x1  }
0xa3: {  	[sflag:s23] =	ssyncset.done $0x0  }
0xa4: {  	s25 =	simm.s32 $0x1B8E;
	s24 =	sld [smem:$0x3FFE];
	[sflag:s23] =	ssyncadd.s32 $0xFFFFFFFF  }
0xa5: {  	s26 =	simm.s32 $execute0_lowered;
	[smem:$0x3FD2] =	sst s25  }
0xa6: {  	s5 =	sshll.u32 s26, $0x1;
	_ =	strace $0x80000061;
	[dreg:$0x1] =	wrdreg $0xFFFFFFFF  }
0xa7: {  	s28 =	simm.s32 $_size_execute0_lowered;
	s3 =	sadd.s32 s3, s5;
	[dreg:$0x0] =	wrdreg $0x0  }
0xa8: {  	s5 =	sshll.u32 s28, $0x1;
	[dreg:$0x2] =	wrdreg s3  }
0xa9: {  	[dreg:$0x3] =	wrdreg s5  }
0xaa: {  	[dreg:$0x4] =	wrdreg $0xC0  }
0xab: {  	_ =	task [dreg:s7], $0x5FFFF  }
0xac: {  	[dreg:$0x1] =	wrdreg $0xFFFFFFFF  }
0xad: {  	[dreg:$0x0] =	wrdreg $0x60  }
0xae: {  	[dreg:$0x2] =	wrdreg s24  }
0xaf: {  	[dreg:$0x3] =	wrdreg s2  }
0xb0: {  	[dreg:$0x4] =	wrdreg $0x41000  }
0xb1: {  	[dreg:$0x5] =	wrdreg $0x9  }
0xb2: {  	_ =	task.clear_ibuf [dreg:s7], $0x6FFFF;
	_ =	strace $0x90000061  }
0xb3: {  	s29 =	simm.s32 $0x9;
	_ =	strace $0x80000063  }
0xb4: {  	_ =	swait.ge [sflag:s29], $0x1  }
0xb5: {  	[sflag:s29] =	ssyncadd.s32 $0xFFFFFFFF  }
0xb6: {  	_ =	strace $0x90000063  }
0xb7: {  	_ =	sfence  }
0xb8: {  	s30 =	sld [smem:$0x0];
	_ =	sdelay $0x2  }
0xb9: {  	s31 =	sshll.u32 s1, $0xD;
	s1 =	sshrl.u32 s1, $0x2  }
0xba: {  	s3 =	sand.u32 $0x4000, s31;
	s1 =	sadd.s32 s1, s30  }
0xbb: {  	s0 =	sor.u32 s3, s0;
	s1 =	sshll.u32 s1, $0x11  }
0xbc: {  	s0 =	sor.u32 s1, s0  }
0xbd: {  	s0 =	sadd.s32 $0x8F2B, s0  }
0xbe: {  	[sflag:s0] =	ssyncadd.remote.s32 $0x1  }
0xbf: {  	_ =	sfence.sel $0xFFFF  }
0xc0: {  	[dreg:$0x0] =	wrdreg $0xFFFFFFFF;
	(pc) =	sbr.abs _section_cstart, $3  }
0xc1: {  	[dreg:$0x1] =	wrdreg $0xFFFFFFFF  }
0xc2: {  	_ =	task.clear_ibuf [dreg:s7], $0x2FFFF;
	_ =	strace $0x9FFFFFFF  }
0xc3: {  	(tm) =	ssettm $0x7FFFFFFF  }
tec
execute0_lowered:
.L_overlay_start_1:
0x0: {  	(tag) =	ssettag $0x1  }
0x1: {  	s5 =	rddreg [dreg:$0x0]  }
0x2: {  	s2 =	rddreg [dreg:$0x1];
	s1 =	stileid.u32  }
0x3: {  	s3 =	rddreg [dreg:$0x2];
	s6 =	smul.u32 $0x25000, s1  }
0x4: {  	s0 =	rddreg [dreg:$0x3];
	s7 =	smul.u32 $0x4A0, s1  }
0x5: {  	s4 =	simm.s32 $0x0;
	s9 =	srdreg.scid;
	s8 =	smul.u32 $0x3280, s1  }
0x6: {  	[smem:$0x7FF] =	sst s4;
	s22 =	smul.u32 $0x65000, s1  }
0x7: {  	s9 =	sand.u32 $0x1, s9;
	s12 =	sadd.s32 $0x161C00, s5;
	s14 =	smul.u32 $0x64000, s1  }
0x8: {  	s26 =	sshll.u32 s1, $0x6;
	_ =	strace $0x80000062;
	s15 =	smul.u32 $0x12800, s9  }
0x9: {  	s24 =	ssub.s32 $0x2, s9;
	s29 =	smul.u32 $0x250, s9;
	p0 =	seq.s32 s9, $0x1  }
0xa: {  	s10 =	sadd.s32 s6, s5;
	s11 =	sadd.s32 s7, s5;
	s23 =	sadd.s32 s8, s5  }
0xb: {  	s25 =	sshrl.u32 s24, $0x1;
	s6 =	sshrl.u32 s22, $0x2;
	s28 =	sshrl.u32 s14, $0x2  }
0xc: {  	s7 =	smul.u32 $0x320, s1;
	s2 =	smov.u32 @p0 s12;
	s12 =	simm.s32 $0x1  }
0xd: {  	s14 =	simm.s32 $0x80;
	s8 =	ssub.s32 s24, s25;
	s13 =	sadd.s32 s6, s3  }
0xe: {  	s5 =	sadd.s32 $0x3F400, s23;
	s6 =	sor.u32 $0x1C01, s26;
	s16 =	sadd.s32 s28, s3  }
0xf: {  	s30 =	sadd.s32 s15, s10;
	s31 =	sadd.s32 s29, s11;
	s8 =	smax.u32 s8, $0x1  }
0x10: {  	s9 =	sadd.s32 $0xC72A00, s30;
	s10 =	sadd.s32 $0x334000, s31;
	s11 =	sshrl.u32 s13, $0x3  }
0x11: {  	s13 =	simm.s32 $0x100;
	s15 =	sshrl.u32 s16, $0x3;
	s16 =	simm.s32 $0x0  }
.LBB2_1:
0x12: {  	s17 =	simm.s32 $0x0  }
.LBB2_2:
0x13: {  	[spmem:s11], [sflag:s6] =	dma.local [hbm:s5], $0x3280  }
0x14: {  	_ =	swait.ge [sflag:s12], $0x3280  }
0x15: {  	[sflag:s12] =	ssyncset.done $0x0  }
0x16: {  	[sflag:s12] =	ssyncadd.s32 $0xFFFFCD80  }
0x17: {  	s18 =	sadd.s32 $0x0, s10;
	[bflag:$0x0] =	sbarrier.arrive $0xFFFF  }
0x18: {  	[tilespmem:s4], [sflag:$0x1] =	stream.linear.gather [hbm4b:s18+s4], $0x80, $0x38;
	[tilespmem:$0x1D500] =	vst v63  }
0x19: {  	_ =	swait.ge [sflag:s12], $0x80  }
0x1a: {  	[sflag:s12] =	ssyncset.done $0x0  }
0x1b: {  	s18 =	smul.u32 $0x3200, s17;
	[sflag:s12] =	ssyncadd.s32 $0xFFFFFF80  }
0x1c: {  	v2 =	vld [tilespmem:$0x10]  }
0x1d: {  	s19 =	smin.u32 s18, $0x9150;
	v3 =	vld [tilespmem:$0x40]  }
0x1e: {  	s19 =	sadd.s32 $0x3200, s19;
	v4 =	vld [tilespmem:$0x50]  }
0x1f: {  	s20 =	simm.s32 $0x10;
	s21 =	smov.u32 s9;
	v0 =	vmov s18;
	v1 =	vmov s19;
	v5 =	vld [tilespmem:$0x30];
	s19 =	smov.u32 s9  }
.LBB2_3:
0x20: {  	p0 =	sne.s32 s20, $0x240  }
0x21: {  	v6 =	vld [tilespmem:$0x60];
	s21 =	sadd.s32 $0x800, s21;
	s22 =	smov.u32 s20;
	s20 =	sadd.s32 $0x10, s20  }
0x22: {  	v7 =	vld [tilespmem:$0x70]  }
0x23: {  	vm0 =	vlt.s32 v2, v1;
	v9 =	vsub.s32 v2, v0;
	v8 =	vld [tilespmem:$0x0];
	v10 =	vsub.s32 v3, v0  }
0x24: {  	vm1 =	vlt.s32 v3, v1;
	v11 =	vld [tilespmem:$0x20];
	vm2 =	vge.s32 v4, v0;
	vm3 =	vlt.s32 v4, v1  }
0x25: {  	vm4 =	vge.s32 v3, v0;
	v3 =	vsub.s32 v4, v0;
	v12 =	vsub.s32 v5, v0  }
0x26: {  	vm5 =	vge.s32 v5, v0;
	vm6 =	vlt.s32 v5, v1;
	vm2 =	vmand vm2, vm3  }
0x27: {  	v3 =	vnsel vm2, $0x3200, v3;
	vm2 =	vlt.s32 v6, v1;
	vm3 =	vlt.s32 v7, v1  }
0x28: {  	vm5 =	vmand vm5, vm6;
	vm7 =	vge.s32 v8, v0;
	[tilespmem:$0xD0] =	vst v3;
	v3 =	vsub.s32 v7, v0  }
0x29: {  	vm1 =	vmand vm4, vm1;
	vm4 =	vge.s32 v7, v0;
	vm6 =	vlt.s32 v11, v1  }
0x2a: {  	vm8 =	vge.s32 v2, v0;
	v2 =	vnsel vm1, $0x3200, v10;
	vm9 =	vge.s32 v11, v0  }
0x2b: {  	vm0 =	vmand vm8, vm0;
	v4 =	vnsel vm5, $0x3200, v12;
	vm1 =	vlt.s32 v8, v1;
	[tilespmem:$0xC0] =	vst v2  }
0x2c: {  	vm3 =	vmand vm4, vm3;
	v2 =	vnsel vm0, $0x3200, v9;
	vm0 =	vge.s32 v6, v0;
	[tilespmem:$0xB0] =	vst v4  }
0x2d: {  	v3 =	vnsel vm3, $0x3200, v3;
	vm0 =	vmand vm0, vm2;
	[tilespmem:$0x90] =	vst v2;
	v2 =	vsub.s32 v6, v0  }
0x2e: {  	vm1 =	vmand vm7, vm1;
	v4 =	vsub.s32 v8, v0;
	v2 =	vnsel vm0, $0x3200, v2;
	[tilespmem:$0xF0] =	vst v3  }
0x2f: {  	v3 =	vnsel vm1, $0x3200, v4;
	vm0 =	vmand vm9, vm6;
	v4 =	vsub.s32 v11, v0;
	[tilespmem:$0xE0] =	vst v2  }
0x30: {  	v2 =	vnsel vm0, $0x3200, v4;
	[tilespmem:$0x80] =	vst v3  }
0x31: {  	[tilespmem:$0xA0] =	vst v2  }
0x32: {  	[tilespmem:s13], [sflag:$0x1] =	stream.linear.gather [hbm4b:s19+s4], $0x4000, $0x38;
	[tilespmem:$0x1D500] =	vst v63  }
0x33: {  	s19 =	smov.u32 s21;
	_ =	swait.ge [sflag:s12], $0x4000  }
0x34: {  	[sflag:s12] =	ssyncset.done $0x0  }
0x35: {  	[sflag:s12] =	ssyncadd.s32 $0xFFFFC000  }
0x36: {  	[spmem:s3] =	stream.indirect.scatter.add.f32 [tilespmem:s13], [sflag:$0x1], $0x80, s14, s14, $0xb8;
	[tilespmem:$0x1D500] =	vst v63  }
0x37: {  	_ =	swait.ge [sflag:s12], $0x4000  }
0x38: {  	[sflag:s12] =	ssyncset.done $0x0  }
0x39: {  	s22 =	sadd.s32 s22, s10;
	[sflag:s12] =	ssyncadd.s32 $0xFFFFC000  }
0x3a: {  	[tilespmem:s4], [sflag:$0x1] =	stream.linear.gather [hbm4b:s22+s4], $0x80, $0x38;
	[tilespmem:$0x1D500] =	vst v63  }
0x3b: {  	_ =	swait.ge [sflag:s12], $0x80  }
0x3c: {  	[sflag:s12] =	ssyncset.done $0x0  }
.Ltmp0:
0x3d: {  	[sflag:s12] =	ssyncadd.s32 $0xFFFFFF80;
	(pc) =	sbr.rel @p0 .LBB2_3-.Ltmp0, $4  }
0x3e: {  	v2 =	vld [tilespmem:$0x10]  }
0x3f: {  	v3 =	vld [tilespmem:$0x40]  }
0x40: {  	v4 =	vld [tilespmem:$0x50]  }
0x41: {  	v5 =	vld [tilespmem:$0x30]  }
0x42: {  	v6 =	vld [tilespmem:$0x60]  }
0x43: {  	v7 =	vld [tilespmem:$0x70];
	vm0 =	vlt.s32 v2, v1;
	v9 =	vsub.s32 v2, v0;
	vm8 =	vge.s32 v2, v0  }
0x44: {  	v8 =	vld [tilespmem:$0x0];
	v10 =	vsub.s32 v3, v0;
	vm1 =	vlt.s32 v3, v1;
	vm4 =	vge.s32 v3, v0  }
0x45: {  	v11 =	vld [tilespmem:$0x20];
	vm0 =	vmand vm8, vm0;
	vm2 =	vge.s32 v4, v0;
	vm3 =	vlt.s32 v4, v1  }
0x46: {  	v54 =	vsub.s32 v4, v0;
	vm1 =	vmand vm4, vm1;
	v58 =	vnsel vm0, $0x3200, v9  }
0x47: {  	v12 =	vsub.s32 v5, v0;
	vm5 =	vge.s32 v5, v0;
	vm2 =	vmand vm2, vm3  }
0x48: {  	vm6 =	vlt.s32 v5, v1;
	v56 =	vnsel vm1, $0x3200, v10;
	v3 =	vnsel vm2, $0x3200, v54  }
0x49: {  	vm2 =	vlt.s32 v6, v1;
	vm3 =	vlt.s32 v7, v1;
	vm7 =	vge.s32 v8, v0  }
0x4a: {  	[tilespmem:$0x90] =	vst v58;
	vm5 =	vmand vm5, vm6;
	v55 =	vsub.s32 v7, v0;
	vm15 =	vlt.s32 v11, v1  }
0x4b: {  	vm12 =	vge.s32 v7, v0;
	vm9 =	vge.s32 v11, v0;
	vm13 =	vlt.s32 v8, v1;
	[tilespmem:$0xC0] =	vst v56  }
0x4c: {  	vm14 =	vge.s32 v6, v0;
	[tilespmem:$0xD0] =	vst v3;
	v57 =	vnsel vm5, $0x3200, v12;
	vm3 =	vmand vm12, vm3  }
0x4d: {  	v59 =	vsub.s32 v6, v0;
	vm0 =	vmand vm14, vm2;
	[tilespmem:$0xB0] =	vst v57;
	v60 =	vnsel vm3, $0x3200, v55  }
0x4e: {  	v61 =	vsub.s32 v8, v0;
	vm1 =	vmand vm7, vm13;
	v1 =	vnsel vm0, $0x3200, v59;
	[tilespmem:$0xF0] =	vst v60  }
0x4f: {  	v63 =	vsub.s32 v11, v0;
	vm15 =	vmand vm9, vm15;
	v62 =	vnsel vm1, $0x3200, v61;
	[tilespmem:$0xE0] =	vst v1  }
0x50: {  	v0 =	vnsel vm15, $0x3200, v63;
	[tilespmem:$0x80] =	vst v62  }
0x51: {  	[tilespmem:$0xA0] =	vst v0  }
0x52: {  	[tilespmem:s13], [sflag:$0x1] =	stream.linear.gather [hbm4b:s19+s4], $0x4000, $0x38;
	[tilespmem:$0x1D500] =	vst v63  }
0x53: {  	_ =	swait.ge [sflag:s12], $0x4000  }
0x54: {  	[sflag:s12] =	ssyncset.done $0x0  }
0x55: {  	[sflag:s12] =	ssyncadd.s32 $0xFFFFC000  }
0x56: {  	[spmem:s3] =	stream.indirect.scatter.add.f32 [tilespmem:s13], [sflag:$0x1], $0x80, s14, s14, $0xb8;
	[tilespmem:$0x1D500] =	vst v63  }
0x57: {  	_ =	swait.ge [sflag:s12], $0x4000  }
0x58: {  	s18 =	sadd.s32 s7, s18;
	[sflag:s12] =	ssyncset.done $0x0  }
0x59: {  	s17 =	sadd.s32 $0x1, s17;
	s18 =	sshll.u32 s18, $0x4;
	[sflag:s12] =	ssyncadd.s32 $0xFFFFC000  }
0x5a: {  	p0 =	sne.s32 s17, $0x4;
	s18 =	sadd.s32 s2, s18;
	[bflag:$0x0] =	sbarrier.arrive $0xFFFF  }
0x5b: {  	[hbm:s18], [sflag:s6] =	dma.local [spmem:s15], $0x3200  }
.Ltmp1:
0x5c: {  	_ =	swait.ge [sflag:s12], $0x3200;
	(pc) =	sbr.rel @p0 .LBB2_2-.Ltmp1, $3  }
0x5d: {  	[sflag:s12] =	ssyncset.done $0x0  }
0x5e: {  	[sflag:s12] =	ssyncadd.s32 $0xFFFFCE00  }
0x5f: {  	[bflag:$0x0] =	sbarrier.arrive $0xFFFF;
	_ =	sdelay $0x1  }
0x60: {  	s16 =	sadd.s32 $0x1, s16  }
0x61: {  	p0 =	sne.s32 s16, s8  }
.Ltmp2:
0x62: {  	_ = 	snop;
	(pc) =	sbr.rel @p0 .LBB2_1-.Ltmp2, $1  }
0x63: {  	_ =	sdelay $0x3  }
0x64: {  	_ =	sfence.sel $0x180000  }
0x65: {  	[bflag:$0x0] =	sbarrier.arrive $0xFFFF  }
0x66: {  	p0 =	sne.s32 s1, $0x0;
	_ =	strace $0x90000062  }
0x67: {  	s0 =	sadd.s32 @!p0 $0x100000, s0;
	[bflag:$0x2] =	sbarrier.arrive $0xFFFF  }
0x68: {  	[sflag:s0] =	ssyncadd.tile.s32 @!p0 $0x1;
	_ =	shalt  }
.Lfunc_end2:
_tile_overlayer_lowered:
.L_overlay_start_2:
0x69: {  	(tag) =	ssettag $0x2  }
0x6a: {  	s0 =	rddreg [dreg:$0x0];
	s2 =	stileid.u32  }
0x6b: {  	s1 =	rddreg [dreg:$0x1];
	p0 =	sne.s32 s2, $0x0  }
0x6c: {  	s3 =	rddreg [dreg:$0x2];
	[bflag:$0x3] =	sbarrier.arrive $0xFFFF;
	s2 =	simm.s32 @!p0 $0x1C01  }
0x6d: {  	[timem:s3], [sflag:s2] =	dma.local @!p0 [hbm:s0], s1  }
0x6e: {  	s0 =	simm.s32 @!p0 $0x1  }
0x6f: {  	_ =	swait.ge @!p0 [sflag:s0], s1  }
0x70: {  	s1 =	ssub.s32 @!p0 $0x0, s1;
	[sflag:s0] =	ssyncset.done @!p0 $0x0  }
0x71: {  	[sflag:s0] =	ssyncadd.s32 @!p0 s1  }
0x72: {  	[bflag:$0x3] =	sbarrier.arrive $0xFFFF  }
0x73: {  	_ =	shalt  }

</sc_bundles>
